<compile_context>
chip_gen: v7x
topology: tpu7x:2x2x1
jax: 0.10.2.dev20260603
libtpu: 0.0.44.dev20260713+nightly
codegen_flags: <defaults>
</compile_context>

<pallas_src>
import functools

import jax
import jax.numpy as jnp
from jax import lax
from jax.experimental import pallas as pl
from jax.experimental.pallas import tpu as pltpu
from jax.experimental.pallas import tpu_sc as plsc

_NC = 2
_NS = 16
_NT = _NC * _NS
_L = 16
_CHUNK = 16384



def _prep_body(R, C):
    def body(a_ref, r_ref, pa_ref, pr_ref, packed_ref, agg_ref):
        b = pl.program_id(0)
        a = a_ref[...]
        ray = r_ref[...]

        lane = jax.lax.broadcasted_iota(jnp.int32, (R, C), 1)
        flat = jax.lax.broadcasted_iota(jnp.int32, (R, C), 0) * C + lane

        def flat_shift(x, prev_scalar):
            xl = jnp.roll(x, 1, axis=1)
            xls = jnp.roll(xl, 1, axis=0)
            y = jnp.where(lane == 0, xls, xl)
            return jnp.where(flat == 0, prev_scalar, y)

        prev_a = flat_shift(a, jnp.where(b == 0, 0.0, pa_ref[7, C - 1]))
        prev_ray = flat_shift(ray, jnp.where(b == 0, -1, pr_ref[7, C - 1]))

        st = ray != prev_ray
        lw = jnp.log1p(-prev_a)
        packed_ref[...] = jnp.where(st, 1.0, lw)

        last_start = jnp.max(jnp.where(st, flat, -1))
        lw0 = jnp.where(st, 0.0, lw)
        trailing = jnp.sum(jnp.where(flat >= last_start, lw0, 0.0))
        lane3 = jax.lax.broadcasted_iota(jnp.int32, (1, 1, 128), 2)
        aggrow = jnp.where(
            lane3 == 0, trailing,
            jnp.where(lane3 == 1,
                      jnp.where(last_start >= 0, 1.0, 0.0), 0.0))
        agg_ref[...] = aggrow

    return body


def _prep(alphas, ray_indices, nt, R, C):
    a2 = alphas.reshape(nt * R, C)
    r2 = ray_indices.reshape(nt * R, C)
    rb = R // 8

    packed, agg = pl.pallas_call(
        _prep_body(R, C),
        grid=(nt,),
        in_specs=[
            pl.BlockSpec((R, C), lambda i: (i, 0)),
            pl.BlockSpec((R, C), lambda i: (i, 0)),
            pl.BlockSpec((8, C), lambda i: (jnp.maximum(i * rb - 1, 0), 0)),
            pl.BlockSpec((8, C), lambda i: (jnp.maximum(i * rb - 1, 0), 0)),
        ],
        out_specs=[
            pl.BlockSpec((R, C), lambda i: (i, 0)),
            pl.BlockSpec((1, 1, 128), lambda i: (i, 0, 0)),
        ],
        out_shape=[
            jax.ShapeDtypeStruct((nt * R, C), jnp.float32),
            jax.ShapeDtypeStruct((nt, 1, 128), jnp.float32),
        ],
        compiler_params=pltpu.CompilerParams(
            dimension_semantics=("parallel",)),
    )(a2, r2, a2, r2)
    return packed.reshape(alphas.shape[0]), agg.reshape(nt, 128)



def _bcast_gather(x, idx):
    dn = lax.GatherDimensionNumbers(
        offset_dims=(), collapsed_slice_dims=(0,), start_index_map=(0,))
    return lax.gather(x, idx[:, None], dn, (1,),
                      mode=lax.GatherScatterMode.PROMISE_IN_BOUNDS)


def _segcore(vals, st, iota, carry):
    csum = plsc.cumsum(vals)
    ls = plsc.cummax(jnp.where(st, iota, -1))
    base = jnp.where(
        ls >= 1, _bcast_gather(csum, jnp.maximum(ls - 1, 0)), 0.0)
    e = jnp.where(ls >= 0, csum - base, csum + carry)
    new_carry = _bcast_gather(e, jnp.full((_L,), _L - 1, jnp.int32))
    return e, new_carry


def _seg16(lwp, iota, carry):
    return _segcore(jnp.minimum(lwp, 0.0), lwp > 0.5, iota, carry)


def _sc_scan(packed, agg, total, n_agg):
    per_tile = total // _NT
    agg_per_tile = n_agg // _NT
    mesh = plsc.VectorSubcoreMesh(core_axis_name="c", subcore_axis_name="s")

    @functools.partial(
        pl.kernel,
        out_type=jax.ShapeDtypeStruct((total,), jnp.float32),
        mesh=mesh,
        scratch_types=[
            pltpu.VMEM((_CHUNK,), jnp.float32),
            pltpu.VMEM((_CHUNK,), jnp.float32),
            pltpu.VMEM((_CHUNK,), jnp.float32),
            pltpu.VMEM((_CHUNK,), jnp.float32),
            pltpu.VMEM((n_agg, 128), jnp.float32),
            pltpu.SemaphoreType.DMA,
            pltpu.SemaphoreType.DMA,
        ],
        compiler_params=pltpu.CompilerParams(
            needs_layout_passes=False, skip_device_barrier=True),
    )
    def scan_kernel(packed_hbm, agg_hbm, out_hbm, inbuf0, inbuf1,
                    outbuf0, outbuf1, aggbuf, in_sem, out_sem):
        w = lax.axis_index("s") * _NC + lax.axis_index("c")
        base = w * per_tile
        iota = lax.iota(jnp.int32, _L)
        zeros = jnp.zeros((_L,), jnp.int32)

        unroll = 8
        nrounds = per_tile // _CHUNK
        inbufs = (inbuf0, inbuf1)
        outbufs = (outbuf0, outbuf1)

        def fetch(it):
            off = base + it * _CHUNK
            return pltpu.async_copy(
                packed_hbm.at[pl.ds(off, _CHUNK)], inbufs[it % 2], in_sem)

        in_copies = {0: fetch(0)}

        pltpu.sync_copy(agg_hbm, aggbuf)
        tgt = agg_per_tile * w - 1
        carry = jnp.zeros((_L,), jnp.float32)
        run = jnp.zeros((_L,), jnp.float32)
        for u in range(n_agg // _L):
            vals = plsc.load_gather(aggbuf, [iota + u * _L, zeros])
            flgs = plsc.load_gather(aggbuf, [iota + u * _L, zeros + 1])
            incl, run = _segcore(vals, flgs > 0.5, iota, run)
            pick = _bcast_gather(
                incl, jnp.clip(zeros + tgt - u * _L, 0, _L - 1))
            in_rng = jnp.logical_and(tgt >= u * _L, tgt < (u + 1) * _L)
            carry = jnp.where(in_rng, pick, carry)

        out_copies = {}
        for it in range(nrounds):
            if it + 1 < nrounds:
                in_copies[it + 1] = fetch(it + 1)
            in_copies[it].wait()
            if it >= 2:
                out_copies[it - 2].wait()
            buf = inbufs[it % 2]
            obuf = outbufs[it % 2]

            def inner(v, c, buf=buf, obuf=obuf):
                for u in range(unroll):
                    idx = (v * unroll + u) * _L
                    lwp = buf[pl.ds(idx, _L)]
                    e, c = _seg16(lwp, iota, c)
                    obuf[pl.ds(idx, _L)] = jnp.exp(e)
                return c

            carry = lax.fori_loop(0, _CHUNK // (_L * unroll), inner, carry)
            off = base + it * _CHUNK
            out_copies[it] = pltpu.async_copy(
                obuf, out_hbm.at[pl.ds(off, _CHUNK)], out_sem)
        for it in range(max(0, nrounds - 2), nrounds):
            out_copies[it].wait()

    return scan_kernel(packed, agg)


def kernel(alphas, ray_indices, n_rays):
    total = alphas.shape[0]
    R, C = 128, 128
    n_blk = total // (R * C)
    assert n_blk % _NT == 0, total
    packed, agg = _prep(alphas, ray_indices, n_blk, R, C)
    return _sc_scan(packed, agg, total, n_blk)

# --- scband reference (transcript-rebuilt; emitter-appended) ---
"""Pipeline reference for scband-vdbestimator-1726576856130 (READ-ONLY COPY).

The authoritative reference and input builder live on the scoring server;
editing this copy changes nothing except your own understanding.
"""

import jax, jax.numpy as jnp
import numpy as np

TOTAL = 2097152
N_RAYS = 65536


def setup_inputs(seed: int = 0) -> dict:
    key = jax.random.key(seed)
    k1, k2 = jax.random.split(key)
    alphas = jax.random.uniform(k1, (TOTAL,), dtype=jnp.float32)
    ray_indices = jnp.sort(jax.random.randint(k2, (TOTAL,), 0, N_RAYS, dtype=jnp.int32))
    return {"alphas": alphas, "ray_indices": ray_indices, "n_rays": N_RAYS}


def _segmented_exclusive_prod(inputs, ray_indices):
    # exclusive product within each ray segment (flattened ragged layout),
    # faithful to nerfacc exclusive_prod over packed_info chunks.
    prev_idx = jnp.concatenate([jnp.full((1,), -1, dtype=ray_indices.dtype), ray_indices[:-1]])
    starts = ray_indices != prev_idx  # True at first sample of each ray
    # shift inputs right by one; segment starts contribute identity (1.0)
    shifted = jnp.concatenate([jnp.ones((1,), dtype=inputs.dtype), inputs[:-1]])
    w = jnp.where(starts, jnp.ones_like(shifted), shifted)

    def combine(x, y):
        p1, f1 = x
        p2, f2 = y
        # if right element begins a new segment, discard left running product
        p = p2 * jnp.where(f2, jnp.ones_like(p1), p1)
        f = jnp.logical_or(f1, f2)
        return (p, f)

    trans, _ = jax.lax.associative_scan(combine, (w, starts))
    return trans


def reference(alphas, ray_indices, n_rays):
    # render_transmittance_from_alpha: T_i = prod_{j<i in same ray} (1 - alpha_j)
    trans = _segmented_exclusive_prod(1.0 - alphas, ray_indices)
    return trans

if __name__ == "__main__":
    import jax
    _d = setup_inputs()
    print(jax.jit(kernel)(*tuple(_d.values())))

</pallas_src>

<mosaic_0001>
#map = affine_map<(d0, d1) -> (0)>
#map1 = affine_map<(d0, d1) -> (0, 0)>
module attributes {stable_mosaic.version = 14 : i64} {
  func.func @scan_kernel(%arg0: i32, %arg1: i32, %arg2: memref<2097152xf32, #tpu.memory_space<hbm>>, %arg3: memref<128x128xf32, #tpu.memory_space<hbm>>, %arg4: memref<2097152xf32, #tpu.memory_space<hbm>>, %arg5: memref<16384xf32, #tpu.memory_space<vmem>>, %arg6: memref<16384xf32, #tpu.memory_space<vmem>>, %arg7: memref<16384xf32, #tpu.memory_space<vmem>>, %arg8: memref<16384xf32, #tpu.memory_space<vmem>>, %arg9: memref<128x128xf32, #tpu.memory_space<vmem>>, %arg10: memref<!tpu.dma_semaphore, #tpu.memory_space<semaphore_mem>>, %arg11: memref<!tpu.dma_semaphore, #tpu.memory_space<semaphore_mem>>) attributes {dimension_semantics = [#tpu.dimension_semantics<core_parallel>, #tpu.dimension_semantics<subcore_parallel>], iteration_bounds = array<i64: 2, 16>, scalar_prefetch = 0 : i64, scratch_operands = 7 : i64, tpu.core_type = #tpu.core_type<sc_vector_subcore>, window_params = [{transform_indices = #map}, {transform_indices = #map1}, {transform_indices = #map}]} {
    %mul3A = arith.constant 2 : i32
    %mul3A_0 = arith.muli %arg1, %mul3A : i32
    %add3A = arith.addi %mul3A_0, %arg0 : i32
    %mul3A_1 = arith.constant 65536 : i32
    %mul3A_2 = arith.muli %add3A, %mul3A_1 : i32
    %iota3A = tpu.iota {dimensions = array<i32: 0>} : vector<16xi32>
    %broadcast_in_dim3A = arith.constant 0 : i32
    %broadcast_in_dim3A_3 = vector.broadcast %broadcast_in_dim3A : i32 to vector<16xi32>
    %add3A_4 = arith.constant 0 : i32
    %add3A_5 = arith.addi %mul3A_2, %add3A_4 : i32
    %dma_start3A = tpu.memref_slice %arg2[%add3A_5] : memref<2097152xf32, #tpu.memory_space<hbm>> -> memref<16384xf32, #tpu.memory_space<hbm>>
    %dma_start3A_6 = tpu.memref_slice %arg2[%add3A_5] : memref<2097152xf32, #tpu.memory_space<hbm>> -> memref<16384xf32, #tpu.memory_space<hbm>>
    tpu.enqueue_dma source(%dma_start3A_6 : memref<16384xf32, #tpu.memory_space<hbm>>) target(%arg5 : memref<16384xf32, #tpu.memory_space<vmem>>) target_semaphore(%arg10 : memref<!tpu.dma_semaphore, #tpu.memory_space<semaphore_mem>>)
    "tpu.region"() ({
      %run_scoped3A = tpu.sem_alloc : memref<!tpu.dma_semaphore, #tpu.memory_space<semaphore_mem>>
      tpu.enqueue_dma source(%arg3 : memref<128x128xf32, #tpu.memory_space<hbm>>) target(%arg9 : memref<128x128xf32, #tpu.memory_space<vmem>>) target_semaphore(%run_scoped3A : memref<!tpu.dma_semaphore, #tpu.memory_space<semaphore_mem>>)
      tpu.wait_dma2 semaphore(%run_scoped3A : memref<!tpu.dma_semaphore, #tpu.memory_space<semaphore_mem>>) src(%arg3 : memref<128x128xf32, #tpu.memory_space<hbm>>) dst(%arg9 : memref<128x128xf32, #tpu.memory_space<vmem>>)
      tpu.yield
    }) : () -> ()
    %mul3A_7 = arith.constant 4 : i32
    %mul3A_8 = arith.muli %mul3A_7, %add3A : i32
    %sub3A = arith.constant 1 : i32
    %sub3A_9 = arith.subi %mul3A_8, %sub3A : i32
    %broadcast_in_dim3A_10 = arith.constant 0.000000e+00 : f32
    %broadcast_in_dim3A_11 = vector.broadcast %broadcast_in_dim3A_10 : f32 to vector<16xf32>
    %broadcast_in_dim3A_12 = arith.constant 0.000000e+00 : f32
    %broadcast_in_dim3A_13 = vector.broadcast %broadcast_in_dim3A_12 : f32 to vector<16xf32>
    %add3A_14 = arith.constant 0 : i32
    %add3A_15 = vector.broadcast %add3A_14 : i32 to vector<16xi32>
    %add3A_16 = arith.addi %iota3A, %add3A_15 : vector<16xi32>
    %gather3A = tpu.vector_load_idx %arg9[%add3A_16, %broadcast_in_dim3A_3] : memref<128x128xf32, #tpu.memory_space<vmem>>[vector<16xi32>, vector<16xi32>], vector<16xf32>,
    %add3A_17 = arith.constant 0 : i32
    %add3A_18 = vector.broadcast %add3A_17 : i32 to vector<16xi32>
    %add3A_19 = arith.addi %iota3A, %add3A_18 : vector<16xi32>
    %add3A_20 = arith.constant 1 : i32
    %add3A_21 = vector.broadcast %add3A_20 : i32 to vector<16xi32>
    %add3A_22 = arith.addi %broadcast_in_dim3A_3, %add3A_21 : vector<16xi32>
    %gather3A_23 = tpu.vector_load_idx %arg9[%add3A_19, %add3A_22] : memref<128x128xf32, #tpu.memory_space<vmem>>[vector<16xi32>, vector<16xi32>], vector<16xf32>,
    %gt3A = arith.constant 5.000000e-01 : f32
    %gt3A_24 = vector.broadcast %gt3A : f32 to vector<16xf32>
    %gt3A_25 = arith.cmpf ogt, %gather3A_23, %gt3A_24 : vector<16xf32>
    %broadcast_in_dim3A_26 = arith.constant true
    %broadcast_in_dim3A_27 = vector.broadcast %broadcast_in_dim3A_26 : i1 to vector<16xi1>
    %masked_cumsum3A = tpu.scan <sum>, %gather3A masked %broadcast_in_dim3A_27 : vector<16xf32>, vector<16xi1> -> vector<16xf32>
    %jit3A = arith.constant -1 : i32
    %broadcast_in_dim3A_28 = vector.broadcast %jit3A : i32 to vector<16xi32>
    %select_n3A = arith.select %gt3A_25, %iota3A, %broadcast_in_dim3A_28 : vector<16xi1>, vector<16xi32>
    %broadcast_in_dim3A_29 = arith.constant true
    %broadcast_in_dim3A_30 = vector.broadcast %broadcast_in_dim3A_29 : i1 to vector<16xi1>
    %masked_cummax3A = arith.constant -2147483648 : i32
    %masked_cummax3A_31 = vector.broadcast %masked_cummax3A : i32 to vector<16xi32>
    %masked_cummax3A_32 = arith.xori %select_n3A, %masked_cummax3A_31 : vector<16xi32>
    %masked_cummax3A_33 = tpu.scan <max>, %masked_cummax3A_32 masked %broadcast_in_dim3A_30 : vector<16xi32>, vector<16xi1> -> vector<16xi32>
    %masked_cummax3A_34 = arith.xori %masked_cummax3A_33, %masked_cummax3A_31 : vector<16xi32>
    %ge3A = arith.constant 1 : i32
    %ge3A_35 = vector.broadcast %ge3A : i32 to vector<16xi32>
    %ge3A_36 = arith.cmpi sge, %masked_cummax3A_34, %ge3A_35 : vector<16xi32>
    %sub3A_37 = arith.constant 1 : i32
    %sub3A_38 = vector.broadcast %sub3A_37 : i32 to vector<16xi32>
    %sub3A_39 = arith.subi %masked_cummax3A_34, %sub3A_38 : vector<16xi32>
    %max3A = arith.constant 0 : i32
    %max3A_40 = vector.broadcast %max3A : i32 to vector<16xi32>
    %max3A_41 = arith.maxsi %sub3A_39, %max3A_40 : vector<16xi32>
    %broadcast_in_dim3A_42 = vector.shape_cast %max3A_41 : vector<16xi32> to vector<16x1xi32>
    %gather3A_43 = vector.shape_cast %broadcast_in_dim3A_42 : vector<16x1xi32> to vector<16xi32>
    %gather3A_44 = tpu.dynamic_gather %masked_cumsum3A[%gather3A_43] in [0] : vector<16xf32>, vector<16xi32> -> vector<16xf32>
    %jit3A_45 = arith.constant 0.000000e+00 : f32
    %broadcast_in_dim3A_46 = vector.broadcast %jit3A_45 : f32 to vector<16xf32>
    %select_n3A_47 = arith.select %ge3A_36, %gather3A_44, %broadcast_in_dim3A_46 : vector<16xi1>, vector<16xf32>
    %ge3A_48 = arith.constant 0 : i32
    %ge3A_49 = vector.broadcast %ge3A_48 : i32 to vector<16xi32>
    %ge3A_50 = arith.cmpi sge, %masked_cummax3A_34, %ge3A_49 : vector<16xi32>
    %sub3A_51 = arith.subf %masked_cumsum3A, %select_n3A_47 : vector<16xf32>
    %add3A_52 = arith.addf %masked_cumsum3A, %broadcast_in_dim3A_13 : vector<16xf32>
    %select_n3A_53 = arith.select %ge3A_50, %sub3A_51, %add3A_52 : vector<16xi1>, vector<16xf32>
    %broadcast_in_dim3A_54 = arith.constant 15 : i32
    %broadcast_in_dim3A_55 = vector.broadcast %broadcast_in_dim3A_54 : i32 to vector<16xi32>
    %broadcast_in_dim3A_56 = vector.shape_cast %broadcast_in_dim3A_55 : vector<16xi32> to vector<16x1xi32>
    %gather3A_57 = vector.shape_cast %broadcast_in_dim3A_56 : vector<16x1xi32> to vector<16xi32>
    %gather3A_58 = tpu.dynamic_gather %select_n3A_53[%gather3A_57] in [0] : vector<16xf32>, vector<16xi32> -> vector<16xf32>
    %add3A_59 = vector.broadcast %sub3A_9 : i32 to vector<16xi32>
    %add3A_60 = arith.addi %broadcast_in_dim3A_3, %add3A_59 : vector<16xi32>
    %sub3A_61 = arith.constant 0 : i32
    %sub3A_62 = vector.broadcast %sub3A_61 : i32 to vector<16xi32>
    %sub3A_63 = arith.subi %add3A_60, %sub3A_62 : vector<16xi32>
    %jit3A_64 = arith.constant 0 : i32
    %jit3A_65 = arith.constant 15 : i32
    %max3A_66 = vector.broadcast %jit3A_64 : i32 to vector<16xi32>
    %max3A_67 = arith.maxsi %max3A_66, %sub3A_63 : vector<16xi32>
    %min3A = vector.broadcast %jit3A_65 : i32 to vector<16xi32>
    %min3A_68 = arith.minsi %min3A, %max3A_67 : vector<16xi32>
    %broadcast_in_dim3A_69 = vector.shape_cast %min3A_68 : vector<16xi32> to vector<16x1xi32>
    %gather3A_70 = vector.shape_cast %broadcast_in_dim3A_69 : vector<16x1xi32> to vector<16xi32>
    %gather3A_71 = tpu.dynamic_gather %select_n3A_53[%gather3A_70] in [0] : vector<16xf32>, vector<16xi32> -> vector<16xf32>
    %ge3A_72 = arith.constant 0 : i32
    %ge3A_73 = arith.cmpi sge, %sub3A_9, %ge3A_72 : i32
    %lt3A = arith.constant 16 : i32
    %lt3A_74 = arith.cmpi slt, %sub3A_9, %lt3A : i32
    %and3A = arith.andi %ge3A_73, %lt3A_74 : i1
    %select_n3A_75 = arith.select %and3A, %gather3A_71, %broadcast_in_dim3A_11 : vector<16xf32>
    %add3A_76 = arith.constant 16 : i32
    %add3A_77 = vector.broadcast %add3A_76 : i32 to vector<16xi32>
    %add3A_78 = arith.addi %iota3A, %add3A_77 : vector<16xi32>
    %gather3A_79 = tpu.vector_load_idx %arg9[%add3A_78, %broadcast_in_dim3A_3] : memref<128x128xf32, #tpu.memory_space<vmem>>[vector<16xi32>, vector<16xi32>], vector<16xf32>,
    %add3A_80 = arith.constant 16 : i32
    %add3A_81 = vector.broadcast %add3A_80 : i32 to vector<16xi32>
    %add3A_82 = arith.addi %iota3A, %add3A_81 : vector<16xi32>
    %add3A_83 = arith.constant 1 : i32
    %add3A_84 = vector.broadcast %add3A_83 : i32 to vector<16xi32>
    %add3A_85 = arith.addi %broadcast_in_dim3A_3, %add3A_84 : vector<16xi32>
    %gather3A_86 = tpu.vector_load_idx %arg9[%add3A_82, %add3A_85] : memref<128x128xf32, #tpu.memory_space<vmem>>[vector<16xi32>, vector<16xi32>], vector<16xf32>,
    %gt3A_87 = arith.constant 5.000000e-01 : f32
    %gt3A_88 = vector.broadcast %gt3A_87 : f32 to vector<16xf32>
    %gt3A_89 = arith.cmpf ogt, %gather3A_86, %gt3A_88 : vector<16xf32>
    %broadcast_in_dim3A_90 = arith.constant true
    %broadcast_in_dim3A_91 = vector.broadcast %broadcast_in_dim3A_90 : i1 to vector<16xi1>
    %masked_cumsum3A_92 = tpu.scan <sum>, %gather3A_79 masked %broadcast_in_dim3A_91 : vector<16xf32>, vector<16xi1> -> vector<16xf32>
    %jit3A_93 = arith.constant -1 : i32
    %broadcast_in_dim3A_94 = vector.broadcast %jit3A_93 : i32 to vector<16xi32>
    %select_n3A_95 = arith.select %gt3A_89, %iota3A, %broadcast_in_dim3A_94 : vector<16xi1>, vector<16xi32>
    %broadcast_in_dim3A_96 = arith.constant true
    %broadcast_in_dim3A_97 = vector.broadcast %broadcast_in_dim3A_96 : i1 to vector<16xi1>
    %masked_cummax3A_98 = arith.constant -2147483648 : i32
    %masked_cummax3A_99 = vector.broadcast %masked_cummax3A_98 : i32 to vector<16xi32>
    %masked_cummax3A_100 = arith.xori %select_n3A_95, %masked_cummax3A_99 : vector<16xi32>
    %masked_cummax3A_101 = tpu.scan <max>, %masked_cummax3A_100 masked %broadcast_in_dim3A_97 : vector<16xi32>, vector<16xi1> -> vector<16xi32>
    %masked_cummax3A_102 = arith.xori %masked_cummax3A_101, %masked_cummax3A_99 : vector<16xi32>
    %ge3A_103 = arith.constant 1 : i32
    %ge3A_104 = vector.broadcast %ge3A_103 : i32 to vector<16xi32>
    %ge3A_105 = arith.cmpi sge, %masked_cummax3A_102, %ge3A_104 : vector<16xi32>
    %sub3A_106 = arith.constant 1 : i32
    %sub3A_107 = vector.broadcast %sub3A_106 : i32 to vector<16xi32>
    %sub3A_108 = arith.subi %masked_cummax3A_102, %sub3A_107 : vector<16xi32>
    %max3A_109 = arith.constant 0 : i32
    %max3A_110 = vector.broadcast %max3A_109 : i32 to vector<16xi32>
    %max3A_111 = arith.maxsi %sub3A_108, %max3A_110 : vector<16xi32>
    %broadcast_in_dim3A_112 = vector.shape_cast %max3A_111 : vector<16xi32> to vector<16x1xi32>
    %gather3A_113 = vector.shape_cast %broadcast_in_dim3A_112 : vector<16x1xi32> to vector<16xi32>
    %gather3A_114 = tpu.dynamic_gather %masked_cumsum3A_92[%gather3A_113] in [0] : vector<16xf32>, vector<16xi32> -> vector<16xf32>
    %jit3A_115 = arith.constant 0.000000e+00 : f32
    %broadcast_in_dim3A_116 = vector.broadcast %jit3A_115 : f32 to vector<16xf32>
    %select_n3A_117 = arith.select %ge3A_105, %gather3A_114, %broadcast_in_dim3A_116 : vector<16xi1>, vector<16xf32>
    %ge3A_118 = arith.constant 0 : i32
    %ge3A_119 = vector.broadcast %ge3A_118 : i32 to vector<16xi32>
    %ge3A_120 = arith.cmpi sge, %masked_cummax3A_102, %ge3A_119 : vector<16xi32>
    %sub3A_121 = arith.subf %masked_cumsum3A_92, %select_n3A_117 : vector<16xf32>
    %add3A_122 = arith.addf %masked_cumsum3A_92, %gather3A_58 : vector<16xf32>
    %select_n3A_123 = arith.select %ge3A_120, %sub3A_121, %add3A_122 : vector<16xi1>, vector<16xf32>
    %broadcast_in_dim3A_124 = arith.constant 15 : i32
    %broadcast_in_dim3A_125 = vector.broadcast %broadcast_in_dim3A_124 : i32 to vector<16xi32>
    %broadcast_in_dim3A_126 = vector.shape_cast %broadcast_in_dim3A_125 : vector<16xi32> to vector<16x1xi32>
    %gather3A_127 = vector.shape_cast %broadcast_in_dim3A_126 : vector<16x1xi32> to vector<16xi32>
    %gather3A_128 = tpu.dynamic_gather %select_n3A_123[%gather3A_127] in [0] : vector<16xf32>, vector<16xi32> -> vector<16xf32>
    %add3A_129 = vector.broadcast %sub3A_9 : i32 to vector<16xi32>
    %add3A_130 = arith.addi %broadcast_in_dim3A_3, %add3A_129 : vector<16xi32>
    %sub3A_131 = arith.constant 16 : i32
    %sub3A_132 = vector.broadcast %sub3A_131 : i32 to vector<16xi32>
    %sub3A_133 = arith.subi %add3A_130, %sub3A_132 : vector<16xi32>
    %jit3A_134 = arith.constant 0 : i32
    %jit3A_135 = arith.constant 15 : i32
    %max3A_136 = vector.broadcast %jit3A_134 : i32 to vector<16xi32>
    %max3A_137 = arith.maxsi %max3A_136, %sub3A_133 : vector<16xi32>
    %min3A_138 = vector.broadcast %jit3A_135 : i32 to vector<16xi32>
    %min3A_139 = arith.minsi %min3A_138, %max3A_137 : vector<16xi32>
    %broadcast_in_dim3A_140 = vector.shape_cast %min3A_139 : vector<16xi32> to vector<16x1xi32>
    %gather3A_141 = vector.shape_cast %broadcast_in_dim3A_140 : vector<16x1xi32> to vector<16xi32>
    %gather3A_142 = tpu.dynamic_gather %select_n3A_123[%gather3A_141] in [0] : vector<16xf32>, vector<16xi32> -> vector<16xf32>
    %ge3A_143 = arith.constant 16 : i32
    %ge3A_144 = arith.cmpi sge, %sub3A_9, %ge3A_143 : i32
    %lt3A_145 = arith.constant 32 : i32
    %lt3A_146 = arith.cmpi slt, %sub3A_9, %lt3A_145 : i32
    %and3A_147 = arith.andi %ge3A_144, %lt3A_146 : i1
    %select_n3A_148 = arith.select %and3A_147, %gather3A_142, %select_n3A_75 : vector<16xf32>
    %add3A_149 = arith.constant 32 : i32
    %add3A_150 = vector.broadcast %add3A_149 : i32 to vector<16xi32>
    %add3A_151 = arith.addi %iota3A, %add3A_150 : vector<16xi32>
    %gather3A_152 = tpu.vector_load_idx %arg9[%add3A_151, %broadcast_in_dim3A_3] : memref<128x128xf32, #tpu.memory_space<vmem>>[vector<16xi32>, vector<16xi32>], vector<16xf32>,
    %add3A_153 = arith.constant 32 : i32
    %add3A_154 = vector.broadcast %add3A_153 : i32 to vector<16xi32>
    %add3A_155 = arith.addi %iota3A, %add3A_154 : vector<16xi32>
    %add3A_156 = arith.constant 1 : i32
    %add3A_157 = vector.broadcast %add3A_156 : i32 to vector<16xi32>
    %add3A_158 = arith.addi %broadcast_in_dim3A_3, %add3A_157 : vector<16xi32>
    %gather3A_159 = tpu.vector_load_idx %arg9[%add3A_155, %add3A_158] : memref<128x128xf32, #tpu.memory_space<vmem>>[vector<16xi32>, vector<16xi32>], vector<16xf32>,
    %gt3A_160 = arith.constant 5.000000e-01 : f32
    %gt3A_161 = vector.broadcast %gt3A_160 : f32 to vector<16xf32>
    %gt3A_162 = arith.cmpf ogt, %gather3A_159, %gt3A_161 : vector<16xf32>
    %broadcast_in_dim3A_163 = arith.constant true
    %broadcast_in_dim3A_164 = vector.broadcast %broadcast_in_dim3A_163 : i1 to vector<16xi1>
    %masked_cumsum3A_165 = tpu.scan <sum>, %gather3A_152 masked %broadcast_in_dim3A_164 : vector<16xf32>, vector<16xi1> -> vector<16xf32>
    %jit3A_166 = arith.constant -1 : i32
    %broadcast_in_dim3A_167 = vector.broadcast %jit3A_166 : i32 to vector<16xi32>
    %select_n3A_168 = arith.select %gt3A_162, %iota3A, %broadcast_in_dim3A_167 : vector<16xi1>, vector<16xi32>
    %broadcast_in_dim3A_169 = arith.constant true
    %broadcast_in_dim3A_170 = vector.broadcast %broadcast_in_dim3A_169 : i1 to vector<16xi1>
    %masked_cummax3A_171 = arith.constant -2147483648 : i32
    %masked_cummax3A_172 = vector.broadcast %masked_cummax3A_171 : i32 to vector<16xi32>
    %masked_cummax3A_173 = arith.xori %select_n3A_168, %masked_cummax3A_172 : vector<16xi32>
    %masked_cummax3A_174 = tpu.scan <max>, %masked_cummax3A_173 masked %broadcast_in_dim3A_170 : vector<16xi32>, vector<16xi1> -> vector<16xi32>
    %masked_cummax3A_175 = arith.xori %masked_cummax3A_174, %masked_cummax3A_172 : vector<16xi32>
    %ge3A_176 = arith.constant 1 : i32
    %ge3A_177 = vector.broadcast %ge3A_176 : i32 to vector<16xi32>
    %ge3A_178 = arith.cmpi sge, %masked_cummax3A_175, %ge3A_177 : vector<16xi32>
    %sub3A_179 = arith.constant 1 : i32
    %sub3A_180 = vector.broadcast %sub3A_179 : i32 to vector<16xi32>
    %sub3A_181 = arith.subi %masked_cummax3A_175, %sub3A_180 : vector<16xi32>
    %max3A_182 = arith.constant 0 : i32
    %max3A_183 = vector.broadcast %max3A_182 : i32 to vector<16xi32>
    %max3A_184 = arith.maxsi %sub3A_181, %max3A_183 : vector<16xi32>
    %broadcast_in_dim3A_185 = vector.shape_cast %max3A_184 : vector<16xi32> to vector<16x1xi32>
    %gather3A_186 = vector.shape_cast %broadcast_in_dim3A_185 : vector<16x1xi32> to vector<16xi32>
    %gather3A_187 = tpu.dynamic_gather %masked_cumsum3A_165[%gather3A_186] in [0] : vector<16xf32>, vector<16xi32> -> vector<16xf32>
    %jit3A_188 = arith.constant 0.000000e+00 : f32
    %broadcast_in_dim3A_189 = vector.broadcast %jit3A_188 : f32 to vector<16xf32>
    %select_n3A_190 = arith.select %ge3A_178, %gather3A_187, %broadcast_in_dim3A_189 : vector<16xi1>, vector<16xf32>
    %ge3A_191 = arith.constant 0 : i32
    %ge3A_192 = vector.broadcast %ge3A_191 : i32 to vector<16xi32>
    %ge3A_193 = arith.cmpi sge, %masked_cummax3A_175, %ge3A_192 : vector<16xi32>
    %sub3A_194 = arith.subf %masked_cumsum3A_165, %select_n3A_190 : vector<16xf32>
    %add3A_195 = arith.addf %masked_cumsum3A_165, %gather3A_128 : vector<16xf32>
    %select_n3A_196 = arith.select %ge3A_193, %sub3A_194, %add3A_195 : vector<16xi1>, vector<16xf32>
    %broadcast_in_dim3A_197 = arith.constant 15 : i32
    %broadcast_in_dim3A_198 = vector.broadcast %broadcast_in_dim3A_197 : i32 to vector<16xi32>
    %broadcast_in_dim3A_199 = vector.shape_cast %broadcast_in_dim3A_198 : vector<16xi32> to vector<16x1xi32>
    %gather3A_200 = vector.shape_cast %broadcast_in_dim3A_199 : vector<16x1xi32> to vector<16xi32>
    %gather3A_201 = tpu.dynamic_gather %select_n3A_196[%gather3A_200] in [0] : vector<16xf32>, vector<16xi32> -> vector<16xf32>
    %add3A_202 = vector.broadcast %sub3A_9 : i32 to vector<16xi32>
    %add3A_203 = arith.addi %broadcast_in_dim3A_3, %add3A_202 : vector<16xi32>
    %sub3A_204 = arith.constant 32 : i32
    %sub3A_205 = vector.broadcast %sub3A_204 : i32 to vector<16xi32>
    %sub3A_206 = arith.subi %add3A_203, %sub3A_205 : vector<16xi32>
    %jit3A_207 = arith.constant 0 : i32
    %jit3A_208 = arith.constant 15 : i32
    %max3A_209 = vector.broadcast %jit3A_207 : i32 to vector<16xi32>
    %max3A_210 = arith.maxsi %max3A_209, %sub3A_206 : vector<16xi32>
    %min3A_211 = vector.broadcast %jit3A_208 : i32 to vector<16xi32>
    %min3A_212 = arith.minsi %min3A_211, %max3A_210 : vector<16xi32>
    %broadcast_in_dim3A_213 = vector.shape_cast %min3A_212 : vector<16xi32> to vector<16x1xi32>
    %gather3A_214 = vector.shape_cast %broadcast_in_dim3A_213 : vector<16x1xi32> to vector<16xi32>
    %gather3A_215 = tpu.dynamic_gather %select_n3A_196[%gather3A_214] in [0] : vector<16xf32>, vector<16xi32> -> vector<16xf32>
    %ge3A_216 = arith.constant 32 : i32
    %ge3A_217 = arith.cmpi sge, %sub3A_9, %ge3A_216 : i32
    %lt3A_218 = arith.constant 48 : i32
    %lt3A_219 = arith.cmpi slt, %sub3A_9, %lt3A_218 : i32
    %and3A_220 = arith.andi %ge3A_217, %lt3A_219 : i1
    %select_n3A_221 = arith.select %and3A_220, %gather3A_215, %select_n3A_148 : vector<16xf32>
    %add3A_222 = arith.constant 48 : i32
    %add3A_223 = vector.broadcast %add3A_222 : i32 to vector<16xi32>
    %add3A_224 = arith.addi %iota3A, %add3A_223 : vector<16xi32>
    %gather3A_225 = tpu.vector_load_idx %arg9[%add3A_224, %broadcast_in_dim3A_3] : memref<128x128xf32, #tpu.memory_space<vmem>>[vector<16xi32>, vector<16xi32>], vector<16xf32>,
    %add3A_226 = arith.constant 48 : i32
    %add3A_227 = vector.broadcast %add3A_226 : i32 to vector<16xi32>
    %add3A_228 = arith.addi %iota3A, %add3A_227 : vector<16xi32>
    %add3A_229 = arith.constant 1 : i32
    %add3A_230 = vector.broadcast %add3A_229 : i32 to vector<16xi32>
    %add3A_231 = arith.addi %broadcast_in_dim3A_3, %add3A_230 : vector<16xi32>
    %gather3A_232 = tpu.vector_load_idx %arg9[%add3A_228, %add3A_231] : memref<128x128xf32, #tpu.memory_space<vmem>>[vector<16xi32>, vector<16xi32>], vector<16xf32>,
    %gt3A_233 = arith.constant 5.000000e-01 : f32
    %gt3A_234 = vector.broadcast %gt3A_233 : f32 to vector<16xf32>
    %gt3A_235 = arith.cmpf ogt, %gather3A_232, %gt3A_234 : vector<16xf32>
    %broadcast_in_dim3A_236 = arith.constant true
    %broadcast_in_dim3A_237 = vector.broadcast %broadcast_in_dim3A_236 : i1 to vector<16xi1>
    %masked_cumsum3A_238 = tpu.scan <sum>, %gather3A_225 masked %broadcast_in_dim3A_237 : vector<16xf32>, vector<16xi1> -> vector<16xf32>
    %jit3A_239 = arith.constant -1 : i32
    %broadcast_in_dim3A_240 = vector.broadcast %jit3A_239 : i32 to vector<16xi32>
    %select_n3A_241 = arith.select %gt3A_235, %iota3A, %broadcast_in_dim3A_240 : vector<16xi1>, vector<16xi32>
    %broadcast_in_dim3A_242 = arith.constant true
    %broadcast_in_dim3A_243 = vector.broadcast %broadcast_in_dim3A_242 : i1 to vector<16xi1>
    %masked_cummax3A_244 = arith.constant -2147483648 : i32
    %masked_cummax3A_245 = vector.broadcast %masked_cummax3A_244 : i32 to vector<16xi32>
    %masked_cummax3A_246 = arith.xori %select_n3A_241, %masked_cummax3A_245 : vector<16xi32>
    %masked_cummax3A_247 = tpu.scan <max>, %masked_cummax3A_246 masked %broadcast_in_dim3A_243 : vector<16xi32>, vector<16xi1> -> vector<16xi32>
    %masked_cummax3A_248 = arith.xori %masked_cummax3A_247, %masked_cummax3A_245 : vector<16xi32>
    %ge3A_249 = arith.constant 1 : i32
    %ge3A_250 = vector.broadcast %ge3A_249 : i32 to vector<16xi32>
    %ge3A_251 = arith.cmpi sge, %masked_cummax3A_248, %ge3A_250 : vector<16xi32>
    %sub3A_252 = arith.constant 1 : i32
    %sub3A_253 = vector.broadcast %sub3A_252 : i32 to vector<16xi32>
    %sub3A_254 = arith.subi %masked_cummax3A_248, %sub3A_253 : vector<16xi32>
    %max3A_255 = arith.constant 0 : i32
    %max3A_256 = vector.broadcast %max3A_255 : i32 to vector<16xi32>
    %max3A_257 = arith.maxsi %sub3A_254, %max3A_256 : vector<16xi32>
    %broadcast_in_dim3A_258 = vector.shape_cast %max3A_257 : vector<16xi32> to vector<16x1xi32>
    %gather3A_259 = vector.shape_cast %broadcast_in_dim3A_258 : vector<16x1xi32> to vector<16xi32>
    %gather3A_260 = tpu.dynamic_gather %masked_cumsum3A_238[%gather3A_259] in [0] : vector<16xf32>, vector<16xi32> -> vector<16xf32>
    %jit3A_261 = arith.constant 0.000000e+00 : f32
    %broadcast_in_dim3A_262 = vector.broadcast %jit3A_261 : f32 to vector<16xf32>
    %select_n3A_263 = arith.select %ge3A_251, %gather3A_260, %broadcast_in_dim3A_262 : vector<16xi1>, vector<16xf32>
    %ge3A_264 = arith.constant 0 : i32
    %ge3A_265 = vector.broadcast %ge3A_264 : i32 to vector<16xi32>
    %ge3A_266 = arith.cmpi sge, %masked_cummax3A_248, %ge3A_265 : vector<16xi32>
    %sub3A_267 = arith.subf %masked_cumsum3A_238, %select_n3A_263 : vector<16xf32>
    %add3A_268 = arith.addf %masked_cumsum3A_238, %gather3A_201 : vector<16xf32>
    %select_n3A_269 = arith.select %ge3A_266, %sub3A_267, %add3A_268 : vector<16xi1>, vector<16xf32>
    %broadcast_in_dim3A_270 = arith.constant 15 : i32
    %broadcast_in_dim3A_271 = vector.broadcast %broadcast_in_dim3A_270 : i32 to vector<16xi32>
    %broadcast_in_dim3A_272 = vector.shape_cast %broadcast_in_dim3A_271 : vector<16xi32> to vector<16x1xi32>
    %gather3A_273 = vector.shape_cast %broadcast_in_dim3A_272 : vector<16x1xi32> to vector<16xi32>
    %gather3A_274 = tpu.dynamic_gather %select_n3A_269[%gather3A_273] in [0] : vector<16xf32>, vector<16xi32> -> vector<16xf32>
    %add3A_275 = vector.broadcast %sub3A_9 : i32 to vector<16xi32>
    %add3A_276 = arith.addi %broadcast_in_dim3A_3, %add3A_275 : vector<16xi32>
    %sub3A_277 = arith.constant 48 : i32
    %sub3A_278 = vector.broadcast %sub3A_277 : i32 to vector<16xi32>
    %sub3A_279 = arith.subi %add3A_276, %sub3A_278 : vector<16xi32>
    %jit3A_280 = arith.constant 0 : i32
    %jit3A_281 = arith.constant 15 : i32
    %max3A_282 = vector.broadcast %jit3A_280 : i32 to vector<16xi32>
    %max3A_283 = arith.maxsi %max3A_282, %sub3A_279 : vector<16xi32>
    %min3A_284 = vector.broadcast %jit3A_281 : i32 to vector<16xi32>
    %min3A_285 = arith.minsi %min3A_284, %max3A_283 : vector<16xi32>
    %broadcast_in_dim3A_286 = vector.shape_cast %min3A_285 : vector<16xi32> to vector<16x1xi32>
    %gather3A_287 = vector.shape_cast %broadcast_in_dim3A_286 : vector<16x1xi32> to vector<16xi32>
    %gather3A_288 = tpu.dynamic_gather %select_n3A_269[%gather3A_287] in [0] : vector<16xf32>, vector<16xi32> -> vector<16xf32>
    %ge3A_289 = arith.constant 48 : i32
    %ge3A_290 = arith.cmpi sge, %sub3A_9, %ge3A_289 : i32
    %lt3A_291 = arith.constant 64 : i32
    %lt3A_292 = arith.cmpi slt, %sub3A_9, %lt3A_291 : i32
    %and3A_293 = arith.andi %ge3A_290, %lt3A_292 : i1
    %select_n3A_294 = arith.select %and3A_293, %gather3A_288, %select_n3A_221 : vector<16xf32>
    %add3A_295 = arith.constant 64 : i32
    %add3A_296 = vector.broadcast %add3A_295 : i32 to vector<16xi32>
    %add3A_297 = arith.addi %iota3A, %add3A_296 : vector<16xi32>
    %gather3A_298 = tpu.vector_load_idx %arg9[%add3A_297, %broadcast_in_dim3A_3] : memref<128x128xf32, #tpu.memory_space<vmem>>[vector<16xi32>, vector<16xi32>], vector<16xf32>,
    %add3A_299 = arith.constant 64 : i32
    %add3A_300 = vector.broadcast %add3A_299 : i32 to vector<16xi32>
    %add3A_301 = arith.addi %iota3A, %add3A_300 : vector<16xi32>
    %add3A_302 = arith.constant 1 : i32
    %add3A_303 = vector.broadcast %add3A_302 : i32 to vector<16xi32>
    %add3A_304 = arith.addi %broadcast_in_dim3A_3, %add3A_303 : vector<16xi32>
    %gather3A_305 = tpu.vector_load_idx %arg9[%add3A_301, %add3A_304] : memref<128x128xf32, #tpu.memory_space<vmem>>[vector<16xi32>, vector<16xi32>], vector<16xf32>,
    %gt3A_306 = arith.constant 5.000000e-01 : f32
    %gt3A_307 = vector.broadcast %gt3A_306 : f32 to vector<16xf32>
    %gt3A_308 = arith.cmpf ogt, %gather3A_305, %gt3A_307 : vector<16xf32>
    %broadcast_in_dim3A_309 = arith.constant true
    %broadcast_in_dim3A_310 = vector.broadcast %broadcast_in_dim3A_309 : i1 to vector<16xi1>
    %masked_cumsum3A_311 = tpu.scan <sum>, %gather3A_298 masked %broadcast_in_dim3A_310 : vector<16xf32>, vector<16xi1> -> vector<16xf32>
    %jit3A_312 = arith.constant -1 : i32
    %broadcast_in_dim3A_313 = vector.broadcast %jit3A_312 : i32 to vector<16xi32>
    %select_n3A_314 = arith.select %gt3A_308, %iota3A, %broadcast_in_dim3A_313 : vector<16xi1>, vector<16xi32>
    %broadcast_in_dim3A_315 = arith.constant true
    %broadcast_in_dim3A_316 = vector.broadcast %broadcast_in_dim3A_315 : i1 to vector<16xi1>
    %masked_cummax3A_317 = arith.constant -2147483648 : i32
    %masked_cummax3A_318 = vector.broadcast %masked_cummax3A_317 : i32 to vector<16xi32>
    %masked_cummax3A_319 = arith.xori %select_n3A_314, %masked_cummax3A_318 : vector<16xi32>
    %masked_cummax3A_320 = tpu.scan <max>, %masked_cummax3A_319 masked %broadcast_in_dim3A_316 : vector<16xi32>, vector<16xi1> -> vector<16xi32>
    %masked_cummax3A_321 = arith.xori %masked_cummax3A_320, %masked_cummax3A_318 : vector<16xi32>
    %ge3A_322 = arith.constant 1 : i32
    %ge3A_323 = vector.broadcast %ge3A_322 : i32 to vector<16xi32>
    %ge3A_324 = arith.cmpi sge, %masked_cummax3A_321, %ge3A_323 : vector<16xi32>
    %sub3A_325 = arith.constant 1 : i32
    %sub3A_326 = vector.broadcast %sub3A_325 : i32 to vector<16xi32>
    %sub3A_327 = arith.subi %masked_cummax3A_321, %sub3A_326 : vector<16xi32>
    %max3A_328 = arith.constant 0 : i32
    %max3A_329 = vector.broadcast %max3A_328 : i32 to vector<16xi32>
    %max3A_330 = arith.maxsi %sub3A_327, %max3A_329 : vector<16xi32>
    %broadcast_in_dim3A_331 = vector.shape_cast %max3A_330 : vector<16xi32> to vector<16x1xi32>
    %gather3A_332 = vector.shape_cast %broadcast_in_dim3A_331 : vector<16x1xi32> to vector<16xi32>
    %gather3A_333 = tpu.dynamic_gather %masked_cumsum3A_311[%gather3A_332] in [0] : vector<16xf32>, vector<16xi32> -> vector<16xf32>
    %jit3A_334 = arith.constant 0.000000e+00 : f32
    %broadcast_in_dim3A_335 = vector.broadcast %jit3A_334 : f32 to vector<16xf32>
    %select_n3A_336 = arith.select %ge3A_324, %gather3A_333, %broadcast_in_dim3A_335 : vector<16xi1>, vector<16xf32>
    %ge3A_337 = arith.constant 0 : i32
    %ge3A_338 = vector.broadcast %ge3A_337 : i32 to vector<16xi32>
    %ge3A_339 = arith.cmpi sge, %masked_cummax3A_321, %ge3A_338 : vector<16xi32>
    %sub3A_340 = arith.subf %masked_cumsum3A_311, %select_n3A_336 : vector<16xf32>
    %add3A_341 = arith.addf %masked_cumsum3A_311, %gather3A_274 : vector<16xf32>
    %select_n3A_342 = arith.select %ge3A_339, %sub3A_340, %add3A_341 : vector<16xi1>, vector<16xf32>
    %broadcast_in_dim3A_343 = arith.constant 15 : i32
    %broadcast_in_dim3A_344 = vector.broadcast %broadcast_in_dim3A_343 : i32 to vector<16xi32>
    %broadcast_in_dim3A_345 = vector.shape_cast %broadcast_in_dim3A_344 : vector<16xi32> to vector<16x1xi32>
    %gather3A_346 = vector.shape_cast %broadcast_in_dim3A_345 : vector<16x1xi32> to vector<16xi32>
    %gather3A_347 = tpu.dynamic_gather %select_n3A_342[%gather3A_346] in [0] : vector<16xf32>, vector<16xi32> -> vector<16xf32>
    %add3A_348 = vector.broadcast %sub3A_9 : i32 to vector<16xi32>
    %add3A_349 = arith.addi %broadcast_in_dim3A_3, %add3A_348 : vector<16xi32>
    %sub3A_350 = arith.constant 64 : i32
    %sub3A_351 = vector.broadcast %sub3A_350 : i32 to vector<16xi32>
    %sub3A_352 = arith.subi %add3A_349, %sub3A_351 : vector<16xi32>
    %jit3A_353 = arith.constant 0 : i32
    %jit3A_354 = arith.constant 15 : i32
    %max3A_355 = vector.broadcast %jit3A_353 : i32 to vector<16xi32>
    %max3A_356 = arith.maxsi %max3A_355, %sub3A_352 : vector<16xi32>
    %min3A_357 = vector.broadcast %jit3A_354 : i32 to vector<16xi32>
    %min3A_358 = arith.minsi %min3A_357, %max3A_356 : vector<16xi32>
    %broadcast_in_dim3A_359 = vector.shape_cast %min3A_358 : vector<16xi32> to vector<16x1xi32>
    %gather3A_360 = vector.shape_cast %broadcast_in_dim3A_359 : vector<16x1xi32> to vector<16xi32>
    %gather3A_361 = tpu.dynamic_gather %select_n3A_342[%gather3A_360] in [0] : vector<16xf32>, vector<16xi32> -> vector<16xf32>
    %ge3A_362 = arith.constant 64 : i32
    %ge3A_363 = arith.cmpi sge, %sub3A_9, %ge3A_362 : i32
    %lt3A_364 = arith.constant 80 : i32
    %lt3A_365 = arith.cmpi slt, %sub3A_9, %lt3A_364 : i32
    %and3A_366 = arith.andi %ge3A_363, %lt3A_365 : i1
    %select_n3A_367 = arith.select %and3A_366, %gather3A_361, %select_n3A_294 : vector<16xf32>
    %add3A_368 = arith.constant 80 : i32
    %add3A_369 = vector.broadcast %add3A_368 : i32 to vector<16xi32>
    %add3A_370 = arith.addi %iota3A, %add3A_369 : vector<16xi32>
    %gather3A_371 = tpu.vector_load_idx %arg9[%add3A_370, %broadcast_in_dim3A_3] : memref<128x128xf32, #tpu.memory_space<vmem>>[vector<16xi32>, vector<16xi32>], vector<16xf32>,
    %add3A_372 = arith.constant 80 : i32
    %add3A_373 = vector.broadcast %add3A_372 : i32 to vector<16xi32>
    %add3A_374 = arith.addi %iota3A, %add3A_373 : vector<16xi32>
    %add3A_375 = arith.constant 1 : i32
    %add3A_376 = vector.broadcast %add3A_375 : i32 to vector<16xi32>
    %add3A_377 = arith.addi %broadcast_in_dim3A_3, %add3A_376 : vector<16xi32>
    %gather3A_378 = tpu.vector_load_idx %arg9[%add3A_374, %add3A_377] : memref<128x128xf32, #tpu.memory_space<vmem>>[vector<16xi32>, vector<16xi32>], vector<16xf32>,
    %gt3A_379 = arith.constant 5.000000e-01 : f32
    %gt3A_380 = vector.broadcast %gt3A_379 : f32 to vector<16xf32>
    %gt3A_381 = arith.cmpf ogt, %gather3A_378, %gt3A_380 : vector<16xf32>
    %broadcast_in_dim3A_382 = arith.constant true
    %broadcast_in_dim3A_383 = vector.broadcast %broadcast_in_dim3A_382 : i1 to vector<16xi1>
    %masked_cumsum3A_384 = tpu.scan <sum>, %gather3A_371 masked %broadcast_in_dim3A_383 : vector<16xf32>, vector<16xi1> -> vector<16xf32>
    %jit3A_385 = arith.constant -1 : i32
    %broadcast_in_dim3A_386 = vector.broadcast %jit3A_385 : i32 to vector<16xi32>
    %select_n3A_387 = arith.select %gt3A_381, %iota3A, %broadcast_in_dim3A_386 : vector<16xi1>, vector<16xi32>
    %broadcast_in_dim3A_388 = arith.constant true
    %broadcast_in_dim3A_389 = vector.broadcast %broadcast_in_dim3A_388 : i1 to vector<16xi1>
    %masked_cummax3A_390 = arith.constant -2147483648 : i32
    %masked_cummax3A_391 = vector.broadcast %masked_cummax3A_390 : i32 to vector<16xi32>
    %masked_cummax3A_392 = arith.xori %select_n3A_387, %masked_cummax3A_391 : vector<16xi32>
    %masked_cummax3A_393 = tpu.scan <max>, %masked_cummax3A_392 masked %broadcast_in_dim3A_389 : vector<16xi32>, vector<16xi1> -> vector<16xi32>
    %masked_cummax3A_394 = arith.xori %masked_cummax3A_393, %masked_cummax3A_391 : vector<16xi32>
    %ge3A_395 = arith.constant 1 : i32
    %ge3A_396 = vector.broadcast %ge3A_395 : i32 to vector<16xi32>
    %ge3A_397 = arith.cmpi sge, %masked_cummax3A_394, %ge3A_396 : vector<16xi32>
    %sub3A_398 = arith.constant 1 : i32
    %sub3A_399 = vector.broadcast %sub3A_398 : i32 to vector<16xi32>
    %sub3A_400 = arith.subi %masked_cummax3A_394, %sub3A_399 : vector<16xi32>
    %max3A_401 = arith.constant 0 : i32
    %max3A_402 = vector.broadcast %max3A_401 : i32 to vector<16xi32>
    %max3A_403 = arith.maxsi %sub3A_400, %max3A_402 : vector<16xi32>
    %broadcast_in_dim3A_404 = vector.shape_cast %max3A_403 : vector<16xi32> to vector<16x1xi32>
    %gather3A_405 = vector.shape_cast %broadcast_in_dim3A_404 : vector<16x1xi32> to vector<16xi32>
    %gather3A_406 = tpu.dynamic_gather %masked_cumsum3A_384[%gather3A_405] in [0] : vector<16xf32>, vector<16xi32> -> vector<16xf32>
    %jit3A_407 = arith.constant 0.000000e+00 : f32
    %broadcast_in_dim3A_408 = vector.broadcast %jit3A_407 : f32 to vector<16xf32>
    %select_n3A_409 = arith.select %ge3A_397, %gather3A_406, %broadcast_in_dim3A_408 : vector<16xi1>, vector<16xf32>
    %ge3A_410 = arith.constant 0 : i32
    %ge3A_411 = vector.broadcast %ge3A_410 : i32 to vector<16xi32>
    %ge3A_412 = arith.cmpi sge, %masked_cummax3A_394, %ge3A_411 : vector<16xi32>
    %sub3A_413 = arith.subf %masked_cumsum3A_384, %select_n3A_409 : vector<16xf32>
    %add3A_414 = arith.addf %masked_cumsum3A_384, %gather3A_347 : vector<16xf32>
    %select_n3A_415 = arith.select %ge3A_412, %sub3A_413, %add3A_414 : vector<16xi1>, vector<16xf32>
    %broadcast_in_dim3A_416 = arith.constant 15 : i32
    %broadcast_in_dim3A_417 = vector.broadcast %broadcast_in_dim3A_416 : i32 to vector<16xi32>
    %broadcast_in_dim3A_418 = vector.shape_cast %broadcast_in_dim3A_417 : vector<16xi32> to vector<16x1xi32>
    %gather3A_419 = vector.shape_cast %broadcast_in_dim3A_418 : vector<16x1xi32> to vector<16xi32>
    %gather3A_420 = tpu.dynamic_gather %select_n3A_415[%gather3A_419] in [0] : vector<16xf32>, vector<16xi32> -> vector<16xf32>
    %add3A_421 = vector.broadcast %sub3A_9 : i32 to vector<16xi32>
    %add3A_422 = arith.addi %broadcast_in_dim3A_3, %add3A_421 : vector<16xi32>
    %sub3A_423 = arith.constant 80 : i32
    %sub3A_424 = vector.broadcast %sub3A_423 : i32 to vector<16xi32>
    %sub3A_425 = arith.subi %add3A_422, %sub3A_424 : vector<16xi32>
    %jit3A_426 = arith.constant 0 : i32
    %jit3A_427 = arith.constant 15 : i32
    %max3A_428 = vector.broadcast %jit3A_426 : i32 to vector<16xi32>
    %max3A_429 = arith.maxsi %max3A_428, %sub3A_425 : vector<16xi32>
    %min3A_430 = vector.broadcast %jit3A_427 : i32 to vector<16xi32>
    %min3A_431 = arith.minsi %min3A_430, %max3A_429 : vector<16xi32>
    %broadcast_in_dim3A_432 = vector.shape_cast %min3A_431 : vector<16xi32> to vector<16x1xi32>
    %gather3A_433 = vector.shape_cast %broadcast_in_dim3A_432 : vector<16x1xi32> to vector<16xi32>
    %gather3A_434 = tpu.dynamic_gather %select_n3A_415[%gather3A_433] in [0] : vector<16xf32>, vector<16xi32> -> vector<16xf32>
    %ge3A_435 = arith.constant 80 : i32
    %ge3A_436 = arith.cmpi sge, %sub3A_9, %ge3A_435 : i32
    %lt3A_437 = arith.constant 96 : i32
    %lt3A_438 = arith.cmpi slt, %sub3A_9, %lt3A_437 : i32
    %and3A_439 = arith.andi %ge3A_436, %lt3A_438 : i1
    %select_n3A_440 = arith.select %and3A_439, %gather3A_434, %select_n3A_367 : vector<16xf32>
    %add3A_441 = arith.constant 96 : i32
    %add3A_442 = vector.broadcast %add3A_441 : i32 to vector<16xi32>
    %add3A_443 = arith.addi %iota3A, %add3A_442 : vector<16xi32>
    %gather3A_444 = tpu.vector_load_idx %arg9[%add3A_443, %broadcast_in_dim3A_3] : memref<128x128xf32, #tpu.memory_space<vmem>>[vector<16xi32>, vector<16xi32>], vector<16xf32>,
    %add3A_445 = arith.constant 96 : i32
    %add3A_446 = vector.broadcast %add3A_445 : i32 to vector<16xi32>
    %add3A_447 = arith.addi %iota3A, %add3A_446 : vector<16xi32>
    %add3A_448 = arith.constant 1 : i32
    %add3A_449 = vector.broadcast %add3A_448 : i32 to vector<16xi32>
    %add3A_450 = arith.addi %broadcast_in_dim3A_3, %add3A_449 : vector<16xi32>
    %gather3A_451 = tpu.vector_load_idx %arg9[%add3A_447, %add3A_450] : memref<128x128xf32, #tpu.memory_space<vmem>>[vector<16xi32>, vector<16xi32>], vector<16xf32>,
    %gt3A_452 = arith.constant 5.000000e-01 : f32
    %gt3A_453 = vector.broadcast %gt3A_452 : f32 to vector<16xf32>
    %gt3A_454 = arith.cmpf ogt, %gather3A_451, %gt3A_453 : vector<16xf32>
    %broadcast_in_dim3A_455 = arith.constant true
    %broadcast_in_dim3A_456 = vector.broadcast %broadcast_in_dim3A_455 : i1 to vector<16xi1>
    %masked_cumsum3A_457 = tpu.scan <sum>, %gather3A_444 masked %broadcast_in_dim3A_456 : vector<16xf32>, vector<16xi1> -> vector<16xf32>
    %jit3A_458 = arith.constant -1 : i32
    %broadcast_in_dim3A_459 = vector.broadcast %jit3A_458 : i32 to vector<16xi32>
    %select_n3A_460 = arith.select %gt3A_454, %iota3A, %broadcast_in_dim3A_459 : vector<16xi1>, vector<16xi32>
    %broadcast_in_dim3A_461 = arith.constant true
    %broadcast_in_dim3A_462 = vector.broadcast %broadcast_in_dim3A_461 : i1 to vector<16xi1>
    %masked_cummax3A_463 = arith.constant -2147483648 : i32
    %masked_cummax3A_464 = vector.broadcast %masked_cummax3A_463 : i32 to vector<16xi32>
    %masked_cummax3A_465 = arith.xori %select_n3A_460, %masked_cummax3A_464 : vector<16xi32>
    %masked_cummax3A_466 = tpu.scan <max>, %masked_cummax3A_465 masked %broadcast_in_dim3A_462 : vector<16xi32>, vector<16xi1> -> vector<16xi32>
    %masked_cummax3A_467 = arith.xori %masked_cummax3A_466, %masked_cummax3A_464 : vector<16xi32>
    %ge3A_468 = arith.constant 1 : i32
    %ge3A_469 = vector.broadcast %ge3A_468 : i32 to vector<16xi32>
    %ge3A_470 = arith.cmpi sge, %masked_cummax3A_467, %ge3A_469 : vector<16xi32>
    %sub3A_471 = arith.constant 1 : i32
    %sub3A_472 = vector.broadcast %sub3A_471 : i32 to vector<16xi32>
    %sub3A_473 = arith.subi %masked_cummax3A_467, %sub3A_472 : vector<16xi32>
    %max3A_474 = arith.constant 0 : i32
    %max3A_475 = vector.broadcast %max3A_474 : i32 to vector<16xi32>
    %max3A_476 = arith.maxsi %sub3A_473, %max3A_475 : vector<16xi32>
    %broadcast_in_dim3A_477 = vector.shape_cast %max3A_476 : vector<16xi32> to vector<16x1xi32>
    %gather3A_478 = vector.shape_cast %broadcast_in_dim3A_477 : vector<16x1xi32> to vector<16xi32>
    %gather3A_479 = tpu.dynamic_gather %masked_cumsum3A_457[%gather3A_478] in [0] : vector<16xf32>, vector<16xi32> -> vector<16xf32>
    %jit3A_480 = arith.constant 0.000000e+00 : f32
    %broadcast_in_dim3A_481 = vector.broadcast %jit3A_480 : f32 to vector<16xf32>
    %select_n3A_482 = arith.select %ge3A_470, %gather3A_479, %broadcast_in_dim3A_481 : vector<16xi1>, vector<16xf32>
    %ge3A_483 = arith.constant 0 : i32
    %ge3A_484 = vector.broadcast %ge3A_483 : i32 to vector<16xi32>
    %ge3A_485 = arith.cmpi sge, %masked_cummax3A_467, %ge3A_484 : vector<16xi32>
    %sub3A_486 = arith.subf %masked_cumsum3A_457, %select_n3A_482 : vector<16xf32>
    %add3A_487 = arith.addf %masked_cumsum3A_457, %gather3A_420 : vector<16xf32>
    %select_n3A_488 = arith.select %ge3A_485, %sub3A_486, %add3A_487 : vector<16xi1>, vector<16xf32>
    %broadcast_in_dim3A_489 = arith.constant 15 : i32
    %broadcast_in_dim3A_490 = vector.broadcast %broadcast_in_dim3A_489 : i32 to vector<16xi32>
    %broadcast_in_dim3A_491 = vector.shape_cast %broadcast_in_dim3A_490 : vector<16xi32> to vector<16x1xi32>
    %gather3A_492 = vector.shape_cast %broadcast_in_dim3A_491 : vector<16x1xi32> to vector<16xi32>
    %gather3A_493 = tpu.dynamic_gather %select_n3A_488[%gather3A_492] in [0] : vector<16xf32>, vector<16xi32> -> vector<16xf32>
    %add3A_494 = vector.broadcast %sub3A_9 : i32 to vector<16xi32>
    %add3A_495 = arith.addi %broadcast_in_dim3A_3, %add3A_494 : vector<16xi32>
    %sub3A_496 = arith.constant 96 : i32
    %sub3A_497 = vector.broadcast %sub3A_496 : i32 to vector<16xi32>
    %sub3A_498 = arith.subi %add3A_495, %sub3A_497 : vector<16xi32>
    %jit3A_499 = arith.constant 0 : i32
    %jit3A_500 = arith.constant 15 : i32
    %max3A_501 = vector.broadcast %jit3A_499 : i32 to vector<16xi32>
    %max3A_502 = arith.maxsi %max3A_501, %sub3A_498 : vector<16xi32>
    %min3A_503 = vector.broadcast %jit3A_500 : i32 to vector<16xi32>
    %min3A_504 = arith.minsi %min3A_503, %max3A_502 : vector<16xi32>
    %broadcast_in_dim3A_505 = vector.shape_cast %min3A_504 : vector<16xi32> to vector<16x1xi32>
    %gather3A_506 = vector.shape_cast %broadcast_in_dim3A_505 : vector<16x1xi32> to vector<16xi32>
    %gather3A_507 = tpu.dynamic_gather %select_n3A_488[%gather3A_506] in [0] : vector<16xf32>, vector<16xi32> -> vector<16xf32>
    %ge3A_508 = arith.constant 96 : i32
    %ge3A_509 = arith.cmpi sge, %sub3A_9, %ge3A_508 : i32
    %lt3A_510 = arith.constant 112 : i32
    %lt3A_511 = arith.cmpi slt, %sub3A_9, %lt3A_510 : i32
    %and3A_512 = arith.andi %ge3A_509, %lt3A_511 : i1
    %select_n3A_513 = arith.select %and3A_512, %gather3A_507, %select_n3A_440 : vector<16xf32>
    %add3A_514 = arith.constant 112 : i32
    %add3A_515 = vector.broadcast %add3A_514 : i32 to vector<16xi32>
    %add3A_516 = arith.addi %iota3A, %add3A_515 : vector<16xi32>
    %gather3A_517 = tpu.vector_load_idx %arg9[%add3A_516, %broadcast_in_dim3A_3] : memref<128x128xf32, #tpu.memory_space<vmem>>[vector<16xi32>, vector<16xi32>], vector<16xf32>,
    %add3A_518 = arith.constant 112 : i32
    %add3A_519 = vector.broadcast %add3A_518 : i32 to vector<16xi32>
    %add3A_520 = arith.addi %iota3A, %add3A_519 : vector<16xi32>
    %add3A_521 = arith.constant 1 : i32
    %add3A_522 = vector.broadcast %add3A_521 : i32 to vector<16xi32>
    %add3A_523 = arith.addi %broadcast_in_dim3A_3, %add3A_522 : vector<16xi32>
    %gather3A_524 = tpu.vector_load_idx %arg9[%add3A_520, %add3A_523] : memref<128x128xf32, #tpu.memory_space<vmem>>[vector<16xi32>, vector<16xi32>], vector<16xf32>,
    %gt3A_525 = arith.constant 5.000000e-01 : f32
    %gt3A_526 = vector.broadcast %gt3A_525 : f32 to vector<16xf32>
    %gt3A_527 = arith.cmpf ogt, %gather3A_524, %gt3A_526 : vector<16xf32>
    %broadcast_in_dim3A_528 = arith.constant true
    %broadcast_in_dim3A_529 = vector.broadcast %broadcast_in_dim3A_528 : i1 to vector<16xi1>
    %masked_cumsum3A_530 = tpu.scan <sum>, %gather3A_517 masked %broadcast_in_dim3A_529 : vector<16xf32>, vector<16xi1> -> vector<16xf32>
    %jit3A_531 = arith.constant -1 : i32
    %broadcast_in_dim3A_532 = vector.broadcast %jit3A_531 : i32 to vector<16xi32>
    %select_n3A_533 = arith.select %gt3A_527, %iota3A, %broadcast_in_dim3A_532 : vector<16xi1>, vector<16xi32>
    %broadcast_in_dim3A_534 = arith.constant true
    %broadcast_in_dim3A_535 = vector.broadcast %broadcast_in_dim3A_534 : i1 to vector<16xi1>
    %masked_cummax3A_536 = arith.constant -2147483648 : i32
    %masked_cummax3A_537 = vector.broadcast %masked_cummax3A_536 : i32 to vector<16xi32>
    %masked_cummax3A_538 = arith.xori %select_n3A_533, %masked_cummax3A_537 : vector<16xi32>
    %masked_cummax3A_539 = tpu.scan <max>, %masked_cummax3A_538 masked %broadcast_in_dim3A_535 : vector<16xi32>, vector<16xi1> -> vector<16xi32>
    %masked_cummax3A_540 = arith.xori %masked_cummax3A_539, %masked_cummax3A_537 : vector<16xi32>
    %ge3A_541 = arith.constant 1 : i32
    %ge3A_542 = vector.broadcast %ge3A_541 : i32 to vector<16xi32>
    %ge3A_543 = arith.cmpi sge, %masked_cummax3A_540, %ge3A_542 : vector<16xi32>
    %sub3A_544 = arith.constant 1 : i32
    %sub3A_545 = vector.broadcast %sub3A_544 : i32 to vector<16xi32>
    %sub3A_546 = arith.subi %masked_cummax3A_540, %sub3A_545 : vector<16xi32>
    %max3A_547 = arith.constant 0 : i32
    %max3A_548 = vector.broadcast %max3A_547 : i32 to vector<16xi32>
    %max3A_549 = arith.maxsi %sub3A_546, %max3A_548 : vector<16xi32>
    %broadcast_in_dim3A_550 = vector.shape_cast %max3A_549 : vector<16xi32> to vector<16x1xi32>
    %gather3A_551 = vector.shape_cast %broadcast_in_dim3A_550 : vector<16x1xi32> to vector<16xi32>
    %gather3A_552 = tpu.dynamic_gather %masked_cumsum3A_530[%gather3A_551] in [0] : vector<16xf32>, vector<16xi32> -> vector<16xf32>
    %jit3A_553 = arith.constant 0.000000e+00 : f32
    %broadcast_in_dim3A_554 = vector.broadcast %jit3A_553 : f32 to vector<16xf32>
    %select_n3A_555 = arith.select %ge3A_543, %gather3A_552, %broadcast_in_dim3A_554 : vector<16xi1>, vector<16xf32>
    %ge3A_556 = arith.constant 0 : i32
    %ge3A_557 = vector.broadcast %ge3A_556 : i32 to vector<16xi32>
    %ge3A_558 = arith.cmpi sge, %masked_cummax3A_540, %ge3A_557 : vector<16xi32>
    %sub3A_559 = arith.subf %masked_cumsum3A_530, %select_n3A_555 : vector<16xf32>
    %add3A_560 = arith.addf %masked_cumsum3A_530, %gather3A_493 : vector<16xf32>
    %select_n3A_561 = arith.select %ge3A_558, %sub3A_559, %add3A_560 : vector<16xi1>, vector<16xf32>
    %broadcast_in_dim3A_562 = arith.constant 15 : i32
    %broadcast_in_dim3A_563 = vector.broadcast %broadcast_in_dim3A_562 : i32 to vector<16xi32>
    %broadcast_in_dim3A_564 = vector.shape_cast %broadcast_in_dim3A_563 : vector<16xi32> to vector<16x1xi32>
    %gather3A_565 = vector.shape_cast %broadcast_in_dim3A_564 : vector<16x1xi32> to vector<16xi32>
    %gather3A_566 = tpu.dynamic_gather %select_n3A_561[%gather3A_565] in [0] : vector<16xf32>, vector<16xi32> -> vector<16xf32>
    %add3A_567 = vector.broadcast %sub3A_9 : i32 to vector<16xi32>
    %add3A_568 = arith.addi %broadcast_in_dim3A_3, %add3A_567 : vector<16xi32>
    %sub3A_569 = arith.constant 112 : i32
    %sub3A_570 = vector.broadcast %sub3A_569 : i32 to vector<16xi32>
    %sub3A_571 = arith.subi %add3A_568, %sub3A_570 : vector<16xi32>
    %jit3A_572 = arith.constant 0 : i32
    %jit3A_573 = arith.constant 15 : i32
    %max3A_574 = vector.broadcast %jit3A_572 : i32 to vector<16xi32>
    %max3A_575 = arith.maxsi %max3A_574, %sub3A_571 : vector<16xi32>
    %min3A_576 = vector.broadcast %jit3A_573 : i32 to vector<16xi32>
    %min3A_577 = arith.minsi %min3A_576, %max3A_575 : vector<16xi32>
    %broadcast_in_dim3A_578 = vector.shape_cast %min3A_577 : vector<16xi32> to vector<16x1xi32>
    %gather3A_579 = vector.shape_cast %broadcast_in_dim3A_578 : vector<16x1xi32> to vector<16xi32>
    %gather3A_580 = tpu.dynamic_gather %select_n3A_561[%gather3A_579] in [0] : vector<16xf32>, vector<16xi32> -> vector<16xf32>
    %ge3A_581 = arith.constant 112 : i32
    %ge3A_582 = arith.cmpi sge, %sub3A_9, %ge3A_581 : i32
    %lt3A_583 = arith.constant 128 : i32
    %lt3A_584 = arith.cmpi slt, %sub3A_9, %lt3A_583 : i32
    %and3A_585 = arith.andi %ge3A_582, %lt3A_584 : i1
    %select_n3A_586 = arith.select %and3A_585, %gather3A_580, %select_n3A_513 : vector<16xf32>
    %add3A_587 = arith.constant 16384 : i32
    %add3A_588 = arith.addi %mul3A_2, %add3A_587 : i32
    %dma_start3A_589 = tpu.memref_slice %arg2[%add3A_588] : memref<2097152xf32, #tpu.memory_space<hbm>> -> memref<16384xf32, #tpu.memory_space<hbm>>
    %dma_start3A_590 = tpu.memref_slice %arg2[%add3A_588] : memref<2097152xf32, #tpu.memory_space<hbm>> -> memref<16384xf32, #tpu.memory_space<hbm>>
    tpu.enqueue_dma source(%dma_start3A_590 : memref<16384xf32, #tpu.memory_space<hbm>>) target(%arg6 : memref<16384xf32, #tpu.memory_space<vmem>>) target_semaphore(%arg10 : memref<!tpu.dma_semaphore, #tpu.memory_space<semaphore_mem>>)
    %dma_wait3A = tpu.memref_slice %arg2[%add3A_5] : memref<2097152xf32, #tpu.memory_space<hbm>> -> memref<16384xf32, #tpu.memory_space<hbm>>
    %dma_wait3A_591 = tpu.memref_slice %arg2[%add3A_5] : memref<2097152xf32, #tpu.memory_space<hbm>> -> memref<16384xf32, #tpu.memory_space<hbm>>
    tpu.wait_dma2 semaphore(%arg10 : memref<!tpu.dma_semaphore, #tpu.memory_space<semaphore_mem>>) src(%dma_wait3A_591 : memref<16384xf32, #tpu.memory_space<hbm>>) dst(%arg5 : memref<16384xf32, #tpu.memory_space<vmem>>)
    %scan3A = arith.constant 0 : i32
    %scan3A_592 = arith.constant 128 : i32
    %scan3A_593 = arith.addi %scan3A, %scan3A_592 : i32
    %scan3A_594 = arith.constant 1 : i32
    %scan3A_595 = scf.for %scan3A_653 = %scan3A to %scan3A_593 step %scan3A_594 iter_args(%scan3A_654 = %select_n3A_586) -> (vector<16xf32>)  : i32 {
      %mul3A_655 = arith.constant 8 : i32
      %mul3A_656 = arith.muli %scan3A_653, %mul3A_655 : i32
      %add3A_657 = arith.constant 0 : i32
      %add3A_658 = arith.addi %mul3A_656, %add3A_657 : i32
      %mul3A_659 = arith.constant 16 : i32
      %mul3A_660 = arith.muli %add3A_658, %mul3A_659 : i32
      %get3A = arith.index_cast %mul3A_660 : i32 to index
      %get3A_661 = tpu.vector_load %arg5[%get3A] {strides = array<i32>} : memref<16384xf32, #tpu.memory_space<vmem>>, vector<16xf32>,
      %min3A_662 = arith.constant 0.000000e+00 : f32
      %min3A_663 = vector.broadcast %min3A_662 : f32 to vector<16xf32>
      %min3A_664 = arith.minimumf %get3A_661, %min3A_663 : vector<16xf32>
      %gt3A_665 = arith.constant 5.000000e-01 : f32
      %gt3A_666 = vector.broadcast %gt3A_665 : f32 to vector<16xf32>
      %gt3A_667 = arith.cmpf ogt, %get3A_661, %gt3A_666 : vector<16xf32>
      %broadcast_in_dim3A_668 = arith.constant true
      %broadcast_in_dim3A_669 = vector.broadcast %broadcast_in_dim3A_668 : i1 to vector<16xi1>
      %masked_cumsum3A_670 = tpu.scan <sum>, %min3A_664 masked %broadcast_in_dim3A_669 : vector<16xf32>, vector<16xi1> -> vector<16xf32>
      %jit3A_671 = arith.constant -1 : i32
      %broadcast_in_dim3A_672 = vector.broadcast %jit3A_671 : i32 to vector<16xi32>
      %select_n3A_673 = arith.select %gt3A_667, %iota3A, %broadcast_in_dim3A_672 : vector<16xi1>, vector<16xi32>
      %broadcast_in_dim3A_674 = arith.constant true
      %broadcast_in_dim3A_675 = vector.broadcast %broadcast_in_dim3A_674 : i1 to vector<16xi1>
      %masked_cummax3A_676 = arith.constant -2147483648 : i32
      %masked_cummax3A_677 = vector.broadcast %masked_cummax3A_676 : i32 to vector<16xi32>
      %masked_cummax3A_678 = arith.xori %select_n3A_673, %masked_cummax3A_677 : vector<16xi32>
      %masked_cummax3A_679 = tpu.scan <max>, %masked_cummax3A_678 masked %broadcast_in_dim3A_675 : vector<16xi32>, vector<16xi1> -> vector<16xi32>
      %masked_cummax3A_680 = arith.xori %masked_cummax3A_679, %masked_cummax3A_677 : vector<16xi32>
      %ge3A_681 = arith.constant 1 : i32
      %ge3A_682 = vector.broadcast %ge3A_681 : i32 to vector<16xi32>
      %ge3A_683 = arith.cmpi sge, %masked_cummax3A_680, %ge3A_682 : vector<16xi32>
      %sub3A_684 = arith.constant 1 : i32
      %sub3A_685 = vector.broadcast %sub3A_684 : i32 to vector<16xi32>
      %sub3A_686 = arith.subi %masked_cummax3A_680, %sub3A_685 : vector<16xi32>
      %max3A_687 = arith.constant 0 : i32
      %max3A_688 = vector.broadcast %max3A_687 : i32 to vector<16xi32>
      %max3A_689 = arith.maxsi %sub3A_686, %max3A_688 : vector<16xi32>
      %broadcast_in_dim3A_690 = vector.shape_cast %max3A_689 : vector<16xi32> to vector<16x1xi32>
      %gather3A_691 = vector.shape_cast %broadcast_in_dim3A_690 : vector<16x1xi32> to vector<16xi32>
      %gather3A_692 = tpu.dynamic_gather %masked_cumsum3A_670[%gather3A_691] in [0] : vector<16xf32>, vector<16xi32> -> vector<16xf32>
      %jit3A_693 = arith.constant 0.000000e+00 : f32
      %broadcast_in_dim3A_694 = vector.broadcast %jit3A_693 : f32 to vector<16xf32>
      %select_n3A_695 = arith.select %ge3A_683, %gather3A_692, %broadcast_in_dim3A_694 : vector<16xi1>, vector<16xf32>
      %ge3A_696 = arith.constant 0 : i32
      %ge3A_697 = vector.broadcast %ge3A_696 : i32 to vector<16xi32>
      %ge3A_698 = arith.cmpi sge, %masked_cummax3A_680, %ge3A_697 : vector<16xi32>
      %sub3A_699 = arith.subf %masked_cumsum3A_670, %select_n3A_695 : vector<16xf32>
      %add3A_700 = arith.addf %masked_cumsum3A_670, %scan3A_654 : vector<16xf32>
      %select_n3A_701 = arith.select %ge3A_698, %sub3A_699, %add3A_700 : vector<16xi1>, vector<16xf32>
      %broadcast_in_dim3A_702 = arith.constant 15 : i32
      %broadcast_in_dim3A_703 = vector.broadcast %broadcast_in_dim3A_702 : i32 to vector<16xi32>
      %broadcast_in_dim3A_704 = vector.shape_cast %broadcast_in_dim3A_703 : vector<16xi32> to vector<16x1xi32>
      %gather3A_705 = vector.shape_cast %broadcast_in_dim3A_704 : vector<16x1xi32> to vector<16xi32>
      %gather3A_706 = tpu.dynamic_gather %select_n3A_701[%gather3A_705] in [0] : vector<16xf32>, vector<16xi32> -> vector<16xf32>
      %exp3A = math.exp %select_n3A_701 : vector<16xf32>
      %swap3A = arith.index_cast %mul3A_660 : i32 to index
      %swap3A_707 = tpu.vector_load %arg7[%swap3A] {strides = array<i32>} : memref<16384xf32, #tpu.memory_space<vmem>>, vector<16xf32>,
      tpu.vector_store %arg7[%swap3A], %exp3A {strides = array<i32>} : memref<16384xf32, #tpu.memory_space<vmem>>, vector<16xf32>,
      %mul3A_708 = arith.constant 8 : i32
      %mul3A_709 = arith.muli %scan3A_653, %mul3A_708 : i32
      %add3A_710 = arith.constant 1 : i32
      %add3A_711 = arith.addi %mul3A_709, %add3A_710 : i32
      %mul3A_712 = arith.constant 16 : i32
      %mul3A_713 = arith.muli %add3A_711, %mul3A_712 : i32
      %get3A_714 = arith.index_cast %mul3A_713 : i32 to index
      %get3A_715 = tpu.vector_load %arg5[%get3A_714] {strides = array<i32>} : memref<16384xf32, #tpu.memory_space<vmem>>, vector<16xf32>,
      %min3A_716 = arith.constant 0.000000e+00 : f32
      %min3A_717 = vector.broadcast %min3A_716 : f32 to vector<16xf32>
      %min3A_718 = arith.minimumf %get3A_715, %min3A_717 : vector<16xf32>
      %gt3A_719 = arith.constant 5.000000e-01 : f32
      %gt3A_720 = vector.broadcast %gt3A_719 : f32 to vector<16xf32>
      %gt3A_721 = arith.cmpf ogt, %get3A_715, %gt3A_720 : vector<16xf32>
      %broadcast_in_dim3A_722 = arith.constant true
      %broadcast_in_dim3A_723 = vector.broadcast %broadcast_in_dim3A_722 : i1 to vector<16xi1>
      %masked_cumsum3A_724 = tpu.scan <sum>, %min3A_718 masked %broadcast_in_dim3A_723 : vector<16xf32>, vector<16xi1> -> vector<16xf32>
      %jit3A_725 = arith.constant -1 : i32
      %broadcast_in_dim3A_726 = vector.broadcast %jit3A_725 : i32 to vector<16xi32>
      %select_n3A_727 = arith.select %gt3A_721, %iota3A, %broadcast_in_dim3A_726 : vector<16xi1>, vector<16xi32>
      %broadcast_in_dim3A_728 = arith.constant true
      %broadcast_in_dim3A_729 = vector.broadcast %broadcast_in_dim3A_728 : i1 to vector<16xi1>
      %masked_cummax3A_730 = arith.constant -2147483648 : i32
      %masked_cummax3A_731 = vector.broadcast %masked_cummax3A_730 : i32 to vector<16xi32>
      %masked_cummax3A_732 = arith.xori %select_n3A_727, %masked_cummax3A_731 : vector<16xi32>
      %masked_cummax3A_733 = tpu.scan <max>, %masked_cummax3A_732 masked %broadcast_in_dim3A_729 : vector<16xi32>, vector<16xi1> -> vector<16xi32>
      %masked_cummax3A_734 = arith.xori %masked_cummax3A_733, %masked_cummax3A_731 : vector<16xi32>
      %ge3A_735 = arith.constant 1 : i32
      %ge3A_736 = vector.broadcast %ge3A_735 : i32 to vector<16xi32>
      %ge3A_737 = arith.cmpi sge, %masked_cummax3A_734, %ge3A_736 : vector<16xi32>
      %sub3A_738 = arith.constant 1 : i32
      %sub3A_739 = vector.broadcast %sub3A_738 : i32 to vector<16xi32>
      %sub3A_740 = arith.subi %masked_cummax3A_734, %sub3A_739 : vector<16xi32>
      %max3A_741 = arith.constant 0 : i32
      %max3A_742 = vector.broadcast %max3A_741 : i32 to vector<16xi32>
      %max3A_743 = arith.maxsi %sub3A_740, %max3A_742 : vector<16xi32>
      %broadcast_in_dim3A_744 = vector.shape_cast %max3A_743 : vector<16xi32> to vector<16x1xi32>
      %gather3A_745 = vector.shape_cast %broadcast_in_dim3A_744 : vector<16x1xi32> to vector<16xi32>
      %gather3A_746 = tpu.dynamic_gather %masked_cumsum3A_724[%gather3A_745] in [0] : vector<16xf32>, vector<16xi32> -> vector<16xf32>
      %jit3A_747 = arith.constant 0.000000e+00 : f32
      %broadcast_in_dim3A_748 = vector.broadcast %jit3A_747 : f32 to vector<16xf32>
      %select_n3A_749 = arith.select %ge3A_737, %gather3A_746, %broadcast_in_dim3A_748 : vector<16xi1>, vector<16xf32>
      %ge3A_750 = arith.constant 0 : i32
      %ge3A_751 = vector.broadcast %ge3A_750 : i32 to vector<16xi32>
      %ge3A_752 = arith.cmpi sge, %masked_cummax3A_734, %ge3A_751 : vector<16xi32>
      %sub3A_753 = arith.subf %masked_cumsum3A_724, %select_n3A_749 : vector<16xf32>
      %add3A_754 = arith.addf %masked_cumsum3A_724, %gather3A_706 : vector<16xf32>
      %select_n3A_755 = arith.select %ge3A_752, %sub3A_753, %add3A_754 : vector<16xi1>, vector<16xf32>
      %broadcast_in_dim3A_756 = arith.constant 15 : i32
      %broadcast_in_dim3A_757 = vector.broadcast %broadcast_in_dim3A_756 : i32 to vector<16xi32>
      %broadcast_in_dim3A_758 = vector.shape_cast %broadcast_in_dim3A_757 : vector<16xi32> to vector<16x1xi32>
      %gather3A_759 = vector.shape_cast %broadcast_in_dim3A_758 : vector<16x1xi32> to vector<16xi32>
      %gather3A_760 = tpu.dynamic_gather %select_n3A_755[%gather3A_759] in [0] : vector<16xf32>, vector<16xi32> -> vector<16xf32>
      %exp3A_761 = math.exp %select_n3A_755 : vector<16xf32>
      %swap3A_762 = arith.index_cast %mul3A_713 : i32 to index
      %swap3A_763 = tpu.vector_load %arg7[%swap3A_762] {strides = array<i32>} : memref<16384xf32, #tpu.memory_space<vmem>>, vector<16xf32>,
      tpu.vector_store %arg7[%swap3A_762], %exp3A_761 {strides = array<i32>} : memref<16384xf32, #tpu.memory_space<vmem>>, vector<16xf32>,
      %mul3A_764 = arith.constant 8 : i32
      %mul3A_765 = arith.muli %scan3A_653, %mul3A_764 : i32
      %add3A_766 = arith.constant 2 : i32
      %add3A_767 = arith.addi %mul3A_765, %add3A_766 : i32
      %mul3A_768 = arith.constant 16 : i32
      %mul3A_769 = arith.muli %add3A_767, %mul3A_768 : i32
      %get3A_770 = arith.index_cast %mul3A_769 : i32 to index
      %get3A_771 = tpu.vector_load %arg5[%get3A_770] {strides = array<i32>} : memref<16384xf32, #tpu.memory_space<vmem>>, vector<16xf32>,
      %min3A_772 = arith.constant 0.000000e+00 : f32
      %min3A_773 = vector.broadcast %min3A_772 : f32 to vector<16xf32>
      %min3A_774 = arith.minimumf %get3A_771, %min3A_773 : vector<16xf32>
      %gt3A_775 = arith.constant 5.000000e-01 : f32
      %gt3A_776 = vector.broadcast %gt3A_775 : f32 to vector<16xf32>
      %gt3A_777 = arith.cmpf ogt, %get3A_771, %gt3A_776 : vector<16xf32>
      %broadcast_in_dim3A_778 = arith.constant true
      %broadcast_in_dim3A_779 = vector.broadcast %broadcast_in_dim3A_778 : i1 to vector<16xi1>
      %masked_cumsum3A_780 = tpu.scan <sum>, %min3A_774 masked %broadcast_in_dim3A_779 : vector<16xf32>, vector<16xi1> -> vector<16xf32>
      %jit3A_781 = arith.constant -1 : i32
      %broadcast_in_dim3A_782 = vector.broadcast %jit3A_781 : i32 to vector<16xi32>
      %select_n3A_783 = arith.select %gt3A_777, %iota3A, %broadcast_in_dim3A_782 : vector<16xi1>, vector<16xi32>
      %broadcast_in_dim3A_784 = arith.constant true
      %broadcast_in_dim3A_785 = vector.broadcast %broadcast_in_dim3A_784 : i1 to vector<16xi1>
      %masked_cummax3A_786 = arith.constant -2147483648 : i32
      %masked_cummax3A_787 = vector.broadcast %masked_cummax3A_786 : i32 to vector<16xi32>
      %masked_cummax3A_788 = arith.xori %select_n3A_783, %masked_cummax3A_787 : vector<16xi32>
      %masked_cummax3A_789 = tpu.scan <max>, %masked_cummax3A_788 masked %broadcast_in_dim3A_785 : vector<16xi32>, vector<16xi1> -> vector<16xi32>
      %masked_cummax3A_790 = arith.xori %masked_cummax3A_789, %masked_cummax3A_787 : vector<16xi32>
      %ge3A_791 = arith.constant 1 : i32
      %ge3A_792 = vector.broadcast %ge3A_791 : i32 to vector<16xi32>
      %ge3A_793 = arith.cmpi sge, %masked_cummax3A_790, %ge3A_792 : vector<16xi32>
      %sub3A_794 = arith.constant 1 : i32
      %sub3A_795 = vector.broadcast %sub3A_794 : i32 to vector<16xi32>
      %sub3A_796 = arith.subi %masked_cummax3A_790, %sub3A_795 : vector<16xi32>
      %max3A_797 = arith.constant 0 : i32
      %max3A_798 = vector.broadcast %max3A_797 : i32 to vector<16xi32>
      %max3A_799 = arith.maxsi %sub3A_796, %max3A_798 : vector<16xi32>
      %broadcast_in_dim3A_800 = vector.shape_cast %max3A_799 : vector<16xi32> to vector<16x1xi32>
      %gather3A_801 = vector.shape_cast %broadcast_in_dim3A_800 : vector<16x1xi32> to vector<16xi32>
      %gather3A_802 = tpu.dynamic_gather %masked_cumsum3A_780[%gather3A_801] in [0] : vector<16xf32>, vector<16xi32> -> vector<16xf32>
      %jit3A_803 = arith.constant 0.000000e+00 : f32
      %broadcast_in_dim3A_804 = vector.broadcast %jit3A_803 : f32 to vector<16xf32>
      %select_n3A_805 = arith.select %ge3A_793, %gather3A_802, %broadcast_in_dim3A_804 : vector<16xi1>, vector<16xf32>
      %ge3A_806 = arith.constant 0 : i32
      %ge3A_807 = vector.broadcast %ge3A_806 : i32 to vector<16xi32>
      %ge3A_808 = arith.cmpi sge, %masked_cummax3A_790, %ge3A_807 : vector<16xi32>
      %sub3A_809 = arith.subf %masked_cumsum3A_780, %select_n3A_805 : vector<16xf32>
      %add3A_810 = arith.addf %masked_cumsum3A_780, %gather3A_760 : vector<16xf32>
      %select_n3A_811 = arith.select %ge3A_808, %sub3A_809, %add3A_810 : vector<16xi1>, vector<16xf32>
      %broadcast_in_dim3A_812 = arith.constant 15 : i32
      %broadcast_in_dim3A_813 = vector.broadcast %broadcast_in_dim3A_812 : i32 to vector<16xi32>
      %broadcast_in_dim3A_814 = vector.shape_cast %broadcast_in_dim3A_813 : vector<16xi32> to vector<16x1xi32>
      %gather3A_815 = vector.shape_cast %broadcast_in_dim3A_814 : vector<16x1xi32> to vector<16xi32>
      %gather3A_816 = tpu.dynamic_gather %select_n3A_811[%gather3A_815] in [0] : vector<16xf32>, vector<16xi32> -> vector<16xf32>
      %exp3A_817 = math.exp %select_n3A_811 : vector<16xf32>
      %swap3A_818 = arith.index_cast %mul3A_769 : i32 to index
      %swap3A_819 = tpu.vector_load %arg7[%swap3A_818] {strides = array<i32>} : memref<16384xf32, #tpu.memory_space<vmem>>, vector<16xf32>,
      tpu.vector_store %arg7[%swap3A_818], %exp3A_817 {strides = array<i32>} : memref<16384xf32, #tpu.memory_space<vmem>>, vector<16xf32>,
      %mul3A_820 = arith.constant 8 : i32
      %mul3A_821 = arith.muli %scan3A_653, %mul3A_820 : i32
      %add3A_822 = arith.constant 3 : i32
      %add3A_823 = arith.addi %mul3A_821, %add3A_822 : i32
      %mul3A_824 = arith.constant 16 : i32
      %mul3A_825 = arith.muli %add3A_823, %mul3A_824 : i32
      %get3A_826 = arith.index_cast %mul3A_825 : i32 to index
      %get3A_827 = tpu.vector_load %arg5[%get3A_826] {strides = array<i32>} : memref<16384xf32, #tpu.memory_space<vmem>>, vector<16xf32>,
      %min3A_828 = arith.constant 0.000000e+00 : f32
      %min3A_829 = vector.broadcast %min3A_828 : f32 to vector<16xf32>
      %min3A_830 = arith.minimumf %get3A_827, %min3A_829 : vector<16xf32>
      %gt3A_831 = arith.constant 5.000000e-01 : f32
      %gt3A_832 = vector.broadcast %gt3A_831 : f32 to vector<16xf32>
      %gt3A_833 = arith.cmpf ogt, %get3A_827, %gt3A_832 : vector<16xf32>
      %broadcast_in_dim3A_834 = arith.constant true
      %broadcast_in_dim3A_835 = vector.broadcast %broadcast_in_dim3A_834 : i1 to vector<16xi1>
      %masked_cumsum3A_836 = tpu.scan <sum>, %min3A_830 masked %broadcast_in_dim3A_835 : vector<16xf32>, vector<16xi1> -> vector<16xf32>
      %jit3A_837 = arith.constant -1 : i32
      %broadcast_in_dim3A_838 = vector.broadcast %jit3A_837 : i32 to vector<16xi32>
      %select_n3A_839 = arith.select %gt3A_833, %iota3A, %broadcast_in_dim3A_838 : vector<16xi1>, vector<16xi32>
      %broadcast_in_dim3A_840 = arith.constant true
      %broadcast_in_dim3A_841 = vector.broadcast %broadcast_in_dim3A_840 : i1 to vector<16xi1>
      %masked_cummax3A_842 = arith.constant -2147483648 : i32
      %masked_cummax3A_843 = vector.broadcast %masked_cummax3A_842 : i32 to vector<16xi32>
      %masked_cummax3A_844 = arith.xori %select_n3A_839, %masked_cummax3A_843 : vector<16xi32>
      %masked_cummax3A_845 = tpu.scan <max>, %masked_cummax3A_844 masked %broadcast_in_dim3A_841 : vector<16xi32>, vector<16xi1> -> vector<16xi32>
      %masked_cummax3A_846 = arith.xori %masked_cummax3A_845, %masked_cummax3A_843 : vector<16xi32>
      %ge3A_847 = arith.constant 1 : i32
      %ge3A_848 = vector.broadcast %ge3A_847 : i32 to vector<16xi32>
      %ge3A_849 = arith.cmpi sge, %masked_cummax3A_846, %ge3A_848 : vector<16xi32>
      %sub3A_850 = arith.constant 1 : i32
      %sub3A_851 = vector.broadcast %sub3A_850 : i32 to vector<16xi32>
      %sub3A_852 = arith.subi %masked_cummax3A_846, %sub3A_851 : vector<16xi32>
      %max3A_853 = arith.constant 0 : i32
      %max3A_854 = vector.broadcast %max3A_853 : i32 to vector<16xi32>
      %max3A_855 = arith.maxsi %sub3A_852, %max3A_854 : vector<16xi32>
      %broadcast_in_dim3A_856 = vector.shape_cast %max3A_855 : vector<16xi32> to vector<16x1xi32>
      %gather3A_857 = vector.shape_cast %broadcast_in_dim3A_856 : vector<16x1xi32> to vector<16xi32>
      %gather3A_858 = tpu.dynamic_gather %masked_cumsum3A_836[%gather3A_857] in [0] : vector<16xf32>, vector<16xi32> -> vector<16xf32>
      %jit3A_859 = arith.constant 0.000000e+00 : f32
      %broadcast_in_dim3A_860 = vector.broadcast %jit3A_859 : f32 to vector<16xf32>
      %select_n3A_861 = arith.select %ge3A_849, %gather3A_858, %broadcast_in_dim3A_860 : vector<16xi1>, vector<16xf32>
      %ge3A_862 = arith.constant 0 : i32
      %ge3A_863 = vector.broadcast %ge3A_862 : i32 to vector<16xi32>
      %ge3A_864 = arith.cmpi sge, %masked_cummax3A_846, %ge3A_863 : vector<16xi32>
      %sub3A_865 = arith.subf %masked_cumsum3A_836, %select_n3A_861 : vector<16xf32>
      %add3A_866 = arith.addf %masked_cumsum3A_836, %gather3A_816 : vector<16xf32>
      %select_n3A_867 = arith.select %ge3A_864, %sub3A_865, %add3A_866 : vector<16xi1>, vector<16xf32>
      %broadcast_in_dim3A_868 = arith.constant 15 : i32
      %broadcast_in_dim3A_869 = vector.broadcast %broadcast_in_dim3A_868 : i32 to vector<16xi32>
      %broadcast_in_dim3A_870 = vector.shape_cast %broadcast_in_dim3A_869 : vector<16xi32> to vector<16x1xi32>
      %gather3A_871 = vector.shape_cast %broadcast_in_dim3A_870 : vector<16x1xi32> to vector<16xi32>
      %gather3A_872 = tpu.dynamic_gather %select_n3A_867[%gather3A_871] in [0] : vector<16xf32>, vector<16xi32> -> vector<16xf32>
      %exp3A_873 = math.exp %select_n3A_867 : vector<16xf32>
      %swap3A_874 = arith.index_cast %mul3A_825 : i32 to index
      %swap3A_875 = tpu.vector_load %arg7[%swap3A_874] {strides = array<i32>} : memref<16384xf32, #tpu.memory_space<vmem>>, vector<16xf32>,
      tpu.vector_store %arg7[%swap3A_874], %exp3A_873 {strides = array<i32>} : memref<16384xf32, #tpu.memory_space<vmem>>, vector<16xf32>,
      %mul3A_876 = arith.constant 8 : i32
      %mul3A_877 = arith.muli %scan3A_653, %mul3A_876 : i32
      %add3A_878 = arith.constant 4 : i32
      %add3A_879 = arith.addi %mul3A_877, %add3A_878 : i32
      %mul3A_880 = arith.constant 16 : i32
      %mul3A_881 = arith.muli %add3A_879, %mul3A_880 : i32
      %get3A_882 = arith.index_cast %mul3A_881 : i32 to index
      %get3A_883 = tpu.vector_load %arg5[%get3A_882] {strides = array<i32>} : memref<16384xf32, #tpu.memory_space<vmem>>, vector<16xf32>,
      %min3A_884 = arith.constant 0.000000e+00 : f32
      %min3A_885 = vector.broadcast %min3A_884 : f32 to vector<16xf32>
      %min3A_886 = arith.minimumf %get3A_883, %min3A_885 : vector<16xf32>
      %gt3A_887 = arith.constant 5.000000e-01 : f32
      %gt3A_888 = vector.broadcast %gt3A_887 : f32 to vector<16xf32>
      %gt3A_889 = arith.cmpf ogt, %get3A_883, %gt3A_888 : vector<16xf32>
      %broadcast_in_dim3A_890 = arith.constant true
      %broadcast_in_dim3A_891 = vector.broadcast %broadcast_in_dim3A_890 : i1 to vector<16xi1>
      %masked_cumsum3A_892 = tpu.scan <sum>, %min3A_886 masked %broadcast_in_dim3A_891 : vector<16xf32>, vector<16xi1> -> vector<16xf32>
      %jit3A_893 = arith.constant -1 : i32
      %broadcast_in_dim3A_894 = vector.broadcast %jit3A_893 : i32 to vector<16xi32>
      %select_n3A_895 = arith.select %gt3A_889, %iota3A, %broadcast_in_dim3A_894 : vector<16xi1>, vector<16xi32>
      %broadcast_in_dim3A_896 = arith.constant true
      %broadcast_in_dim3A_897 = vector.broadcast %broadcast_in_dim3A_896 : i1 to vector<16xi1>
      %masked_cummax3A_898 = arith.constant -2147483648 : i32
      %masked_cummax3A_899 = vector.broadcast %masked_cummax3A_898 : i32 to vector<16xi32>
      %masked_cummax3A_900 = arith.xori %select_n3A_895, %masked_cummax3A_899 : vector<16xi32>
      %masked_cummax3A_901 = tpu.scan <max>, %masked_cummax3A_900 masked %broadcast_in_dim3A_897 : vector<16xi32>, vector<16xi1> -> vector<16xi32>
      %masked_cummax3A_902 = arith.xori %masked_cummax3A_901, %masked_cummax3A_899 : vector<16xi32>
      %ge3A_903 = arith.constant 1 : i32
      %ge3A_904 = vector.broadcast %ge3A_903 : i32 to vector<16xi32>
      %ge3A_905 = arith.cmpi sge, %masked_cummax3A_902, %ge3A_904 : vector<16xi32>
      %sub3A_906 = arith.constant 1 : i32
      %sub3A_907 = vector.broadcast %sub3A_906 : i32 to vector<16xi32>
      %sub3A_908 = arith.subi %masked_cummax3A_902, %sub3A_907 : vector<16xi32>
      %max3A_909 = arith.constant 0 : i32
      %max3A_910 = vector.broadcast %max3A_909 : i32 to vector<16xi32>
      %max3A_911 = arith.maxsi %sub3A_908, %max3A_910 : vector<16xi32>
      %broadcast_in_dim3A_912 = vector.shape_cast %max3A_911 : vector<16xi32> to vector<16x1xi32>
      %gather3A_913 = vector.shape_cast %broadcast_in_dim3A_912 : vector<16x1xi32> to vector<16xi32>
      %gather3A_914 = tpu.dynamic_gather %masked_cumsum3A_892[%gather3A_913] in [0] : vector<16xf32>, vector<16xi32> -> vector<16xf32>
      %jit3A_915 = arith.constant 0.000000e+00 : f32
      %broadcast_in_dim3A_916 = vector.broadcast %jit3A_915 : f32 to vector<16xf32>
      %select_n3A_917 = arith.select %ge3A_905, %gather3A_914, %broadcast_in_dim3A_916 : vector<16xi1>, vector<16xf32>
      %ge3A_918 = arith.constant 0 : i32
      %ge3A_919 = vector.broadcast %ge3A_918 : i32 to vector<16xi32>
      %ge3A_920 = arith.cmpi sge, %masked_cummax3A_902, %ge3A_919 : vector<16xi32>
      %sub3A_921 = arith.subf %masked_cumsum3A_892, %select_n3A_917 : vector<16xf32>
      %add3A_922 = arith.addf %masked_cumsum3A_892, %gather3A_872 : vector<16xf32>
      %select_n3A_923 = arith.select %ge3A_920, %sub3A_921, %add3A_922 : vector<16xi1>, vector<16xf32>
      %broadcast_in_dim3A_924 = arith.constant 15 : i32
      %broadcast_in_dim3A_925 = vector.broadcast %broadcast_in_dim3A_924 : i32 to vector<16xi32>
      %broadcast_in_dim3A_926 = vector.shape_cast %broadcast_in_dim3A_925 : vector<16xi32> to vector<16x1xi32>
      %gather3A_927 = vector.shape_cast %broadcast_in_dim3A_926 : vector<16x1xi32> to vector<16xi32>
      %gather3A_928 = tpu.dynamic_gather %select_n3A_923[%gather3A_927] in [0] : vector<16xf32>, vector<16xi32> -> vector<16xf32>
      %exp3A_929 = math.exp %select_n3A_923 : vector<16xf32>
      %swap3A_930 = arith.index_cast %mul3A_881 : i32 to index
      %swap3A_931 = tpu.vector_load %arg7[%swap3A_930] {strides = array<i32>} : memref<16384xf32, #tpu.memory_space<vmem>>, vector<16xf32>,
      tpu.vector_store %arg7[%swap3A_930], %exp3A_929 {strides = array<i32>} : memref<16384xf32, #tpu.memory_space<vmem>>, vector<16xf32>,
      %mul3A_932 = arith.constant 8 : i32
      %mul3A_933 = arith.muli %scan3A_653, %mul3A_932 : i32
      %add3A_934 = arith.constant 5 : i32
      %add3A_935 = arith.addi %mul3A_933, %add3A_934 : i32
      %mul3A_936 = arith.constant 16 : i32
      %mul3A_937 = arith.muli %add3A_935, %mul3A_936 : i32
      %get3A_938 = arith.index_cast %mul3A_937 : i32 to index
      %get3A_939 = tpu.vector_load %arg5[%get3A_938] {strides = array<i32>} : memref<16384xf32, #tpu.memory_space<vmem>>, vector<16xf32>,
      %min3A_940 = arith.constant 0.000000e+00 : f32
      %min3A_941 = vector.broadcast %min3A_940 : f32 to vector<16xf32>
      %min3A_942 = arith.minimumf %get3A_939, %min3A_941 : vector<16xf32>
      %gt3A_943 = arith.constant 5.000000e-01 : f32
      %gt3A_944 = vector.broadcast %gt3A_943 : f32 to vector<16xf32>
      %gt3A_945 = arith.cmpf ogt, %get3A_939, %gt3A_944 : vector<16xf32>
      %broadcast_in_dim3A_946 = arith.constant true
      %broadcast_in_dim3A_947 = vector.broadcast %broadcast_in_dim3A_946 : i1 to vector<16xi1>
      %masked_cumsum3A_948 = tpu.scan <sum>, %min3A_942 masked %broadcast_in_dim3A_947 : vector<16xf32>, vector<16xi1> -> vector<16xf32>
      %jit3A_949 = arith.constant -1 : i32
      %broadcast_in_dim3A_950 = vector.broadcast %jit3A_949 : i32 to vector<16xi32>
      %select_n3A_951 = arith.select %gt3A_945, %iota3A, %broadcast_in_dim3A_950 : vector<16xi1>, vector<16xi32>
      %broadcast_in_dim3A_952 = arith.constant true
      %broadcast_in_dim3A_953 = vector.broadcast %broadcast_in_dim3A_952 : i1 to vector<16xi1>
      %masked_cummax3A_954 = arith.constant -2147483648 : i32
      %masked_cummax3A_955 = vector.broadcast %masked_cummax3A_954 : i32 to vector<16xi32>
      %masked_cummax3A_956 = arith.xori %select_n3A_951, %masked_cummax3A_955 : vector<16xi32>
      %masked_cummax3A_957 = tpu.scan <max>, %masked_cummax3A_956 masked %broadcast_in_dim3A_953 : vector<16xi32>, vector<16xi1> -> vector<16xi32>
      %masked_cummax3A_958 = arith.xori %masked_cummax3A_957, %masked_cummax3A_955 : vector<16xi32>
      %ge3A_959 = arith.constant 1 : i32
      %ge3A_960 = vector.broadcast %ge3A_959 : i32 to vector<16xi32>
      %ge3A_961 = arith.cmpi sge, %masked_cummax3A_958, %ge3A_960 : vector<16xi32>
      %sub3A_962 = arith.constant 1 : i32
      %sub3A_963 = vector.broadcast %sub3A_962 : i32 to vector<16xi32>
      %sub3A_964 = arith.subi %masked_cummax3A_958, %sub3A_963 : vector<16xi32>
      %max3A_965 = arith.constant 0 : i32
      %max3A_966 = vector.broadcast %max3A_965 : i32 to vector<16xi32>
      %max3A_967 = arith.maxsi %sub3A_964, %max3A_966 : vector<16xi32>
      %broadcast_in_dim3A_968 = vector.shape_cast %max3A_967 : vector<16xi32> to vector<16x1xi32>
      %gather3A_969 = vector.shape_cast %broadcast_in_dim3A_968 : vector<16x1xi32> to vector<16xi32>
      %gather3A_970 = tpu.dynamic_gather %masked_cumsum3A_948[%gather3A_969] in [0] : vector<16xf32>, vector<16xi32> -> vector<16xf32>
      %jit3A_971 = arith.constant 0.000000e+00 : f32
      %broadcast_in_dim3A_972 = vector.broadcast %jit3A_971 : f32 to vector<16xf32>
      %select_n3A_973 = arith.select %ge3A_961, %gather3A_970, %broadcast_in_dim3A_972 : vector<16xi1>, vector<16xf32>
      %ge3A_974 = arith.constant 0 : i32
      %ge3A_975 = vector.broadcast %ge3A_974 : i32 to vector<16xi32>
      %ge3A_976 = arith.cmpi sge, %masked_cummax3A_958, %ge3A_975 : vector<16xi32>
      %sub3A_977 = arith.subf %masked_cumsum3A_948, %select_n3A_973 : vector<16xf32>
      %add3A_978 = arith.addf %masked_cumsum3A_948, %gather3A_928 : vector<16xf32>
      %select_n3A_979 = arith.select %ge3A_976, %sub3A_977, %add3A_978 : vector<16xi1>, vector<16xf32>
      %broadcast_in_dim3A_980 = arith.constant 15 : i32
      %broadcast_in_dim3A_981 = vector.broadcast %broadcast_in_dim3A_980 : i32 to vector<16xi32>
      %broadcast_in_dim3A_982 = vector.shape_cast %broadcast_in_dim3A_981 : vector<16xi32> to vector<16x1xi32>
      %gather3A_983 = vector.shape_cast %broadcast_in_dim3A_982 : vector<16x1xi32> to vector<16xi32>
      %gather3A_984 = tpu.dynamic_gather %select_n3A_979[%gather3A_983] in [0] : vector<16xf32>, vector<16xi32> -> vector<16xf32>
      %exp3A_985 = math.exp %select_n3A_979 : vector<16xf32>
      %swap3A_986 = arith.index_cast %mul3A_937 : i32 to index
      %swap3A_987 = tpu.vector_load %arg7[%swap3A_986] {strides = array<i32>} : memref<16384xf32, #tpu.memory_space<vmem>>, vector<16xf32>,
      tpu.vector_store %arg7[%swap3A_986], %exp3A_985 {strides = array<i32>} : memref<16384xf32, #tpu.memory_space<vmem>>, vector<16xf32>,
      %mul3A_988 = arith.constant 8 : i32
      %mul3A_989 = arith.muli %scan3A_653, %mul3A_988 : i32
      %add3A_990 = arith.constant 6 : i32
      %add3A_991 = arith.addi %mul3A_989, %add3A_990 : i32
      %mul3A_992 = arith.constant 16 : i32
      %mul3A_993 = arith.muli %add3A_991, %mul3A_992 : i32
      %get3A_994 = arith.index_cast %mul3A_993 : i32 to index
      %get3A_995 = tpu.vector_load %arg5[%get3A_994] {strides = array<i32>} : memref<16384xf32, #tpu.memory_space<vmem>>, vector<16xf32>,
      %min3A_996 = arith.constant 0.000000e+00 : f32
      %min3A_997 = vector.broadcast %min3A_996 : f32 to vector<16xf32>
      %min3A_998 = arith.minimumf %get3A_995, %min3A_997 : vector<16xf32>
      %gt3A_999 = arith.constant 5.000000e-01 : f32
      %gt3A_1000 = vector.broadcast %gt3A_999 : f32 to vector<16xf32>
      %gt3A_1001 = arith.cmpf ogt, %get3A_995, %gt3A_1000 : vector<16xf32>
      %broadcast_in_dim3A_1002 = arith.constant true
      %broadcast_in_dim3A_1003 = vector.broadcast %broadcast_in_dim3A_1002 : i1 to vector<16xi1>
      %masked_cumsum3A_1004 = tpu.scan <sum>, %min3A_998 masked %broadcast_in_dim3A_1003 : vector<16xf32>, vector<16xi1> -> vector<16xf32>
      %jit3A_1005 = arith.constant -1 : i32
      %broadcast_in_dim3A_1006 = vector.broadcast %jit3A_1005 : i32 to vector<16xi32>
      %select_n3A_1007 = arith.select %gt3A_1001, %iota3A, %broadcast_in_dim3A_1006 : vector<16xi1>, vector<16xi32>
      %broadcast_in_dim3A_1008 = arith.constant true
      %broadcast_in_dim3A_1009 = vector.broadcast %broadcast_in_dim3A_1008 : i1 to vector<16xi1>
      %masked_cummax3A_1010 = arith.constant -2147483648 : i32
      %masked_cummax3A_1011 = vector.broadcast %masked_cummax3A_1010 : i32 to vector<16xi32>
      %masked_cummax3A_1012 = arith.xori %select_n3A_1007, %masked_cummax3A_1011 : vector<16xi32>
      %masked_cummax3A_1013 = tpu.scan <max>, %masked_cummax3A_1012 masked %broadcast_in_dim3A_1009 : vector<16xi32>, vector<16xi1> -> vector<16xi32>
      %masked_cummax3A_1014 = arith.xori %masked_cummax3A_1013, %masked_cummax3A_1011 : vector<16xi32>
      %ge3A_1015 = arith.constant 1 : i32
      %ge3A_1016 = vector.broadcast %ge3A_1015 : i32 to vector<16xi32>
      %ge3A_1017 = arith.cmpi sge, %masked_cummax3A_1014, %ge3A_1016 : vector<16xi32>
      %sub3A_1018 = arith.constant 1 : i32
      %sub3A_1019 = vector.broadcast %sub3A_1018 : i32 to vector<16xi32>
      %sub3A_1020 = arith.subi %masked_cummax3A_1014, %sub3A_1019 : vector<16xi32>
      %max3A_1021 = arith.constant 0 : i32
      %max3A_1022 = vector.broadcast %max3A_1021 : i32 to vector<16xi32>
      %max3A_1023 = arith.maxsi %sub3A_1020, %max3A_1022 : vector<16xi32>
      %broadcast_in_dim3A_1024 = vector.shape_cast %max3A_1023 : vector<16xi32> to vector<16x1xi32>
      %gather3A_1025 = vector.shape_cast %broadcast_in_dim3A_1024 : vector<16x1xi32> to vector<16xi32>
      %gather3A_1026 = tpu.dynamic_gather %masked_cumsum3A_1004[%gather3A_1025] in [0] : vector<16xf32>, vector<16xi32> -> vector<16xf32>
      %jit3A_1027 = arith.constant 0.000000e+00 : f32
      %broadcast_in_dim3A_1028 = vector.broadcast %jit3A_1027 : f32 to vector<16xf32>
      %select_n3A_1029 = arith.select %ge3A_1017, %gather3A_1026, %broadcast_in_dim3A_1028 : vector<16xi1>, vector<16xf32>
      %ge3A_1030 = arith.constant 0 : i32
      %ge3A_1031 = vector.broadcast %ge3A_1030 : i32 to vector<16xi32>
      %ge3A_1032 = arith.cmpi sge, %masked_cummax3A_1014, %ge3A_1031 : vector<16xi32>
      %sub3A_1033 = arith.subf %masked_cumsum3A_1004, %select_n3A_1029 : vector<16xf32>
      %add3A_1034 = arith.addf %masked_cumsum3A_1004, %gather3A_984 : vector<16xf32>
      %select_n3A_1035 = arith.select %ge3A_1032, %sub3A_1033, %add3A_1034 : vector<16xi1>, vector<16xf32>
      %broadcast_in_dim3A_1036 = arith.constant 15 : i32
      %broadcast_in_dim3A_1037 = vector.broadcast %broadcast_in_dim3A_1036 : i32 to vector<16xi32>
      %broadcast_in_dim3A_1038 = vector.shape_cast %broadcast_in_dim3A_1037 : vector<16xi32> to vector<16x1xi32>
      %gather3A_1039 = vector.shape_cast %broadcast_in_dim3A_1038 : vector<16x1xi32> to vector<16xi32>
      %gather3A_1040 = tpu.dynamic_gather %select_n3A_1035[%gather3A_1039] in [0] : vector<16xf32>, vector<16xi32> -> vector<16xf32>
      %exp3A_1041 = math.exp %select_n3A_1035 : vector<16xf32>
      %swap3A_1042 = arith.index_cast %mul3A_993 : i32 to index
      %swap3A_1043 = tpu.vector_load %arg7[%swap3A_1042] {strides = array<i32>} : memref<16384xf32, #tpu.memory_space<vmem>>, vector<16xf32>,
      tpu.vector_store %arg7[%swap3A_1042], %exp3A_1041 {strides = array<i32>} : memref<16384xf32, #tpu.memory_space<vmem>>, vector<16xf32>,
      %mul3A_1044 = arith.constant 8 : i32
      %mul3A_1045 = arith.muli %scan3A_653, %mul3A_1044 : i32
      %add3A_1046 = arith.constant 7 : i32
      %add3A_1047 = arith.addi %mul3A_1045, %add3A_1046 : i32
      %mul3A_1048 = arith.constant 16 : i32
      %mul3A_1049 = arith.muli %add3A_1047, %mul3A_1048 : i32
      %get3A_1050 = arith.index_cast %mul3A_1049 : i32 to index
      %get3A_1051 = tpu.vector_load %arg5[%get3A_1050] {strides = array<i32>} : memref<16384xf32, #tpu.memory_space<vmem>>, vector<16xf32>,
      %min3A_1052 = arith.constant 0.000000e+00 : f32
      %min3A_1053 = vector.broadcast %min3A_1052 : f32 to vector<16xf32>
      %min3A_1054 = arith.minimumf %get3A_1051, %min3A_1053 : vector<16xf32>
      %gt3A_1055 = arith.constant 5.000000e-01 : f32
      %gt3A_1056 = vector.broadcast %gt3A_1055 : f32 to vector<16xf32>
      %gt3A_1057 = arith.cmpf ogt, %get3A_1051, %gt3A_1056 : vector<16xf32>
      %broadcast_in_dim3A_1058 = arith.constant true
      %broadcast_in_dim3A_1059 = vector.broadcast %broadcast_in_dim3A_1058 : i1 to vector<16xi1>
      %masked_cumsum3A_1060 = tpu.scan <sum>, %min3A_1054 masked %broadcast_in_dim3A_1059 : vector<16xf32>, vector<16xi1> -> vector<16xf32>
      %jit3A_1061 = arith.constant -1 : i32
      %broadcast_in_dim3A_1062 = vector.broadcast %jit3A_1061 : i32 to vector<16xi32>
      %select_n3A_1063 = arith.select %gt3A_1057, %iota3A, %broadcast_in_dim3A_1062 : vector<16xi1>, vector<16xi32>
      %broadcast_in_dim3A_1064 = arith.constant true
      %broadcast_in_dim3A_1065 = vector.broadcast %broadcast_in_dim3A_1064 : i1 to vector<16xi1>
      %masked_cummax3A_1066 = arith.constant -2147483648 : i32
      %masked_cummax3A_1067 = vector.broadcast %masked_cummax3A_1066 : i32 to vector<16xi32>
      %masked_cummax3A_1068 = arith.xori %select_n3A_1063, %masked_cummax3A_1067 : vector<16xi32>
      %masked_cummax3A_1069 = tpu.scan <max>, %masked_cummax3A_1068 masked %broadcast_in_dim3A_1065 : vector<16xi32>, vector<16xi1> -> vector<16xi32>
      %masked_cummax3A_1070 = arith.xori %masked_cummax3A_1069, %masked_cummax3A_1067 : vector<16xi32>
      %ge3A_1071 = arith.constant 1 : i32
      %ge3A_1072 = vector.broadcast %ge3A_1071 : i32 to vector<16xi32>
      %ge3A_1073 = arith.cmpi sge, %masked_cummax3A_1070, %ge3A_1072 : vector<16xi32>
      %sub3A_1074 = arith.constant 1 : i32
      %sub3A_1075 = vector.broadcast %sub3A_1074 : i32 to vector<16xi32>
      %sub3A_1076 = arith.subi %masked_cummax3A_1070, %sub3A_1075 : vector<16xi32>
      %max3A_1077 = arith.constant 0 : i32
      %max3A_1078 = vector.broadcast %max3A_1077 : i32 to vector<16xi32>
      %max3A_1079 = arith.maxsi %sub3A_1076, %max3A_1078 : vector<16xi32>
      %broadcast_in_dim3A_1080 = vector.shape_cast %max3A_1079 : vector<16xi32> to vector<16x1xi32>
      %gather3A_1081 = vector.shape_cast %broadcast_in_dim3A_1080 : vector<16x1xi32> to vector<16xi32>
      %gather3A_1082 = tpu.dynamic_gather %masked_cumsum3A_1060[%gather3A_1081] in [0] : vector<16xf32>, vector<16xi32> -> vector<16xf32>
      %jit3A_1083 = arith.constant 0.000000e+00 : f32
      %broadcast_in_dim3A_1084 = vector.broadcast %jit3A_1083 : f32 to vector<16xf32>
      %select_n3A_1085 = arith.select %ge3A_1073, %gather3A_1082, %broadcast_in_dim3A_1084 : vector<16xi1>, vector<16xf32>
      %ge3A_1086 = arith.constant 0 : i32
      %ge3A_1087 = vector.broadcast %ge3A_1086 : i32 to vector<16xi32>
      %ge3A_1088 = arith.cmpi sge, %masked_cummax3A_1070, %ge3A_1087 : vector<16xi32>
      %sub3A_1089 = arith.subf %masked_cumsum3A_1060, %select_n3A_1085 : vector<16xf32>
      %add3A_1090 = arith.addf %masked_cumsum3A_1060, %gather3A_1040 : vector<16xf32>
      %select_n3A_1091 = arith.select %ge3A_1088, %sub3A_1089, %add3A_1090 : vector<16xi1>, vector<16xf32>
      %broadcast_in_dim3A_1092 = arith.constant 15 : i32
      %broadcast_in_dim3A_1093 = vector.broadcast %broadcast_in_dim3A_1092 : i32 to vector<16xi32>
      %broadcast_in_dim3A_1094 = vector.shape_cast %broadcast_in_dim3A_1093 : vector<16xi32> to vector<16x1xi32>
      %gather3A_1095 = vector.shape_cast %broadcast_in_dim3A_1094 : vector<16x1xi32> to vector<16xi32>
      %gather3A_1096 = tpu.dynamic_gather %select_n3A_1091[%gather3A_1095] in [0] : vector<16xf32>, vector<16xi32> -> vector<16xf32>
      %exp3A_1097 = math.exp %select_n3A_1091 : vector<16xf32>
      %swap3A_1098 = arith.index_cast %mul3A_1049 : i32 to index
      %swap3A_1099 = tpu.vector_load %arg7[%swap3A_1098] {strides = array<i32>} : memref<16384xf32, #tpu.memory_space<vmem>>, vector<16xf32>,
      tpu.vector_store %arg7[%swap3A_1098], %exp3A_1097 {strides = array<i32>} : memref<16384xf32, #tpu.memory_space<vmem>>, vector<16xf32>,
      scf.yield %gather3A_1096 : vector<16xf32>
    }
    %scan3A_596 = arith.constant 128 : i32
    %add3A_597 = arith.constant 0 : i32
    %add3A_598 = arith.addi %mul3A_2, %add3A_597 : i32
    %dma_start3A_599 = tpu.memref_slice %arg4[%add3A_598] : memref<2097152xf32, #tpu.memory_space<hbm>> -> memref<16384xf32, #tpu.memory_space<hbm>>
    %dma_start3A_600 = tpu.memref_slice %arg4[%add3A_598] : memref<2097152xf32, #tpu.memory_space<hbm>> -> memref<16384xf32, #tpu.memory_space<hbm>>
    tpu.enqueue_dma source(%arg7 : memref<16384xf32, #tpu.memory_space<vmem>>) target(%dma_start3A_600 : memref<16384xf32, #tpu.memory_space<hbm>>) target_semaphore(%arg11 : memref<!tpu.dma_semaphore, #tpu.memory_space<semaphore_mem>>)
    %add3A_601 = arith.constant 32768 : i32
    %add3A_602 = arith.addi %mul3A_2, %add3A_601 : i32
    %dma_start3A_603 = tpu.memref_slice %arg2[%add3A_602] : memref<2097152xf32, #tpu.memory_space<hbm>> -> memref<16384xf32, #tpu.memory_space<hbm>>
    %dma_start3A_604 = tpu.memref_slice %arg2[%add3A_602] : memref<2097152xf32, #tpu.memory_space<hbm>> -> memref<16384xf32, #tpu.memory_space<hbm>>
    tpu.enqueue_dma source(%dma_start3A_604 : memref<16384xf32, #tpu.memory_space<hbm>>) target(%arg5 : memref<16384xf32, #tpu.memory_space<vmem>>) target_semaphore(%arg10 : memref<!tpu.dma_semaphore, #tpu.memory_space<semaphore_mem>>)
    %dma_wait3A_605 = tpu.memref_slice %arg2[%add3A_588] : memref<2097152xf32, #tpu.memory_space<hbm>> -> memref<16384xf32, #tpu.memory_space<hbm>>
    %dma_wait3A_606 = tpu.memref_slice %arg2[%add3A_588] : memref<2097152xf32, #tpu.memory_space<hbm>> -> memref<16384xf32, #tpu.memory_space<hbm>>
    tpu.wait_dma2 semaphore(%arg10 : memref<!tpu.dma_semaphore, #tpu.memory_space<semaphore_mem>>) src(%dma_wait3A_606 : memref<16384xf32, #tpu.memory_space<hbm>>) dst(%arg6 : memref<16384xf32, #tpu.memory_space<vmem>>)
    %scan3A_607 = arith.constant 0 : i32
    %scan3A_608 = arith.constant 128 : i32
    %scan3A_609 = arith.addi %scan3A_607, %scan3A_608 : i32
    %scan3A_610 = arith.constant 1 : i32
    %scan3A_611 = scf.for %scan3A_653 = %scan3A_607 to %scan3A_609 step %scan3A_610 iter_args(%scan3A_654 = %scan3A_595) -> (vector<16xf32>)  : i32 {
      %mul3A_655 = arith.constant 8 : i32
      %mul3A_656 = arith.muli %scan3A_653, %mul3A_655 : i32
      %add3A_657 = arith.constant 0 : i32
      %add3A_658 = arith.addi %mul3A_656, %add3A_657 : i32
      %mul3A_659 = arith.constant 16 : i32
      %mul3A_660 = arith.muli %add3A_658, %mul3A_659 : i32
      %get3A = arith.index_cast %mul3A_660 : i32 to index
      %get3A_661 = tpu.vector_load %arg6[%get3A] {strides = array<i32>} : memref<16384xf32, #tpu.memory_space<vmem>>, vector<16xf32>,
      %min3A_662 = arith.constant 0.000000e+00 : f32
      %min3A_663 = vector.broadcast %min3A_662 : f32 to vector<16xf32>
      %min3A_664 = arith.minimumf %get3A_661, %min3A_663 : vector<16xf32>
      %gt3A_665 = arith.constant 5.000000e-01 : f32
      %gt3A_666 = vector.broadcast %gt3A_665 : f32 to vector<16xf32>
      %gt3A_667 = arith.cmpf ogt, %get3A_661, %gt3A_666 : vector<16xf32>
      %broadcast_in_dim3A_668 = arith.constant true
      %broadcast_in_dim3A_669 = vector.broadcast %broadcast_in_dim3A_668 : i1 to vector<16xi1>
      %masked_cumsum3A_670 = tpu.scan <sum>, %min3A_664 masked %broadcast_in_dim3A_669 : vector<16xf32>, vector<16xi1> -> vector<16xf32>
      %jit3A_671 = arith.constant -1 : i32
      %broadcast_in_dim3A_672 = vector.broadcast %jit3A_671 : i32 to vector<16xi32>
      %select_n3A_673 = arith.select %gt3A_667, %iota3A, %broadcast_in_dim3A_672 : vector<16xi1>, vector<16xi32>
      %broadcast_in_dim3A_674 = arith.constant true
      %broadcast_in_dim3A_675 = vector.broadcast %broadcast_in_dim3A_674 : i1 to vector<16xi1>
      %masked_cummax3A_676 = arith.constant -2147483648 : i32
      %masked_cummax3A_677 = vector.broadcast %masked_cummax3A_676 : i32 to vector<16xi32>
      %masked_cummax3A_678 = arith.xori %select_n3A_673, %masked_cummax3A_677 : vector<16xi32>
      %masked_cummax3A_679 = tpu.scan <max>, %masked_cummax3A_678 masked %broadcast_in_dim3A_675 : vector<16xi32>, vector<16xi1> -> vector<16xi32>
      %masked_cummax3A_680 = arith.xori %masked_cummax3A_679, %masked_cummax3A_677 : vector<16xi32>
      %ge3A_681 = arith.constant 1 : i32
      %ge3A_682 = vector.broadcast %ge3A_681 : i32 to vector<16xi32>
      %ge3A_683 = arith.cmpi sge, %masked_cummax3A_680, %ge3A_682 : vector<16xi32>
      %sub3A_684 = arith.constant 1 : i32
      %sub3A_685 = vector.broadcast %sub3A_684 : i32 to vector<16xi32>
      %sub3A_686 = arith.subi %masked_cummax3A_680, %sub3A_685 : vector<16xi32>
      %max3A_687 = arith.constant 0 : i32
      %max3A_688 = vector.broadcast %max3A_687 : i32 to vector<16xi32>
      %max3A_689 = arith.maxsi %sub3A_686, %max3A_688 : vector<16xi32>
      %broadcast_in_dim3A_690 = vector.shape_cast %max3A_689 : vector<16xi32> to vector<16x1xi32>
      %gather3A_691 = vector.shape_cast %broadcast_in_dim3A_690 : vector<16x1xi32> to vector<16xi32>
      %gather3A_692 = tpu.dynamic_gather %masked_cumsum3A_670[%gather3A_691] in [0] : vector<16xf32>, vector<16xi32> -> vector<16xf32>
      %jit3A_693 = arith.constant 0.000000e+00 : f32
      %broadcast_in_dim3A_694 = vector.broadcast %jit3A_693 : f32 to vector<16xf32>
      %select_n3A_695 = arith.select %ge3A_683, %gather3A_692, %broadcast_in_dim3A_694 : vector<16xi1>, vector<16xf32>
      %ge3A_696 = arith.constant 0 : i32
      %ge3A_697 = vector.broadcast %ge3A_696 : i32 to vector<16xi32>
      %ge3A_698 = arith.cmpi sge, %masked_cummax3A_680, %ge3A_697 : vector<16xi32>
      %sub3A_699 = arith.subf %masked_cumsum3A_670, %select_n3A_695 : vector<16xf32>
      %add3A_700 = arith.addf %masked_cumsum3A_670, %scan3A_654 : vector<16xf32>
      %select_n3A_701 = arith.select %ge3A_698, %sub3A_699, %add3A_700 : vector<16xi1>, vector<16xf32>
      %broadcast_in_dim3A_702 = arith.constant 15 : i32
      %broadcast_in_dim3A_703 = vector.broadcast %broadcast_in_dim3A_702 : i32 to vector<16xi32>
      %broadcast_in_dim3A_704 = vector.shape_cast %broadcast_in_dim3A_703 : vector<16xi32> to vector<16x1xi32>
      %gather3A_705 = vector.shape_cast %broadcast_in_dim3A_704 : vector<16x1xi32> to vector<16xi32>
      %gather3A_706 = tpu.dynamic_gather %select_n3A_701[%gather3A_705] in [0] : vector<16xf32>, vector<16xi32> -> vector<16xf32>
      %exp3A = math.exp %select_n3A_701 : vector<16xf32>
      %swap3A = arith.index_cast %mul3A_660 : i32 to index
      %swap3A_707 = tpu.vector_load %arg8[%swap3A] {strides = array<i32>} : memref<16384xf32, #tpu.memory_space<vmem>>, vector<16xf32>,
      tpu.vector_store %arg8[%swap3A], %exp3A {strides = array<i32>} : memref<16384xf32, #tpu.memory_space<vmem>>, vector<16xf32>,
      %mul3A_708 = arith.constant 8 : i32
      %mul3A_709 = arith.muli %scan3A_653, %mul3A_708 : i32
      %add3A_710 = arith.constant 1 : i32
      %add3A_711 = arith.addi %mul3A_709, %add3A_710 : i32
      %mul3A_712 = arith.constant 16 : i32
      %mul3A_713 = arith.muli %add3A_711, %mul3A_712 : i32
      %get3A_714 = arith.index_cast %mul3A_713 : i32 to index
      %get3A_715 = tpu.vector_load %arg6[%get3A_714] {strides = array<i32>} : memref<16384xf32, #tpu.memory_space<vmem>>, vector<16xf32>,
      %min3A_716 = arith.constant 0.000000e+00 : f32
      %min3A_717 = vector.broadcast %min3A_716 : f32 to vector<16xf32>
      %min3A_718 = arith.minimumf %get3A_715, %min3A_717 : vector<16xf32>
      %gt3A_719 = arith.constant 5.000000e-01 : f32
      %gt3A_720 = vector.broadcast %gt3A_719 : f32 to vector<16xf32>
      %gt3A_721 = arith.cmpf ogt, %get3A_715, %gt3A_720 : vector<16xf32>
      %broadcast_in_dim3A_722 = arith.constant true
      %broadcast_in_dim3A_723 = vector.broadcast %broadcast_in_dim3A_722 : i1 to vector<16xi1>
      %masked_cumsum3A_724 = tpu.scan <sum>, %min3A_718 masked %broadcast_in_dim3A_723 : vector<16xf32>, vector<16xi1> -> vector<16xf32>
      %jit3A_725 = arith.constant -1 : i32
      %broadcast_in_dim3A_726 = vector.broadcast %jit3A_725 : i32 to vector<16xi32>
      %select_n3A_727 = arith.select %gt3A_721, %iota3A, %broadcast_in_dim3A_726 : vector<16xi1>, vector<16xi32>
      %broadcast_in_dim3A_728 = arith.constant true
      %broadcast_in_dim3A_729 = vector.broadcast %broadcast_in_dim3A_728 : i1 to vector<16xi1>
      %masked_cummax3A_730 = arith.constant -2147483648 : i32
      %masked_cummax3A_731 = vector.broadcast %masked_cummax3A_730 : i32 to vector<16xi32>
      %masked_cummax3A_732 = arith.xori %select_n3A_727, %masked_cummax3A_731 : vector<16xi32>
      %masked_cummax3A_733 = tpu.scan <max>, %masked_cummax3A_732 masked %broadcast_in_dim3A_729 : vector<16xi32>, vector<16xi1> -> vector<16xi32>
      %masked_cummax3A_734 = arith.xori %masked_cummax3A_733, %masked_cummax3A_731 : vector<16xi32>
      %ge3A_735 = arith.constant 1 : i32
      %ge3A_736 = vector.broadcast %ge3A_735 : i32 to vector<16xi32>
      %ge3A_737 = arith.cmpi sge, %masked_cummax3A_734, %ge3A_736 : vector<16xi32>
      %sub3A_738 = arith.constant 1 : i32
      %sub3A_739 = vector.broadcast %sub3A_738 : i32 to vector<16xi32>
      %sub3A_740 = arith.subi %masked_cummax3A_734, %sub3A_739 : vector<16xi32>
      %max3A_741 = arith.constant 0 : i32
      %max3A_742 = vector.broadcast %max3A_741 : i32 to vector<16xi32>
      %max3A_743 = arith.maxsi %sub3A_740, %max3A_742 : vector<16xi32>
      %broadcast_in_dim3A_744 = vector.shape_cast %max3A_743 : vector<16xi32> to vector<16x1xi32>
      %gather3A_745 = vector.shape_cast %broadcast_in_dim3A_744 : vector<16x1xi32> to vector<16xi32>
      %gather3A_746 = tpu.dynamic_gather %masked_cumsum3A_724[%gather3A_745] in [0] : vector<16xf32>, vector<16xi32> -> vector<16xf32>
      %jit3A_747 = arith.constant 0.000000e+00 : f32
      %broadcast_in_dim3A_748 = vector.broadcast %jit3A_747 : f32 to vector<16xf32>
      %select_n3A_749 = arith.select %ge3A_737, %gather3A_746, %broadcast_in_dim3A_748 : vector<16xi1>, vector<16xf32>
      %ge3A_750 = arith.constant 0 : i32
      %ge3A_751 = vector.broadcast %ge3A_750 : i32 to vector<16xi32>
      %ge3A_752 = arith.cmpi sge, %masked_cummax3A_734, %ge3A_751 : vector<16xi32>
      %sub3A_753 = arith.subf %masked_cumsum3A_724, %select_n3A_749 : vector<16xf32>
      %add3A_754 = arith.addf %masked_cumsum3A_724, %gather3A_706 : vector<16xf32>
      %select_n3A_755 = arith.select %ge3A_752, %sub3A_753, %add3A_754 : vector<16xi1>, vector<16xf32>
      %broadcast_in_dim3A_756 = arith.constant 15 : i32
      %broadcast_in_dim3A_757 = vector.broadcast %broadcast_in_dim3A_756 : i32 to vector<16xi32>
      %broadcast_in_dim3A_758 = vector.shape_cast %broadcast_in_dim3A_757 : vector<16xi32> to vector<16x1xi32>
      %gather3A_759 = vector.shape_cast %broadcast_in_dim3A_758 : vector<16x1xi32> to vector<16xi32>
      %gather3A_760 = tpu.dynamic_gather %select_n3A_755[%gather3A_759] in [0] : vector<16xf32>, vector<16xi32> -> vector<16xf32>
      %exp3A_761 = math.exp %select_n3A_755 : vector<16xf32>
      %swap3A_762 = arith.index_cast %mul3A_713 : i32 to index
      %swap3A_763 = tpu.vector_load %arg8[%swap3A_762] {strides = array<i32>} : memref<16384xf32, #tpu.memory_space<vmem>>, vector<16xf32>,
      tpu.vector_store %arg8[%swap3A_762], %exp3A_761 {strides = array<i32>} : memref<16384xf32, #tpu.memory_space<vmem>>, vector<16xf32>,
      %mul3A_764 = arith.constant 8 : i32
      %mul3A_765 = arith.muli %scan3A_653, %mul3A_764 : i32
      %add3A_766 = arith.constant 2 : i32
      %add3A_767 = arith.addi %mul3A_765, %add3A_766 : i32
      %mul3A_768 = arith.constant 16 : i32
      %mul3A_769 = arith.muli %add3A_767, %mul3A_768 : i32
      %get3A_770 = arith.index_cast %mul3A_769 : i32 to index
      %get3A_771 = tpu.vector_load %arg6[%get3A_770] {strides = array<i32>} : memref<16384xf32, #tpu.memory_space<vmem>>, vector<16xf32>,
      %min3A_772 = arith.constant 0.000000e+00 : f32
      %min3A_773 = vector.broadcast %min3A_772 : f32 to vector<16xf32>
      %min3A_774 = arith.minimumf %get3A_771, %min3A_773 : vector<16xf32>
      %gt3A_775 = arith.constant 5.000000e-01 : f32
      %gt3A_776 = vector.broadcast %gt3A_775 : f32 to vector<16xf32>
      %gt3A_777 = arith.cmpf ogt, %get3A_771, %gt3A_776 : vector<16xf32>
      %broadcast_in_dim3A_778 = arith.constant true
      %broadcast_in_dim3A_779 = vector.broadcast %broadcast_in_dim3A_778 : i1 to vector<16xi1>
      %masked_cumsum3A_780 = tpu.scan <sum>, %min3A_774 masked %broadcast_in_dim3A_779 : vector<16xf32>, vector<16xi1> -> vector<16xf32>
      %jit3A_781 = arith.constant -1 : i32
      %broadcast_in_dim3A_782 = vector.broadcast %jit3A_781 : i32 to vector<16xi32>
      %select_n3A_783 = arith.select %gt3A_777, %iota3A, %broadcast_in_dim3A_782 : vector<16xi1>, vector<16xi32>
      %broadcast_in_dim3A_784 = arith.constant true
      %broadcast_in_dim3A_785 = vector.broadcast %broadcast_in_dim3A_784 : i1 to vector<16xi1>
      %masked_cummax3A_786 = arith.constant -2147483648 : i32
      %masked_cummax3A_787 = vector.broadcast %masked_cummax3A_786 : i32 to vector<16xi32>
      %masked_cummax3A_788 = arith.xori %select_n3A_783, %masked_cummax3A_787 : vector<16xi32>
      %masked_cummax3A_789 = tpu.scan <max>, %masked_cummax3A_788 masked %broadcast_in_dim3A_785 : vector<16xi32>, vector<16xi1> -> vector<16xi32>
      %masked_cummax3A_790 = arith.xori %masked_cummax3A_789, %masked_cummax3A_787 : vector<16xi32>
      %ge3A_791 = arith.constant 1 : i32
      %ge3A_792 = vector.broadcast %ge3A_791 : i32 to vector<16xi32>
      %ge3A_793 = arith.cmpi sge, %masked_cummax3A_790, %ge3A_792 : vector<16xi32>
      %sub3A_794 = arith.constant 1 : i32
      %sub3A_795 = vector.broadcast %sub3A_794 : i32 to vector<16xi32>
      %sub3A_796 = arith.subi %masked_cummax3A_790, %sub3A_795 : vector<16xi32>
      %max3A_797 = arith.constant 0 : i32
      %max3A_798 = vector.broadcast %max3A_797 : i32 to vector<16xi32>
      %max3A_799 = arith.maxsi %sub3A_796, %max3A_798 : vector<16xi32>
      %broadcast_in_dim3A_800 = vector.shape_cast %max3A_799 : vector<16xi32> to vector<16x1xi32>
      %gather3A_801 = vector.shape_cast %broadcast_in_dim3A_800 : vector<16x1xi32> to vector<16xi32>
      %gather3A_802 = tpu.dynamic_gather %masked_cumsum3A_780[%gather3A_801] in [0] : vector<16xf32>, vector<16xi32> -> vector<16xf32>
      %jit3A_803 = arith.constant 0.000000e+00 : f32
      %broadcast_in_dim3A_804 = vector.broadcast %jit3A_803 : f32 to vector<16xf32>
      %select_n3A_805 = arith.select %ge3A_793, %gather3A_802, %broadcast_in_dim3A_804 : vector<16xi1>, vector<16xf32>
      %ge3A_806 = arith.constant 0 : i32
      %ge3A_807 = vector.broadcast %ge3A_806 : i32 to vector<16xi32>
      %ge3A_808 = arith.cmpi sge, %masked_cummax3A_790, %ge3A_807 : vector<16xi32>
      %sub3A_809 = arith.subf %masked_cumsum3A_780, %select_n3A_805 : vector<16xf32>
      %add3A_810 = arith.addf %masked_cumsum3A_780, %gather3A_760 : vector<16xf32>
      %select_n3A_811 = arith.select %ge3A_808, %sub3A_809, %add3A_810 : vector<16xi1>, vector<16xf32>
      %broadcast_in_dim3A_812 = arith.constant 15 : i32
      %broadcast_in_dim3A_813 = vector.broadcast %broadcast_in_dim3A_812 : i32 to vector<16xi32>
      %broadcast_in_dim3A_814 = vector.shape_cast %broadcast_in_dim3A_813 : vector<16xi32> to vector<16x1xi32>
      %gather3A_815 = vector.shape_cast %broadcast_in_dim3A_814 : vector<16x1xi32> to vector<16xi32>
      %gather3A_816 = tpu.dynamic_gather %select_n3A_811[%gather3A_815] in [0] : vector<16xf32>, vector<16xi32> -> vector<16xf32>
      %exp3A_817 = math.exp %select_n3A_811 : vector<16xf32>
      %swap3A_818 = arith.index_cast %mul3A_769 : i32 to index
      %swap3A_819 = tpu.vector_load %arg8[%swap3A_818] {strides = array<i32>} : memref<16384xf32, #tpu.memory_space<vmem>>, vector<16xf32>,
      tpu.vector_store %arg8[%swap3A_818], %exp3A_817 {strides = array<i32>} : memref<16384xf32, #tpu.memory_space<vmem>>, vector<16xf32>,
      %mul3A_820 = arith.constant 8 : i32
      %mul3A_821 = arith.muli %scan3A_653, %mul3A_820 : i32
      %add3A_822 = arith.constant 3 : i32
      %add3A_823 = arith.addi %mul3A_821, %add3A_822 : i32
      %mul3A_824 = arith.constant 16 : i32
      %mul3A_825 = arith.muli %add3A_823, %mul3A_824 : i32
      %get3A_826 = arith.index_cast %mul3A_825 : i32 to index
      %get3A_827 = tpu.vector_load %arg6[%get3A_826] {strides = array<i32>} : memref<16384xf32, #tpu.memory_space<vmem>>, vector<16xf32>,
      %min3A_828 = arith.constant 0.000000e+00 : f32
      %min3A_829 = vector.broadcast %min3A_828 : f32 to vector<16xf32>
      %min3A_830 = arith.minimumf %get3A_827, %min3A_829 : vector<16xf32>
      %gt3A_831 = arith.constant 5.000000e-01 : f32
      %gt3A_832 = vector.broadcast %gt3A_831 : f32 to vector<16xf32>
      %gt3A_833 = arith.cmpf ogt, %get3A_827, %gt3A_832 : vector<16xf32>
      %broadcast_in_dim3A_834 = arith.constant true
      %broadcast_in_dim3A_835 = vector.broadcast %broadcast_in_dim3A_834 : i1 to vector<16xi1>
      %masked_cumsum3A_836 = tpu.scan <sum>, %min3A_830 masked %broadcast_in_dim3A_835 : vector<16xf32>, vector<16xi1> -> vector<16xf32>
      %jit3A_837 = arith.constant -1 : i32
      %broadcast_in_dim3A_838 = vector.broadcast %jit3A_837 : i32 to vector<16xi32>
      %select_n3A_839 = arith.select %gt3A_833, %iota3A, %broadcast_in_dim3A_838 : vector<16xi1>, vector<16xi32>
      %broadcast_in_dim3A_840 = arith.constant true
      %broadcast_in_dim3A_841 = vector.broadcast %broadcast_in_dim3A_840 : i1 to vector<16xi1>
      %masked_cummax3A_842 = arith.constant -2147483648 : i32
      %masked_cummax3A_843 = vector.broadcast %masked_cummax3A_842 : i32 to vector<16xi32>
      %masked_cummax3A_844 = arith.xori %select_n3A_839, %masked_cummax3A_843 : vector<16xi32>
      %masked_cummax3A_845 = tpu.scan <max>, %masked_cummax3A_844 masked %broadcast_in_dim3A_841 : vector<16xi32>, vector<16xi1> -> vector<16xi32>
      %masked_cummax3A_846 = arith.xori %masked_cummax3A_845, %masked_cummax3A_843 : vector<16xi32>
      %ge3A_847 = arith.constant 1 : i32
      %ge3A_848 = vector.broadcast %ge3A_847 : i32 to vector<16xi32>
      %ge3A_849 = arith.cmpi sge, %masked_cummax3A_846, %ge3A_848 : vector<16xi32>
      %sub3A_850 = arith.constant 1 : i32
      %sub3A_851 = vector.broadcast %sub3A_850 : i32 to vector<16xi32>
      %sub3A_852 = arith.subi %masked_cummax3A_846, %sub3A_851 : vector<16xi32>
      %max3A_853 = arith.constant 0 : i32
      %max3A_854 = vector.broadcast %max3A_853 : i32 to vector<16xi32>
      %max3A_855 = arith.maxsi %sub3A_852, %max3A_854 : vector<16xi32>
      %broadcast_in_dim3A_856 = vector.shape_cast %max3A_855 : vector<16xi32> to vector<16x1xi32>
      %gather3A_857 = vector.shape_cast %broadcast_in_dim3A_856 : vector<16x1xi32> to vector<16xi32>
      %gather3A_858 = tpu.dynamic_gather %masked_cumsum3A_836[%gather3A_857] in [0] : vector<16xf32>, vector<16xi32> -> vector<16xf32>
      %jit3A_859 = arith.constant 0.000000e+00 : f32
      %broadcast_in_dim3A_860 = vector.broadcast %jit3A_859 : f32 to vector<16xf32>
      %select_n3A_861 = arith.select %ge3A_849, %gather3A_858, %broadcast_in_dim3A_860 : vector<16xi1>, vector<16xf32>
      %ge3A_862 = arith.constant 0 : i32
      %ge3A_863 = vector.broadcast %ge3A_862 : i32 to vector<16xi32>
      %ge3A_864 = arith.cmpi sge, %masked_cummax3A_846, %ge3A_863 : vector<16xi32>
      %sub3A_865 = arith.subf %masked_cumsum3A_836, %select_n3A_861 : vector<16xf32>
      %add3A_866 = arith.addf %masked_cumsum3A_836, %gather3A_816 : vector<16xf32>
      %select_n3A_867 = arith.select %ge3A_864, %sub3A_865, %add3A_866 : vector<16xi1>, vector<16xf32>
      %broadcast_in_dim3A_868 = arith.constant 15 : i32
      %broadcast_in_dim3A_869 = vector.broadcast %broadcast_in_dim3A_868 : i32 to vector<16xi32>
      %broadcast_in_dim3A_870 = vector.shape_cast %broadcast_in_dim3A_869 : vector<16xi32> to vector<16x1xi32>
      %gather3A_871 = vector.shape_cast %broadcast_in_dim3A_870 : vector<16x1xi32> to vector<16xi32>
      %gather3A_872 = tpu.dynamic_gather %select_n3A_867[%gather3A_871] in [0] : vector<16xf32>, vector<16xi32> -> vector<16xf32>
      %exp3A_873 = math.exp %select_n3A_867 : vector<16xf32>
      %swap3A_874 = arith.index_cast %mul3A_825 : i32 to index
      %swap3A_875 = tpu.vector_load %arg8[%swap3A_874] {strides = array<i32>} : memref<16384xf32, #tpu.memory_space<vmem>>, vector<16xf32>,
      tpu.vector_store %arg8[%swap3A_874], %exp3A_873 {strides = array<i32>} : memref<16384xf32, #tpu.memory_space<vmem>>, vector<16xf32>,
      %mul3A_876 = arith.constant 8 : i32
      %mul3A_877 = arith.muli %scan3A_653, %mul3A_876 : i32
      %add3A_878 = arith.constant 4 : i32
      %add3A_879 = arith.addi %mul3A_877, %add3A_878 : i32
      %mul3A_880 = arith.constant 16 : i32
      %mul3A_881 = arith.muli %add3A_879, %mul3A_880 : i32
      %get3A_882 = arith.index_cast %mul3A_881 : i32 to index
      %get3A_883 = tpu.vector_load %arg6[%get3A_882] {strides = array<i32>} : memref<16384xf32, #tpu.memory_space<vmem>>, vector<16xf32>,
      %min3A_884 = arith.constant 0.000000e+00 : f32
      %min3A_885 = vector.broadcast %min3A_884 : f32 to vector<16xf32>
      %min3A_886 = arith.minimumf %get3A_883, %min3A_885 : vector<16xf32>
      %gt3A_887 = arith.constant 5.000000e-01 : f32
      %gt3A_888 = vector.broadcast %gt3A_887 : f32 to vector<16xf32>
      %gt3A_889 = arith.cmpf ogt, %get3A_883, %gt3A_888 : vector<16xf32>
      %broadcast_in_dim3A_890 = arith.constant true
      %broadcast_in_dim3A_891 = vector.broadcast %broadcast_in_dim3A_890 : i1 to vector<16xi1>
      %masked_cumsum3A_892 = tpu.scan <sum>, %min3A_886 masked %broadcast_in_dim3A_891 : vector<16xf32>, vector<16xi1> -> vector<16xf32>
      %jit3A_893 = arith.constant -1 : i32
      %broadcast_in_dim3A_894 = vector.broadcast %jit3A_893 : i32 to vector<16xi32>
      %select_n3A_895 = arith.select %gt3A_889, %iota3A, %broadcast_in_dim3A_894 : vector<16xi1>, vector<16xi32>
      %broadcast_in_dim3A_896 = arith.constant true
      %broadcast_in_dim3A_897 = vector.broadcast %broadcast_in_dim3A_896 : i1 to vector<16xi1>
      %masked_cummax3A_898 = arith.constant -2147483648 : i32
      %masked_cummax3A_899 = vector.broadcast %masked_cummax3A_898 : i32 to vector<16xi32>
      %masked_cummax3A_900 = arith.xori %select_n3A_895, %masked_cummax3A_899 : vector<16xi32>
      %masked_cummax3A_901 = tpu.scan <max>, %masked_cummax3A_900 masked %broadcast_in_dim3A_897 : vector<16xi32>, vector<16xi1> -> vector<16xi32>
      %masked_cummax3A_902 = arith.xori %masked_cummax3A_901, %masked_cummax3A_899 : vector<16xi32>
      %ge3A_903 = arith.constant 1 : i32
      %ge3A_904 = vector.broadcast %ge3A_903 : i32 to vector<16xi32>
      %ge3A_905 = arith.cmpi sge, %masked_cummax3A_902, %ge3A_904 : vector<16xi32>
      %sub3A_906 = arith.constant 1 : i32
      %sub3A_907 = vector.broadcast %sub3A_906 : i32 to vector<16xi32>
      %sub3A_908 = arith.subi %masked_cummax3A_902, %sub3A_907 : vector<16xi32>
      %max3A_909 = arith.constant 0 : i32
      %max3A_910 = vector.broadcast %max3A_909 : i32 to vector<16xi32>
      %max3A_911 = arith.maxsi %sub3A_908, %max3A_910 : vector<16xi32>
      %broadcast_in_dim3A_912 = vector.shape_cast %max3A_911 : vector<16xi32> to vector<16x1xi32>
      %gather3A_913 = vector.shape_cast %broadcast_in_dim3A_912 : vector<16x1xi32> to vector<16xi32>
      %gather3A_914 = tpu.dynamic_gather %masked_cumsum3A_892[%gather3A_913] in [0] : vector<16xf32>, vector<16xi32> -> vector<16xf32>
      %jit3A_915 = arith.constant 0.000000e+00 : f32
      %broadcast_in_dim3A_916 = vector.broadcast %jit3A_915 : f32 to vector<16xf32>
      %select_n3A_917 = arith.select %ge3A_905, %gather3A_914, %broadcast_in_dim3A_916 : vector<16xi1>, vector<16xf32>
      %ge3A_918 = arith.constant 0 : i32
      %ge3A_919 = vector.broadcast %ge3A_918 : i32 to vector<16xi32>
      %ge3A_920 = arith.cmpi sge, %masked_cummax3A_902, %ge3A_919 : vector<16xi32>
      %sub3A_921 = arith.subf %masked_cumsum3A_892, %select_n3A_917 : vector<16xf32>
      %add3A_922 = arith.addf %masked_cumsum3A_892, %gather3A_872 : vector<16xf32>
      %select_n3A_923 = arith.select %ge3A_920, %sub3A_921, %add3A_922 : vector<16xi1>, vector<16xf32>
      %broadcast_in_dim3A_924 = arith.constant 15 : i32
      %broadcast_in_dim3A_925 = vector.broadcast %broadcast_in_dim3A_924 : i32 to vector<16xi32>
      %broadcast_in_dim3A_926 = vector.shape_cast %broadcast_in_dim3A_925 : vector<16xi32> to vector<16x1xi32>
      %gather3A_927 = vector.shape_cast %broadcast_in_dim3A_926 : vector<16x1xi32> to vector<16xi32>
      %gather3A_928 = tpu.dynamic_gather %select_n3A_923[%gather3A_927] in [0] : vector<16xf32>, vector<16xi32> -> vector<16xf32>
      %exp3A_929 = math.exp %select_n3A_923 : vector<16xf32>
      %swap3A_930 = arith.index_cast %mul3A_881 : i32 to index
      %swap3A_931 = tpu.vector_load %arg8[%swap3A_930] {strides = array<i32>} : memref<16384xf32, #tpu.memory_space<vmem>>, vector<16xf32>,
      tpu.vector_store %arg8[%swap3A_930], %exp3A_929 {strides = array<i32>} : memref<16384xf32, #tpu.memory_space<vmem>>, vector<16xf32>,
      %mul3A_932 = arith.constant 8 : i32
      %mul3A_933 = arith.muli %scan3A_653, %mul3A_932 : i32
      %add3A_934 = arith.constant 5 : i32
      %add3A_935 = arith.addi %mul3A_933, %add3A_934 : i32
      %mul3A_936 = arith.constant 16 : i32
      %mul3A_937 = arith.muli %add3A_935, %mul3A_936 : i32
      %get3A_938 = arith.index_cast %mul3A_937 : i32 to index
      %get3A_939 = tpu.vector_load %arg6[%get3A_938] {strides = array<i32>} : memref<16384xf32, #tpu.memory_space<vmem>>, vector<16xf32>,
      %min3A_940 = arith.constant 0.000000e+00 : f32
      %min3A_941 = vector.broadcast %min3A_940 : f32 to vector<16xf32>
      %min3A_942 = arith.minimumf %get3A_939, %min3A_941 : vector<16xf32>
      %gt3A_943 = arith.constant 5.000000e-01 : f32
      %gt3A_944 = vector.broadcast %gt3A_943 : f32 to vector<16xf32>
      %gt3A_945 = arith.cmpf ogt, %get3A_939, %gt3A_944 : vector<16xf32>
      %broadcast_in_dim3A_946 = arith.constant true
      %broadcast_in_dim3A_947 = vector.broadcast %broadcast_in_dim3A_946 : i1 to vector<16xi1>
      %masked_cumsum3A_948 = tpu.scan <sum>, %min3A_942 masked %broadcast_in_dim3A_947 : vector<16xf32>, vector<16xi1> -> vector<16xf32>
      %jit3A_949 = arith.constant -1 : i32
      %broadcast_in_dim3A_950 = vector.broadcast %jit3A_949 : i32 to vector<16xi32>
      %select_n3A_951 = arith.select %gt3A_945, %iota3A, %broadcast_in_dim3A_950 : vector<16xi1>, vector<16xi32>
      %broadcast_in_dim3A_952 = arith.constant true
      %broadcast_in_dim3A_953 = vector.broadcast %broadcast_in_dim3A_952 : i1 to vector<16xi1>
      %masked_cummax3A_954 = arith.constant -2147483648 : i32
      %masked_cummax3A_955 = vector.broadcast %masked_cummax3A_954 : i32 to vector<16xi32>
      %masked_cummax3A_956 = arith.xori %select_n3A_951, %masked_cummax3A_955 : vector<16xi32>
      %masked_cummax3A_957 = tpu.scan <max>, %masked_cummax3A_956 masked %broadcast_in_dim3A_953 : vector<16xi32>, vector<16xi1> -> vector<16xi32>
      %masked_cummax3A_958 = arith.xori %masked_cummax3A_957, %masked_cummax3A_955 : vector<16xi32>
      %ge3A_959 = arith.constant 1 : i32
      %ge3A_960 = vector.broadcast %ge3A_959 : i32 to vector<16xi32>
      %ge3A_961 = arith.cmpi sge, %masked_cummax3A_958, %ge3A_960 : vector<16xi32>
      %sub3A_962 = arith.constant 1 : i32
      %sub3A_963 = vector.broadcast %sub3A_962 : i32 to vector<16xi32>
      %sub3A_964 = arith.subi %masked_cummax3A_958, %sub3A_963 : vector<16xi32>
      %max3A_965 = arith.constant 0 : i32
      %max3A_966 = vector.broadcast %max3A_965 : i32 to vector<16xi32>
      %max3A_967 = arith.maxsi %sub3A_964, %max3A_966 : vector<16xi32>
      %broadcast_in_dim3A_968 = vector.shape_cast %max3A_967 : vector<16xi32> to vector<16x1xi32>
      %gather3A_969 = vector.shape_cast %broadcast_in_dim3A_968 : vector<16x1xi32> to vector<16xi32>
      %gather3A_970 = tpu.dynamic_gather %masked_cumsum3A_948[%gather3A_969] in [0] : vector<16xf32>, vector<16xi32> -> vector<16xf32>
      %jit3A_971 = arith.constant 0.000000e+00 : f32
      %broadcast_in_dim3A_972 = vector.broadcast %jit3A_971 : f32 to vector<16xf32>
      %select_n3A_973 = arith.select %ge3A_961, %gather3A_970, %broadcast_in_dim3A_972 : vector<16xi1>, vector<16xf32>
      %ge3A_974 = arith.constant 0 : i32
      %ge3A_975 = vector.broadcast %ge3A_974 : i32 to vector<16xi32>
      %ge3A_976 = arith.cmpi sge, %masked_cummax3A_958, %ge3A_975 : vector<16xi32>
      %sub3A_977 = arith.subf %masked_cumsum3A_948, %select_n3A_973 : vector<16xf32>
      %add3A_978 = arith.addf %masked_cumsum3A_948, %gather3A_928 : vector<16xf32>
      %select_n3A_979 = arith.select %ge3A_976, %sub3A_977, %add3A_978 : vector<16xi1>, vector<16xf32>
      %broadcast_in_dim3A_980 = arith.constant 15 : i32
      %broadcast_in_dim3A_981 = vector.broadcast %broadcast_in_dim3A_980 : i32 to vector<16xi32>
      %broadcast_in_dim3A_982 = vector.shape_cast %broadcast_in_dim3A_981 : vector<16xi32> to vector<16x1xi32>
      %gather3A_983 = vector.shape_cast %broadcast_in_dim3A_982 : vector<16x1xi32> to vector<16xi32>
      %gather3A_984 = tpu.dynamic_gather %select_n3A_979[%gather3A_983] in [0] : vector<16xf32>, vector<16xi32> -> vector<16xf32>
      %exp3A_985 = math.exp %select_n3A_979 : vector<16xf32>
      %swap3A_986 = arith.index_cast %mul3A_937 : i32 to index
      %swap3A_987 = tpu.vector_load %arg8[%swap3A_986] {strides = array<i32>} : memref<16384xf32, #tpu.memory_space<vmem>>, vector<16xf32>,
      tpu.vector_store %arg8[%swap3A_986], %exp3A_985 {strides = array<i32>} : memref<16384xf32, #tpu.memory_space<vmem>>, vector<16xf32>,
      %mul3A_988 = arith.constant 8 : i32
      %mul3A_989 = arith.muli %scan3A_653, %mul3A_988 : i32
      %add3A_990 = arith.constant 6 : i32
      %add3A_991 = arith.addi %mul3A_989, %add3A_990 : i32
      %mul3A_992 = arith.constant 16 : i32
      %mul3A_993 = arith.muli %add3A_991, %mul3A_992 : i32
      %get3A_994 = arith.index_cast %mul3A_993 : i32 to index
      %get3A_995 = tpu.vector_load %arg6[%get3A_994] {strides = array<i32>} : memref<16384xf32, #tpu.memory_space<vmem>>, vector<16xf32>,
      %min3A_996 = arith.constant 0.000000e+00 : f32
      %min3A_997 = vector.broadcast %min3A_996 : f32 to vector<16xf32>
      %min3A_998 = arith.minimumf %get3A_995, %min3A_997 : vector<16xf32>
      %gt3A_999 = arith.constant 5.000000e-01 : f32
      %gt3A_1000 = vector.broadcast %gt3A_999 : f32 to vector<16xf32>
      %gt3A_1001 = arith.cmpf ogt, %get3A_995, %gt3A_1000 : vector<16xf32>
      %broadcast_in_dim3A_1002 = arith.constant true
      %broadcast_in_dim3A_1003 = vector.broadcast %broadcast_in_dim3A_1002 : i1 to vector<16xi1>
      %masked_cumsum3A_1004 = tpu.scan <sum>, %min3A_998 masked %broadcast_in_dim3A_1003 : vector<16xf32>, vector<16xi1> -> vector<16xf32>
      %jit3A_1005 = arith.constant -1 : i32
      %broadcast_in_dim3A_1006 = vector.broadcast %jit3A_1005 : i32 to vector<16xi32>
      %select_n3A_1007 = arith.select %gt3A_1001, %iota3A, %broadcast_in_dim3A_1006 : vector<16xi1>, vector<16xi32>
      %broadcast_in_dim3A_1008 = arith.constant true
      %broadcast_in_dim3A_1009 = vector.broadcast %broadcast_in_dim3A_1008 : i1 to vector<16xi1>
      %masked_cummax3A_1010 = arith.constant -2147483648 : i32
      %masked_cummax3A_1011 = vector.broadcast %masked_cummax3A_1010 : i32 to vector<16xi32>
      %masked_cummax3A_1012 = arith.xori %select_n3A_1007, %masked_cummax3A_1011 : vector<16xi32>
      %masked_cummax3A_1013 = tpu.scan <max>, %masked_cummax3A_1012 masked %broadcast_in_dim3A_1009 : vector<16xi32>, vector<16xi1> -> vector<16xi32>
      %masked_cummax3A_1014 = arith.xori %masked_cummax3A_1013, %masked_cummax3A_1011 : vector<16xi32>
      %ge3A_1015 = arith.constant 1 : i32
      %ge3A_1016 = vector.broadcast %ge3A_1015 : i32 to vector<16xi32>
      %ge3A_1017 = arith.cmpi sge, %masked_cummax3A_1014, %ge3A_1016 : vector<16xi32>
      %sub3A_1018 = arith.constant 1 : i32
      %sub3A_1019 = vector.broadcast %sub3A_1018 : i32 to vector<16xi32>
      %sub3A_1020 = arith.subi %masked_cummax3A_1014, %sub3A_1019 : vector<16xi32>
      %max3A_1021 = arith.constant 0 : i32
      %max3A_1022 = vector.broadcast %max3A_1021 : i32 to vector<16xi32>
      %max3A_1023 = arith.maxsi %sub3A_1020, %max3A_1022 : vector<16xi32>
      %broadcast_in_dim3A_1024 = vector.shape_cast %max3A_1023 : vector<16xi32> to vector<16x1xi32>
      %gather3A_1025 = vector.shape_cast %broadcast_in_dim3A_1024 : vector<16x1xi32> to vector<16xi32>
      %gather3A_1026 = tpu.dynamic_gather %masked_cumsum3A_1004[%gather3A_1025] in [0] : vector<16xf32>, vector<16xi32> -> vector<16xf32>
      %jit3A_1027 = arith.constant 0.000000e+00 : f32
      %broadcast_in_dim3A_1028 = vector.broadcast %jit3A_1027 : f32 to vector<16xf32>
      %select_n3A_1029 = arith.select %ge3A_1017, %gather3A_1026, %broadcast_in_dim3A_1028 : vector<16xi1>, vector<16xf32>
      %ge3A_1030 = arith.constant 0 : i32
      %ge3A_1031 = vector.broadcast %ge3A_1030 : i32 to vector<16xi32>
      %ge3A_1032 = arith.cmpi sge, %masked_cummax3A_1014, %ge3A_1031 : vector<16xi32>
      %sub3A_1033 = arith.subf %masked_cumsum3A_1004, %select_n3A_1029 : vector<16xf32>
      %add3A_1034 = arith.addf %masked_cumsum3A_1004, %gather3A_984 : vector<16xf32>
      %select_n3A_1035 = arith.select %ge3A_1032, %sub3A_1033, %add3A_1034 : vector<16xi1>, vector<16xf32>
      %broadcast_in_dim3A_1036 = arith.constant 15 : i32
      %broadcast_in_dim3A_1037 = vector.broadcast %broadcast_in_dim3A_1036 : i32 to vector<16xi32>
      %broadcast_in_dim3A_1038 = vector.shape_cast %broadcast_in_dim3A_1037 : vector<16xi32> to vector<16x1xi32>
      %gather3A_1039 = vector.shape_cast %broadcast_in_dim3A_1038 : vector<16x1xi32> to vector<16xi32>
      %gather3A_1040 = tpu.dynamic_gather %select_n3A_1035[%gather3A_1039] in [0] : vector<16xf32>, vector<16xi32> -> vector<16xf32>
      %exp3A_1041 = math.exp %select_n3A_1035 : vector<16xf32>
      %swap3A_1042 = arith.index_cast %mul3A_993 : i32 to index
      %swap3A_1043 = tpu.vector_load %arg8[%swap3A_1042] {strides = array<i32>} : memref<16384xf32, #tpu.memory_space<vmem>>, vector<16xf32>,
      tpu.vector_store %arg8[%swap3A_1042], %exp3A_1041 {strides = array<i32>} : memref<16384xf32, #tpu.memory_space<vmem>>, vector<16xf32>,
      %mul3A_1044 = arith.constant 8 : i32
      %mul3A_1045 = arith.muli %scan3A_653, %mul3A_1044 : i32
      %add3A_1046 = arith.constant 7 : i32
      %add3A_1047 = arith.addi %mul3A_1045, %add3A_1046 : i32
      %mul3A_1048 = arith.constant 16 : i32
      %mul3A_1049 = arith.muli %add3A_1047, %mul3A_1048 : i32
      %get3A_1050 = arith.index_cast %mul3A_1049 : i32 to index
      %get3A_1051 = tpu.vector_load %arg6[%get3A_1050] {strides = array<i32>} : memref<16384xf32, #tpu.memory_space<vmem>>, vector<16xf32>,
      %min3A_1052 = arith.constant 0.000000e+00 : f32
      %min3A_1053 = vector.broadcast %min3A_1052 : f32 to vector<16xf32>
      %min3A_1054 = arith.minimumf %get3A_1051, %min3A_1053 : vector<16xf32>
      %gt3A_1055 = arith.constant 5.000000e-01 : f32
      %gt3A_1056 = vector.broadcast %gt3A_1055 : f32 to vector<16xf32>
      %gt3A_1057 = arith.cmpf ogt, %get3A_1051, %gt3A_1056 : vector<16xf32>
      %broadcast_in_dim3A_1058 = arith.constant true
      %broadcast_in_dim3A_1059 = vector.broadcast %broadcast_in_dim3A_1058 : i1 to vector<16xi1>
      %masked_cumsum3A_1060 = tpu.scan <sum>, %min3A_1054 masked %broadcast_in_dim3A_1059 : vector<16xf32>, vector<16xi1> -> vector<16xf32>
      %jit3A_1061 = arith.constant -1 : i32
      %broadcast_in_dim3A_1062 = vector.broadcast %jit3A_1061 : i32 to vector<16xi32>
      %select_n3A_1063 = arith.select %gt3A_1057, %iota3A, %broadcast_in_dim3A_1062 : vector<16xi1>, vector<16xi32>
      %broadcast_in_dim3A_1064 = arith.constant true
      %broadcast_in_dim3A_1065 = vector.broadcast %broadcast_in_dim3A_1064 : i1 to vector<16xi1>
      %masked_cummax3A_1066 = arith.constant -2147483648 : i32
      %masked_cummax3A_1067 = vector.broadcast %masked_cummax3A_1066 : i32 to vector<16xi32>
      %masked_cummax3A_1068 = arith.xori %select_n3A_1063, %masked_cummax3A_1067 : vector<16xi32>
      %masked_cummax3A_1069 = tpu.scan <max>, %masked_cummax3A_1068 masked %broadcast_in_dim3A_1065 : vector<16xi32>, vector<16xi1> -> vector<16xi32>
      %masked_cummax3A_1070 = arith.xori %masked_cummax3A_1069, %masked_cummax3A_1067 : vector<16xi32>
      %ge3A_1071 = arith.constant 1 : i32
      %ge3A_1072 = vector.broadcast %ge3A_1071 : i32 to vector<16xi32>
      %ge3A_1073 = arith.cmpi sge, %masked_cummax3A_1070, %ge3A_1072 : vector<16xi32>
      %sub3A_1074 = arith.constant 1 : i32
      %sub3A_1075 = vector.broadcast %sub3A_1074 : i32 to vector<16xi32>
      %sub3A_1076 = arith.subi %masked_cummax3A_1070, %sub3A_1075 : vector<16xi32>
      %max3A_1077 = arith.constant 0 : i32
      %max3A_1078 = vector.broadcast %max3A_1077 : i32 to vector<16xi32>
      %max3A_1079 = arith.maxsi %sub3A_1076, %max3A_1078 : vector<16xi32>
      %broadcast_in_dim3A_1080 = vector.shape_cast %max3A_1079 : vector<16xi32> to vector<16x1xi32>
      %gather3A_1081 = vector.shape_cast %broadcast_in_dim3A_1080 : vector<16x1xi32> to vector<16xi32>
      %gather3A_1082 = tpu.dynamic_gather %masked_cumsum3A_1060[%gather3A_1081] in [0] : vector<16xf32>, vector<16xi32> -> vector<16xf32>
      %jit3A_1083 = arith.constant 0.000000e+00 : f32
      %broadcast_in_dim3A_1084 = vector.broadcast %jit3A_1083 : f32 to vector<16xf32>
      %select_n3A_1085 = arith.select %ge3A_1073, %gather3A_1082, %broadcast_in_dim3A_1084 : vector<16xi1>, vector<16xf32>
      %ge3A_1086 = arith.constant 0 : i32
      %ge3A_1087 = vector.broadcast %ge3A_1086 : i32 to vector<16xi32>
      %ge3A_1088 = arith.cmpi sge, %masked_cummax3A_1070, %ge3A_1087 : vector<16xi32>
      %sub3A_1089 = arith.subf %masked_cumsum3A_1060, %select_n3A_1085 : vector<16xf32>
      %add3A_1090 = arith.addf %masked_cumsum3A_1060, %gather3A_1040 : vector<16xf32>
      %select_n3A_1091 = arith.select %ge3A_1088, %sub3A_1089, %add3A_1090 : vector<16xi1>, vector<16xf32>
      %broadcast_in_dim3A_1092 = arith.constant 15 : i32
      %broadcast_in_dim3A_1093 = vector.broadcast %broadcast_in_dim3A_1092 : i32 to vector<16xi32>
      %broadcast_in_dim3A_1094 = vector.shape_cast %broadcast_in_dim3A_1093 : vector<16xi32> to vector<16x1xi32>
      %gather3A_1095 = vector.shape_cast %broadcast_in_dim3A_1094 : vector<16x1xi32> to vector<16xi32>
      %gather3A_1096 = tpu.dynamic_gather %select_n3A_1091[%gather3A_1095] in [0] : vector<16xf32>, vector<16xi32> -> vector<16xf32>
      %exp3A_1097 = math.exp %select_n3A_1091 : vector<16xf32>
      %swap3A_1098 = arith.index_cast %mul3A_1049 : i32 to index
      %swap3A_1099 = tpu.vector_load %arg8[%swap3A_1098] {strides = array<i32>} : memref<16384xf32, #tpu.memory_space<vmem>>, vector<16xf32>,
      tpu.vector_store %arg8[%swap3A_1098], %exp3A_1097 {strides = array<i32>} : memref<16384xf32, #tpu.memory_space<vmem>>, vector<16xf32>,
      scf.yield %gather3A_1096 : vector<16xf32>
    }
    %scan3A_612 = arith.constant 128 : i32
    %add3A_613 = arith.constant 16384 : i32
    %add3A_614 = arith.addi %mul3A_2, %add3A_613 : i32
    %dma_start3A_615 = tpu.memref_slice %arg4[%add3A_614] : memref<2097152xf32, #tpu.memory_space<hbm>> -> memref<16384xf32, #tpu.memory_space<hbm>>
    %dma_start3A_616 = tpu.memref_slice %arg4[%add3A_614] : memref<2097152xf32, #tpu.memory_space<hbm>> -> memref<16384xf32, #tpu.memory_space<hbm>>
    tpu.enqueue_dma source(%arg8 : memref<16384xf32, #tpu.memory_space<vmem>>) target(%dma_start3A_616 : memref<16384xf32, #tpu.memory_space<hbm>>) target_semaphore(%arg11 : memref<!tpu.dma_semaphore, #tpu.memory_space<semaphore_mem>>)
    %add3A_617 = arith.constant 49152 : i32
    %add3A_618 = arith.addi %mul3A_2, %add3A_617 : i32
    %dma_start3A_619 = tpu.memref_slice %arg2[%add3A_618] : memref<2097152xf32, #tpu.memory_space<hbm>> -> memref<16384xf32, #tpu.memory_space<hbm>>
    %dma_start3A_620 = tpu.memref_slice %arg2[%add3A_618] : memref<2097152xf32, #tpu.memory_space<hbm>> -> memref<16384xf32, #tpu.memory_space<hbm>>
    tpu.enqueue_dma source(%dma_start3A_620 : memref<16384xf32, #tpu.memory_space<hbm>>) target(%arg6 : memref<16384xf32, #tpu.memory_space<vmem>>) target_semaphore(%arg10 : memref<!tpu.dma_semaphore, #tpu.memory_space<semaphore_mem>>)
    %dma_wait3A_621 = tpu.memref_slice %arg2[%add3A_602] : memref<2097152xf32, #tpu.memory_space<hbm>> -> memref<16384xf32, #tpu.memory_space<hbm>>
    %dma_wait3A_622 = tpu.memref_slice %arg2[%add3A_602] : memref<2097152xf32, #tpu.memory_space<hbm>> -> memref<16384xf32, #tpu.memory_space<hbm>>
    tpu.wait_dma2 semaphore(%arg10 : memref<!tpu.dma_semaphore, #tpu.memory_space<semaphore_mem>>) src(%dma_wait3A_622 : memref<16384xf32, #tpu.memory_space<hbm>>) dst(%arg5 : memref<16384xf32, #tpu.memory_space<vmem>>)
    %dma_wait3A_623 = tpu.memref_slice %arg4[%add3A_598] : memref<2097152xf32, #tpu.memory_space<hbm>> -> memref<16384xf32, #tpu.memory_space<hbm>>
    %dma_wait3A_624 = tpu.memref_slice %arg4[%add3A_598] : memref<2097152xf32, #tpu.memory_space<hbm>> -> memref<16384xf32, #tpu.memory_space<hbm>>
    tpu.wait_dma2 semaphore(%arg11 : memref<!tpu.dma_semaphore, #tpu.memory_space<semaphore_mem>>) src(%arg7 : memref<16384xf32, #tpu.memory_space<vmem>>) dst(%dma_wait3A_624 : memref<16384xf32, #tpu.memory_space<hbm>>)
    %scan3A_625 = arith.constant 0 : i32
    %scan3A_626 = arith.constant 128 : i32
    %scan3A_627 = arith.addi %scan3A_625, %scan3A_626 : i32
    %scan3A_628 = arith.constant 1 : i32
    %scan3A_629 = scf.for %scan3A_653 = %scan3A_625 to %scan3A_627 step %scan3A_628 iter_args(%scan3A_654 = %scan3A_611) -> (vector<16xf32>)  : i32 {
      %mul3A_655 = arith.constant 8 : i32
      %mul3A_656 = arith.muli %scan3A_653, %mul3A_655 : i32
      %add3A_657 = arith.constant 0 : i32
      %add3A_658 = arith.addi %mul3A_656, %add3A_657 : i32
      %mul3A_659 = arith.constant 16 : i32
      %mul3A_660 = arith.muli %add3A_658, %mul3A_659 : i32
      %get3A = arith.index_cast %mul3A_660 : i32 to index
      %get3A_661 = tpu.vector_load %arg5[%get3A] {strides = array<i32>} : memref<16384xf32, #tpu.memory_space<vmem>>, vector<16xf32>,
      %min3A_662 = arith.constant 0.000000e+00 : f32
      %min3A_663 = vector.broadcast %min3A_662 : f32 to vector<16xf32>
      %min3A_664 = arith.minimumf %get3A_661, %min3A_663 : vector<16xf32>
      %gt3A_665 = arith.constant 5.000000e-01 : f32
      %gt3A_666 = vector.broadcast %gt3A_665 : f32 to vector<16xf32>
      %gt3A_667 = arith.cmpf ogt, %get3A_661, %gt3A_666 : vector<16xf32>
      %broadcast_in_dim3A_668 = arith.constant true
      %broadcast_in_dim3A_669 = vector.broadcast %broadcast_in_dim3A_668 : i1 to vector<16xi1>
      %masked_cumsum3A_670 = tpu.scan <sum>, %min3A_664 masked %broadcast_in_dim3A_669 : vector<16xf32>, vector<16xi1> -> vector<16xf32>
      %jit3A_671 = arith.constant -1 : i32
      %broadcast_in_dim3A_672 = vector.broadcast %jit3A_671 : i32 to vector<16xi32>
      %select_n3A_673 = arith.select %gt3A_667, %iota3A, %broadcast_in_dim3A_672 : vector<16xi1>, vector<16xi32>
      %broadcast_in_dim3A_674 = arith.constant true
      %broadcast_in_dim3A_675 = vector.broadcast %broadcast_in_dim3A_674 : i1 to vector<16xi1>
      %masked_cummax3A_676 = arith.constant -2147483648 : i32
      %masked_cummax3A_677 = vector.broadcast %masked_cummax3A_676 : i32 to vector<16xi32>
      %masked_cummax3A_678 = arith.xori %select_n3A_673, %masked_cummax3A_677 : vector<16xi32>
      %masked_cummax3A_679 = tpu.scan <max>, %masked_cummax3A_678 masked %broadcast_in_dim3A_675 : vector<16xi32>, vector<16xi1> -> vector<16xi32>
      %masked_cummax3A_680 = arith.xori %masked_cummax3A_679, %masked_cummax3A_677 : vector<16xi32>
      %ge3A_681 = arith.constant 1 : i32
      %ge3A_682 = vector.broadcast %ge3A_681 : i32 to vector<16xi32>
      %ge3A_683 = arith.cmpi sge, %masked_cummax3A_680, %ge3A_682 : vector<16xi32>
      %sub3A_684 = arith.constant 1 : i32
      %sub3A_685 = vector.broadcast %sub3A_684 : i32 to vector<16xi32>
      %sub3A_686 = arith.subi %masked_cummax3A_680, %sub3A_685 : vector<16xi32>
      %max3A_687 = arith.constant 0 : i32
      %max3A_688 = vector.broadcast %max3A_687 : i32 to vector<16xi32>
      %max3A_689 = arith.maxsi %sub3A_686, %max3A_688 : vector<16xi32>
      %broadcast_in_dim3A_690 = vector.shape_cast %max3A_689 : vector<16xi32> to vector<16x1xi32>
      %gather3A_691 = vector.shape_cast %broadcast_in_dim3A_690 : vector<16x1xi32> to vector<16xi32>
      %gather3A_692 = tpu.dynamic_gather %masked_cumsum3A_670[%gather3A_691] in [0] : vector<16xf32>, vector<16xi32> -> vector<16xf32>
      %jit3A_693 = arith.constant 0.000000e+00 : f32
      %broadcast_in_dim3A_694 = vector.broadcast %jit3A_693 : f32 to vector<16xf32>
      %select_n3A_695 = arith.select %ge3A_683, %gather3A_692, %broadcast_in_dim3A_694 : vector<16xi1>, vector<16xf32>
      %ge3A_696 = arith.constant 0 : i32
      %ge3A_697 = vector.broadcast %ge3A_696 : i32 to vector<16xi32>
      %ge3A_698 = arith.cmpi sge, %masked_cummax3A_680, %ge3A_697 : vector<16xi32>
      %sub3A_699 = arith.subf %masked_cumsum3A_670, %select_n3A_695 : vector<16xf32>
      %add3A_700 = arith.addf %masked_cumsum3A_670, %scan3A_654 : vector<16xf32>
      %select_n3A_701 = arith.select %ge3A_698, %sub3A_699, %add3A_700 : vector<16xi1>, vector<16xf32>
      %broadcast_in_dim3A_702 = arith.constant 15 : i32
      %broadcast_in_dim3A_703 = vector.broadcast %broadcast_in_dim3A_702 : i32 to vector<16xi32>
      %broadcast_in_dim3A_704 = vector.shape_cast %broadcast_in_dim3A_703 : vector<16xi32> to vector<16x1xi32>
      %gather3A_705 = vector.shape_cast %broadcast_in_dim3A_704 : vector<16x1xi32> to vector<16xi32>
      %gather3A_706 = tpu.dynamic_gather %select_n3A_701[%gather3A_705] in [0] : vector<16xf32>, vector<16xi32> -> vector<16xf32>
      %exp3A = math.exp %select_n3A_701 : vector<16xf32>
      %swap3A = arith.index_cast %mul3A_660 : i32 to index
      %swap3A_707 = tpu.vector_load %arg7[%swap3A] {strides = array<i32>} : memref<16384xf32, #tpu.memory_space<vmem>>, vector<16xf32>,
      tpu.vector_store %arg7[%swap3A], %exp3A {strides = array<i32>} : memref<16384xf32, #tpu.memory_space<vmem>>, vector<16xf32>,
      %mul3A_708 = arith.constant 8 : i32
      %mul3A_709 = arith.muli %scan3A_653, %mul3A_708 : i32
      %add3A_710 = arith.constant 1 : i32
      %add3A_711 = arith.addi %mul3A_709, %add3A_710 : i32
      %mul3A_712 = arith.constant 16 : i32
      %mul3A_713 = arith.muli %add3A_711, %mul3A_712 : i32
      %get3A_714 = arith.index_cast %mul3A_713 : i32 to index
      %get3A_715 = tpu.vector_load %arg5[%get3A_714] {strides = array<i32>} : memref<16384xf32, #tpu.memory_space<vmem>>, vector<16xf32>,
      %min3A_716 = arith.constant 0.000000e+00 : f32
      %min3A_717 = vector.broadcast %min3A_716 : f32 to vector<16xf32>
      %min3A_718 = arith.minimumf %get3A_715, %min3A_717 : vector<16xf32>
      %gt3A_719 = arith.constant 5.000000e-01 : f32
      %gt3A_720 = vector.broadcast %gt3A_719 : f32 to vector<16xf32>
      %gt3A_721 = arith.cmpf ogt, %get3A_715, %gt3A_720 : vector<16xf32>
      %broadcast_in_dim3A_722 = arith.constant true
      %broadcast_in_dim3A_723 = vector.broadcast %broadcast_in_dim3A_722 : i1 to vector<16xi1>
      %masked_cumsum3A_724 = tpu.scan <sum>, %min3A_718 masked %broadcast_in_dim3A_723 : vector<16xf32>, vector<16xi1> -> vector<16xf32>
      %jit3A_725 = arith.constant -1 : i32
      %broadcast_in_dim3A_726 = vector.broadcast %jit3A_725 : i32 to vector<16xi32>
      %select_n3A_727 = arith.select %gt3A_721, %iota3A, %broadcast_in_dim3A_726 : vector<16xi1>, vector<16xi32>
      %broadcast_in_dim3A_728 = arith.constant true
      %broadcast_in_dim3A_729 = vector.broadcast %broadcast_in_dim3A_728 : i1 to vector<16xi1>
      %masked_cummax3A_730 = arith.constant -2147483648 : i32
      %masked_cummax3A_731 = vector.broadcast %masked_cummax3A_730 : i32 to vector<16xi32>
      %masked_cummax3A_732 = arith.xori %select_n3A_727, %masked_cummax3A_731 : vector<16xi32>
      %masked_cummax3A_733 = tpu.scan <max>, %masked_cummax3A_732 masked %broadcast_in_dim3A_729 : vector<16xi32>, vector<16xi1> -> vector<16xi32>
      %masked_cummax3A_734 = arith.xori %masked_cummax3A_733, %masked_cummax3A_731 : vector<16xi32>
      %ge3A_735 = arith.constant 1 : i32
      %ge3A_736 = vector.broadcast %ge3A_735 : i32 to vector<16xi32>
      %ge3A_737 = arith.cmpi sge, %masked_cummax3A_734, %ge3A_736 : vector<16xi32>
      %sub3A_738 = arith.constant 1 : i32
      %sub3A_739 = vector.broadcast %sub3A_738 : i32 to vector<16xi32>
      %sub3A_740 = arith.subi %masked_cummax3A_734, %sub3A_739 : vector<16xi32>
      %max3A_741 = arith.constant 0 : i32
      %max3A_742 = vector.broadcast %max3A_741 : i32 to vector<16xi32>
      %max3A_743 = arith.maxsi %sub3A_740, %max3A_742 : vector<16xi32>
      %broadcast_in_dim3A_744 = vector.shape_cast %max3A_743 : vector<16xi32> to vector<16x1xi32>
      %gather3A_745 = vector.shape_cast %broadcast_in_dim3A_744 : vector<16x1xi32> to vector<16xi32>
      %gather3A_746 = tpu.dynamic_gather %masked_cumsum3A_724[%gather3A_745] in [0] : vector<16xf32>, vector<16xi32> -> vector<16xf32>
      %jit3A_747 = arith.constant 0.000000e+00 : f32
      %broadcast_in_dim3A_748 = vector.broadcast %jit3A_747 : f32 to vector<16xf32>
      %select_n3A_749 = arith.select %ge3A_737, %gather3A_746, %broadcast_in_dim3A_748 : vector<16xi1>, vector<16xf32>
      %ge3A_750 = arith.constant 0 : i32
      %ge3A_751 = vector.broadcast %ge3A_750 : i32 to vector<16xi32>
      %ge3A_752 = arith.cmpi sge, %masked_cummax3A_734, %ge3A_751 : vector<16xi32>
      %sub3A_753 = arith.subf %masked_cumsum3A_724, %select_n3A_749 : vector<16xf32>
      %add3A_754 = arith.addf %masked_cumsum3A_724, %gather3A_706 : vector<16xf32>
      %select_n3A_755 = arith.select %ge3A_752, %sub3A_753, %add3A_754 : vector<16xi1>, vector<16xf32>
      %broadcast_in_dim3A_756 = arith.constant 15 : i32
      %broadcast_in_dim3A_757 = vector.broadcast %broadcast_in_dim3A_756 : i32 to vector<16xi32>
      %broadcast_in_dim3A_758 = vector.shape_cast %broadcast_in_dim3A_757 : vector<16xi32> to vector<16x1xi32>
      %gather3A_759 = vector.shape_cast %broadcast_in_dim3A_758 : vector<16x1xi32> to vector<16xi32>
      %gather3A_760 = tpu.dynamic_gather %select_n3A_755[%gather3A_759] in [0] : vector<16xf32>, vector<16xi32> -> vector<16xf32>
      %exp3A_761 = math.exp %select_n3A_755 : vector<16xf32>
      %swap3A_762 = arith.index_cast %mul3A_713 : i32 to index
      %swap3A_763 = tpu.vector_load %arg7[%swap3A_762] {strides = array<i32>} : memref<16384xf32, #tpu.memory_space<vmem>>, vector<16xf32>,
      tpu.vector_store %arg7[%swap3A_762], %exp3A_761 {strides = array<i32>} : memref<16384xf32, #tpu.memory_space<vmem>>, vector<16xf32>,
      %mul3A_764 = arith.constant 8 : i32
      %mul3A_765 = arith.muli %scan3A_653, %mul3A_764 : i32
      %add3A_766 = arith.constant 2 : i32
      %add3A_767 = arith.addi %mul3A_765, %add3A_766 : i32
      %mul3A_768 = arith.constant 16 : i32
      %mul3A_769 = arith.muli %add3A_767, %mul3A_768 : i32
      %get3A_770 = arith.index_cast %mul3A_769 : i32 to index
      %get3A_771 = tpu.vector_load %arg5[%get3A_770] {strides = array<i32>} : memref<16384xf32, #tpu.memory_space<vmem>>, vector<16xf32>,
      %min3A_772 = arith.constant 0.000000e+00 : f32
      %min3A_773 = vector.broadcast %min3A_772 : f32 to vector<16xf32>
      %min3A_774 = arith.minimumf %get3A_771, %min3A_773 : vector<16xf32>
      %gt3A_775 = arith.constant 5.000000e-01 : f32
      %gt3A_776 = vector.broadcast %gt3A_775 : f32 to vector<16xf32>
      %gt3A_777 = arith.cmpf ogt, %get3A_771, %gt3A_776 : vector<16xf32>
      %broadcast_in_dim3A_778 = arith.constant true
      %broadcast_in_dim3A_779 = vector.broadcast %broadcast_in_dim3A_778 : i1 to vector<16xi1>
      %masked_cumsum3A_780 = tpu.scan <sum>, %min3A_774 masked %broadcast_in_dim3A_779 : vector<16xf32>, vector<16xi1> -> vector<16xf32>
      %jit3A_781 = arith.constant -1 : i32
      %broadcast_in_dim3A_782 = vector.broadcast %jit3A_781 : i32 to vector<16xi32>
      %select_n3A_783 = arith.select %gt3A_777, %iota3A, %broadcast_in_dim3A_782 : vector<16xi1>, vector<16xi32>
      %broadcast_in_dim3A_784 = arith.constant true
      %broadcast_in_dim3A_785 = vector.broadcast %broadcast_in_dim3A_784 : i1 to vector<16xi1>
      %masked_cummax3A_786 = arith.constant -2147483648 : i32
      %masked_cummax3A_787 = vector.broadcast %masked_cummax3A_786 : i32 to vector<16xi32>
      %masked_cummax3A_788 = arith.xori %select_n3A_783, %masked_cummax3A_787 : vector<16xi32>
      %masked_cummax3A_789 = tpu.scan <max>, %masked_cummax3A_788 masked %broadcast_in_dim3A_785 : vector<16xi32>, vector<16xi1> -> vector<16xi32>
      %masked_cummax3A_790 = arith.xori %masked_cummax3A_789, %masked_cummax3A_787 : vector<16xi32>
      %ge3A_791 = arith.constant 1 : i32
      %ge3A_792 = vector.broadcast %ge3A_791 : i32 to vector<16xi32>
      %ge3A_793 = arith.cmpi sge, %masked_cummax3A_790, %ge3A_792 : vector<16xi32>
      %sub3A_794 = arith.constant 1 : i32
      %sub3A_795 = vector.broadcast %sub3A_794 : i32 to vector<16xi32>
      %sub3A_796 = arith.subi %masked_cummax3A_790, %sub3A_795 : vector<16xi32>
      %max3A_797 = arith.constant 0 : i32
      %max3A_798 = vector.broadcast %max3A_797 : i32 to vector<16xi32>
      %max3A_799 = arith.maxsi %sub3A_796, %max3A_798 : vector<16xi32>
      %broadcast_in_dim3A_800 = vector.shape_cast %max3A_799 : vector<16xi32> to vector<16x1xi32>
      %gather3A_801 = vector.shape_cast %broadcast_in_dim3A_800 : vector<16x1xi32> to vector<16xi32>
      %gather3A_802 = tpu.dynamic_gather %masked_cumsum3A_780[%gather3A_801] in [0] : vector<16xf32>, vector<16xi32> -> vector<16xf32>
      %jit3A_803 = arith.constant 0.000000e+00 : f32
      %broadcast_in_dim3A_804 = vector.broadcast %jit3A_803 : f32 to vector<16xf32>
      %select_n3A_805 = arith.select %ge3A_793, %gather3A_802, %broadcast_in_dim3A_804 : vector<16xi1>, vector<16xf32>
      %ge3A_806 = arith.constant 0 : i32
      %ge3A_807 = vector.broadcast %ge3A_806 : i32 to vector<16xi32>
      %ge3A_808 = arith.cmpi sge, %masked_cummax3A_790, %ge3A_807 : vector<16xi32>
      %sub3A_809 = arith.subf %masked_cumsum3A_780, %select_n3A_805 : vector<16xf32>
      %add3A_810 = arith.addf %masked_cumsum3A_780, %gather3A_760 : vector<16xf32>
      %select_n3A_811 = arith.select %ge3A_808, %sub3A_809, %add3A_810 : vector<16xi1>, vector<16xf32>
      %broadcast_in_dim3A_812 = arith.constant 15 : i32
      %broadcast_in_dim3A_813 = vector.broadcast %broadcast_in_dim3A_812 : i32 to vector<16xi32>
      %broadcast_in_dim3A_814 = vector.shape_cast %broadcast_in_dim3A_813 : vector<16xi32> to vector<16x1xi32>
      %gather3A_815 = vector.shape_cast %broadcast_in_dim3A_814 : vector<16x1xi32> to vector<16xi32>
      %gather3A_816 = tpu.dynamic_gather %select_n3A_811[%gather3A_815] in [0] : vector<16xf32>, vector<16xi32> -> vector<16xf32>
      %exp3A_817 = math.exp %select_n3A_811 : vector<16xf32>
      %swap3A_818 = arith.index_cast %mul3A_769 : i32 to index
      %swap3A_819 = tpu.vector_load %arg7[%swap3A_818] {strides = array<i32>} : memref<16384xf32, #tpu.memory_space<vmem>>, vector<16xf32>,
      tpu.vector_store %arg7[%swap3A_818], %exp3A_817 {strides = array<i32>} : memref<16384xf32, #tpu.memory_space<vmem>>, vector<16xf32>,
      %mul3A_820 = arith.constant 8 : i32
      %mul3A_821 = arith.muli %scan3A_653, %mul3A_820 : i32
      %add3A_822 = arith.constant 3 : i32
      %add3A_823 = arith.addi %mul3A_821, %add3A_822 : i32
      %mul3A_824 = arith.constant 16 : i32
      %mul3A_825 = arith.muli %add3A_823, %mul3A_824 : i32
      %get3A_826 = arith.index_cast %mul3A_825 : i32 to index
      %get3A_827 = tpu.vector_load %arg5[%get3A_826] {strides = array<i32>} : memref<16384xf32, #tpu.memory_space<vmem>>, vector<16xf32>,
      %min3A_828 = arith.constant 0.000000e+00 : f32
      %min3A_829 = vector.broadcast %min3A_828 : f32 to vector<16xf32>
      %min3A_830 = arith.minimumf %get3A_827, %min3A_829 : vector<16xf32>
      %gt3A_831 = arith.constant 5.000000e-01 : f32
      %gt3A_832 = vector.broadcast %gt3A_831 : f32 to vector<16xf32>
      %gt3A_833 = arith.cmpf ogt, %get3A_827, %gt3A_832 : vector<16xf32>
      %broadcast_in_dim3A_834 = arith.constant true
      %broadcast_in_dim3A_835 = vector.broadcast %broadcast_in_dim3A_834 : i1 to vector<16xi1>
      %masked_cumsum3A_836 = tpu.scan <sum>, %min3A_830 masked %broadcast_in_dim3A_835 : vector<16xf32>, vector<16xi1> -> vector<16xf32>
      %jit3A_837 = arith.constant -1 : i32
      %broadcast_in_dim3A_838 = vector.broadcast %jit3A_837 : i32 to vector<16xi32>
      %select_n3A_839 = arith.select %gt3A_833, %iota3A, %broadcast_in_dim3A_838 : vector<16xi1>, vector<16xi32>
      %broadcast_in_dim3A_840 = arith.constant true
      %broadcast_in_dim3A_841 = vector.broadcast %broadcast_in_dim3A_840 : i1 to vector<16xi1>
      %masked_cummax3A_842 = arith.constant -2147483648 : i32
      %masked_cummax3A_843 = vector.broadcast %masked_cummax3A_842 : i32 to vector<16xi32>
      %masked_cummax3A_844 = arith.xori %select_n3A_839, %masked_cummax3A_843 : vector<16xi32>
      %masked_cummax3A_845 = tpu.scan <max>, %masked_cummax3A_844 masked %broadcast_in_dim3A_841 : vector<16xi32>, vector<16xi1> -> vector<16xi32>
      %masked_cummax3A_846 = arith.xori %masked_cummax3A_845, %masked_cummax3A_843 : vector<16xi32>
      %ge3A_847 = arith.constant 1 : i32
      %ge3A_848 = vector.broadcast %ge3A_847 : i32 to vector<16xi32>
      %ge3A_849 = arith.cmpi sge, %masked_cummax3A_846, %ge3A_848 : vector<16xi32>
      %sub3A_850 = arith.constant 1 : i32
      %sub3A_851 = vector.broadcast %sub3A_850 : i32 to vector<16xi32>
      %sub3A_852 = arith.subi %masked_cummax3A_846, %sub3A_851 : vector<16xi32>
      %max3A_853 = arith.constant 0 : i32
      %max3A_854 = vector.broadcast %max3A_853 : i32 to vector<16xi32>
      %max3A_855 = arith.maxsi %sub3A_852, %max3A_854 : vector<16xi32>
      %broadcast_in_dim3A_856 = vector.shape_cast %max3A_855 : vector<16xi32> to vector<16x1xi32>
      %gather3A_857 = vector.shape_cast %broadcast_in_dim3A_856 : vector<16x1xi32> to vector<16xi32>
      %gather3A_858 = tpu.dynamic_gather %masked_cumsum3A_836[%gather3A_857] in [0] : vector<16xf32>, vector<16xi32> -> vector<16xf32>
      %jit3A_859 = arith.constant 0.000000e+00 : f32
      %broadcast_in_dim3A_860 = vector.broadcast %jit3A_859 : f32 to vector<16xf32>
      %select_n3A_861 = arith.select %ge3A_849, %gather3A_858, %broadcast_in_dim3A_860 : vector<16xi1>, vector<16xf32>
      %ge3A_862 = arith.constant 0 : i32
      %ge3A_863 = vector.broadcast %ge3A_862 : i32 to vector<16xi32>
      %ge3A_864 = arith.cmpi sge, %masked_cummax3A_846, %ge3A_863 : vector<16xi32>
      %sub3A_865 = arith.subf %masked_cumsum3A_836, %select_n3A_861 : vector<16xf32>
      %add3A_866 = arith.addf %masked_cumsum3A_836, %gather3A_816 : vector<16xf32>
      %select_n3A_867 = arith.select %ge3A_864, %sub3A_865, %add3A_866 : vector<16xi1>, vector<16xf32>
      %broadcast_in_dim3A_868 = arith.constant 15 : i32
      %broadcast_in_dim3A_869 = vector.broadcast %broadcast_in_dim3A_868 : i32 to vector<16xi32>
      %broadcast_in_dim3A_870 = vector.shape_cast %broadcast_in_dim3A_869 : vector<16xi32> to vector<16x1xi32>
      %gather3A_871 = vector.shape_cast %broadcast_in_dim3A_870 : vector<16x1xi32> to vector<16xi32>
      %gather3A_872 = tpu.dynamic_gather %select_n3A_867[%gather3A_871] in [0] : vector<16xf32>, vector<16xi32> -> vector<16xf32>
      %exp3A_873 = math.exp %select_n3A_867 : vector<16xf32>
      %swap3A_874 = arith.index_cast %mul3A_825 : i32 to index
      %swap3A_875 = tpu.vector_load %arg7[%swap3A_874] {strides = array<i32>} : memref<16384xf32, #tpu.memory_space<vmem>>, vector<16xf32>,
      tpu.vector_store %arg7[%swap3A_874], %exp3A_873 {strides = array<i32>} : memref<16384xf32, #tpu.memory_space<vmem>>, vector<16xf32>,
      %mul3A_876 = arith.constant 8 : i32
      %mul3A_877 = arith.muli %scan3A_653, %mul3A_876 : i32
      %add3A_878 = arith.constant 4 : i32
      %add3A_879 = arith.addi %mul3A_877, %add3A_878 : i32
      %mul3A_880 = arith.constant 16 : i32
      %mul3A_881 = arith.muli %add3A_879, %mul3A_880 : i32
      %get3A_882 = arith.index_cast %mul3A_881 : i32 to index
      %get3A_883 = tpu.vector_load %arg5[%get3A_882] {strides = array<i32>} : memref<16384xf32, #tpu.memory_space<vmem>>, vector<16xf32>,
      %min3A_884 = arith.constant 0.000000e+00 : f32
      %min3A_885 = vector.broadcast %min3A_884 : f32 to vector<16xf32>
      %min3A_886 = arith.minimumf %get3A_883, %min3A_885 : vector<16xf32>
      %gt3A_887 = arith.constant 5.000000e-01 : f32
      %gt3A_888 = vector.broadcast %gt3A_887 : f32 to vector<16xf32>
      %gt3A_889 = arith.cmpf ogt, %get3A_883, %gt3A_888 : vector<16xf32>
      %broadcast_in_dim3A_890 = arith.constant true
      %broadcast_in_dim3A_891 = vector.broadcast %broadcast_in_dim3A_890 : i1 to vector<16xi1>
      %masked_cumsum3A_892 = tpu.scan <sum>, %min3A_886 masked %broadcast_in_dim3A_891 : vector<16xf32>, vector<16xi1> -> vector<16xf32>
      %jit3A_893 = arith.constant -1 : i32
      %broadcast_in_dim3A_894 = vector.broadcast %jit3A_893 : i32 to vector<16xi32>
      %select_n3A_895 = arith.select %gt3A_889, %iota3A, %broadcast_in_dim3A_894 : vector<16xi1>, vector<16xi32>
      %broadcast_in_dim3A_896 = arith.constant true
      %broadcast_in_dim3A_897 = vector.broadcast %broadcast_in_dim3A_896 : i1 to vector<16xi1>
      %masked_cummax3A_898 = arith.constant -2147483648 : i32
      %masked_cummax3A_899 = vector.broadcast %masked_cummax3A_898 : i32 to vector<16xi32>
      %masked_cummax3A_900 = arith.xori %select_n3A_895, %masked_cummax3A_899 : vector<16xi32>
      %masked_cummax3A_901 = tpu.scan <max>, %masked_cummax3A_900 masked %broadcast_in_dim3A_897 : vector<16xi32>, vector<16xi1> -> vector<16xi32>
      %masked_cummax3A_902 = arith.xori %masked_cummax3A_901, %masked_cummax3A_899 : vector<16xi32>
      %ge3A_903 = arith.constant 1 : i32
      %ge3A_904 = vector.broadcast %ge3A_903 : i32 to vector<16xi32>
      %ge3A_905 = arith.cmpi sge, %masked_cummax3A_902, %ge3A_904 : vector<16xi32>
      %sub3A_906 = arith.constant 1 : i32
      %sub3A_907 = vector.broadcast %sub3A_906 : i32 to vector<16xi32>
      %sub3A_908 = arith.subi %masked_cummax3A_902, %sub3A_907 : vector<16xi32>
      %max3A_909 = arith.constant 0 : i32
      %max3A_910 = vector.broadcast %max3A_909 : i32 to vector<16xi32>
      %max3A_911 = arith.maxsi %sub3A_908, %max3A_910 : vector<16xi32>
      %broadcast_in_dim3A_912 = vector.shape_cast %max3A_911 : vector<16xi32> to vector<16x1xi32>
      %gather3A_913 = vector.shape_cast %broadcast_in_dim3A_912 : vector<16x1xi32> to vector<16xi32>
      %gather3A_914 = tpu.dynamic_gather %masked_cumsum3A_892[%gather3A_913] in [0] : vector<16xf32>, vector<16xi32> -> vector<16xf32>
      %jit3A_915 = arith.constant 0.000000e+00 : f32
      %broadcast_in_dim3A_916 = vector.broadcast %jit3A_915 : f32 to vector<16xf32>
      %select_n3A_917 = arith.select %ge3A_905, %gather3A_914, %broadcast_in_dim3A_916 : vector<16xi1>, vector<16xf32>
      %ge3A_918 = arith.constant 0 : i32
      %ge3A_919 = vector.broadcast %ge3A_918 : i32 to vector<16xi32>
      %ge3A_920 = arith.cmpi sge, %masked_cummax3A_902, %ge3A_919 : vector<16xi32>
      %sub3A_921 = arith.subf %masked_cumsum3A_892, %select_n3A_917 : vector<16xf32>
      %add3A_922 = arith.addf %masked_cumsum3A_892, %gather3A_872 : vector<16xf32>
      %select_n3A_923 = arith.select %ge3A_920, %sub3A_921, %add3A_922 : vector<16xi1>, vector<16xf32>
      %broadcast_in_dim3A_924 = arith.constant 15 : i32
      %broadcast_in_dim3A_925 = vector.broadcast %broadcast_in_dim3A_924 : i32 to vector<16xi32>
      %broadcast_in_dim3A_926 = vector.shape_cast %broadcast_in_dim3A_925 : vector<16xi32> to vector<16x1xi32>
      %gather3A_927 = vector.shape_cast %broadcast_in_dim3A_926 : vector<16x1xi32> to vector<16xi32>
      %gather3A_928 = tpu.dynamic_gather %select_n3A_923[%gather3A_927] in [0] : vector<16xf32>, vector<16xi32> -> vector<16xf32>
      %exp3A_929 = math.exp %select_n3A_923 : vector<16xf32>
      %swap3A_930 = arith.index_cast %mul3A_881 : i32 to index
      %swap3A_931 = tpu.vector_load %arg7[%swap3A_930] {strides = array<i32>} : memref<16384xf32, #tpu.memory_space<vmem>>, vector<16xf32>,
      tpu.vector_store %arg7[%swap3A_930], %exp3A_929 {strides = array<i32>} : memref<16384xf32, #tpu.memory_space<vmem>>, vector<16xf32>,
      %mul3A_932 = arith.constant 8 : i32
      %mul3A_933 = arith.muli %scan3A_653, %mul3A_932 : i32
      %add3A_934 = arith.constant 5 : i32
      %add3A_935 = arith.addi %mul3A_933, %add3A_934 : i32
      %mul3A_936 = arith.constant 16 : i32
      %mul3A_937 = arith.muli %add3A_935, %mul3A_936 : i32
      %get3A_938 = arith.index_cast %mul3A_937 : i32 to index
      %get3A_939 = tpu.vector_load %arg5[%get3A_938] {strides = array<i32>} : memref<16384xf32, #tpu.memory_space<vmem>>, vector<16xf32>,
      %min3A_940 = arith.constant 0.000000e+00 : f32
      %min3A_941 = vector.broadcast %min3A_940 : f32 to vector<16xf32>
      %min3A_942 = arith.minimumf %get3A_939, %min3A_941 : vector<16xf32>
      %gt3A_943 = arith.constant 5.000000e-01 : f32
      %gt3A_944 = vector.broadcast %gt3A_943 : f32 to vector<16xf32>
      %gt3A_945 = arith.cmpf ogt, %get3A_939, %gt3A_944 : vector<16xf32>
      %broadcast_in_dim3A_946 = arith.constant true
      %broadcast_in_dim3A_947 = vector.broadcast %broadcast_in_dim3A_946 : i1 to vector<16xi1>
      %masked_cumsum3A_948 = tpu.scan <sum>, %min3A_942 masked %broadcast_in_dim3A_947 : vector<16xf32>, vector<16xi1> -> vector<16xf32>
      %jit3A_949 = arith.constant -1 : i32
      %broadcast_in_dim3A_950 = vector.broadcast %jit3A_949 : i32 to vector<16xi32>
      %select_n3A_951 = arith.select %gt3A_945, %iota3A, %broadcast_in_dim3A_950 : vector<16xi1>, vector<16xi32>
      %broadcast_in_dim3A_952 = arith.constant true
      %broadcast_in_dim3A_953 = vector.broadcast %broadcast_in_dim3A_952 : i1 to vector<16xi1>
      %masked_cummax3A_954 = arith.constant -2147483648 : i32
      %masked_cummax3A_955 = vector.broadcast %masked_cummax3A_954 : i32 to vector<16xi32>
      %masked_cummax3A_956 = arith.xori %select_n3A_951, %masked_cummax3A_955 : vector<16xi32>
      %masked_cummax3A_957 = tpu.scan <max>, %masked_cummax3A_956 masked %broadcast_in_dim3A_953 : vector<16xi32>, vector<16xi1> -> vector<16xi32>
      %masked_cummax3A_958 = arith.xori %masked_cummax3A_957, %masked_cummax3A_955 : vector<16xi32>
      %ge3A_959 = arith.constant 1 : i32
      %ge3A_960 = vector.broadcast %ge3A_959 : i32 to vector<16xi32>
      %ge3A_961 = arith.cmpi sge, %masked_cummax3A_958, %ge3A_960 : vector<16xi32>
      %sub3A_962 = arith.constant 1 : i32
      %sub3A_963 = vector.broadcast %sub3A_962 : i32 to vector<16xi32>
      %sub3A_964 = arith.subi %masked_cummax3A_958, %sub3A_963 : vector<16xi32>
      %max3A_965 = arith.constant 0 : i32
      %max3A_966 = vector.broadcast %max3A_965 : i32 to vector<16xi32>
      %max3A_967 = arith.maxsi %sub3A_964, %max3A_966 : vector<16xi32>
      %broadcast_in_dim3A_968 = vector.shape_cast %max3A_967 : vector<16xi32> to vector<16x1xi32>
      %gather3A_969 = vector.shape_cast %broadcast_in_dim3A_968 : vector<16x1xi32> to vector<16xi32>
      %gather3A_970 = tpu.dynamic_gather %masked_cumsum3A_948[%gather3A_969] in [0] : vector<16xf32>, vector<16xi32> -> vector<16xf32>
      %jit3A_971 = arith.constant 0.000000e+00 : f32
      %broadcast_in_dim3A_972 = vector.broadcast %jit3A_971 : f32 to vector<16xf32>
      %select_n3A_973 = arith.select %ge3A_961, %gather3A_970, %broadcast_in_dim3A_972 : vector<16xi1>, vector<16xf32>
      %ge3A_974 = arith.constant 0 : i32
      %ge3A_975 = vector.broadcast %ge3A_974 : i32 to vector<16xi32>
      %ge3A_976 = arith.cmpi sge, %masked_cummax3A_958, %ge3A_975 : vector<16xi32>
      %sub3A_977 = arith.subf %masked_cumsum3A_948, %select_n3A_973 : vector<16xf32>
      %add3A_978 = arith.addf %masked_cumsum3A_948, %gather3A_928 : vector<16xf32>
      %select_n3A_979 = arith.select %ge3A_976, %sub3A_977, %add3A_978 : vector<16xi1>, vector<16xf32>
      %broadcast_in_dim3A_980 = arith.constant 15 : i32
      %broadcast_in_dim3A_981 = vector.broadcast %broadcast_in_dim3A_980 : i32 to vector<16xi32>
      %broadcast_in_dim3A_982 = vector.shape_cast %broadcast_in_dim3A_981 : vector<16xi32> to vector<16x1xi32>
      %gather3A_983 = vector.shape_cast %broadcast_in_dim3A_982 : vector<16x1xi32> to vector<16xi32>
      %gather3A_984 = tpu.dynamic_gather %select_n3A_979[%gather3A_983] in [0] : vector<16xf32>, vector<16xi32> -> vector<16xf32>
      %exp3A_985 = math.exp %select_n3A_979 : vector<16xf32>
      %swap3A_986 = arith.index_cast %mul3A_937 : i32 to index
      %swap3A_987 = tpu.vector_load %arg7[%swap3A_986] {strides = array<i32>} : memref<16384xf32, #tpu.memory_space<vmem>>, vector<16xf32>,
      tpu.vector_store %arg7[%swap3A_986], %exp3A_985 {strides = array<i32>} : memref<16384xf32, #tpu.memory_space<vmem>>, vector<16xf32>,
      %mul3A_988 = arith.constant 8 : i32
      %mul3A_989 = arith.muli %scan3A_653, %mul3A_988 : i32
      %add3A_990 = arith.constant 6 : i32
      %add3A_991 = arith.addi %mul3A_989, %add3A_990 : i32
      %mul3A_992 = arith.constant 16 : i32
      %mul3A_993 = arith.muli %add3A_991, %mul3A_992 : i32
      %get3A_994 = arith.index_cast %mul3A_993 : i32 to index
      %get3A_995 = tpu.vector_load %arg5[%get3A_994] {strides = array<i32>} : memref<16384xf32, #tpu.memory_space<vmem>>, vector<16xf32>,
      %min3A_996 = arith.constant 0.000000e+00 : f32
      %min3A_997 = vector.broadcast %min3A_996 : f32 to vector<16xf32>
      %min3A_998 = arith.minimumf %get3A_995, %min3A_997 : vector<16xf32>
      %gt3A_999 = arith.constant 5.000000e-01 : f32
      %gt3A_1000 = vector.broadcast %gt3A_999 : f32 to vector<16xf32>
      %gt3A_1001 = arith.cmpf ogt, %get3A_995, %gt3A_1000 : vector<16xf32>
      %broadcast_in_dim3A_1002 = arith.constant true
      %broadcast_in_dim3A_1003 = vector.broadcast %broadcast_in_dim3A_1002 : i1 to vector<16xi1>
      %masked_cumsum3A_1004 = tpu.scan <sum>, %min3A_998 masked %broadcast_in_dim3A_1003 : vector<16xf32>, vector<16xi1> -> vector<16xf32>
      %jit3A_1005 = arith.constant -1 : i32
      %broadcast_in_dim3A_1006 = vector.broadcast %jit3A_1005 : i32 to vector<16xi32>
      %select_n3A_1007 = arith.select %gt3A_1001, %iota3A, %broadcast_in_dim3A_1006 : vector<16xi1>, vector<16xi32>
      %broadcast_in_dim3A_1008 = arith.constant true
      %broadcast_in_dim3A_1009 = vector.broadcast %broadcast_in_dim3A_1008 : i1 to vector<16xi1>
      %masked_cummax3A_1010 = arith.constant -2147483648 : i32
      %masked_cummax3A_1011 = vector.broadcast %masked_cummax3A_1010 : i32 to vector<16xi32>
      %masked_cummax3A_1012 = arith.xori %select_n3A_1007, %masked_cummax3A_1011 : vector<16xi32>
      %masked_cummax3A_1013 = tpu.scan <max>, %masked_cummax3A_1012 masked %broadcast_in_dim3A_1009 : vector<16xi32>, vector<16xi1> -> vector<16xi32>
      %masked_cummax3A_1014 = arith.xori %masked_cummax3A_1013, %masked_cummax3A_1011 : vector<16xi32>
      %ge3A_1015 = arith.constant 1 : i32
      %ge3A_1016 = vector.broadcast %ge3A_1015 : i32 to vector<16xi32>
      %ge3A_1017 = arith.cmpi sge, %masked_cummax3A_1014, %ge3A_1016 : vector<16xi32>
      %sub3A_1018 = arith.constant 1 : i32
      %sub3A_1019 = vector.broadcast %sub3A_1018 : i32 to vector<16xi32>
      %sub3A_1020 = arith.subi %masked_cummax3A_1014, %sub3A_1019 : vector<16xi32>
      %max3A_1021 = arith.constant 0 : i32
      %max3A_1022 = vector.broadcast %max3A_1021 : i32 to vector<16xi32>
      %max3A_1023 = arith.maxsi %sub3A_1020, %max3A_1022 : vector<16xi32>
      %broadcast_in_dim3A_1024 = vector.shape_cast %max3A_1023 : vector<16xi32> to vector<16x1xi32>
      %gather3A_1025 = vector.shape_cast %broadcast_in_dim3A_1024 : vector<16x1xi32> to vector<16xi32>
      %gather3A_1026 = tpu.dynamic_gather %masked_cumsum3A_1004[%gather3A_1025] in [0] : vector<16xf32>, vector<16xi32> -> vector<16xf32>
      %jit3A_1027 = arith.constant 0.000000e+00 : f32
      %broadcast_in_dim3A_1028 = vector.broadcast %jit3A_1027 : f32 to vector<16xf32>
      %select_n3A_1029 = arith.select %ge3A_1017, %gather3A_1026, %broadcast_in_dim3A_1028 : vector<16xi1>, vector<16xf32>
      %ge3A_1030 = arith.constant 0 : i32
      %ge3A_1031 = vector.broadcast %ge3A_1030 : i32 to vector<16xi32>
      %ge3A_1032 = arith.cmpi sge, %masked_cummax3A_1014, %ge3A_1031 : vector<16xi32>
      %sub3A_1033 = arith.subf %masked_cumsum3A_1004, %select_n3A_1029 : vector<16xf32>
      %add3A_1034 = arith.addf %masked_cumsum3A_1004, %gather3A_984 : vector<16xf32>
      %select_n3A_1035 = arith.select %ge3A_1032, %sub3A_1033, %add3A_1034 : vector<16xi1>, vector<16xf32>
      %broadcast_in_dim3A_1036 = arith.constant 15 : i32
      %broadcast_in_dim3A_1037 = vector.broadcast %broadcast_in_dim3A_1036 : i32 to vector<16xi32>
      %broadcast_in_dim3A_1038 = vector.shape_cast %broadcast_in_dim3A_1037 : vector<16xi32> to vector<16x1xi32>
      %gather3A_1039 = vector.shape_cast %broadcast_in_dim3A_1038 : vector<16x1xi32> to vector<16xi32>
      %gather3A_1040 = tpu.dynamic_gather %select_n3A_1035[%gather3A_1039] in [0] : vector<16xf32>, vector<16xi32> -> vector<16xf32>
      %exp3A_1041 = math.exp %select_n3A_1035 : vector<16xf32>
      %swap3A_1042 = arith.index_cast %mul3A_993 : i32 to index
      %swap3A_1043 = tpu.vector_load %arg7[%swap3A_1042] {strides = array<i32>} : memref<16384xf32, #tpu.memory_space<vmem>>, vector<16xf32>,
      tpu.vector_store %arg7[%swap3A_1042], %exp3A_1041 {strides = array<i32>} : memref<16384xf32, #tpu.memory_space<vmem>>, vector<16xf32>,
      %mul3A_1044 = arith.constant 8 : i32
      %mul3A_1045 = arith.muli %scan3A_653, %mul3A_1044 : i32
      %add3A_1046 = arith.constant 7 : i32
      %add3A_1047 = arith.addi %mul3A_1045, %add3A_1046 : i32
      %mul3A_1048 = arith.constant 16 : i32
      %mul3A_1049 = arith.muli %add3A_1047, %mul3A_1048 : i32
      %get3A_1050 = arith.index_cast %mul3A_1049 : i32 to index
      %get3A_1051 = tpu.vector_load %arg5[%get3A_1050] {strides = array<i32>} : memref<16384xf32, #tpu.memory_space<vmem>>, vector<16xf32>,
      %min3A_1052 = arith.constant 0.000000e+00 : f32
      %min3A_1053 = vector.broadcast %min3A_1052 : f32 to vector<16xf32>
      %min3A_1054 = arith.minimumf %get3A_1051, %min3A_1053 : vector<16xf32>
      %gt3A_1055 = arith.constant 5.000000e-01 : f32
      %gt3A_1056 = vector.broadcast %gt3A_1055 : f32 to vector<16xf32>
      %gt3A_1057 = arith.cmpf ogt, %get3A_1051, %gt3A_1056 : vector<16xf32>
      %broadcast_in_dim3A_1058 = arith.constant true
      %broadcast_in_dim3A_1059 = vector.broadcast %broadcast_in_dim3A_1058 : i1 to vector<16xi1>
      %masked_cumsum3A_1060 = tpu.scan <sum>, %min3A_1054 masked %broadcast_in_dim3A_1059 : vector<16xf32>, vector<16xi1> -> vector<16xf32>
      %jit3A_1061 = arith.constant -1 : i32
      %broadcast_in_dim3A_1062 = vector.broadcast %jit3A_1061 : i32 to vector<16xi32>
      %select_n3A_1063 = arith.select %gt3A_1057, %iota3A, %broadcast_in_dim3A_1062 : vector<16xi1>, vector<16xi32>
      %broadcast_in_dim3A_1064 = arith.constant true
      %broadcast_in_dim3A_1065 = vector.broadcast %broadcast_in_dim3A_1064 : i1 to vector<16xi1>
      %masked_cummax3A_1066 = arith.constant -2147483648 : i32
      %masked_cummax3A_1067 = vector.broadcast %masked_cummax3A_1066 : i32 to vector<16xi32>
      %masked_cummax3A_1068 = arith.xori %select_n3A_1063, %masked_cummax3A_1067 : vector<16xi32>
      %masked_cummax3A_1069 = tpu.scan <max>, %masked_cummax3A_1068 masked %broadcast_in_dim3A_1065 : vector<16xi32>, vector<16xi1> -> vector<16xi32>
      %masked_cummax3A_1070 = arith.xori %masked_cummax3A_1069, %masked_cummax3A_1067 : vector<16xi32>
      %ge3A_1071 = arith.constant 1 : i32
      %ge3A_1072 = vector.broadcast %ge3A_1071 : i32 to vector<16xi32>
      %ge3A_1073 = arith.cmpi sge, %masked_cummax3A_1070, %ge3A_1072 : vector<16xi32>
      %sub3A_1074 = arith.constant 1 : i32
      %sub3A_1075 = vector.broadcast %sub3A_1074 : i32 to vector<16xi32>
      %sub3A_1076 = arith.subi %masked_cummax3A_1070, %sub3A_1075 : vector<16xi32>
      %max3A_1077 = arith.constant 0 : i32
      %max3A_1078 = vector.broadcast %max3A_1077 : i32 to vector<16xi32>
      %max3A_1079 = arith.maxsi %sub3A_1076, %max3A_1078 : vector<16xi32>
      %broadcast_in_dim3A_1080 = vector.shape_cast %max3A_1079 : vector<16xi32> to vector<16x1xi32>
      %gather3A_1081 = vector.shape_cast %broadcast_in_dim3A_1080 : vector<16x1xi32> to vector<16xi32>
      %gather3A_1082 = tpu.dynamic_gather %masked_cumsum3A_1060[%gather3A_1081] in [0] : vector<16xf32>, vector<16xi32> -> vector<16xf32>
      %jit3A_1083 = arith.constant 0.000000e+00 : f32
      %broadcast_in_dim3A_1084 = vector.broadcast %jit3A_1083 : f32 to vector<16xf32>
      %select_n3A_1085 = arith.select %ge3A_1073, %gather3A_1082, %broadcast_in_dim3A_1084 : vector<16xi1>, vector<16xf32>
      %ge3A_1086 = arith.constant 0 : i32
      %ge3A_1087 = vector.broadcast %ge3A_1086 : i32 to vector<16xi32>
      %ge3A_1088 = arith.cmpi sge, %masked_cummax3A_1070, %ge3A_1087 : vector<16xi32>
      %sub3A_1089 = arith.subf %masked_cumsum3A_1060, %select_n3A_1085 : vector<16xf32>
      %add3A_1090 = arith.addf %masked_cumsum3A_1060, %gather3A_1040 : vector<16xf32>
      %select_n3A_1091 = arith.select %ge3A_1088, %sub3A_1089, %add3A_1090 : vector<16xi1>, vector<16xf32>
      %broadcast_in_dim3A_1092 = arith.constant 15 : i32
      %broadcast_in_dim3A_1093 = vector.broadcast %broadcast_in_dim3A_1092 : i32 to vector<16xi32>
      %broadcast_in_dim3A_1094 = vector.shape_cast %broadcast_in_dim3A_1093 : vector<16xi32> to vector<16x1xi32>
      %gather3A_1095 = vector.shape_cast %broadcast_in_dim3A_1094 : vector<16x1xi32> to vector<16xi32>
      %gather3A_1096 = tpu.dynamic_gather %select_n3A_1091[%gather3A_1095] in [0] : vector<16xf32>, vector<16xi32> -> vector<16xf32>
      %exp3A_1097 = math.exp %select_n3A_1091 : vector<16xf32>
      %swap3A_1098 = arith.index_cast %mul3A_1049 : i32 to index
      %swap3A_1099 = tpu.vector_load %arg7[%swap3A_1098] {strides = array<i32>} : memref<16384xf32, #tpu.memory_space<vmem>>, vector<16xf32>,
      tpu.vector_store %arg7[%swap3A_1098], %exp3A_1097 {strides = array<i32>} : memref<16384xf32, #tpu.memory_space<vmem>>, vector<16xf32>,
      scf.yield %gather3A_1096 : vector<16xf32>
    }
    %scan3A_630 = arith.constant 128 : i32
    %add3A_631 = arith.constant 32768 : i32
    %add3A_632 = arith.addi %mul3A_2, %add3A_631 : i32
    %dma_start3A_633 = tpu.memref_slice %arg4[%add3A_632] : memref<2097152xf32, #tpu.memory_space<hbm>> -> memref<16384xf32, #tpu.memory_space<hbm>>
    %dma_start3A_634 = tpu.memref_slice %arg4[%add3A_632] : memref<2097152xf32, #tpu.memory_space<hbm>> -> memref<16384xf32, #tpu.memory_space<hbm>>
    tpu.enqueue_dma source(%arg7 : memref<16384xf32, #tpu.memory_space<vmem>>) target(%dma_start3A_634 : memref<16384xf32, #tpu.memory_space<hbm>>) target_semaphore(%arg11 : memref<!tpu.dma_semaphore, #tpu.memory_space<semaphore_mem>>)
    %dma_wait3A_635 = tpu.memref_slice %arg2[%add3A_618] : memref<2097152xf32, #tpu.memory_space<hbm>> -> memref<16384xf32, #tpu.memory_space<hbm>>
    %dma_wait3A_636 = tpu.memref_slice %arg2[%add3A_618] : memref<2097152xf32, #tpu.memory_space<hbm>> -> memref<16384xf32, #tpu.memory_space<hbm>>
    tpu.wait_dma2 semaphore(%arg10 : memref<!tpu.dma_semaphore, #tpu.memory_space<semaphore_mem>>) src(%dma_wait3A_636 : memref<16384xf32, #tpu.memory_space<hbm>>) dst(%arg6 : memref<16384xf32, #tpu.memory_space<vmem>>)
    %dma_wait3A_637 = tpu.memref_slice %arg4[%add3A_614] : memref<2097152xf32, #tpu.memory_space<hbm>> -> memref<16384xf32, #tpu.memory_space<hbm>>
    %dma_wait3A_638 = tpu.memref_slice %arg4[%add3A_614] : memref<2097152xf32, #tpu.memory_space<hbm>> -> memref<16384xf32, #tpu.memory_space<hbm>>
    tpu.wait_dma2 semaphore(%arg11 : memref<!tpu.dma_semaphore, #tpu.memory_space<semaphore_mem>>) src(%arg8 : memref<16384xf32, #tpu.memory_space<vmem>>) dst(%dma_wait3A_638 : memref<16384xf32, #tpu.memory_space<hbm>>)
    %scan3A_639 = arith.constant 0 : i32
    %scan3A_640 = arith.constant 128 : i32
    %scan3A_641 = arith.addi %scan3A_639, %scan3A_640 : i32
    %scan3A_642 = arith.constant 1 : i32
    %scan3A_643 = scf.for %scan3A_653 = %scan3A_639 to %scan3A_641 step %scan3A_642 iter_args(%scan3A_654 = %scan3A_629) -> (vector<16xf32>)  : i32 {
      %mul3A_655 = arith.constant 8 : i32
      %mul3A_656 = arith.muli %scan3A_653, %mul3A_655 : i32
      %add3A_657 = arith.constant 0 : i32
      %add3A_658 = arith.addi %mul3A_656, %add3A_657 : i32
      %mul3A_659 = arith.constant 16 : i32
      %mul3A_660 = arith.muli %add3A_658, %mul3A_659 : i32
      %get3A = arith.index_cast %mul3A_660 : i32 to index
      %get3A_661 = tpu.vector_load %arg6[%get3A] {strides = array<i32>} : memref<16384xf32, #tpu.memory_space<vmem>>, vector<16xf32>,
      %min3A_662 = arith.constant 0.000000e+00 : f32
      %min3A_663 = vector.broadcast %min3A_662 : f32 to vector<16xf32>
      %min3A_664 = arith.minimumf %get3A_661, %min3A_663 : vector<16xf32>
      %gt3A_665 = arith.constant 5.000000e-01 : f32
      %gt3A_666 = vector.broadcast %gt3A_665 : f32 to vector<16xf32>
      %gt3A_667 = arith.cmpf ogt, %get3A_661, %gt3A_666 : vector<16xf32>
      %broadcast_in_dim3A_668 = arith.constant true
      %broadcast_in_dim3A_669 = vector.broadcast %broadcast_in_dim3A_668 : i1 to vector<16xi1>
      %masked_cumsum3A_670 = tpu.scan <sum>, %min3A_664 masked %broadcast_in_dim3A_669 : vector<16xf32>, vector<16xi1> -> vector<16xf32>
      %jit3A_671 = arith.constant -1 : i32
      %broadcast_in_dim3A_672 = vector.broadcast %jit3A_671 : i32 to vector<16xi32>
      %select_n3A_673 = arith.select %gt3A_667, %iota3A, %broadcast_in_dim3A_672 : vector<16xi1>, vector<16xi32>
      %broadcast_in_dim3A_674 = arith.constant true
      %broadcast_in_dim3A_675 = vector.broadcast %broadcast_in_dim3A_674 : i1 to vector<16xi1>
      %masked_cummax3A_676 = arith.constant -2147483648 : i32
      %masked_cummax3A_677 = vector.broadcast %masked_cummax3A_676 : i32 to vector<16xi32>
      %masked_cummax3A_678 = arith.xori %select_n3A_673, %masked_cummax3A_677 : vector<16xi32>
      %masked_cummax3A_679 = tpu.scan <max>, %masked_cummax3A_678 masked %broadcast_in_dim3A_675 : vector<16xi32>, vector<16xi1> -> vector<16xi32>
      %masked_cummax3A_680 = arith.xori %masked_cummax3A_679, %masked_cummax3A_677 : vector<16xi32>
      %ge3A_681 = arith.constant 1 : i32
      %ge3A_682 = vector.broadcast %ge3A_681 : i32 to vector<16xi32>
      %ge3A_683 = arith.cmpi sge, %masked_cummax3A_680, %ge3A_682 : vector<16xi32>
      %sub3A_684 = arith.constant 1 : i32
      %sub3A_685 = vector.broadcast %sub3A_684 : i32 to vector<16xi32>
      %sub3A_686 = arith.subi %masked_cummax3A_680, %sub3A_685 : vector<16xi32>
      %max3A_687 = arith.constant 0 : i32
      %max3A_688 = vector.broadcast %max3A_687 : i32 to vector<16xi32>
      %max3A_689 = arith.maxsi %sub3A_686, %max3A_688 : vector<16xi32>
      %broadcast_in_dim3A_690 = vector.shape_cast %max3A_689 : vector<16xi32> to vector<16x1xi32>
      %gather3A_691 = vector.shape_cast %broadcast_in_dim3A_690 : vector<16x1xi32> to vector<16xi32>
      %gather3A_692 = tpu.dynamic_gather %masked_cumsum3A_670[%gather3A_691] in [0] : vector<16xf32>, vector<16xi32> -> vector<16xf32>
      %jit3A_693 = arith.constant 0.000000e+00 : f32
      %broadcast_in_dim3A_694 = vector.broadcast %jit3A_693 : f32 to vector<16xf32>
      %select_n3A_695 = arith.select %ge3A_683, %gather3A_692, %broadcast_in_dim3A_694 : vector<16xi1>, vector<16xf32>
      %ge3A_696 = arith.constant 0 : i32
      %ge3A_697 = vector.broadcast %ge3A_696 : i32 to vector<16xi32>
      %ge3A_698 = arith.cmpi sge, %masked_cummax3A_680, %ge3A_697 : vector<16xi32>
      %sub3A_699 = arith.subf %masked_cumsum3A_670, %select_n3A_695 : vector<16xf32>
      %add3A_700 = arith.addf %masked_cumsum3A_670, %scan3A_654 : vector<16xf32>
      %select_n3A_701 = arith.select %ge3A_698, %sub3A_699, %add3A_700 : vector<16xi1>, vector<16xf32>
      %broadcast_in_dim3A_702 = arith.constant 15 : i32
      %broadcast_in_dim3A_703 = vector.broadcast %broadcast_in_dim3A_702 : i32 to vector<16xi32>
      %broadcast_in_dim3A_704 = vector.shape_cast %broadcast_in_dim3A_703 : vector<16xi32> to vector<16x1xi32>
      %gather3A_705 = vector.shape_cast %broadcast_in_dim3A_704 : vector<16x1xi32> to vector<16xi32>
      %gather3A_706 = tpu.dynamic_gather %select_n3A_701[%gather3A_705] in [0] : vector<16xf32>, vector<16xi32> -> vector<16xf32>
      %exp3A = math.exp %select_n3A_701 : vector<16xf32>
      %swap3A = arith.index_cast %mul3A_660 : i32 to index
      %swap3A_707 = tpu.vector_load %arg8[%swap3A] {strides = array<i32>} : memref<16384xf32, #tpu.memory_space<vmem>>, vector<16xf32>,
      tpu.vector_store %arg8[%swap3A], %exp3A {strides = array<i32>} : memref<16384xf32, #tpu.memory_space<vmem>>, vector<16xf32>,
      %mul3A_708 = arith.constant 8 : i32
      %mul3A_709 = arith.muli %scan3A_653, %mul3A_708 : i32
      %add3A_710 = arith.constant 1 : i32
      %add3A_711 = arith.addi %mul3A_709, %add3A_710 : i32
      %mul3A_712 = arith.constant 16 : i32
      %mul3A_713 = arith.muli %add3A_711, %mul3A_712 : i32
      %get3A_714 = arith.index_cast %mul3A_713 : i32 to index
      %get3A_715 = tpu.vector_load %arg6[%get3A_714] {strides = array<i32>} : memref<16384xf32, #tpu.memory_space<vmem>>, vector<16xf32>,
      %min3A_716 = arith.constant 0.000000e+00 : f32
      %min3A_717 = vector.broadcast %min3A_716 : f32 to vector<16xf32>
      %min3A_718 = arith.minimumf %get3A_715, %min3A_717 : vector<16xf32>
      %gt3A_719 = arith.constant 5.000000e-01 : f32
      %gt3A_720 = vector.broadcast %gt3A_719 : f32 to vector<16xf32>
      %gt3A_721 = arith.cmpf ogt, %get3A_715, %gt3A_720 : vector<16xf32>
      %broadcast_in_dim3A_722 = arith.constant true
      %broadcast_in_dim3A_723 = vector.broadcast %broadcast_in_dim3A_722 : i1 to vector<16xi1>
      %masked_cumsum3A_724 = tpu.scan <sum>, %min3A_718 masked %broadcast_in_dim3A_723 : vector<16xf32>, vector<16xi1> -> vector<16xf32>
      %jit3A_725 = arith.constant -1 : i32
      %broadcast_in_dim3A_726 = vector.broadcast %jit3A_725 : i32 to vector<16xi32>
      %select_n3A_727 = arith.select %gt3A_721, %iota3A, %broadcast_in_dim3A_726 : vector<16xi1>, vector<16xi32>
      %broadcast_in_dim3A_728 = arith.constant true
      %broadcast_in_dim3A_729 = vector.broadcast %broadcast_in_dim3A_728 : i1 to vector<16xi1>
      %masked_cummax3A_730 = arith.constant -2147483648 : i32
      %masked_cummax3A_731 = vector.broadcast %masked_cummax3A_730 : i32 to vector<16xi32>
      %masked_cummax3A_732 = arith.xori %select_n3A_727, %masked_cummax3A_731 : vector<16xi32>
      %masked_cummax3A_733 = tpu.scan <max>, %masked_cummax3A_732 masked %broadcast_in_dim3A_729 : vector<16xi32>, vector<16xi1> -> vector<16xi32>
      %masked_cummax3A_734 = arith.xori %masked_cummax3A_733, %masked_cummax3A_731 : vector<16xi32>
      %ge3A_735 = arith.constant 1 : i32
      %ge3A_736 = vector.broadcast %ge3A_735 : i32 to vector<16xi32>
      %ge3A_737 = arith.cmpi sge, %masked_cummax3A_734, %ge3A_736 : vector<16xi32>
      %sub3A_738 = arith.constant 1 : i32
      %sub3A_739 = vector.broadcast %sub3A_738 : i32 to vector<16xi32>
      %sub3A_740 = arith.subi %masked_cummax3A_734, %sub3A_739 : vector<16xi32>
      %max3A_741 = arith.constant 0 : i32
      %max3A_742 = vector.broadcast %max3A_741 : i32 to vector<16xi32>
      %max3A_743 = arith.maxsi %sub3A_740, %max3A_742 : vector<16xi32>
      %broadcast_in_dim3A_744 = vector.shape_cast %max3A_743 : vector<16xi32> to vector<16x1xi32>
      %gather3A_745 = vector.shape_cast %broadcast_in_dim3A_744 : vector<16x1xi32> to vector<16xi32>
      %gather3A_746 = tpu.dynamic_gather %masked_cumsum3A_724[%gather3A_745] in [0] : vector<16xf32>, vector<16xi32> -> vector<16xf32>
      %jit3A_747 = arith.constant 0.000000e+00 : f32
      %broadcast_in_dim3A_748 = vector.broadcast %jit3A_747 : f32 to vector<16xf32>
      %select_n3A_749 = arith.select %ge3A_737, %gather3A_746, %broadcast_in_dim3A_748 : vector<16xi1>, vector<16xf32>
      %ge3A_750 = arith.constant 0 : i32
      %ge3A_751 = vector.broadcast %ge3A_750 : i32 to vector<16xi32>
      %ge3A_752 = arith.cmpi sge, %masked_cummax3A_734, %ge3A_751 : vector<16xi32>
      %sub3A_753 = arith.subf %masked_cumsum3A_724, %select_n3A_749 : vector<16xf32>
      %add3A_754 = arith.addf %masked_cumsum3A_724, %gather3A_706 : vector<16xf32>
      %select_n3A_755 = arith.select %ge3A_752, %sub3A_753, %add3A_754 : vector<16xi1>, vector<16xf32>
      %broadcast_in_dim3A_756 = arith.constant 15 : i32
      %broadcast_in_dim3A_757 = vector.broadcast %broadcast_in_dim3A_756 : i32 to vector<16xi32>
      %broadcast_in_dim3A_758 = vector.shape_cast %broadcast_in_dim3A_757 : vector<16xi32> to vector<16x1xi32>
      %gather3A_759 = vector.shape_cast %broadcast_in_dim3A_758 : vector<16x1xi32> to vector<16xi32>
      %gather3A_760 = tpu.dynamic_gather %select_n3A_755[%gather3A_759] in [0] : vector<16xf32>, vector<16xi32> -> vector<16xf32>
      %exp3A_761 = math.exp %select_n3A_755 : vector<16xf32>
      %swap3A_762 = arith.index_cast %mul3A_713 : i32 to index
      %swap3A_763 = tpu.vector_load %arg8[%swap3A_762] {strides = array<i32>} : memref<16384xf32, #tpu.memory_space<vmem>>, vector<16xf32>,
      tpu.vector_store %arg8[%swap3A_762], %exp3A_761 {strides = array<i32>} : memref<16384xf32, #tpu.memory_space<vmem>>, vector<16xf32>,
      %mul3A_764 = arith.constant 8 : i32
      %mul3A_765 = arith.muli %scan3A_653, %mul3A_764 : i32
      %add3A_766 = arith.constant 2 : i32
      %add3A_767 = arith.addi %mul3A_765, %add3A_766 : i32
      %mul3A_768 = arith.constant 16 : i32
      %mul3A_769 = arith.muli %add3A_767, %mul3A_768 : i32
      %get3A_770 = arith.index_cast %mul3A_769 : i32 to index
      %get3A_771 = tpu.vector_load %arg6[%get3A_770] {strides = array<i32>} : memref<16384xf32, #tpu.memory_space<vmem>>, vector<16xf32>,
      %min3A_772 = arith.constant 0.000000e+00 : f32
      %min3A_773 = vector.broadcast %min3A_772 : f32 to vector<16xf32>
      %min3A_774 = arith.minimumf %get3A_771, %min3A_773 : vector<16xf32>
      %gt3A_775 = arith.constant 5.000000e-01 : f32
      %gt3A_776 = vector.broadcast %gt3A_775 : f32 to vector<16xf32>
      %gt3A_777 = arith.cmpf ogt, %get3A_771, %gt3A_776 : vector<16xf32>
      %broadcast_in_dim3A_778 = arith.constant true
      %broadcast_in_dim3A_779 = vector.broadcast %broadcast_in_dim3A_778 : i1 to vector<16xi1>
      %masked_cumsum3A_780 = tpu.scan <sum>, %min3A_774 masked %broadcast_in_dim3A_779 : vector<16xf32>, vector<16xi1> -> vector<16xf32>
      %jit3A_781 = arith.constant -1 : i32
      %broadcast_in_dim3A_782 = vector.broadcast %jit3A_781 : i32 to vector<16xi32>
      %select_n3A_783 = arith.select %gt3A_777, %iota3A, %broadcast_in_dim3A_782 : vector<16xi1>, vector<16xi32>
      %broadcast_in_dim3A_784 = arith.constant true
      %broadcast_in_dim3A_785 = vector.broadcast %broadcast_in_dim3A_784 : i1 to vector<16xi1>
      %masked_cummax3A_786 = arith.constant -2147483648 : i32
      %masked_cummax3A_787 = vector.broadcast %masked_cummax3A_786 : i32 to vector<16xi32>
      %masked_cummax3A_788 = arith.xori %select_n3A_783, %masked_cummax3A_787 : vector<16xi32>
      %masked_cummax3A_789 = tpu.scan <max>, %masked_cummax3A_788 masked %broadcast_in_dim3A_785 : vector<16xi32>, vector<16xi1> -> vector<16xi32>
      %masked_cummax3A_790 = arith.xori %masked_cummax3A_789, %masked_cummax3A_787 : vector<16xi32>
      %ge3A_791 = arith.constant 1 : i32
      %ge3A_792 = vector.broadcast %ge3A_791 : i32 to vector<16xi32>
      %ge3A_793 = arith.cmpi sge, %masked_cummax3A_790, %ge3A_792 : vector<16xi32>
      %sub3A_794 = arith.constant 1 : i32
      %sub3A_795 = vector.broadcast %sub3A_794 : i32 to vector<16xi32>
      %sub3A_796 = arith.subi %masked_cummax3A_790, %sub3A_795 : vector<16xi32>
      %max3A_797 = arith.constant 0 : i32
      %max3A_798 = vector.broadcast %max3A_797 : i32 to vector<16xi32>
      %max3A_799 = arith.maxsi %sub3A_796, %max3A_798 : vector<16xi32>
      %broadcast_in_dim3A_800 = vector.shape_cast %max3A_799 : vector<16xi32> to vector<16x1xi32>
      %gather3A_801 = vector.shape_cast %broadcast_in_dim3A_800 : vector<16x1xi32> to vector<16xi32>
      %gather3A_802 = tpu.dynamic_gather %masked_cumsum3A_780[%gather3A_801] in [0] : vector<16xf32>, vector<16xi32> -> vector<16xf32>
      %jit3A_803 = arith.constant 0.000000e+00 : f32
      %broadcast_in_dim3A_804 = vector.broadcast %jit3A_803 : f32 to vector<16xf32>
      %select_n3A_805 = arith.select %ge3A_793, %gather3A_802, %broadcast_in_dim3A_804 : vector<16xi1>, vector<16xf32>
      %ge3A_806 = arith.constant 0 : i32
      %ge3A_807 = vector.broadcast %ge3A_806 : i32 to vector<16xi32>
      %ge3A_808 = arith.cmpi sge, %masked_cummax3A_790, %ge3A_807 : vector<16xi32>
      %sub3A_809 = arith.subf %masked_cumsum3A_780, %select_n3A_805 : vector<16xf32>
      %add3A_810 = arith.addf %masked_cumsum3A_780, %gather3A_760 : vector<16xf32>
      %select_n3A_811 = arith.select %ge3A_808, %sub3A_809, %add3A_810 : vector<16xi1>, vector<16xf32>
      %broadcast_in_dim3A_812 = arith.constant 15 : i32
      %broadcast_in_dim3A_813 = vector.broadcast %broadcast_in_dim3A_812 : i32 to vector<16xi32>
      %broadcast_in_dim3A_814 = vector.shape_cast %broadcast_in_dim3A_813 : vector<16xi32> to vector<16x1xi32>
      %gather3A_815 = vector.shape_cast %broadcast_in_dim3A_814 : vector<16x1xi32> to vector<16xi32>
      %gather3A_816 = tpu.dynamic_gather %select_n3A_811[%gather3A_815] in [0] : vector<16xf32>, vector<16xi32> -> vector<16xf32>
      %exp3A_817 = math.exp %select_n3A_811 : vector<16xf32>
      %swap3A_818 = arith.index_cast %mul3A_769 : i32 to index
      %swap3A_819 = tpu.vector_load %arg8[%swap3A_818] {strides = array<i32>} : memref<16384xf32, #tpu.memory_space<vmem>>, vector<16xf32>,
      tpu.vector_store %arg8[%swap3A_818], %exp3A_817 {strides = array<i32>} : memref<16384xf32, #tpu.memory_space<vmem>>, vector<16xf32>,
      %mul3A_820 = arith.constant 8 : i32
      %mul3A_821 = arith.muli %scan3A_653, %mul3A_820 : i32
      %add3A_822 = arith.constant 3 : i32
      %add3A_823 = arith.addi %mul3A_821, %add3A_822 : i32
      %mul3A_824 = arith.constant 16 : i32
      %mul3A_825 = arith.muli %add3A_823, %mul3A_824 : i32
      %get3A_826 = arith.index_cast %mul3A_825 : i32 to index
      %get3A_827 = tpu.vector_load %arg6[%get3A_826] {strides = array<i32>} : memref<16384xf32, #tpu.memory_space<vmem>>, vector<16xf32>,
      %min3A_828 = arith.constant 0.000000e+00 : f32
      %min3A_829 = vector.broadcast %min3A_828 : f32 to vector<16xf32>
      %min3A_830 = arith.minimumf %get3A_827, %min3A_829 : vector<16xf32>
      %gt3A_831 = arith.constant 5.000000e-01 : f32
      %gt3A_832 = vector.broadcast %gt3A_831 : f32 to vector<16xf32>
      %gt3A_833 = arith.cmpf ogt, %get3A_827, %gt3A_832 : vector<16xf32>
      %broadcast_in_dim3A_834 = arith.constant true
      %broadcast_in_dim3A_835 = vector.broadcast %broadcast_in_dim3A_834 : i1 to vector<16xi1>
      %masked_cumsum3A_836 = tpu.scan <sum>, %min3A_830 masked %broadcast_in_dim3A_835 : vector<16xf32>, vector<16xi1> -> vector<16xf32>
      %jit3A_837 = arith.constant -1 : i32
      %broadcast_in_dim3A_838 = vector.broadcast %jit3A_837 : i32 to vector<16xi32>
      %select_n3A_839 = arith.select %gt3A_833, %iota3A, %broadcast_in_dim3A_838 : vector<16xi1>, vector<16xi32>
      %broadcast_in_dim3A_840 = arith.constant true
      %broadcast_in_dim3A_841 = vector.broadcast %broadcast_in_dim3A_840 : i1 to vector<16xi1>
      %masked_cummax3A_842 = arith.constant -2147483648 : i32
      %masked_cummax3A_843 = vector.broadcast %masked_cummax3A_842 : i32 to vector<16xi32>
      %masked_cummax3A_844 = arith.xori %select_n3A_839, %masked_cummax3A_843 : vector<16xi32>
      %masked_cummax3A_845 = tpu.scan <max>, %masked_cummax3A_844 masked %broadcast_in_dim3A_841 : vector<16xi32>, vector<16xi1> -> vector<16xi32>
      %masked_cummax3A_846 = arith.xori %masked_cummax3A_845, %masked_cummax3A_843 : vector<16xi32>
      %ge3A_847 = arith.constant 1 : i32
      %ge3A_848 = vector.broadcast %ge3A_847 : i32 to vector<16xi32>
      %ge3A_849 = arith.cmpi sge, %masked_cummax3A_846, %ge3A_848 : vector<16xi32>
      %sub3A_850 = arith.constant 1 : i32
      %sub3A_851 = vector.broadcast %sub3A_850 : i32 to vector<16xi32>
      %sub3A_852 = arith.subi %masked_cummax3A_846, %sub3A_851 : vector<16xi32>
      %max3A_853 = arith.constant 0 : i32
      %max3A_854 = vector.broadcast %max3A_853 : i32 to vector<16xi32>
      %max3A_855 = arith.maxsi %sub3A_852, %max3A_854 : vector<16xi32>
      %broadcast_in_dim3A_856 = vector.shape_cast %max3A_855 : vector<16xi32> to vector<16x1xi32>
      %gather3A_857 = vector.shape_cast %broadcast_in_dim3A_856 : vector<16x1xi32> to vector<16xi32>
      %gather3A_858 = tpu.dynamic_gather %masked_cumsum3A_836[%gather3A_857] in [0] : vector<16xf32>, vector<16xi32> -> vector<16xf32>
      %jit3A_859 = arith.constant 0.000000e+00 : f32
      %broadcast_in_dim3A_860 = vector.broadcast %jit3A_859 : f32 to vector<16xf32>
      %select_n3A_861 = arith.select %ge3A_849, %gather3A_858, %broadcast_in_dim3A_860 : vector<16xi1>, vector<16xf32>
      %ge3A_862 = arith.constant 0 : i32
      %ge3A_863 = vector.broadcast %ge3A_862 : i32 to vector<16xi32>
      %ge3A_864 = arith.cmpi sge, %masked_cummax3A_846, %ge3A_863 : vector<16xi32>
      %sub3A_865 = arith.subf %masked_cumsum3A_836, %select_n3A_861 : vector<16xf32>
      %add3A_866 = arith.addf %masked_cumsum3A_836, %gather3A_816 : vector<16xf32>
      %select_n3A_867 = arith.select %ge3A_864, %sub3A_865, %add3A_866 : vector<16xi1>, vector<16xf32>
      %broadcast_in_dim3A_868 = arith.constant 15 : i32
      %broadcast_in_dim3A_869 = vector.broadcast %broadcast_in_dim3A_868 : i32 to vector<16xi32>
      %broadcast_in_dim3A_870 = vector.shape_cast %broadcast_in_dim3A_869 : vector<16xi32> to vector<16x1xi32>
      %gather3A_871 = vector.shape_cast %broadcast_in_dim3A_870 : vector<16x1xi32> to vector<16xi32>
      %gather3A_872 = tpu.dynamic_gather %select_n3A_867[%gather3A_871] in [0] : vector<16xf32>, vector<16xi32> -> vector<16xf32>
      %exp3A_873 = math.exp %select_n3A_867 : vector<16xf32>
      %swap3A_874 = arith.index_cast %mul3A_825 : i32 to index
      %swap3A_875 = tpu.vector_load %arg8[%swap3A_874] {strides = array<i32>} : memref<16384xf32, #tpu.memory_space<vmem>>, vector<16xf32>,
      tpu.vector_store %arg8[%swap3A_874], %exp3A_873 {strides = array<i32>} : memref<16384xf32, #tpu.memory_space<vmem>>, vector<16xf32>,
      %mul3A_876 = arith.constant 8 : i32
      %mul3A_877 = arith.muli %scan3A_653, %mul3A_876 : i32
      %add3A_878 = arith.constant 4 : i32
      %add3A_879 = arith.addi %mul3A_877, %add3A_878 : i32
      %mul3A_880 = arith.constant 16 : i32
      %mul3A_881 = arith.muli %add3A_879, %mul3A_880 : i32
      %get3A_882 = arith.index_cast %mul3A_881 : i32 to index
      %get3A_883 = tpu.vector_load %arg6[%get3A_882] {strides = array<i32>} : memref<16384xf32, #tpu.memory_space<vmem>>, vector<16xf32>,
      %min3A_884 = arith.constant 0.000000e+00 : f32
      %min3A_885 = vector.broadcast %min3A_884 : f32 to vector<16xf32>
      %min3A_886 = arith.minimumf %get3A_883, %min3A_885 : vector<16xf32>
      %gt3A_887 = arith.constant 5.000000e-01 : f32
      %gt3A_888 = vector.broadcast %gt3A_887 : f32 to vector<16xf32>
      %gt3A_889 = arith.cmpf ogt, %get3A_883, %gt3A_888 : vector<16xf32>
      %broadcast_in_dim3A_890 = arith.constant true
      %broadcast_in_dim3A_891 = vector.broadcast %broadcast_in_dim3A_890 : i1 to vector<16xi1>
      %masked_cumsum3A_892 = tpu.scan <sum>, %min3A_886 masked %broadcast_in_dim3A_891 : vector<16xf32>, vector<16xi1> -> vector<16xf32>
      %jit3A_893 = arith.constant -1 : i32
      %broadcast_in_dim3A_894 = vector.broadcast %jit3A_893 : i32 to vector<16xi32>
      %select_n3A_895 = arith.select %gt3A_889, %iota3A, %broadcast_in_dim3A_894 : vector<16xi1>, vector<16xi32>
      %broadcast_in_dim3A_896 = arith.constant true
      %broadcast_in_dim3A_897 = vector.broadcast %broadcast_in_dim3A_896 : i1 to vector<16xi1>
      %masked_cummax3A_898 = arith.constant -2147483648 : i32
      %masked_cummax3A_899 = vector.broadcast %masked_cummax3A_898 : i32 to vector<16xi32>
      %masked_cummax3A_900 = arith.xori %select_n3A_895, %masked_cummax3A_899 : vector<16xi32>
      %masked_cummax3A_901 = tpu.scan <max>, %masked_cummax3A_900 masked %broadcast_in_dim3A_897 : vector<16xi32>, vector<16xi1> -> vector<16xi32>
      %masked_cummax3A_902 = arith.xori %masked_cummax3A_901, %masked_cummax3A_899 : vector<16xi32>
      %ge3A_903 = arith.constant 1 : i32
      %ge3A_904 = vector.broadcast %ge3A_903 : i32 to vector<16xi32>
      %ge3A_905 = arith.cmpi sge, %masked_cummax3A_902, %ge3A_904 : vector<16xi32>
      %sub3A_906 = arith.constant 1 : i32
      %sub3A_907 = vector.broadcast %sub3A_906 : i32 to vector<16xi32>
      %sub3A_908 = arith.subi %masked_cummax3A_902, %sub3A_907 : vector<16xi32>
      %max3A_909 = arith.constant 0 : i32
      %max3A_910 = vector.broadcast %max3A_909 : i32 to vector<16xi32>
      %max3A_911 = arith.maxsi %sub3A_908, %max3A_910 : vector<16xi32>
      %broadcast_in_dim3A_912 = vector.shape_cast %max3A_911 : vector<16xi32> to vector<16x1xi32>
      %gather3A_913 = vector.shape_cast %broadcast_in_dim3A_912 : vector<16x1xi32> to vector<16xi32>
      %gather3A_914 = tpu.dynamic_gather %masked_cumsum3A_892[%gather3A_913] in [0] : vector<16xf32>, vector<16xi32> -> vector<16xf32>
      %jit3A_915 = arith.constant 0.000000e+00 : f32
      %broadcast_in_dim3A_916 = vector.broadcast %jit3A_915 : f32 to vector<16xf32>
      %select_n3A_917 = arith.select %ge3A_905, %gather3A_914, %broadcast_in_dim3A_916 : vector<16xi1>, vector<16xf32>
      %ge3A_918 = arith.constant 0 : i32
      %ge3A_919 = vector.broadcast %ge3A_918 : i32 to vector<16xi32>
      %ge3A_920 = arith.cmpi sge, %masked_cummax3A_902, %ge3A_919 : vector<16xi32>
      %sub3A_921 = arith.subf %masked_cumsum3A_892, %select_n3A_917 : vector<16xf32>
      %add3A_922 = arith.addf %masked_cumsum3A_892, %gather3A_872 : vector<16xf32>
      %select_n3A_923 = arith.select %ge3A_920, %sub3A_921, %add3A_922 : vector<16xi1>, vector<16xf32>
      %broadcast_in_dim3A_924 = arith.constant 15 : i32
      %broadcast_in_dim3A_925 = vector.broadcast %broadcast_in_dim3A_924 : i32 to vector<16xi32>
      %broadcast_in_dim3A_926 = vector.shape_cast %broadcast_in_dim3A_925 : vector<16xi32> to vector<16x1xi32>
      %gather3A_927 = vector.shape_cast %broadcast_in_dim3A_926 : vector<16x1xi32> to vector<16xi32>
      %gather3A_928 = tpu.dynamic_gather %select_n3A_923[%gather3A_927] in [0] : vector<16xf32>, vector<16xi32> -> vector<16xf32>
      %exp3A_929 = math.exp %select_n3A_923 : vector<16xf32>
      %swap3A_930 = arith.index_cast %mul3A_881 : i32 to index
      %swap3A_931 = tpu.vector_load %arg8[%swap3A_930] {strides = array<i32>} : memref<16384xf32, #tpu.memory_space<vmem>>, vector<16xf32>,
      tpu.vector_store %arg8[%swap3A_930], %exp3A_929 {strides = array<i32>} : memref<16384xf32, #tpu.memory_space<vmem>>, vector<16xf32>,
      %mul3A_932 = arith.constant 8 : i32
      %mul3A_933 = arith.muli %scan3A_653, %mul3A_932 : i32
      %add3A_934 = arith.constant 5 : i32
      %add3A_935 = arith.addi %mul3A_933, %add3A_934 : i32
      %mul3A_936 = arith.constant 16 : i32
      %mul3A_937 = arith.muli %add3A_935, %mul3A_936 : i32
      %get3A_938 = arith.index_cast %mul3A_937 : i32 to index
      %get3A_939 = tpu.vector_load %arg6[%get3A_938] {strides = array<i32>} : memref<16384xf32, #tpu.memory_space<vmem>>, vector<16xf32>,
      %min3A_940 = arith.constant 0.000000e+00 : f32
      %min3A_941 = vector.broadcast %min3A_940 : f32 to vector<16xf32>
      %min3A_942 = arith.minimumf %get3A_939, %min3A_941 : vector<16xf32>
      %gt3A_943 = arith.constant 5.000000e-01 : f32
      %gt3A_944 = vector.broadcast %gt3A_943 : f32 to vector<16xf32>
      %gt3A_945 = arith.cmpf ogt, %get3A_939, %gt3A_944 : vector<16xf32>
      %broadcast_in_dim3A_946 = arith.constant true
      %broadcast_in_dim3A_947 = vector.broadcast %broadcast_in_dim3A_946 : i1 to vector<16xi1>
      %masked_cumsum3A_948 = tpu.scan <sum>, %min3A_942 masked %broadcast_in_dim3A_947 : vector<16xf32>, vector<16xi1> -> vector<16xf32>
      %jit3A_949 = arith.constant -1 : i32
      %broadcast_in_dim3A_950 = vector.broadcast %jit3A_949 : i32 to vector<16xi32>
      %select_n3A_951 = arith.select %gt3A_945, %iota3A, %broadcast_in_dim3A_950 : vector<16xi1>, vector<16xi32>
      %broadcast_in_dim3A_952 = arith.constant true
      %broadcast_in_dim3A_953 = vector.broadcast %broadcast_in_dim3A_952 : i1 to vector<16xi1>
      %masked_cummax3A_954 = arith.constant -2147483648 : i32
      %masked_cummax3A_955 = vector.broadcast %masked_cummax3A_954 : i32 to vector<16xi32>
      %masked_cummax3A_956 = arith.xori %select_n3A_951, %masked_cummax3A_955 : vector<16xi32>
      %masked_cummax3A_957 = tpu.scan <max>, %masked_cummax3A_956 masked %broadcast_in_dim3A_953 : vector<16xi32>, vector<16xi1> -> vector<16xi32>
      %masked_cummax3A_958 = arith.xori %masked_cummax3A_957, %masked_cummax3A_955 : vector<16xi32>
      %ge3A_959 = arith.constant 1 : i32
      %ge3A_960 = vector.broadcast %ge3A_959 : i32 to vector<16xi32>
      %ge3A_961 = arith.cmpi sge, %masked_cummax3A_958, %ge3A_960 : vector<16xi32>
      %sub3A_962 = arith.constant 1 : i32
      %sub3A_963 = vector.broadcast %sub3A_962 : i32 to vector<16xi32>
      %sub3A_964 = arith.subi %masked_cummax3A_958, %sub3A_963 : vector<16xi32>
      %max3A_965 = arith.constant 0 : i32
      %max3A_966 = vector.broadcast %max3A_965 : i32 to vector<16xi32>
      %max3A_967 = arith.maxsi %sub3A_964, %max3A_966 : vector<16xi32>
      %broadcast_in_dim3A_968 = vector.shape_cast %max3A_967 : vector<16xi32> to vector<16x1xi32>
      %gather3A_969 = vector.shape_cast %broadcast_in_dim3A_968 : vector<16x1xi32> to vector<16xi32>
      %gather3A_970 = tpu.dynamic_gather %masked_cumsum3A_948[%gather3A_969] in [0] : vector<16xf32>, vector<16xi32> -> vector<16xf32>
      %jit3A_971 = arith.constant 0.000000e+00 : f32
      %broadcast_in_dim3A_972 = vector.broadcast %jit3A_971 : f32 to vector<16xf32>
      %select_n3A_973 = arith.select %ge3A_961, %gather3A_970, %broadcast_in_dim3A_972 : vector<16xi1>, vector<16xf32>
      %ge3A_974 = arith.constant 0 : i32
      %ge3A_975 = vector.broadcast %ge3A_974 : i32 to vector<16xi32>
      %ge3A_976 = arith.cmpi sge, %masked_cummax3A_958, %ge3A_975 : vector<16xi32>
      %sub3A_977 = arith.subf %masked_cumsum3A_948, %select_n3A_973 : vector<16xf32>
      %add3A_978 = arith.addf %masked_cumsum3A_948, %gather3A_928 : vector<16xf32>
      %select_n3A_979 = arith.select %ge3A_976, %sub3A_977, %add3A_978 : vector<16xi1>, vector<16xf32>
      %broadcast_in_dim3A_980 = arith.constant 15 : i32
      %broadcast_in_dim3A_981 = vector.broadcast %broadcast_in_dim3A_980 : i32 to vector<16xi32>
      %broadcast_in_dim3A_982 = vector.shape_cast %broadcast_in_dim3A_981 : vector<16xi32> to vector<16x1xi32>
      %gather3A_983 = vector.shape_cast %broadcast_in_dim3A_982 : vector<16x1xi32> to vector<16xi32>
      %gather3A_984 = tpu.dynamic_gather %select_n3A_979[%gather3A_983] in [0] : vector<16xf32>, vector<16xi32> -> vector<16xf32>
      %exp3A_985 = math.exp %select_n3A_979 : vector<16xf32>
      %swap3A_986 = arith.index_cast %mul3A_937 : i32 to index
      %swap3A_987 = tpu.vector_load %arg8[%swap3A_986] {strides = array<i32>} : memref<16384xf32, #tpu.memory_space<vmem>>, vector<16xf32>,
      tpu.vector_store %arg8[%swap3A_986], %exp3A_985 {strides = array<i32>} : memref<16384xf32, #tpu.memory_space<vmem>>, vector<16xf32>,
      %mul3A_988 = arith.constant 8 : i32
      %mul3A_989 = arith.muli %scan3A_653, %mul3A_988 : i32
      %add3A_990 = arith.constant 6 : i32
      %add3A_991 = arith.addi %mul3A_989, %add3A_990 : i32
      %mul3A_992 = arith.constant 16 : i32
      %mul3A_993 = arith.muli %add3A_991, %mul3A_992 : i32
      %get3A_994 = arith.index_cast %mul3A_993 : i32 to index
      %get3A_995 = tpu.vector_load %arg6[%get3A_994] {strides = array<i32>} : memref<16384xf32, #tpu.memory_space<vmem>>, vector<16xf32>,
      %min3A_996 = arith.constant 0.000000e+00 : f32
      %min3A_997 = vector.broadcast %min3A_996 : f32 to vector<16xf32>
      %min3A_998 = arith.minimumf %get3A_995, %min3A_997 : vector<16xf32>
      %gt3A_999 = arith.constant 5.000000e-01 : f32
      %gt3A_1000 = vector.broadcast %gt3A_999 : f32 to vector<16xf32>
      %gt3A_1001 = arith.cmpf ogt, %get3A_995, %gt3A_1000 : vector<16xf32>
      %broadcast_in_dim3A_1002 = arith.constant true
      %broadcast_in_dim3A_1003 = vector.broadcast %broadcast_in_dim3A_1002 : i1 to vector<16xi1>
      %masked_cumsum3A_1004 = tpu.scan <sum>, %min3A_998 masked %broadcast_in_dim3A_1003 : vector<16xf32>, vector<16xi1> -> vector<16xf32>
      %jit3A_1005 = arith.constant -1 : i32
      %broadcast_in_dim3A_1006 = vector.broadcast %jit3A_1005 : i32 to vector<16xi32>
      %select_n3A_1007 = arith.select %gt3A_1001, %iota3A, %broadcast_in_dim3A_1006 : vector<16xi1>, vector<16xi32>
      %broadcast_in_dim3A_1008 = arith.constant true
      %broadcast_in_dim3A_1009 = vector.broadcast %broadcast_in_dim3A_1008 : i1 to vector<16xi1>
      %masked_cummax3A_1010 = arith.constant -2147483648 : i32
      %masked_cummax3A_1011 = vector.broadcast %masked_cummax3A_1010 : i32 to vector<16xi32>
      %masked_cummax3A_1012 = arith.xori %select_n3A_1007, %masked_cummax3A_1011 : vector<16xi32>
      %masked_cummax3A_1013 = tpu.scan <max>, %masked_cummax3A_1012 masked %broadcast_in_dim3A_1009 : vector<16xi32>, vector<16xi1> -> vector<16xi32>
      %masked_cummax3A_1014 = arith.xori %masked_cummax3A_1013, %masked_cummax3A_1011 : vector<16xi32>
      %ge3A_1015 = arith.constant 1 : i32
      %ge3A_1016 = vector.broadcast %ge3A_1015 : i32 to vector<16xi32>
      %ge3A_1017 = arith.cmpi sge, %masked_cummax3A_1014, %ge3A_1016 : vector<16xi32>
      %sub3A_1018 = arith.constant 1 : i32
      %sub3A_1019 = vector.broadcast %sub3A_1018 : i32 to vector<16xi32>
      %sub3A_1020 = arith.subi %masked_cummax3A_1014, %sub3A_1019 : vector<16xi32>
      %max3A_1021 = arith.constant 0 : i32
      %max3A_1022 = vector.broadcast %max3A_1021 : i32 to vector<16xi32>
      %max3A_1023 = arith.maxsi %sub3A_1020, %max3A_1022 : vector<16xi32>
      %broadcast_in_dim3A_1024 = vector.shape_cast %max3A_1023 : vector<16xi32> to vector<16x1xi32>
      %gather3A_1025 = vector.shape_cast %broadcast_in_dim3A_1024 : vector<16x1xi32> to vector<16xi32>
      %gather3A_1026 = tpu.dynamic_gather %masked_cumsum3A_1004[%gather3A_1025] in [0] : vector<16xf32>, vector<16xi32> -> vector<16xf32>
      %jit3A_1027 = arith.constant 0.000000e+00 : f32
      %broadcast_in_dim3A_1028 = vector.broadcast %jit3A_1027 : f32 to vector<16xf32>
      %select_n3A_1029 = arith.select %ge3A_1017, %gather3A_1026, %broadcast_in_dim3A_1028 : vector<16xi1>, vector<16xf32>
      %ge3A_1030 = arith.constant 0 : i32
      %ge3A_1031 = vector.broadcast %ge3A_1030 : i32 to vector<16xi32>
      %ge3A_1032 = arith.cmpi sge, %masked_cummax3A_1014, %ge3A_1031 : vector<16xi32>
      %sub3A_1033 = arith.subf %masked_cumsum3A_1004, %select_n3A_1029 : vector<16xf32>
      %add3A_1034 = arith.addf %masked_cumsum3A_1004, %gather3A_984 : vector<16xf32>
      %select_n3A_1035 = arith.select %ge3A_1032, %sub3A_1033, %add3A_1034 : vector<16xi1>, vector<16xf32>
      %broadcast_in_dim3A_1036 = arith.constant 15 : i32
      %broadcast_in_dim3A_1037 = vector.broadcast %broadcast_in_dim3A_1036 : i32 to vector<16xi32>
      %broadcast_in_dim3A_1038 = vector.shape_cast %broadcast_in_dim3A_1037 : vector<16xi32> to vector<16x1xi32>
      %gather3A_1039 = vector.shape_cast %broadcast_in_dim3A_1038 : vector<16x1xi32> to vector<16xi32>
      %gather3A_1040 = tpu.dynamic_gather %select_n3A_1035[%gather3A_1039] in [0] : vector<16xf32>, vector<16xi32> -> vector<16xf32>
      %exp3A_1041 = math.exp %select_n3A_1035 : vector<16xf32>
      %swap3A_1042 = arith.index_cast %mul3A_993 : i32 to index
      %swap3A_1043 = tpu.vector_load %arg8[%swap3A_1042] {strides = array<i32>} : memref<16384xf32, #tpu.memory_space<vmem>>, vector<16xf32>,
      tpu.vector_store %arg8[%swap3A_1042], %exp3A_1041 {strides = array<i32>} : memref<16384xf32, #tpu.memory_space<vmem>>, vector<16xf32>,
      %mul3A_1044 = arith.constant 8 : i32
      %mul3A_1045 = arith.muli %scan3A_653, %mul3A_1044 : i32
      %add3A_1046 = arith.constant 7 : i32
      %add3A_1047 = arith.addi %mul3A_1045, %add3A_1046 : i32
      %mul3A_1048 = arith.constant 16 : i32
      %mul3A_1049 = arith.muli %add3A_1047, %mul3A_1048 : i32
      %get3A_1050 = arith.index_cast %mul3A_1049 : i32 to index
      %get3A_1051 = tpu.vector_load %arg6[%get3A_1050] {strides = array<i32>} : memref<16384xf32, #tpu.memory_space<vmem>>, vector<16xf32>,
      %min3A_1052 = arith.constant 0.000000e+00 : f32
      %min3A_1053 = vector.broadcast %min3A_1052 : f32 to vector<16xf32>
      %min3A_1054 = arith.minimumf %get3A_1051, %min3A_1053 : vector<16xf32>
      %gt3A_1055 = arith.constant 5.000000e-01 : f32
      %gt3A_1056 = vector.broadcast %gt3A_1055 : f32 to vector<16xf32>
      %gt3A_1057 = arith.cmpf ogt, %get3A_1051, %gt3A_1056 : vector<16xf32>
      %broadcast_in_dim3A_1058 = arith.constant true
      %broadcast_in_dim3A_1059 = vector.broadcast %broadcast_in_dim3A_1058 : i1 to vector<16xi1>
      %masked_cumsum3A_1060 = tpu.scan <sum>, %min3A_1054 masked %broadcast_in_dim3A_1059 : vector<16xf32>, vector<16xi1> -> vector<16xf32>
      %jit3A_1061 = arith.constant -1 : i32
      %broadcast_in_dim3A_1062 = vector.broadcast %jit3A_1061 : i32 to vector<16xi32>
      %select_n3A_1063 = arith.select %gt3A_1057, %iota3A, %broadcast_in_dim3A_1062 : vector<16xi1>, vector<16xi32>
      %broadcast_in_dim3A_1064 = arith.constant true
      %broadcast_in_dim3A_1065 = vector.broadcast %broadcast_in_dim3A_1064 : i1 to vector<16xi1>
      %masked_cummax3A_1066 = arith.constant -2147483648 : i32
      %masked_cummax3A_1067 = vector.broadcast %masked_cummax3A_1066 : i32 to vector<16xi32>
      %masked_cummax3A_1068 = arith.xori %select_n3A_1063, %masked_cummax3A_1067 : vector<16xi32>
      %masked_cummax3A_1069 = tpu.scan <max>, %masked_cummax3A_1068 masked %broadcast_in_dim3A_1065 : vector<16xi32>, vector<16xi1> -> vector<16xi32>
      %masked_cummax3A_1070 = arith.xori %masked_cummax3A_1069, %masked_cummax3A_1067 : vector<16xi32>
      %ge3A_1071 = arith.constant 1 : i32
      %ge3A_1072 = vector.broadcast %ge3A_1071 : i32 to vector<16xi32>
      %ge3A_1073 = arith.cmpi sge, %masked_cummax3A_1070, %ge3A_1072 : vector<16xi32>
      %sub3A_1074 = arith.constant 1 : i32
      %sub3A_1075 = vector.broadcast %sub3A_1074 : i32 to vector<16xi32>
      %sub3A_1076 = arith.subi %masked_cummax3A_1070, %sub3A_1075 : vector<16xi32>
      %max3A_1077 = arith.constant 0 : i32
      %max3A_1078 = vector.broadcast %max3A_1077 : i32 to vector<16xi32>
      %max3A_1079 = arith.maxsi %sub3A_1076, %max3A_1078 : vector<16xi32>
      %broadcast_in_dim3A_1080 = vector.shape_cast %max3A_1079 : vector<16xi32> to vector<16x1xi32>
      %gather3A_1081 = vector.shape_cast %broadcast_in_dim3A_1080 : vector<16x1xi32> to vector<16xi32>
      %gather3A_1082 = tpu.dynamic_gather %masked_cumsum3A_1060[%gather3A_1081] in [0] : vector<16xf32>, vector<16xi32> -> vector<16xf32>
      %jit3A_1083 = arith.constant 0.000000e+00 : f32
      %broadcast_in_dim3A_1084 = vector.broadcast %jit3A_1083 : f32 to vector<16xf32>
      %select_n3A_1085 = arith.select %ge3A_1073, %gather3A_1082, %broadcast_in_dim3A_1084 : vector<16xi1>, vector<16xf32>
      %ge3A_1086 = arith.constant 0 : i32
      %ge3A_1087 = vector.broadcast %ge3A_1086 : i32 to vector<16xi32>
      %ge3A_1088 = arith.cmpi sge, %masked_cummax3A_1070, %ge3A_1087 : vector<16xi32>
      %sub3A_1089 = arith.subf %masked_cumsum3A_1060, %select_n3A_1085 : vector<16xf32>
      %add3A_1090 = arith.addf %masked_cumsum3A_1060, %gather3A_1040 : vector<16xf32>
      %select_n3A_1091 = arith.select %ge3A_1088, %sub3A_1089, %add3A_1090 : vector<16xi1>, vector<16xf32>
      %broadcast_in_dim3A_1092 = arith.constant 15 : i32
      %broadcast_in_dim3A_1093 = vector.broadcast %broadcast_in_dim3A_1092 : i32 to vector<16xi32>
      %broadcast_in_dim3A_1094 = vector.shape_cast %broadcast_in_dim3A_1093 : vector<16xi32> to vector<16x1xi32>
      %gather3A_1095 = vector.shape_cast %broadcast_in_dim3A_1094 : vector<16x1xi32> to vector<16xi32>
      %gather3A_1096 = tpu.dynamic_gather %select_n3A_1091[%gather3A_1095] in [0] : vector<16xf32>, vector<16xi32> -> vector<16xf32>
      %exp3A_1097 = math.exp %select_n3A_1091 : vector<16xf32>
      %swap3A_1098 = arith.index_cast %mul3A_1049 : i32 to index
      %swap3A_1099 = tpu.vector_load %arg8[%swap3A_1098] {strides = array<i32>} : memref<16384xf32, #tpu.memory_space<vmem>>, vector<16xf32>,
      tpu.vector_store %arg8[%swap3A_1098], %exp3A_1097 {strides = array<i32>} : memref<16384xf32, #tpu.memory_space<vmem>>, vector<16xf32>,
      scf.yield %gather3A_1096 : vector<16xf32>
    }
    %scan3A_644 = arith.constant 128 : i32
    %add3A_645 = arith.constant 49152 : i32
    %add3A_646 = arith.addi %mul3A_2, %add3A_645 : i32
    %dma_start3A_647 = tpu.memref_slice %arg4[%add3A_646] : memref<2097152xf32, #tpu.memory_space<hbm>> -> memref<16384xf32, #tpu.memory_space<hbm>>
    %dma_start3A_648 = tpu.memref_slice %arg4[%add3A_646] : memref<2097152xf32, #tpu.memory_space<hbm>> -> memref<16384xf32, #tpu.memory_space<hbm>>
    tpu.enqueue_dma source(%arg8 : memref<16384xf32, #tpu.memory_space<vmem>>) target(%dma_start3A_648 : memref<16384xf32, #tpu.memory_space<hbm>>) target_semaphore(%arg11 : memref<!tpu.dma_semaphore, #tpu.memory_space<semaphore_mem>>)
    %dma_wait3A_649 = tpu.memref_slice %arg4[%add3A_632] : memref<2097152xf32, #tpu.memory_space<hbm>> -> memref<16384xf32, #tpu.memory_space<hbm>>
    %dma_wait3A_650 = tpu.memref_slice %arg4[%add3A_632] : memref<2097152xf32, #tpu.memory_space<hbm>> -> memref<16384xf32, #tpu.memory_space<hbm>>
    tpu.wait_dma2 semaphore(%arg11 : memref<!tpu.dma_semaphore, #tpu.memory_space<semaphore_mem>>) src(%arg7 : memref<16384xf32, #tpu.memory_space<vmem>>) dst(%dma_wait3A_650 : memref<16384xf32, #tpu.memory_space<hbm>>)
    %dma_wait3A_651 = tpu.memref_slice %arg4[%add3A_646] : memref<2097152xf32, #tpu.memory_space<hbm>> -> memref<16384xf32, #tpu.memory_space<hbm>>
    %dma_wait3A_652 = tpu.memref_slice %arg4[%add3A_646] : memref<2097152xf32, #tpu.memory_space<hbm>> -> memref<16384xf32, #tpu.memory_space<hbm>>
    tpu.wait_dma2 semaphore(%arg11 : memref<!tpu.dma_semaphore, #tpu.memory_space<semaphore_mem>>) src(%arg8 : memref<16384xf32, #tpu.memory_space<vmem>>) dst(%dma_wait3A_652 : memref<16384xf32, #tpu.memory_space<hbm>>)
    return
  }
}

module attributes {stable_mosaic.version = 14 : i64} {
  func.func @body(%arg0: i32, %arg1: memref<128x128xf32, #tpu.memory_space<vmem>>, %arg2: memref<128x128xi32, #tpu.memory_space<vmem>>, %arg3: memref<8x128xf32, #tpu.memory_space<vmem>>, %arg4: memref<8x128xi32, #tpu.memory_space<vmem>>, %arg5: memref<128x128xf32, #tpu.memory_space<vmem>>, %arg6: memref<1x1x128xf32, #tpu.memory_space<vmem>>) attributes {dimension_semantics = [#tpu.dimension_semantics<parallel>], iteration_bounds = array<i64: 128>, scalar_prefetch = 0 : i64, scratch_operands = 0 : i64, tpu.core_type = #tpu.core_type<tc>, window_params = [{transform_indices = @transform_0, window_bounds = array<i64: 128, 128>}, {transform_indices = @transform_1, window_bounds = array<i64: 128, 128>}, {transform_indices = @transform_2, window_bounds = array<i64: 8, 128>}, {transform_indices = @transform_3, window_bounds = array<i64: 8, 128>}, {transform_indices = @transform_4, window_bounds = array<i64: 128, 128>}, {transform_indices = @transform_5, window_bounds = array<i64: 1, 1, 128>}]} {
    %get3A = arith.constant 0 : index
    %get3A_0 = arith.constant 0 : index
    %get3A_1 = vector.load %arg1[%get3A, %get3A_0] : memref<128x128xf32, #tpu.memory_space<vmem>>, vector<128x128xf32>
    %get3A_2 = arith.constant 0 : index
    %get3A_3 = arith.constant 0 : index
    %get3A_4 = vector.load %arg2[%get3A_2, %get3A_3] : memref<128x128xi32, #tpu.memory_space<vmem>>, vector<128x128xi32>
    %iota3A = tpu.iota {dimensions = array<i32: 1>} : vector<128x128xi32>
    %iota3A_5 = tpu.iota {dimensions = array<i32: 0>} : vector<128x128xi32>
    %mul3A = arith.constant 128 : i32
    %mul3A_6 = vector.broadcast %mul3A : i32 to vector<128x128xi32>
    %mul3A_7 = arith.muli %iota3A_5, %mul3A_6 : vector<128x128xi32>
    %add3A = arith.addi %mul3A_7, %iota3A : vector<128x128xi32>
    %eq3A = arith.constant 0 : i32
    %eq3A_8 = arith.cmpi eq, %arg0, %eq3A : i32
    %get3A_9 = arith.constant 7 : index
    %get3A_10 = arith.constant 127 : index
    %get3A_11 = vector.load %arg3[%get3A_9, %get3A_10] : memref<8x128xf32, #tpu.memory_space<vmem>>, vector<1x1xf32>
    %get3A_12 = vector.extract %get3A_11[0, 0] : f32 from vector<1x1xf32>
    %jit3A = arith.constant 0.000000e+00 : f32
    %select_n3A = arith.select %eq3A_8, %jit3A, %get3A_12 : f32
    %slice3A = vector.extract_strided_slice %get3A_1 {offsets = [0, 127], sizes = [128, 1], strides = [1, 1]} : vector<128x128xf32> to vector<128x1xf32>
    %slice3A_13 = vector.extract_strided_slice %get3A_1 {offsets = [0, 0], sizes = [128, 127], strides = [1, 1]} : vector<128x128xf32> to vector<128x127xf32>
    %concatenate3A = tpu.concatenate %slice3A, %slice3A_13 in 1 : vector<128x1xf32>, vector<128x127xf32> -> vector<128x128xf32>
    %slice3A_14 = vector.extract_strided_slice %concatenate3A {offsets = [127, 0], sizes = [1, 128], strides = [1, 1]} : vector<128x128xf32> to vector<1x128xf32>
    %slice3A_15 = vector.extract_strided_slice %concatenate3A {offsets = [0, 0], sizes = [127, 128], strides = [1, 1]} : vector<128x128xf32> to vector<127x128xf32>
    %concatenate3A_16 = tpu.concatenate %slice3A_14, %slice3A_15 in 0 : vector<1x128xf32>, vector<127x128xf32> -> vector<128x128xf32>
    %eq3A_17 = arith.constant 0 : i32
    %eq3A_18 = vector.broadcast %eq3A_17 : i32 to vector<128x128xi32>
    %eq3A_19 = arith.cmpi eq, %iota3A, %eq3A_18 : vector<128x128xi32>
    %select_n3A_20 = arith.select %eq3A_19, %concatenate3A_16, %concatenate3A : vector<128x128xi1>, vector<128x128xf32>
    %eq3A_21 = arith.constant 0 : i32
    %eq3A_22 = vector.broadcast %eq3A_21 : i32 to vector<128x128xi32>
    %eq3A_23 = arith.cmpi eq, %add3A, %eq3A_22 : vector<128x128xi32>
    %broadcast_in_dim3A = vector.broadcast %select_n3A : f32 to vector<128x128xf32>
    %select_n3A_24 = arith.select %eq3A_23, %broadcast_in_dim3A, %select_n3A_20 : vector<128x128xi1>, vector<128x128xf32>
    %eq3A_25 = arith.constant 0 : i32
    %eq3A_26 = arith.cmpi eq, %arg0, %eq3A_25 : i32
    %get3A_27 = arith.constant 7 : index
    %get3A_28 = arith.constant 127 : index
    %get3A_29 = vector.load %arg4[%get3A_27, %get3A_28] : memref<8x128xi32, #tpu.memory_space<vmem>>, vector<1x1xi32>
    %get3A_30 = vector.extract %get3A_29[0, 0] : i32 from vector<1x1xi32>
    %jit3A_31 = arith.constant -1 : i32
    %select_n3A_32 = arith.select %eq3A_26, %jit3A_31, %get3A_30 : i32
    %slice3A_33 = vector.extract_strided_slice %get3A_4 {offsets = [0, 127], sizes = [128, 1], strides = [1, 1]} : vector<128x128xi32> to vector<128x1xi32>
    %slice3A_34 = vector.extract_strided_slice %get3A_4 {offsets = [0, 0], sizes = [128, 127], strides = [1, 1]} : vector<128x128xi32> to vector<128x127xi32>
    %concatenate3A_35 = tpu.concatenate %slice3A_33, %slice3A_34 in 1 : vector<128x1xi32>, vector<128x127xi32> -> vector<128x128xi32>
    %slice3A_36 = vector.extract_strided_slice %concatenate3A_35 {offsets = [127, 0], sizes = [1, 128], strides = [1, 1]} : vector<128x128xi32> to vector<1x128xi32>
    %slice3A_37 = vector.extract_strided_slice %concatenate3A_35 {offsets = [0, 0], sizes = [127, 128], strides = [1, 1]} : vector<128x128xi32> to vector<127x128xi32>
    %concatenate3A_38 = tpu.concatenate %slice3A_36, %slice3A_37 in 0 : vector<1x128xi32>, vector<127x128xi32> -> vector<128x128xi32>
    %eq3A_39 = arith.constant 0 : i32
    %eq3A_40 = vector.broadcast %eq3A_39 : i32 to vector<128x128xi32>
    %eq3A_41 = arith.cmpi eq, %iota3A, %eq3A_40 : vector<128x128xi32>
    %select_n3A_42 = arith.select %eq3A_41, %concatenate3A_38, %concatenate3A_35 : vector<128x128xi1>, vector<128x128xi32>
    %eq3A_43 = arith.constant 0 : i32
    %eq3A_44 = vector.broadcast %eq3A_43 : i32 to vector<128x128xi32>
    %eq3A_45 = arith.cmpi eq, %add3A, %eq3A_44 : vector<128x128xi32>
    %broadcast_in_dim3A_46 = vector.broadcast %select_n3A_32 : i32 to vector<128x128xi32>
    %select_n3A_47 = arith.select %eq3A_45, %broadcast_in_dim3A_46, %select_n3A_42 : vector<128x128xi1>, vector<128x128xi32>
    %ne3A = arith.cmpi ne, %get3A_4, %select_n3A_47 : vector<128x128xi32>
    %neg3A = arith.constant 0.000000e+00 : f32
    %neg3A_48 = vector.broadcast %neg3A : f32 to vector<128x128xf32>
    %neg3A_49 = arith.subf %neg3A_48, %select_n3A_24 : vector<128x128xf32>
    %log1p3A = math.log1p %neg3A_49 : vector<128x128xf32>
    %jit3A_50 = arith.constant 1.000000e+00 : f32
    %broadcast_in_dim3A_51 = vector.broadcast %jit3A_50 : f32 to vector<128x128xf32>
    %select_n3A_52 = arith.select %ne3A, %broadcast_in_dim3A_51, %log1p3A : vector<128x128xi1>, vector<128x128xf32>
    %swap3A = arith.constant 0 : index
    %swap3A_53 = arith.constant 0 : index
    %swap3A_54 = vector.load %arg5[%swap3A, %swap3A_53] : memref<128x128xf32, #tpu.memory_space<vmem>>, vector<128x128xf32>
    tpu.vector_store %arg5[%swap3A, %swap3A_53], %select_n3A_52 {strides = array<i32>} : memref<128x128xf32, #tpu.memory_space<vmem>>, vector<128x128xf32>,
    %jit3A_55 = arith.constant -1 : i32
    %broadcast_in_dim3A_56 = vector.broadcast %jit3A_55 : i32 to vector<128x128xi32>
    %select_n3A_57 = arith.select %ne3A, %add3A, %broadcast_in_dim3A_56 : vector<128x128xi1>, vector<128x128xi32>
    %reduce_max3A = vector.shape_cast %select_n3A_57 : vector<128x128xi32> to vector<1x128x128xi32>
    %reduce_max3A_58 = arith.constant dense<-2147483648> : vector<1xi32>
    %reduce_max3A_59 = vector.multi_reduction <maxsi>, %reduce_max3A, %reduce_max3A_58 [1, 2] : vector<1x128x128xi32> to vector<1xi32>
    %reduce_max3A_60 = vector.shape_cast %reduce_max3A_59 : vector<1xi32> to vector<1x1x1xi32>
    %reduce_max3A_61 = vector.extract %reduce_max3A_60[0, 0, 0] : i32 from vector<1x1x1xi32>
    %jit3A_62 = arith.constant 0.000000e+00 : f32
    %broadcast_in_dim3A_63 = vector.broadcast %jit3A_62 : f32 to vector<128x128xf32>
    %select_n3A_64 = arith.select %ne3A, %broadcast_in_dim3A_63, %log1p3A : vector<128x128xi1>, vector<128x128xf32>
    %ge3A = vector.broadcast %reduce_max3A_61 : i32 to vector<128x128xi32>
    %ge3A_65 = arith.cmpi sge, %add3A, %ge3A : vector<128x128xi32>
    %jit3A_66 = arith.constant 0.000000e+00 : f32
    %broadcast_in_dim3A_67 = vector.broadcast %jit3A_66 : f32 to vector<128x128xf32>
    %select_n3A_68 = arith.select %ge3A_65, %select_n3A_64, %broadcast_in_dim3A_67 : vector<128x128xi1>, vector<128x128xf32>
    %reduce_sum3A = vector.shape_cast %select_n3A_68 : vector<128x128xf32> to vector<1x128x128xf32>
    %reduce_sum3A_69 = arith.constant dense<0.000000e+00> : vector<1xf32>
    %reduce_sum3A_70 = vector.multi_reduction <add>, %reduce_sum3A, %reduce_sum3A_69 [1, 2] : vector<1x128x128xf32> to vector<1xf32>
    %reduce_sum3A_71 = vector.shape_cast %reduce_sum3A_70 : vector<1xf32> to vector<1x1x1xf32>
    %reduce_sum3A_72 = vector.extract %reduce_sum3A_71[0, 0, 0] : f32 from vector<1x1x1xf32>
    %iota3A_73 = tpu.iota {dimensions = array<i32: 2>} : vector<1x1x128xi32>
    %eq3A_74 = arith.constant 0 : i32
    %eq3A_75 = vector.broadcast %eq3A_74 : i32 to vector<1x1x128xi32>
    %eq3A_76 = arith.cmpi eq, %iota3A_73, %eq3A_75 : vector<1x1x128xi32>
    %eq3A_77 = arith.constant 1 : i32
    %eq3A_78 = vector.broadcast %eq3A_77 : i32 to vector<1x1x128xi32>
    %eq3A_79 = arith.cmpi eq, %iota3A_73, %eq3A_78 : vector<1x1x128xi32>
    %ge3A_80 = arith.constant 0 : i32
    %ge3A_81 = arith.cmpi sge, %reduce_max3A_61, %ge3A_80 : i32
    %jit3A_82 = arith.constant 1.000000e+00 : f32
    %jit3A_83 = arith.constant 0.000000e+00 : f32
    %select_n3A_84 = arith.select %ge3A_81, %jit3A_82, %jit3A_83 : f32
    %jit3A_85 = arith.constant 0.000000e+00 : f32
    %broadcast_in_dim3A_86 = vector.broadcast %select_n3A_84 : f32 to vector<1x1x128xf32>
    %broadcast_in_dim3A_87 = vector.broadcast %jit3A_85 : f32 to vector<1x1x128xf32>
    %select_n3A_88 = arith.select %eq3A_79, %broadcast_in_dim3A_86, %broadcast_in_dim3A_87 : vector<1x1x128xi1>, vector<1x1x128xf32>
    %broadcast_in_dim3A_89 = vector.broadcast %reduce_sum3A_72 : f32 to vector<1x1x128xf32>
    %select_n3A_90 = arith.select %eq3A_76, %broadcast_in_dim3A_89, %select_n3A_88 : vector<1x1x128xi1>, vector<1x1x128xf32>
    %swap3A_91 = arith.constant 0 : index
    %swap3A_92 = arith.constant 0 : index
    %swap3A_93 = arith.constant 0 : index
    %swap3A_94 = vector.load %arg6[%swap3A_91, %swap3A_92, %swap3A_93] : memref<1x1x128xf32, #tpu.memory_space<vmem>>, vector<1x1x128xf32>
    tpu.vector_store %arg6[%swap3A_91, %swap3A_92, %swap3A_93], %select_n3A_90 {strides = array<i32>} : memref<1x1x128xf32, #tpu.memory_space<vmem>>, vector<1x1x128xf32>,
    return
  }
  func.func @transform_0(%arg0: i32) -> (i32, i32) {
    %c0_i32 = arith.constant 0 : i32
    %c0_i32_0 = arith.constant 0 : i32
    return %arg0, %c0_i32 : i32, i32
  }
  func.func @transform_1(%arg0: i32) -> (i32, i32) {
    %c0_i32 = arith.constant 0 : i32
    %c0_i32_0 = arith.constant 0 : i32
    return %arg0, %c0_i32 : i32, i32
  }
  func.func @transform_2(%arg0: i32) -> (i32, i32) {
    %mul3A = arith.constant 16 : i32
    %mul3A_0 = arith.muli %arg0, %mul3A : i32
    %sub3A = arith.constant 1 : i32
    %sub3A_1 = arith.subi %mul3A_0, %sub3A : i32
    %max3A = arith.constant 0 : i32
    %max3A_2 = arith.maxsi %sub3A_1, %max3A : i32
    %c0_i32 = arith.constant 0 : i32
    %c0_i32_3 = arith.constant 0 : i32
    return %max3A_2, %c0_i32 : i32, i32
  }
  func.func @transform_3(%arg0: i32) -> (i32, i32) {
    %mul3A = arith.constant 16 : i32
    %mul3A_0 = arith.muli %arg0, %mul3A : i32
    %sub3A = arith.constant 1 : i32
    %sub3A_1 = arith.subi %mul3A_0, %sub3A : i32
    %max3A = arith.constant 0 : i32
    %max3A_2 = arith.maxsi %sub3A_1, %max3A : i32
    %c0_i32 = arith.constant 0 : i32
    %c0_i32_3 = arith.constant 0 : i32
    return %max3A_2, %c0_i32 : i32, i32
  }
  func.func @transform_4(%arg0: i32) -> (i32, i32) {
    %c0_i32 = arith.constant 0 : i32
    %c0_i32_0 = arith.constant 0 : i32
    return %arg0, %c0_i32 : i32, i32
  }
  func.func @transform_5(%arg0: i32) -> (i32, i32, i32) {
    %c0_i32 = arith.constant 0 : i32
    %c0_i32_0 = arith.constant 0 : i32
    %c0_i32_1 = arith.constant 0 : i32
    return %arg0, %c0_i32, %c0_i32_0 : i32, i32, i32
  }
}

</mosaic_0001>

<sc_bundles>
// kernel: kernel.4.cloned.1.call-start
scs
__scs_entry_jumppad:
0x0: {  	(pc) =	sbr.rel $0x88, $3  }
0x1: {  	(tag) =	ssettag $0x0;
	lr =	simm.s32 $0x1  }
0x2: {  	[smem:$0x3F9F] =	sst lr;
	_ =	strace $0xD0000000  }
0x3: {  	_ = 	snop  }
0x4: {  	_ = 	snop  }
0x5: {  	_ = 	snop  }
0x6: {  	_ = 	snop  }
0x7: {  	_ = 	snop  }
__scs_overlays_trampoline_lowered:
0x8: {  	[smem:$0x3FAE] =	sst s0  }
0x9: {  	[smem:$0x3FAF] =	sst s1  }
0xa: {  	[smem:$0x3FB0] =	sst s2  }
0xb: {  	[smem:$0x3FB1] =	sst s3  }
0xc: {  	[smem:$0x3FB2] =	sst s4  }
0xd: {  	[smem:$0x3FB3] =	sst s5  }
0xe: {  	[smem:$0x3FB4] =	sst s6  }
0xf: {  	[smem:$0x3FB5] =	sst s7  }
0x10: {  	[smem:$0x3FB6] =	sst s8  }
0x11: {  	[smem:$0x3FB7] =	sst s9;
	s0 =	simm.s32 @!p0 $0x0  }
0x12: {  	s1 =	sld [smem:$0x3F9D];
	s0 =	simm.s32 @p0 $0x1  }
0x13: {  	[smem:$0x3FB8] =	sst s0;
	s0 =	simm.s32 @!p1 $0x0  }
0x14: {  	s2 =	sld [smem:$0x3F9C];
	s0 =	simm.s32 @p1 $0x1  }
0x15: {  	[smem:$0x3FB9] =	sst s0;
	s0 =	simm.s32 @!p2 $0x0  }
0x16: {  	s3 =	sld [smem:$0x3FDB];
	s0 =	simm.s32 @p2 $0x1  }
0x17: {  	s4 =	simm.s32 $0x1BF5;
	[smem:$0x3FBB] =	sst s0  }
0x18: {  	s0 =	sld [smem:$0x3F9E];
	_ =	swait.ge [sflag:s4], $0x0  }
0x19: {  	s7 =	sld [smem:$0x3F9F]  }
0x1a: {  	s8 =	sadd.s32 $0xFFFFE003, lr  }
0x1b: {  	s9 =	sadd.s32 $0xFFFFFEF7, lr;
	s5 =	simm.s32 $0xFFFFFFFF;
	p2 =	slt.u32 s8, $0xFFFFF086  }
0x1c: {  	p1 =	slt.u32 s9, $0xF7A;
	s5 =	simm.s32 @!p2 $0x0  }
0x1d: {  	s5 =	simm.s32 @p1 $0x1;
	p0 =	seq.s32 s7, s2  }
0x1e: {  	s7 =	smul.u32 @!p0 $0xF7A, s2;
	p2 =	seq.s32 @!p0 s5, $0x0  }
0x1f: {  	s9 =	smul.u32 $0xF7A, s1;
	s8 =	simm.s32 @!p0 $0x1BF5;
	p2 =	por !p2, p0  }
0x20: {  	[sflag:s8] =	ssyncset.s32 @!p0 $0xFFFFF086;
	s6 =	sadd.s32 @!p0 s3, s7;
	s7 =	simm.s32 @!p0 $0x108  }
0x21: {  	s3 =	sadd.s32 s3, s9;
	s6 =	sadd.s32 @!p0 $0x88, s6;
	s7 =	simm.s32 @p2 $0x1082  }
0x22: {  	[simem:s7], [sflag:s8] =	dma.local @!p0 [hbm:s6], $0xF7A  }
0x23: {  	s9 =	sor.u32 $0xD0000000, s2;
	s6 =	simm.s32 $0x108;
	_ =	swait.ge @!p0 [sflag:s8], $0x0  }
0x24: {  	s3 =	sadd.s32 $0x88, s3;
	s6 =	simm.s32 @!p1 $0x1082;
	[sflag:s4] =	ssyncset.s32 $0xFFFFF086  }
0x25: {  	[simem:s6], [sflag:s4] =	dma.local [hbm:s3], $0xF7A  }
0x26: {  	[smem:$0x3F9F] =	sst s1;
	(tag) =	ssettag s2;
	_ =	strace s9  }
0x27: {  	s1 =	sld [smem:$0x3FAF]  }
0x28: {  	s2 =	sld [smem:$0x3FB0]  }
0x29: {  	s4 =	sld [smem:$0x3FB2]  }
0x2a: {  	p0 =	seq.s32 s5, $0x0;
	s5 =	sld [smem:$0x3FB3]  }
0x2b: {  	s6 =	sld [smem:$0x3FB4]  }
0x2c: {  	s7 =	sld [smem:$0x3FB5]  }
0x2d: {  	s3 =	simm.s32 $0x108;
	s8 =	sld [smem:$0x3FB6]  }
0x2e: {  	s3 =	simm.s32 @!p0 $0x1082;
	s9 =	sld [smem:$0x3FB7]  }
0x2f: {  	lr =	sadd.s32 s0, s3;
	s0 =	sld [smem:$0x3FAE]  }
0x30: {  	s3 =	sld [smem:$0x3FB1]  }
0x31: {  	[smem:$0x3FBA] =	sst s10  }
0x32: {  	s10 =	sld [smem:$0x3FB8];
	_ =	sdelay $0x3  }
0x33: {  	p0 =	seq.s32 s10, $0x1;
	s10 =	sld [smem:$0x3FBA];
	_ =	sdelay $0x3  }
0x34: {  	[smem:$0x3FBA] =	sst s10  }
0x35: {  	s10 =	sld [smem:$0x3FB9];
	_ =	sdelay $0x3  }
0x36: {  	p1 =	seq.s32 s10, $0x1;
	s10 =	sld [smem:$0x3FBA];
	_ =	sdelay $0x3  }
0x37: {  	[smem:$0x3FBA] =	sst s10  }
0x38: {  	s10 =	sld [smem:$0x3FBB]  }
0x39: {  	_ = 	snop;
	(pc) =	sbr.ind lr, $3  }
0x3a: {  	_ = 	snop  }
0x3b: {  	_ = 	snop  }
0x3c: {  	p2 =	seq.s32 s10, $0x1;
	s10 =	sld [smem:$0x3FBA]  }
0x3d: {  	_ =	shalt  }
0x3e: {  	_ =	shalt  }
0x3f: {  	_ =	shalt  }
0x40: {  	_ =	shalt  }
0x41: {  	_ =	shalt  }
0x42: {  	_ =	shalt  }
0x43: {  	_ =	shalt  }
0x44: {  	_ =	shalt  }
0x45: {  	_ =	shalt  }
0x46: {  	_ =	shalt  }
0x47: {  	_ =	shalt  }
0x48: {  	_ =	shalt  }
0x49: {  	_ =	shalt  }
0x4a: {  	_ =	shalt  }
0x4b: {  	_ =	shalt  }
0x4c: {  	_ =	shalt  }
0x4d: {  	_ =	shalt  }
0x4e: {  	_ =	shalt  }
0x4f: {  	_ =	shalt  }
0x50: {  	_ =	shalt  }
0x51: {  	_ =	shalt  }
0x52: {  	_ =	shalt  }
0x53: {  	_ =	shalt  }
0x54: {  	_ =	shalt  }
0x55: {  	_ =	shalt  }
0x56: {  	_ =	shalt  }
0x57: {  	_ =	shalt  }
0x58: {  	_ =	shalt  }
0x59: {  	_ =	shalt  }
0x5a: {  	_ =	shalt  }
0x5b: {  	_ =	shalt  }
0x5c: {  	_ =	shalt  }
0x5d: {  	_ =	shalt  }
0x5e: {  	_ =	shalt  }
0x5f: {  	_ =	shalt  }
0x60: {  	_ =	shalt  }
0x61: {  	_ =	shalt  }
0x62: {  	_ =	shalt  }
0x63: {  	_ =	shalt  }
0x64: {  	_ =	shalt  }
0x65: {  	_ =	shalt  }
0x66: {  	_ =	shalt  }
0x67: {  	_ =	shalt  }
0x68: {  	_ =	shalt  }
0x69: {  	_ =	shalt  }
0x6a: {  	_ =	shalt  }
0x6b: {  	_ =	shalt  }
0x6c: {  	_ =	shalt  }
0x6d: {  	_ =	shalt  }
0x6e: {  	_ =	shalt  }
0x6f: {  	_ =	shalt  }
0x70: {  	_ =	shalt  }
0x71: {  	_ =	shalt  }
0x72: {  	_ =	shalt  }
0x73: {  	_ =	shalt  }
0x74: {  	_ =	shalt  }
0x75: {  	_ =	shalt  }
0x76: {  	_ =	shalt  }
0x77: {  	_ =	shalt  }
0x78: {  	_ =	shalt  }
0x79: {  	_ =	shalt  }
0x7a: {  	_ =	shalt  }
0x7b: {  	_ =	shalt  }
0x7c: {  	_ =	shalt  }
0x7d: {  	_ =	shalt  }
0x7e: {  	_ =	shalt  }
0x7f: {  	_ =	shalt  }
0x80: {  	_ =	shalt  }
0x81: {  	_ =	shalt  }
0x82: {  	_ =	shalt  }
0x83: {  	_ =	shalt  }
0x84: {  	_ =	shalt  }
0x85: {  	_ =	shalt  }
0x86: {  	_ =	shalt  }
0x87: {  	_ =	shalt  }
.Lfunc_end0:
.L_simem_size_0:
called_computation_lowered:
.L_overlay_start_0:
0x88: {  	s2 =	sld [smem:$0x3FD9]  }
0x89: {  	s3 =	sld [smem:$0x3FFE];
	_ =	sdelay $0x1  }
0x8a: {  	s1 =	srdreg.scid  }
0x8b: {  	s0 =	sand.u32 $0x1, s1  }
0x8c: {  	s17 =	sshll.u32 s0, $0xA;
	s2 =	sadd.s32 s3, s2  }
0x8d: {  	s2 =	sadd.s32 s2, s17  }
0x8e: {  	[smem:$0x3FC6] =	sst s2  }
0x8f: {  	_ = 	snop  }
0x90: {  	s2 =	sld [smem:$0x3FD0];
	(tm) =	ssettm $0x1  }
0x91: {  	s18 =	sld [smem:$0x3FFB];
	_ =	sdelay $0x3  }
0x92: {  	_ =	strace s18  }
0x93: {  	s3 =	sld [smem:$0x3FFC];
	_ =	sdelay $0x3  }
0x94: {  	_ =	strace s3  }
0x95: {  	s3 =	sld [smem:$0x3FFD];
	_ =	sdelay $0x3  }
0x96: {  	_ =	strace s3  }
0x97: {  	_ =	strace $0x8FFFFFFF  }
0x98: {  	s19 =	sld [smem:$0x3FDB];
	_ =	sdelay $0x1  }
0x99: {  	s4 =	simm.s32 $_scs_section_size  }
0x9a: {  	s5 =	simm.s32 $_size__tile_overlayer_lowered;
	s6 =	simm.s32 $_tile_overlayer_lowered  }
0x9b: {  	s22 =	simm.s32 $0x1BFF;
	s21 =	sshll.u32 s6, $0x1;
	s3 =	sadd.s32 s4, s19  }
0x9c: {  	s7 =	simm.s32 $0x0;
	s20 =	sshll.u32 s5, $0x1;
	s5 =	sadd.s32 s21, s3  }
0x9d: {  	[timem:s7], [sflag:s22] =	dma.local [hbm:s5], s20  }
0x9e: {  	_ =	swait.ge [sflag:s22], s20  }
0x9f: {  	s4 =	ssub.s32 $0x0, s20;
	[sflag:s22] =	ssyncset.done $0x0  }
0xa0: {  	[sflag:s22] =	ssyncadd.s32 s4;
	_ =	sdelay $0x1  }
0xa1: {  	s23 =	simm.s32 $0x1B8B  }
0xa2: {  	_ =	swait.ge [sflag:s23], $0x1  }
0xa3: {  	[sflag:s23] =	ssyncset.done $0x0  }
0xa4: {  	s25 =	simm.s32 $0x1B8E;
	s24 =	sld [smem:$0x3FFE];
	[sflag:s23] =	ssyncadd.s32 $0xFFFFFFFF  }
0xa5: {  	s26 =	simm.s32 $execute0_lowered;
	[smem:$0x3FD2] =	sst s25  }
0xa6: {  	s5 =	sshll.u32 s26, $0x1;
	_ =	strace $0x80000046;
	[dreg:$0x1] =	wrdreg $0xFFFFFFFF  }
0xa7: {  	s28 =	simm.s32 $_size_execute0_lowered;
	s3 =	sadd.s32 s3, s5;
	[dreg:$0x0] =	wrdreg $0x0  }
0xa8: {  	s5 =	sshll.u32 s28, $0x1;
	[dreg:$0x2] =	wrdreg s3  }
0xa9: {  	[dreg:$0x3] =	wrdreg s5  }
0xaa: {  	[dreg:$0x4] =	wrdreg $0xC0  }
0xab: {  	_ =	task [dreg:s7], $0x5FFFF  }
0xac: {  	[dreg:$0x1] =	wrdreg $0xFFFFFFFF  }
0xad: {  	[dreg:$0x0] =	wrdreg $0x60  }
0xae: {  	[dreg:$0x2] =	wrdreg s24  }
0xaf: {  	[dreg:$0x3] =	wrdreg s2  }
0xb0: {  	[dreg:$0x4] =	wrdreg $0x9  }
0xb1: {  	_ =	task.clear_ibuf [dreg:s7], $0x5FFFF;
	_ =	strace $0x90000046  }
0xb2: {  	s29 =	simm.s32 $0x9;
	_ =	strace $0x80000048  }
0xb3: {  	_ =	swait.ge [sflag:s29], $0x1  }
0xb4: {  	[sflag:s29] =	ssyncadd.s32 $0xFFFFFFFF  }
0xb5: {  	_ =	strace $0x90000048  }
0xb6: {  	_ =	sfence  }
0xb7: {  	s30 =	sld [smem:$0x0];
	_ =	sdelay $0x2  }
0xb8: {  	s31 =	sshll.u32 s1, $0xD;
	s1 =	sshrl.u32 s1, $0x2  }
0xb9: {  	s3 =	sand.u32 $0x4000, s31;
	s1 =	sadd.s32 s1, s30  }
0xba: {  	s0 =	sor.u32 s3, s0;
	s1 =	sshll.u32 s1, $0x11  }
0xbb: {  	s0 =	sor.u32 s1, s0  }
0xbc: {  	s0 =	sadd.s32 $0x8F2B, s0  }
0xbd: {  	[sflag:s0] =	ssyncadd.remote.s32 $0x1  }
0xbe: {  	_ =	sfence.sel $0xFFFF  }
0xbf: {  	[dreg:$0x0] =	wrdreg $0xFFFFFFFF;
	(pc) =	sbr.abs _section_cstart, $3  }
0xc0: {  	[dreg:$0x1] =	wrdreg $0xFFFFFFFF  }
0xc1: {  	_ =	task.clear_ibuf [dreg:s7], $0x2FFFF;
	_ =	strace $0x9FFFFFFF  }
0xc2: {  	(tm) =	ssettm $0x7FFFFFFF  }
0xc3: {  	_ =	shalt  }
tec
execute0_lowered:
.L_overlay_start_1:
0x0: {  	(tag) =	ssettag $0x1  }
0x1: {  	s1 =	srdreg.scid;
	s0 =	stileid.u32  }
0x2: {  	s3 =	sand.u32 $0x1, s1;
	s31 =	sshll.u32 s0, $0x1  }
0x3: {  	s21 =	sor.u32 s3, s31  }
0x4: {  	s4 =	rddreg [dreg:$0x0];
	s5 =	sshll.u32 s21, $0x2  }
0x5: {  	s11 =	rddreg [dreg:$0x1];
	s13 =	sadd.s32 $0xFFFFFFFF, s5  }
0x6: {  	s2 =	simm.s32 $0x0;
	v10 =	vlaneseq.u32;
	v11 =	vimm.s32 $0xF;
	s1 =	rddreg [dreg:$0x2];
	v5 =	vmov s13  }
0x7: {  	[smem:$0x7FF] =	sst s2;
	s9 =	sadd.s32 $0xC00, s4;
	s6 =	ssub.s32 $0x2, s3;
	vm0 =	vgt.s32 v5, $0x0;
	v1 =	vadd.s32 $0xFFFFFFF0, v5;
	v2 =	vadd.s32 $0xFFFFFFE0, v5  }
0x8: {  	_ =	strace $0x80000047;
	s7 =	sshrl.u32 s6, $0x1;
	s8 =	sshll.u32 s21, $0xD;
	v3 =	vadd.s32 $0xFFFFFFD0, v5;
	v4 =	vadd.s32 $0xFFFFFFC0, v5;
	v6 =	vadd.s32 $0xFFFFFFB0, v5  }
0x9: {  	s3 =	sadd.s32 $0x40C00, s4;
	s12 =	ssub.s32 s6, s7;
	s4 =	sadd.s32 s9, s8;
	v7 =	vadd.s32 $0xFFFFFFA0, v5;
	v8 =	vadd.s32 $0xFFFFFF90, v5;
	v0 =	vnsel vm0, $0x0, v5  }
0xa: {  	s14 =	sadd.s32 $0xFFFFFF9C, s5;
	s15 =	sadd.s32 $0xFFFFFFAC, s5;
	s16 =	sadd.s32 $0xFFFFFFBC, s5;
	vm9 =	vgt.s32 v1, $0x0;
	vm10 =	vgt.s32 v2, $0x0;
	vm11 =	vgt.s32 v3, $0x0  }
0xb: {  	s17 =	sadd.s32 $0xFFFFFFCC, s5;
	s18 =	sadd.s32 $0xFFFFFFDC, s5;
	s10 =	sor.u32 $0x800, s8;
	vm12 =	vgt.s32 v4, $0x0;
	vm13 =	vgt.s32 v6, $0x0;
	vm14 =	vgt.s32 v7, $0x0  }
0xc: {  	s19 =	sadd.s32 $0xFFFFFFEC, s5;
	s20 =	sor.u32 $0x1000, s8;
	s6 =	sadd.s32 s11, s8;
	vm15 =	vgt.s32 v8, $0x0;
	v5 =	vmul.u32 $0x80, v10;
	v10 =	vor.u32 $0x80000000, v10  }
0xd: {  	s22 =	sor.u32 $0x1800, s8;
	s5 =	sadd.s32 s9, s10;
	s7 =	sadd.s32 s9, s20;
	v0 =	vmin.u32 v0, $0xF;
	v1 =	vnsel vm9, $0x0, v1;
	v2 =	vnsel vm10, $0x0, v2  }
0xe: {  	s8 =	sadd.s32 s11, s10;
	s9 =	sadd.s32 s9, s22;
	s10 =	sadd.s32 s11, s20;
	v3 =	vnsel vm11, $0x0, v3;
	v4 =	vnsel vm12, $0x0, v4;
	v6 =	vnsel vm13, $0x0, v6  }
0xf: {  	s11 =	sadd.s32 s11, s22;
	s12 =	smax.u32 s12, $0x1;
	p0 =	slt.u32 s13, $0x10;
	v7 =	vnsel vm14, $0x0, v7;
	v8 =	vnsel vm15, $0x0, v8;
	v1 =	vmin.u32 v1, $0xF  }
0x10: {  	p2 =	slt.u32 s18, $0x10;
	p3 =	slt.u32 s17, $0x10;
	p4 =	slt.u32 s16, $0x10;
	v2 =	vmin.u32 v2, $0xF;
	v3 =	vmin.u32 v3, $0xF;
	v4 =	vmin.u32 v4, $0xF  }
0x11: {  	p5 =	slt.u32 s15, $0x10;
	p6 =	slt.u32 s14, $0x10;
	s14 =	simm.s32 $0x3;
	v6 =	vmin.u32 v6, $0xF;
	v7 =	vmin.u32 v7, $0xF;
	v8 =	vmin.u32 v8, $0xF  }
0x12: {  	s15 =	simm.s32 $0x4000;
	s16 =	simm.s32 $0x1;
	s13 =	simm.s32 @!p0 $0x0;
	v9 =	vor.u32 $0x1, v5;
	v12 =	vor.u32 $0x800, v5;
	v13 =	vor.u32 $0x801, v5  }
0x13: {  	s17 =	simm.s32 $0x8000;
	s13 =	simm.s32 @p0 $0x1;
	p0 =	slt.u32 s19, $0x10;
	v14 =	vor.u32 $0x1000, v5;
	v15 =	vor.u32 $0x1001, v5;
	v16 =	vor.u32 $0x1800, v5  }
0x14: {  	s18 =	simm.s32 $0xC000;
	[smem:$0x7FC] =	sst s13;
	s13 =	simm.s32 @!p0 $0x0;
	v17 =	vor.u32 $0x1801, v5;
	v18 =	vor.u32 $0x2000, v5;
	v19 =	vor.u32 $0x2001, v5  }
0x15: {  	s20 =	simm.s32 $0x0;
	s19 =	simm.s32 $0x2;
	s13 =	simm.s32 @p0 $0x1;
	v20 =	vor.u32 $0x2800, v5;
	v21 =	vor.u32 $0x2801, v5;
	v22 =	vor.u32 $0x3000, v5  }
0x16: {  	v23 =	vor.u32 $0x3001, v5;
	v24 =	vor.u32 $0x3800, v5;
	v25 =	vor.u32 $0x3801, v5;
	p0 =	sgt.u32 s21, $0x1C;
	[smem:$0x7FD] =	sst s13;
	s13 =	simm.s32 $0x10000  }
.LBB2_1:
0x17: {  	[tilespmem:s2], [sflag:$0x1] =	stream.linear.gather [hbm4b:s4+s2], $0x4000, $0x38;
	[tilespmem:$0x14000] =	vst v63  }
0x18: {  	_ = 	snop  }
0x19: {  	[tilespmem:s13], [sflag:$0x3] =	stream.linear.gather [hbm4b:s3+s2], $0x4000, $0x38;
	[tilespmem:$0x14000] =	vst v63  }
0x1a: {  	_ =	swait.ge [sflag:s14], $0x4000  }
0x1b: {  	[sflag:s14] =	ssyncset.done $0x0  }
0x1c: {  	[sflag:s14] =	ssyncadd.s32 $0xFFFFC000  }
0x1d: {  	v26 =	vld.idx.msk [tilespmem:v9+s13+$0x0], $0xffff  }
0x1e: {  	v27 =	vld.idx.msk [tilespmem:v5+s13+$0x0], $0xffff;
	_ =	sdelay $0x3  }
0x1f: {  	vm0 =	vgt.f32 v26, $5.000000000e-01;
	v26 =	vld.idx.msk [tilespmem:v13+s13+$0x0], $0xffff  }
0x20: {  	v28 =	vld.idx.msk [tilespmem:v12+s13+$0x0], $0xffff;
	(xrf2) =	vadd.scan.msk.f32 $0xffff, v27;
	v27 =	vnsel vm0, $0x7FFFFFFF, v10  }
0x21: {  	(xrf0) =	vmax.scan.msk.u32 $0xffff, v27;
	_ =	sdelay $0x2  }
0x22: {  	vm0 =	vgt.f32 v26, $5.000000000e-01  }
0x23: {  	(xrf2) =	vadd.scan.msk.f32 $0xffff, v28;
	v27 =	vld.idx.msk [tilespmem:v15+s13+$0x0], $0xffff;
	v26 =	vnsel vm0, $0x7FFFFFFF, v10  }
0x24: {  	(xrf0) =	vmax.scan.msk.u32 $0xffff, v26;
	v26 =	vld.idx.msk [tilespmem:v14+s13+$0x0], $0xffff  }
0x25: {  	v28, _, _ =	vpop (xrf0)  }
0x26: {  	v29 =	vadd.s32 $0x7FFFFFFF, v28  }
0x27: {  	vm0 =	vgt.s32 v29, $0x0  }
0x28: {  	v30, _, _ =	vpop (xrf2);
	v29 =	vnsel vm0, $0x0, v29;
	vm0 =	vgt.f32 v27, $5.000000000e-01;
	v27 =	vld.idx.msk [tilespmem:v17+s13+$0x0], $0xffff  }
0x29: {  	v31 =	vld.idx.msk [tilespmem:v16+s13+$0x0], $0xffff;
	v29 =	vperm.xlane v30, v29;
	(xrf2) =	vadd.scan.msk.f32 $0xffff, v26;
	v26 =	vnsel vm0, $0x7FFFFFFF, v10  }
0x2a: {  	v32, _, _ =	vpop (xrf0);
	(xrf0) =	vmax.scan.msk.u32 $0xffff, v26  }
0x2b: {  	vm0 =	vgt.u32 v28, $0x80000000;
	v26 =	vxor.u32 $0x80000000, v29;
	v29 =	vadd.s32 $0x7FFFFFFF, v32  }
0x2c: {  	vm1 =	vlt.s32 v28, $0x0;
	v26 =	vnsel vm0, $0x80000000, v26;
	vm0 =	vgt.s32 v29, $0x0  }
0x2d: {  	v28, _, _ =	vpop (xrf2);
	v26 =	vnsel vm1, $0x0, v26;
	v29 =	vnsel vm0, $0x0, v29;
	vm0 =	vgt.f32 v27, $5.000000000e-01  }
0x2e: {  	(xrf2) =	vadd.scan.msk.f32 $0xffff, v31;
	v26 =	vadd.f32 v26, v30;
	v27 =	vperm.xlane v28, v29;
	v29 =	vnsel vm0, $0x7FFFFFFF, v10;
	v30 =	vld.idx.msk [tilespmem:v19+s13+$0x0], $0xffff  }
0x2f: {  	(xrf0) =	vmax.scan.msk.u32 $0xffff, v29;
	v29 =	vld.idx.msk [tilespmem:v18+s13+$0x0], $0xffff  }
0x30: {  	vm0 =	vgt.u32 v32, $0x80000000;
	v33, _, _ =	vpop (xrf0)  }
0x31: {  	v31 =	vperm.xlane v26, v11;
	v27 =	vxor.u32 $0x80000000, v27;
	v43 =	vadd.s32 $0x7FFFFFFF, v33  }
0x32: {  	vm1 =	vlt.s32 v32, $0x0;
	v27 =	vnsel vm0, $0x80000000, v27;
	vm0 =	vgt.s32 v43, $0x0  }
0x33: {  	v27 =	vsel vm1, v27, v31;
	v31 =	vnsel vm0, $0x0, v43;
	vm0 =	vgt.f32 v30, $5.000000000e-01  }
0x34: {  	v27 =	vadd.f32 v27, v28;
	v28, _, _ =	vpop (xrf2);
	v30 =	vld.idx.msk [tilespmem:v21+s13+$0x0], $0xffff;
	(xrf2) =	vadd.scan.msk.f32 $0xffff, v29;
	v29 =	vnsel vm0, $0x7FFFFFFF, v10  }
0x35: {  	v31 =	vperm.xlane v28, v31;
	(xrf0) =	vmax.scan.msk.u32 $0xffff, v29  }
0x36: {  	v44 =	vld.idx.msk [tilespmem:v20+s13+$0x0], $0xffff;
	vm0 =	vgt.u32 v33, $0x80000000;
	v35, _, _ =	vpop (xrf0)  }
0x37: {  	v34 =	vperm.xlane v27, v11;
	v29 =	vxor.u32 $0x80000000, v31;
	v31 =	vadd.s32 $0x7FFFFFFF, v35  }
0x38: {  	v36 =	vld.idx.msk [tilespmem:v22+s13+$0x0], $0xffff;
	vm1 =	vlt.s32 v33, $0x0;
	v29 =	vnsel vm0, $0x80000000, v29;
	vm0 =	vgt.s32 v31, $0x0  }
0x39: {  	v45, _, _ =	vpop (xrf2);
	v29 =	vsel vm1, v29, v34;
	v31 =	vnsel vm0, $0x0, v31;
	vm0 =	vgt.f32 v30, $5.000000000e-01;
	v30 =	vld.idx.msk [tilespmem:v24+s13+$0x0], $0xffff  }
0x3a: {  	v46 =	vld.idx.msk [tilespmem:v23+s13+$0x0], $0xffff;
	v28 =	vadd.f32 v29, v28;
	v29 =	vperm.xlane v45, v31  }
0x3b: {  	(xrf2) =	vadd.scan.msk.f32 $0xffff, v44;
	v31 =	vnsel vm0, $0x7FFFFFFF, v10;
	vm0 =	vgt.u32 v35, $0x80000000;
	v47, _, _ =	vpop (xrf0)  }
0x3c: {  	v48 =	vld.idx.msk [tilespmem:v25+s13+$0x0], $0xffff;
	(xrf0) =	vmax.scan.msk.u32 $0xffff, v31;
	v31 =	vperm.xlane v28, v11;
	v29 =	vxor.u32 $0x80000000, v29;
	v49 =	vadd.s32 $0x7FFFFFFF, v47  }
0x3d: {  	(xrf2) =	vadd.scan.msk.f32 $0xffff, v36;
	vm1 =	vlt.s32 v35, $0x0;
	v29 =	vnsel vm0, $0x80000000, v29;
	vm0 =	vgt.s32 v49, $0x0  }
0x3e: {  	v29 =	vsel vm1, v29, v31;
	(xrf2) =	vadd.scan.msk.f32 $0xffff, v30;
	v30, _, _ =	vpop (xrf2);
	v31 =	vnsel vm0, $0x0, v49  }
0x3f: {  	v29 =	vadd.f32 v29, v45;
	vm0 =	vgt.f32 v46, $5.000000000e-01;
	v31 =	vperm.xlane v30, v31  }
0x40: {  	vm1 =	vgt.u32 v47, $0x80000000;
	v32 =	vnsel vm0, $0x7FFFFFFF, v10  }
0x41: {  	vm0 =	vgt.f32 v48, $5.000000000e-01;
	v33 =	vperm.xlane v29, v11;
	(xrf0) =	vmax.scan.msk.u32 $0xffff, v32;
	v31 =	vxor.u32 $0x80000000, v31  }
0x42: {  	v51 =	vnsel vm0, $0x7FFFFFFF, v10;
	vm0 =	vlt.s32 v47, $0x0;
	v31 =	vnsel vm1, $0x80000000, v31  }
0x43: {  	(xrf0) =	vmax.scan.msk.u32 $0xffff, v51;
	v31 =	vsel vm0, v31, v33;
	_ =	sdelay $0x1  }
0x44: {  	v50, _, _ =	vpop (xrf0)  }
0x45: {  	v52 =	vadd.s32 $0x7FFFFFFF, v50;
	v30 =	vadd.f32 v31, v30;
	v31, _, _ =	vpop (xrf2)  }
0x46: {  	vm0 =	vgt.s32 v52, $0x0;
	v56, _, _ =	vpop (xrf0)  }
0x47: {  	v53 =	vnsel vm0, $0x0, v52;
	v54, _, _ =	vpop (xrf2)  }
0x48: {  	v33 =	vperm.xlane v31, v53;
	v58, _, _ =	vpop (xrf0)  }
0x49: {  	v26 =	vperm.xlane v26, v0;
	v27 =	vperm.xlane v27, v1;
	[tilespmem:s15], [sflag:$0x1] =	stream.linear.gather [hbm4b:s5+s2], $0x4000, $0x38;
	v38, _, _ =	vpop (xrf2);
	[tilespmem:$0x14000] =	vst v63  }
0x4a: {  	vm0 =	vgt.u32 v50, $0x80000000;
	v55 =	vperm.xlane v30, v11;
	v33 =	vxor.u32 $0x80000000, v33;
	_ =	swait.ge [sflag:s16], $0x4000  }
0x4b: {  	vm1 =	vlt.s32 v50, $0x0;
	v37 =	vadd.s32 $0x7FFFFFFF, v56;
	v57 =	vnsel vm0, $0x80000000, v33;
	[sflag:s16] =	ssyncset.done $0x0  }
0x4c: {  	s21 =	simm.s32 $0x0;
	v28 =	vperm.xlane v28, v2;
	vm0 =	vgt.s32 v37, $0x0;
	s22 =	sld [smem:$0x7FC];
	v32 =	vsel vm1, v57, v55;
	[sflag:s16] =	ssyncadd.s32 $0xFFFFC000  }
0x4d: {  	v29 =	vperm.xlane v29, v3;
	s31 =	sld [smem:$0x7FD];
	v59 =	vnsel vm0, $0x0, v37;
	v31 =	vadd.f32 v32, v31;
	v62 =	vld [tilespmem:s21+$0x40]  }
0x4e: {  	v30 =	vperm.xlane v30, v4;
	v44 =	vadd.s32 $0x7FFFFFFF, v58;
	v60 =	vperm.xlane v54, v59;
	v63 =	vld [tilespmem:s21+$0x0]  }
0x4f: {  	vm0 =	vgt.u32 v56, $0x80000000;
	vm1 =	vlt.s32 v56, $0x0;
	v39 =	vld [tilespmem:s21+$0x20];
	p1 =	seq.s32 s22, $0x1;
	v61 =	vperm.xlane v31, v11  }
0x50: {  	v40 =	vld [tilespmem:s21+$0x10];
	v32 =	vxor.u32 $0x80000000, v60;
	v31 =	vperm.xlane v31, v6;
	v26 =	vpsel !p1, $0x0, v26;
	p1 =	seq.s32 s31, $0x1  }
0x51: {  	v45 =	vld [tilespmem:s21+$0x30];
	v32 =	vnsel vm0, $0x80000000, v32;
	vm0 =	vgt.s32 v44, $0x0;
	v26 =	vpsel p1, v27, v26  }
0x52: {  	v32 =	vsel vm1, v32, v61;
	v35 =	vnsel vm0, $0x0, v44;
	vm0 =	vgt.u32 v58, $0x80000000  }
0x53: {  	v26 =	vpsel p2, v28, v26;
	v32 =	vadd.f32 v32, v54;
	v35 =	vperm.xlane v38, v35  }
0x54: {  	v42 =	vmin.f32 v62, $0.0e+00;
	v46 =	vmin.f32 v63, $0.0e+00;
	vm1 =	vgt.f32 v63, $5.000000000e-01  }
0x55: {  	vm2 =	vgt.f32 v39, $5.000000000e-01;
	v50 =	vmin.f32 v40, $0.0e+00;
	v26 =	vpsel p3, v29, v26;
	(xrf2) =	vadd.scan.msk.f32 $0xffff, v42  }
0x56: {  	v29 =	vmin.f32 v39, $0.0e+00;
	v34 =	vmin.f32 v45, $0.0e+00;
	v36 =	vnsel vm1, $0x7FFFFFFF, v10;
	(xrf2) =	vadd.scan.msk.f32 $0xffff, v46  }
0x57: {  	v48 =	vld [tilespmem:s21+$0x50];
	v49 =	vnsel vm2, $0x7FFFFFFF, v10;
	v41 =	vperm.xlane v32, v11;
	v35 =	vxor.u32 $0x80000000, v35;
	(xrf0) =	vmax.scan.msk.u32 $0xffff, v36  }
0x58: {  	v27 =	vld [tilespmem:s21+$0x60];
	vm1 =	vlt.s32 v58, $0x0;
	v47 =	vnsel vm0, $0x80000000, v35;
	vm0 =	vgt.f32 v45, $5.000000000e-01;
	(xrf0) =	vmax.scan.msk.u32 $0xffff, v49  }
0x59: {  	(xrf2) =	vadd.scan.msk.f32 $0xffff, v50;
	v33 =	vsel vm1, v47, v41;
	vm1 =	vgt.f32 v40, $5.000000000e-01;
	v51 =	vnsel vm0, $0x7FFFFFFF, v10  }
0x5a: {  	s22 =	simm.s32 $0x80;
	v26 =	vpsel p4, v30, v26;
	vm0 =	vgt.f32 v62, $5.000000000e-01;
	v52 =	vnsel vm1, $0x7FFFFFFF, v10;
	(xrf0) =	vmax.scan.msk.u32 $0xffff, v51  }
0x5b: {  	v26 =	vpsel p5, v31, v26;
	v33 =	vadd.f32 v33, v38;
	v28 =	vnsel vm0, $0x7FFFFFFF, v10;
	v51 =	vld [tilespmem:s22+$0x30];
	(xrf0) =	vmax.scan.msk.u32 $0xffff, v52  }
0x5c: {  	v35 =	vmin.f32 v48, $0.0e+00;
	vm0 =	vgt.f32 v48, $5.000000000e-01;
	(xrf0) =	vmax.scan.msk.u32 $0xffff, v28;
	v28 =	vperm.xlane v32, v7  }
0x5d: {  	(xrf2) =	vadd.scan.msk.f32 $0xffff, v29;
	v30 =	vnsel vm0, $0x7FFFFFFF, v10;
	vm0 =	vgt.f32 v27, $5.000000000e-01;
	v29 =	vperm.xlane v33, v8;
	v31, _, _ =	vpop (xrf0)  }
0x5e: {  	v27 =	vmin.f32 v27, $0.0e+00;
	(xrf0) =	vmax.scan.msk.u32 $0xffff, v30;
	v30 =	vld [tilespmem:s21+$0x70];
	v28 =	vpsel p6, v28, v26;
	v53 =	vadd.s32 $0x7FFFFFFF, v31;
	v54, _, _ =	vpop (xrf0)  }
0x5f: {  	v28 =	vpsel p0, v29, v28;
	v29 =	vnsel vm0, $0x7FFFFFFF, v10;
	vm0 =	vgt.s32 v53, $0x0;
	v26, _, _ =	vpop (xrf2)  }
0x60: {  	v57 =	vadd.s32 $0x7FFFFFFF, v54;
	vm3 =	vlt.s32 v54, $0x0;
	vm10 =	vgt.f32 v51, $5.000000000e-01;
	v36, _, _ =	vpop (xrf0)  }
0x61: {  	(xrf0) =	vmax.scan.msk.u32 $0xffff, v29;
	v29 =	vnsel vm0, $0x0, v53;
	v55 =	vadd.s32 $0x7FFFFFFF, v36;
	v56, _, _ =	vpop (xrf0);
	vm5 =	vlt.s32 v36, $0x0  }
0x62: {  	v43, _, _ =	vpop (xrf2);
	vm11 =	vgt.u32 v36, $0x80000000;
	v58 =	vadd.s32 $0x7FFFFFFF, v56;
	vm0 =	vgt.s32 v55, $0x0  }
0x63: {  	v59, _, _ =	vpop (xrf0);
	v60 =	vmin.f32 v30, $0.0e+00;
	v29 =	vperm.xlane v43, v29;
	vm2 =	vlt.s32 v56, $0x0  }
0x64: {  	v32 =	vnsel vm0, $0x0, v55;
	v61 =	vadd.s32 $0x7FFFFFFF, v59;
	v62, _, _ =	vpop (xrf0);
	vm0 =	vgt.s32 v58, $0x0  }
0x65: {  	(xrf2) =	vadd.scan.msk.f32 $0xffff, v34;
	vm7 =	vgt.u32 v59, $0x80000000;
	vm1 =	vgt.s32 v61, $0x0;
	v44 =	vadd.s32 $0x7FFFFFFF, v62  }
0x66: {  	v38 =	vnsel vm0, $0x0, v58;
	vm0 =	vgt.s32 v57, $0x0;
	v29 =	vxor.u32 $0x80000000, v29  }
0x67: {  	v45, _, _ =	vpop (xrf2);
	vm4 =	vgt.u32 v62, $0x80000000;
	v41 =	vnsel vm1, $0x0, v61;
	vm1 =	vgt.s32 v44, $0x0  }
0x68: {  	v46, _, _ =	vpop (xrf2);
	v38 =	vperm.xlane v45, v38;
	v34 =	vnsel vm0, $0x0, v57;
	vm0 =	vgt.f32 v30, $5.000000000e-01  }
0x69: {  	v55 =	vld [tilespmem:s22+$0x0];
	v61 =	vnsel vm10, $0x7FFFFFFF, v10;
	v44 =	vnsel vm1, $0x0, v44;
	v34 =	vperm.xlane v46, v34  }
0x6a: {  	v47, _, _ =	vpop (xrf0);
	v63 =	vnsel vm0, $0x7FFFFFFF, v10;
	vm0 =	vgt.u32 v56, $0x80000000;
	v53 =	vperm.xlane v26, v41  }
0x6b: {  	v48 =	vadd.s32 $0x7FFFFFFF, v47;
	v38 =	vxor.u32 $0x80000000, v38;
	vm6 =	vgt.u32 v47, $0x80000000  }
0x6c: {  	v56 =	vld [tilespmem:s22+$0x10];
	vm1 =	vgt.s32 v48, $0x0;
	v30 =	vxor.u32 $0x80000000, v34;
	v38 =	vnsel vm0, $0x80000000, v38  }
0x6d: {  	(xrf0) =	vmax.scan.msk.u32 $0xffff, v63;
	vm0 =	vlt.s32 v31, $0x0;
	v48 =	vnsel vm1, $0x0, v48;
	vm1 =	vgt.u32 v31, $0x80000000  }
0x6e: {  	v37 =	vxor.u32 $0x80000000, v53;
	vm12 =	vgt.f32 v55, $5.000000000e-01;
	v29 =	vnsel vm1, $0x80000000, v29  }
0x6f: {  	v57 =	vmin.f32 v55, $0.0e+00;
	v31 =	vld [tilespmem:s22+$0x40];
	v41 =	vnsel vm12, $0x7FFFFFFF, v10;
	v34, _, _ =	vpop (xrf2);
	(xrf2) =	vadd.scan.msk.f32 $0xffff, v35;
	v28 =	vsel vm0, v29, v28  }
0x70: {  	vm1 =	vgt.u32 v54, $0x80000000;
	v32 =	vperm.xlane v34, v32;
	(xrf2) =	vadd.scan.msk.f32 $0xffff, v60;
	v28 =	vadd.f32 v28, v43  }
0x71: {  	v30 =	vnsel vm1, $0x80000000, v30;
	vm0 =	vlt.s32 v62, $0x0;
	vm15 =	vgt.f32 v56, $5.000000000e-01;
	(xrf2) =	vadd.scan.msk.f32 $0xffff, v27;
	v27 =	vld [tilespmem:s22+$0x20]  }
0x72: {  	vm1 =	vlt.s32 v47, $0x0;
	v62 =	vnsel vm15, $0x7FFFFFFF, v10;
	v52 =	vperm.xlane v28, v11  }
0x73: {  	v29 =	vxor.u32 $0x80000000, v32;
	v35, _, _ =	vpop (xrf0);
	v32 =	vnsel vm7, $0x80000000, v37;
	v28 =	vmul.f32 $1.442695020e+00, v28  }
0x74: {  	v54 =	vadd.s32 $0x7FFFFFFF, v35;
	vm9 =	vgt.f32 v31, $5.000000000e-01;
	v33 =	vsel vm2, v38, v52  }
0x75: {  	(erf) = vpow2.f32 v28;
	v28 =	vmin.f32 v31, $0.0e+00;
	v31 =	vadd.f32 v33, v45  }
0x76: {  	v29 =	vnsel vm11, $0x80000000, v29;
	v37 =	vmin.f32 v27, $0.0e+00;
	vm7 =	vgt.f32 v27, $5.000000000e-01;
	v27 =	vld [tilespmem:s22+$0x50]  }
0x77: {  	v60 =	vld [tilespmem:s22+$0x60];
	vm8 =	vgt.s32 v54, $0x0;
	vm2 =	vlt.s32 v59, $0x0;
	v58 =	vperm.xlane v31, v11  }
0x78: {  	(xrf0) =	vmax.scan.msk.u32 $0xffff, v41;
	v59 =	vmin.f32 v56, $0.0e+00;
	v40 =	vnsel vm8, $0x0, v54;
	v33 =	vmin.f32 v51, $0.0e+00  }
0x79: {  	(xrf2) =	vadd.scan.msk.f32 $0xffff, v28;
	v28 =	vnsel vm9, $0x7FFFFFFF, v10;
	v49 =	vnsel vm7, $0x7FFFFFFF, v10;
	v45, _, _ =	vpop (xrf2);
	v30 =	vsel vm3, v30, v58  }
0x7a: {  	(xrf0) =	vmax.scan.msk.u32 $0xffff, v49;
	v31 =	vmul.f32 $1.442695020e+00, v31;
	v39, _, _ =	vpop (xrf2);
	v44 =	vperm.xlane v45, v44;
	v30 =	vadd.f32 v30, v46  }
0x7b: {  	(xrf2) =	vadd.scan.msk.f32 $0xffff, v57;
	v41, _, _ =	vpop (xrf2);
	v50 =	vmin.f32 v27, $0.0e+00;
	vm3 =	vgt.f32 v27, $5.000000000e-01;
	v57 =	vperm.xlane v39, v40  }
0x7c: {  	v27 =	vmin.f32 v60, $0.0e+00;
	v63 =	vperm.xlane v41, v48;
	v53 =	vperm.xlane v30, v11  }
0x7d: {  	(xrf0) =	vmax.scan.msk.u32 $0xffff, v61;
	v52 =	vnsel vm3, $0x7FFFFFFF, v10;
	vm3 =	vgt.f32 v60, $5.000000000e-01;
	v55 =	vxor.u32 $0x80000000, v44  }
0x7e: {  	(xrf0) =	vmax.scan.msk.u32 $0xffff, v62;
	v30 =	vmul.f32 $1.442695020e+00, v30;
	v56 =	vnsel vm3, $0x7FFFFFFF, v10;
	v29 =	vsel vm5, v29, v53  }
0x7f: {  	(xrf0) =	vmax.scan.msk.u32 $0xffff, v28;
	v36 =	vnsel vm4, $0x80000000, v55;
	v54 =	vxor.u32 $0x80000000, v63;
	v28 =	vadd.f32 v29, v34  }
0x80: {  	v46, _, _ =	vpop (xrf0);
	v44 =	vld [tilespmem:s22+$0x70];
	v61 =	vxor.u32 $0x80000000, v57;
	vm4 =	vlt.s32 v35, $0x0;
	v43 =	vnsel vm6, $0x80000000, v54  }
0x81: {  	(xrf2) =	vadd.scan.msk.f32 $0xffff, v59;
	v42, _, _ =	vpop (xrf0);
	(erf) = vpow2.f32 v30;
	v29 =	vadd.s32 $0x7FFFFFFF, v46;
	v30 =	vperm.xlane v28, v11  }
0x82: {  	(xrf0) =	vmax.scan.msk.u32 $0xffff, v52;
	v59 =	vadd.s32 $0x7FFFFFFF, v42;
	(erf) = vpow2.f32 v31;
	vm3 =	vgt.s32 v29, $0x0  }
0x83: {  	(xrf2) =	vadd.scan.msk.f32 $0xffff, v37;
	v58 =	vmul.f32 $1.442695020e+00, v28;
	v37 =	vnsel vm3, $0x0, v29;
	v28, _, _ =	vpop (xrf0);
	v29 =	vsel vm2, v32, v30  }
0x84: {  	vm3 =	vgt.u32 v35, $0x80000000;
	v60 =	vadd.s32 $0x7FFFFFFF, v28;
	v26 =	vadd.f32 v29, v26  }
0x85: {  	v51 =	vmin.f32 v44, $0.0e+00;
	v32 =	vnsel vm3, $0x80000000, v61;
	v49, _, _ =	vpop (xrf0);
	vm2 =	vgt.s32 v60, $0x0  }
0x86: {  	v30 =	vadd.s32 $0x7FFFFFFF, v49;
	v29, _, _ =	vpop (xrf0);
	v48 =	vnsel vm2, $0x0, v60;
	v52 =	vperm.xlane v26, v11  }
0x87: {  	vm2 =	vgt.s32 v30, $0x0;
	v53 =	vmul.f32 $1.442695020e+00, v26;
	v31 =	vadd.s32 $0x7FFFFFFF, v29  }
0x88: {  	v34, _, _ =	vpop (xrf0);
	v30 =	vnsel vm2, $0x0, v30;
	vm2 =	vgt.s32 v59, $0x0;
	v62 =	vsel vm0, v36, v52  }
0x89: {  	(xrf0) =	vmax.scan.msk.u32 $0xffff, v56;
	v26, _, _ =	vpop (xrf2);
	vm3 =	vgt.s32 v31, $0x0;
	v54 =	vadd.s32 $0x7FFFFFFF, v34;
	v45 =	vadd.f32 v62, v45  }
0x8a: {  	(xrf2) =	vadd.scan.msk.f32 $0xffff, v33;
	(erf) = vpow2.f32 v53;
	vm0 =	vlt.s32 v42, $0x0;
	v57 =	vnsel vm2, $0x0, v59;
	v59 =	vpop (erf)  }
0x8b: {  	vm2 =	vgt.f32 v44, $5.000000000e-01;
	v36, _, _ =	vpop (xrf2);
	v38 =	vnsel vm3, $0x0, v31;
	v56 =	vperm.xlane v45, v11  }
0x8c: {  	vm3 =	vgt.s32 v54, $0x0;
	(erf) = vpow2.f32 v58;
	(xrf2) =	vadd.scan.msk.f32 $0xffff, v50;
	v33, _, _ =	vpop (xrf2);
	v50 =	vperm.xlane v36, v37  }
0x8d: {  	v60 =	vpop (erf);
	v63 =	vperm.xlane v33, v30;
	v45 =	vmul.f32 $1.442695020e+00, v45;
	v43 =	vsel vm1, v43, v56  }
0x8e: {  	v31, _, _ =	vpop (xrf2);
	v30 =	vnsel vm3, $0x0, v54;
	vm3 =	vgt.u32 v49, $0x80000000;
	v41 =	vadd.f32 v43, v41  }
0x8f: {  	[tilespmem:s21+$0x8020] =	vst v60;
	v35 =	vperm.xlane v31, v57;
	v57 =	vnsel vm2, $0x7FFFFFFF, v10;
	v60 =	vxor.u32 $0x80000000, v50  }
0x90: {  	vm2 =	vgt.u32 v42, $0x80000000;
	v40, _, _ =	vpop (xrf0);
	v63 =	vxor.u32 $0x80000000, v63;
	v61 =	vperm.xlane v41, v11  }
0x91: {  	v58 =	vadd.s32 $0x7FFFFFFF, v40;
	v53 =	vxor.u32 $0x80000000, v35;
	v43 =	vnsel vm3, $0x80000000, v63  }
0x92: {  	vm3 =	vlt.s32 v49, $0x0;
	v56 =	vmul.f32 $1.442695020e+00, v41;
	v32 =	vsel vm4, v32, v61  }
0x93: {  	[tilespmem:s21+$0x8000] =	vst v59;
	v62 =	vpop (erf);
	vm1 =	vgt.s32 v58, $0x0;
	v42 =	vnsel vm2, $0x80000000, v53;
	v32 =	vadd.f32 v32, v39  }
0x94: {  	(xrf0) =	vmax.scan.msk.u32 $0xffff, v57;
	v35 =	vnsel vm1, $0x0, v58;
	vm1 =	vgt.u32 v46, $0x80000000;
	v37, _, _ =	vpop (xrf2);
	(erf) = vpow2.f32 v56  }
0x95: {  	[tilespmem:s21+$0x8010] =	vst v62;
	v59 =	vpop (erf);
	v61 =	vnsel vm1, $0x80000000, v60;
	v58 =	vperm.xlane v37, v48;
	v62 =	vperm.xlane v32, v11  }
0x96: {  	[tilespmem:s21+$0x8040] =	vst v59;
	v63 =	vpop (erf);
	vm1 =	vlt.s32 v46, $0x0;
	(xrf2) =	vadd.scan.msk.f32 $0xffff, v51;
	(erf) = vpow2.f32 v45  }
0x97: {  	s23 =	simm.s32 $0x400;
	[tilespmem:s21+$0x8030] =	vst v63;
	v41 =	vxor.u32 $0x80000000, v58;
	v39 =	vmul.f32 $1.442695020e+00, v32;
	v44 =	vsel vm1, v61, v62;
	v32, _, _ =	vpop (xrf2)  }
.LBB2_2:
0x98: {  	s24 =	sshra.s32 s23, $0x2;
	p1 =	sne.s32 s23, $0xFE00;
	s23 =	sadd.s32 $0x200, s23;
	v36 =	vadd.f32 v44, v36;
	vm2 =	vlt.s32 v34, $0x0  }
0x99: {  	vm5 =	vlt.s32 v28, $0x0;
	vm4 =	vgt.u32 v34, $0x80000000;
	v44 =	vld [tilespmem:s24+$0x40];
	(erf) = vpow2.f32 v39  }
0x9a: {  	vm6 =	vgt.u32 v40, $0x80000000;
	vm1 =	vlt.s32 v40, $0x0;
	v34 =	vld [tilespmem:s24+$0x30];
	v39 =	vperm.xlane v36, v11;
	(xrf2) =	vadd.scan.msk.f32 $0xffff, v27;
	v40, _, _ =	vpop (xrf0)  }
0x9b: {  	v38 =	vperm.xlane v26, v38;
	v36 =	vmul.f32 $1.442695020e+00, v36;
	v27 =	vld [tilespmem:s24+$0x20];
	v45 =	vadd.s32 $0x7FFFFFFF, v40  }
0x9c: {  	vm8 =	vgt.u32 v29, $0x80000000;
	v46 =	vld [tilespmem:s24+$0x0];
	v39 =	vsel vm3, v43, v39;
	vm3 =	vlt.s32 v29, $0x0  }
0x9d: {  	v38 =	vxor.u32 $0x80000000, v38;
	vm9 =	vgt.s32 v45, $0x0;
	v29 =	vld [tilespmem:s24+$0x10];
	(erf) = vpow2.f32 v36  }
0x9e: {  	v33 =	vadd.f32 v39, v33;
	v47 =	vmin.f32 v44, $0.0e+00;
	vm7 =	vgt.f32 v44, $5.000000000e-01  }
0x9f: {  	v43 =	vmin.f32 v34, $0.0e+00;
	vm10 =	vgt.f32 v34, $5.000000000e-01;
	(xrf2) =	vadd.scan.msk.f32 $0xffff, v47;
	v34 =	vnsel vm8, $0x80000000, v38;
	v36 =	vpop (erf)  }
0xa0: {  	vm11 =	vgt.u32 v28, $0x80000000;
	v38 =	vmin.f32 v27, $0.0e+00;
	vm8 =	vgt.f32 v27, $5.000000000e-01;
	v27 =	vld [tilespmem:s24+$0x50];
	[tilespmem:s21+$0x8060] =	vst v36;
	v28 =	vpop (erf)  }
0xa1: {  	v44 =	vperm.xlane v33, v11;
	v36 =	vmin.f32 v46, $0.0e+00;
	vm12 =	vgt.f32 v46, $5.000000000e-01;
	v39, _, _ =	vpop (xrf2);
	[tilespmem:s21+$0x8050] =	vst v28  }
0xa2: {  	v28 =	vnsel vm12, $0x7FFFFFFF, v10;
	v46 =	vmin.f32 v29, $0.0e+00;
	v47 =	vld [tilespmem:s24+$0x60];
	(xrf2) =	vadd.scan.msk.f32 $0xffff, v36;
	v36 =	vnsel vm9, $0x0, v45;
	v45 =	vpop (erf)  }
0xa3: {  	v42 =	vsel vm0, v42, v44;
	vm9 =	vgt.f32 v29, $5.000000000e-01;
	v29 =	vnsel vm10, $0x7FFFFFFF, v10;
	[tilespmem:s21+$0x8070] =	vst v45;
	s21 =	smov.u32 s22;
	s22 =	smov.u32 s24  }
0xa4: {  	v44 =	vnsel vm9, $0x7FFFFFFF, v10;
	v45 =	vnsel vm8, $0x7FFFFFFF, v10;
	(xrf0) =	vmax.scan.msk.u32 $0xffff, v28;
	v28 =	vnsel vm11, $0x80000000, v41;
	v41, _, _ =	vpop (xrf2)  }
0xa5: {  	v48 =	vnsel vm7, $0x7FFFFFFF, v10;
	v31 =	vadd.f32 v42, v31;
	v49 =	vmin.f32 v27, $0.0e+00;
	(xrf0) =	vmax.scan.msk.u32 $0xffff, v45  }
0xa6: {  	v30 =	vperm.xlane v32, v30;
	vm0 =	vgt.f32 v27, $5.000000000e-01;
	v35 =	vperm.xlane v41, v35;
	(xrf2) =	vadd.scan.msk.f32 $0xffff, v46;
	v42 =	vpop (erf)  }
0xa7: {  	v45 =	vnsel vm0, $0x7FFFFFFF, v10;
	v27 =	vmin.f32 v47, $0.0e+00;
	(xrf0) =	vmax.scan.msk.u32 $0xffff, v29;
	v29 =	vperm.xlane v31, v11  }
0xa8: {  	vm0 =	vgt.f32 v47, $5.000000000e-01;
	v31 =	vmul.f32 $1.442695020e+00, v31;
	v35 =	vxor.u32 $0x80000000, v35;
	(xrf0) =	vmax.scan.msk.u32 $0xffff, v44  }
0xa9: {  	v35 =	vnsel vm6, $0x80000000, v35;
	v44, _, _ =	vpop (xrf2);
	(xrf0) =	vmax.scan.msk.u32 $0xffff, v48;
	v28 =	vsel vm5, v28, v29;
	v29 =	vxor.u32 $0x80000000, v30  }
0xaa: {  	v30 =	vnsel vm0, $0x7FFFFFFF, v10;
	v46 =	vld [tilespmem:s22+$0x70];
	v47, _, _ =	vpop (xrf0);
	[tilespmem:s21+$0x8000] =	vst v42;
	v50 =	vadd.f32 v28, v37;
	v37 =	vnsel vm4, $0x80000000, v29  }
0xab: {  	v29 =	vadd.s32 $0x7FFFFFFF, v47;
	(xrf2) =	vadd.scan.msk.f32 $0xffff, v38;
	v42, _, _ =	vpop (xrf0);
	v38 =	vperm.xlane v39, v36;
	(erf) = vpow2.f32 v31  }
0xac: {  	vm0 =	vgt.s32 v29, $0x0;
	v36, _, _ =	vpop (xrf2);
	(xrf0) =	vmax.scan.msk.u32 $0xffff, v45;
	v31 =	vperm.xlane v50, v11;
	v45 =	vmul.f32 $1.442695020e+00, v50  }
0xad: {  	v50 =	vmul.f32 $1.442695020e+00, v33;
	v48 =	vnsel vm0, $0x0, v29;
	v28, _, _ =	vpop (xrf0);
	vm0 =	vgt.u32 v40, $0x80000000  }
0xae: {  	v51 =	vadd.s32 $0x7FFFFFFF, v42;
	v52 =	vadd.s32 $0x7FFFFFFF, v28;
	v53, _, _ =	vpop (xrf0);
	v31 =	vsel vm3, v34, v31  }
0xaf: {  	v54 =	vadd.s32 $0x7FFFFFFF, v53;
	v55 =	vmin.f32 v46, $0.0e+00;
	v29, _, _ =	vpop (xrf0);
	v31 =	vadd.f32 v31, v26  }
0xb0: {  	v38 =	vxor.u32 $0x80000000, v38;
	vm3 =	vgt.s32 v52, $0x0;
	v33, _, _ =	vpop (xrf2);
	(erf) = vpow2.f32 v50  }
0xb1: {  	v26 =	vmovc v44;
	v50 =	vnsel vm3, $0x0, v52;
	v52 =	vadd.s32 $0x7FFFFFFF, v29;
	v56 =	vperm.xlane v31, v11  }
0xb2: {  	v44 =	vnsel vm0, $0x80000000, v38;
	vm3 =	vgt.s32 v54, $0x0;
	v34, _, _ =	vpop (xrf0);
	(xrf0) =	vmax.scan.msk.u32 $0xffff, v30;
	v30 =	vmul.f32 $1.442695020e+00, v31  }
0xb3: {  	vm0 =	vgt.s32 v52, $0x0;
	v57 =	vadd.s32 $0x7FFFFFFF, v34;
	(xrf2) =	vadd.scan.msk.f32 $0xffff, v43;
	v56 =	vsel vm2, v37, v56  }
0xb4: {  	v38 =	vnsel vm0, $0x0, v52;
	v37 =	vnsel vm3, $0x0, v54;
	v32 =	vadd.f32 v56, v32;
	v43 =	vpop (erf)  }
0xb5: {  	vm3 =	vgt.s32 v51, $0x0;
	vm4 =	vgt.s32 v57, $0x0;
	v31, _, _ =	vpop (xrf2);
	[tilespmem:s21+$0x8020] =	vst v43;
	(erf) = vpow2.f32 v30  }
0xb6: {  	vm2 =	vlt.s32 v40, $0x0;
	v37 =	vperm.xlane v33, v37;
	v43 =	vperm.xlane v32, v11  }
0xb7: {  	vm0 =	vlt.s32 v42, $0x0;
	v52 =	vmul.f32 $1.442695020e+00, v32;
	(erf) = vpow2.f32 v45  }
0xb8: {  	v30 =	vnsel vm4, $0x0, v57;
	v32 =	vnsel vm3, $0x0, v51;
	(xrf2) =	vadd.scan.msk.f32 $0xffff, v49;
	v40, _, _ =	vpop (xrf0);
	v45 =	vsel vm1, v35, v43  }
0xb9: {  	v32 =	vperm.xlane v31, v32;
	v43 =	vadd.s32 $0x7FFFFFFF, v40;
	v41 =	vadd.f32 v45, v41;
	v35 =	vpop (erf)  }
0xba: {  	vm3 =	vgt.f32 v46, $5.000000000e-01;
	v45 =	vperm.xlane v36, v48;
	vm1 =	vgt.s32 v43, $0x0;
	[tilespmem:s21+$0x8010] =	vst v35  }
0xbb: {  	v32 =	vxor.u32 $0x80000000, v32;
	v35 =	vnsel vm1, $0x0, v43;
	v43 =	vperm.xlane v41, v11  }
0xbc: {  	v46 =	vxor.u32 $0x80000000, v37;
	vm1 =	vgt.u32 v47, $0x80000000;
	v48 =	vmul.f32 $1.442695020e+00, v41  }
0xbd: {  	vm4 =	vgt.u32 v53, $0x80000000;
	v41 =	vnsel vm3, $0x7FFFFFFF, v10;
	v37, _, _ =	vpop (xrf2);
	v49 =	vsel vm2, v44, v43  }
.Ltmp0:
0xbe: {  	v43 =	vnsel vm4, $0x80000000, v46;
	v46 =	vperm.xlane v37, v50;
	v39 =	vadd.f32 v49, v39;
	v44 =	vpop (erf);
	(pc) =	sbr.rel @p1 .LBB2_2-.Ltmp0, $4  }
0xbf: {  	vm3 =	vlt.s32 v53, $0x0;
	vm2 =	vgt.u32 v42, $0x80000000;
	v49 =	vxor.u32 $0x80000000, v45;
	(xrf0) =	vmax.scan.msk.u32 $0xffff, v41  }
0xc0: {  	v42 =	vnsel vm1, $0x80000000, v49;
	v41 =	vxor.u32 $0x80000000, v46;
	[tilespmem:s21+$0x8040] =	vst v44;
	v44 =	vperm.xlane v39, v11;
	v45 =	vpop (erf)  }
0xc1: {  	vm1 =	vlt.s32 v47, $0x0;
	v39 =	vmul.f32 $1.442695020e+00, v39;
	[tilespmem:s21+$0x8030] =	vst v45;
	(erf) = vpow2.f32 v48  }
0xc2: {  	v44 =	vsel vm1, v42, v44;
	v42 =	vnsel vm2, $0x80000000, v32;
	v32, _, _ =	vpop (xrf2);
	(xrf2) =	vadd.scan.msk.f32 $0xffff, v55;
	(erf) = vpow2.f32 v52  }
0xc3: {  	v36 =	vadd.f32 v44, v36;
	_ =	sdelay $0x1  }
0xc4: {  	v44 =	vperm.xlane v36, v11;
	_ =	sdelay $0x1  }
0xc5: {  	v43 =	vsel vm3, v43, v44  }
0xc6: {  	v33 =	vadd.f32 v43, v33;
	_ =	sdelay $0x1  }
0xc7: {  	v43 =	vperm.xlane v33, v11;
	_ =	sdelay $0x1  }
0xc8: {  	v42 =	vsel vm0, v42, v43  }
0xc9: {  	v31 =	vadd.f32 v42, v31;
	_ =	sdelay $0x1  }
0xca: {  	vm0 =	vgt.u32 v28, $0x80000000;
	v42 =	vperm.xlane v31, v11  }
0xcb: {  	vm1 =	vlt.s32 v28, $0x0;
	v28 =	vnsel vm0, $0x80000000, v41  }
0xcc: {  	(xrf2) =	vadd.scan.msk.f32 $0xffff, v27;
	v27 =	vsel vm1, v28, v42  }
0xcd: {  	v28 =	vperm.xlane v26, v38;
	v27 =	vadd.f32 v27, v37;
	_ =	sdelay $0x1  }
0xce: {  	vm0 =	vgt.u32 v29, $0x80000000;
	v28 =	vxor.u32 $0x80000000, v28;
	v37 =	vperm.xlane v27, v11  }
0xcf: {  	vm1 =	vlt.s32 v29, $0x0;
	v28 =	vnsel vm0, $0x80000000, v28  }
0xd0: {  	v28 =	vsel vm1, v28, v37  }
0xd1: {  	v29 =	vperm.xlane v32, v30;
	v26 =	vadd.f32 v28, v26;
	_ =	sdelay $0x1  }
0xd2: {  	vm0 =	vgt.u32 v34, $0x80000000;
	v28 =	vxor.u32 $0x80000000, v29;
	v29 =	vperm.xlane v26, v11  }
0xd3: {  	v30, _, _ =	vpop (xrf2);
	vm1 =	vlt.s32 v34, $0x0;
	v28 =	vnsel vm0, $0x80000000, v28  }
0xd4: {  	v43, _, _ =	vpop (xrf2);
	v28 =	vsel vm1, v28, v29  }
0xd5: {  	v44, _, _ =	vpop (xrf0);
	v29 =	vperm.xlane v43, v35;
	v28 =	vadd.f32 v28, v32  }
0xd6: {  	(erf) = vpow2.f32 v39;
	v36 =	vmul.f32 $1.442695020e+00, v36;
	v45 =	vadd.s32 $0x7FFFFFFF, v44  }
0xd7: {  	vm0 =	vgt.u32 v40, $0x80000000;
	v29 =	vxor.u32 $0x80000000, v29;
	v46 =	vperm.xlane v28, v11  }
0xd8: {  	vm2 =	vgt.s32 v45, $0x0;
	vm1 =	vlt.s32 v40, $0x0;
	v29 =	vnsel vm0, $0x80000000, v29  }
0xd9: {  	v31 =	vmul.f32 $1.442695020e+00, v31;
	v35 =	vnsel vm2, $0x0, v45;
	v29 =	vsel vm1, v29, v46  }
0xda: {  	(erf) = vpow2.f32 v36;
	v35 =	vperm.xlane v30, v35;
	v29 =	vadd.f32 v29, v43  }
0xdb: {  	(erf) = vpow2.f32 v31;
	v31 =	vmul.f32 $1.442695020e+00, v33  }
0xdc: {  	vm0 =	vgt.u32 v44, $0x80000000;
	v47 =	vxor.u32 $0x80000000, v35;
	v34 =	vperm.xlane v29, v11  }
0xdd: {  	v26 =	vmul.f32 $1.442695020e+00, v26;
	v33 =	vnsel vm0, $0x80000000, v47;
	vm0 =	vlt.s32 v44, $0x0  }
0xde: {  	(erf) = vpow2.f32 v31;
	v27 =	vmul.f32 $1.442695020e+00, v27;
	v31 =	vsel vm0, v33, v34  }
0xdf: {  	(erf) = vpow2.f32 v26;
	v26 =	vmul.f32 $1.442695020e+00, v29;
	v29 =	vadd.f32 v31, v30  }
0xe0: {  	(erf) = vpow2.f32 v27  }
0xe1: {  	v28 =	vmul.f32 $1.442695020e+00, v28;
	v27 =	vmul.f32 $1.442695020e+00, v29  }
0xe2: {  	(erf) = vpow2.f32 v26  }
0xe3: {  	v26 =	vpop (erf);
	(erf) = vpow2.f32 v28  }
0xe4: {  	[tilespmem:s21+$0x8060] =	vst v26;
	v26 =	vpop (erf);
	(erf) = vpow2.f32 v27  }
0xe5: {  	[tilespmem:s21+$0x8050] =	vst v26;
	v27 =	vpop (erf)  }
0xe6: {  	v26 =	vpop (erf);
	[tilespmem:s21+$0x8070] =	vst v27  }
0xe7: {  	v27 =	vpop (erf);
	[tilespmem:s22+$0x8000] =	vst v26  }
0xe8: {  	v26 =	vpop (erf);
	[tilespmem:s22+$0x8020] =	vst v27  }
0xe9: {  	[tilespmem:s22+$0x8010] =	vst v26;
	v26 =	vpop (erf)  }
0xea: {  	[tilespmem:s22+$0x8040] =	vst v26;
	v26 =	vpop (erf)  }
0xeb: {  	[tilespmem:s22+$0x8030] =	vst v26;
	v26 =	vpop (erf)  }
0xec: {  	[tilespmem:s22+$0x8060] =	vst v26;
	v26 =	vpop (erf)  }
0xed: {  	[tilespmem:s22+$0x8050] =	vst v26;
	v26 =	vpop (erf)  }
0xee: {  	s31 =	simm.s32 $0x0;
	[tilespmem:s22+$0x8070] =	vst v26  }
0xef: {  	[hbm4b:s6+s31] =	stream.linear.scatter [tilespmem:s17], [sflag:$0x2], $0x4000, $0x38;
	[tilespmem:$0x14000] =	vst v63  }
0xf0: {  	_ = 	snop  }
0xf1: {  	[tilespmem:s31], [sflag:$0x1] =	stream.linear.gather [hbm4b:s7+s31], $0x4000, $0x38;
	[tilespmem:$0x14000] =	vst v63  }
0xf2: {  	_ =	swait.ge [sflag:s16], $0x4000  }
0xf3: {  	[sflag:s16] =	ssyncset.done $0x0  }
0xf4: {  	s21 =	simm.s32 $0x0;
	[sflag:s16] =	ssyncadd.s32 $0xFFFFC000  }
0xf5: {  	v26 =	vld [tilespmem:s21+$0x4040]  }
0xf6: {  	v27 =	vld [tilespmem:s21+$0x4000]  }
0xf7: {  	v28 =	vld [tilespmem:s21+$0x4020]  }
0xf8: {  	v30 =	vld [tilespmem:s21+$0x4030]  }
0xf9: {  	v31 =	vld [tilespmem:s21+$0x4010]  }
0xfa: {  	v48 =	vmin.f32 v26, $0.0e+00  }
0xfb: {  	v49 =	vmin.f32 v27, $0.0e+00;
	vm0 =	vgt.f32 v27, $5.000000000e-01;
	(xrf2) =	vadd.scan.msk.f32 $0xffff, v48  }
0xfc: {  	vm1 =	vgt.f32 v28, $5.000000000e-01;
	v27 =	vnsel vm0, $0x7FFFFFFF, v10;
	(xrf2) =	vadd.scan.msk.f32 $0xffff, v49  }
0xfd: {  	v50 =	vld [tilespmem:s21+$0x4050];
	v51 =	vnsel vm1, $0x7FFFFFFF, v10;
	(xrf0) =	vmax.scan.msk.u32 $0xffff, v27  }
0xfe: {  	vm0 =	vgt.f32 v30, $5.000000000e-01;
	v27 =	vmin.f32 v31, $0.0e+00;
	(xrf0) =	vmax.scan.msk.u32 $0xffff, v51  }
0xff: {  	s22 =	simm.s32 $0x80;
	vm1 =	vgt.f32 v31, $5.000000000e-01;
	v31 =	vnsel vm0, $0x7FFFFFFF, v10;
	(xrf2) =	vadd.scan.msk.f32 $0xffff, v27;
	v27 =	vld [tilespmem:s21+$0x4060]  }
0x100: {  	vm0 =	vgt.f32 v26, $5.000000000e-01;
	v51 =	vld [tilespmem:s22+$0x4030];
	(xrf0) =	vmax.scan.msk.u32 $0xffff, v31  }
0x101: {  	v43 =	vld [tilespmem:s22+$0x4070];
	v26 =	vnsel vm1, $0x7FFFFFFF, v10;
	v31 =	vnsel vm0, $0x7FFFFFFF, v10  }
0x102: {  	v32 =	vmin.f32 v50, $0.0e+00;
	vm0 =	vgt.f32 v50, $5.000000000e-01;
	v50 =	vld [tilespmem:s22+$0x4040];
	(xrf0) =	vmax.scan.msk.u32 $0xffff, v26  }
0x103: {  	v29 =	vperm.xlane v29, v11;
	v30 =	vmin.f32 v30, $0.0e+00;
	v26 =	vmin.f32 v28, $0.0e+00;
	(xrf0) =	vmax.scan.msk.u32 $0xffff, v31  }
0x104: {  	v28 =	vnsel vm0, $0x7FFFFFFF, v10;
	(xrf2) =	vadd.scan.msk.f32 $0xffff, v26;
	v31, _, _ =	vpop (xrf0);
	vm0 =	vgt.f32 v27, $5.000000000e-01;
	v27 =	vmin.f32 v27, $0.0e+00  }
0x105: {  	(xrf0) =	vmax.scan.msk.u32 $0xffff, v28;
	v28 =	vld [tilespmem:s21+$0x4070];
	v39 =	vmin.f32 v51, $0.0e+00;
	vm10 =	vgt.f32 v51, $5.000000000e-01;
	v53 =	vadd.s32 $0x7FFFFFFF, v31;
	v54, _, _ =	vpop (xrf0)  }
0x106: {  	v51 =	vmin.f32 v43, $0.0e+00;
	v52 =	vnsel vm0, $0x7FFFFFFF, v10;
	vm0 =	vgt.s32 v53, $0x0;
	v36, _, _ =	vpop (xrf0)  }
0x107: {  	vm9 =	vgt.f32 v50, $5.000000000e-01;
	vm3 =	vlt.s32 v54, $0x0;
	v26, _, _ =	vpop (xrf2);
	v55 =	vnsel vm0, $0x0, v53  }
0x108: {  	v56 =	vadd.s32 $0x7FFFFFFF, v36;
	v57, _, _ =	vpop (xrf0);
	(xrf2) =	vadd.scan.msk.f32 $0xffff, v30;
	v30 =	vadd.s32 $0x7FFFFFFF, v54;
	vm5 =	vlt.s32 v36, $0x0  }
0x109: {  	vm11 =	vgt.u32 v36, $0x80000000;
	v58 =	vadd.s32 $0x7FFFFFFF, v57;
	v59, _, _ =	vpop (xrf0);
	vm0 =	vgt.s32 v56, $0x0  }
0x10a: {  	(xrf0) =	vmax.scan.msk.u32 $0xffff, v52;
	v63, _, _ =	vpop (xrf2);
	vm2 =	vlt.s32 v57, $0x0;
	v60 =	vmin.f32 v28, $0.0e+00;
	v34 =	vnsel vm0, $0x0, v56  }
0x10b: {  	v61 =	vadd.s32 $0x7FFFFFFF, v59;
	vm0 =	vgt.s32 v58, $0x0;
	v33 =	vperm.xlane v63, v55  }
0x10c: {  	vm7 =	vgt.u32 v59, $0x80000000;
	v62, _, _ =	vpop (xrf0);
	vm1 =	vgt.s32 v61, $0x0;
	v38 =	vnsel vm0, $0x0, v58  }
0x10d: {  	v45, _, _ =	vpop (xrf2);
	vm0 =	vgt.s32 v30, $0x0;
	v49 =	vadd.s32 $0x7FFFFFFF, v62;
	v41 =	vnsel vm1, $0x0, v61  }
0x10e: {  	v38 =	vperm.xlane v45, v38;
	v30 =	vnsel vm0, $0x0, v30;
	vm0 =	vgt.f32 v28, $5.000000000e-01  }
0x10f: {  	v33 =	vxor.u32 $0x80000000, v33;
	vm4 =	vgt.u32 v62, $0x80000000;
	v61 =	vnsel vm10, $0x7FFFFFFF, v10;
	v46, _, _ =	vpop (xrf2)  }
0x110: {  	v55 =	vld [tilespmem:s22+$0x4000];
	vm1 =	vgt.s32 v49, $0x0;
	v47, _, _ =	vpop (xrf0);
	v53 =	vperm.xlane v26, v41;
	v30 =	vperm.xlane v46, v30  }
0x111: {  	v56 =	vld [tilespmem:s22+$0x4010];
	v44 =	vnsel vm1, $0x0, v49;
	v48 =	vadd.s32 $0x7FFFFFFF, v47;
	v38 =	vxor.u32 $0x80000000, v38  }
0x112: {  	vm1 =	vgt.s32 v48, $0x0;
	v28 =	vxor.u32 $0x80000000, v30;
	v30 =	vnsel vm0, $0x7FFFFFFF, v10  }
0x113: {  	v48 =	vnsel vm1, $0x0, v48;
	vm0 =	vgt.u32 v57, $0x80000000;
	vm1 =	vgt.u32 v31, $0x80000000  }
0x114: {  	(xrf2) =	vadd.scan.msk.f32 $0xffff, v32;
	v38 =	vnsel vm0, $0x80000000, v38;
	v33 =	vnsel vm1, $0x80000000, v33;
	vm0 =	vlt.s32 v31, $0x0  }
0x115: {  	(xrf2) =	vadd.scan.msk.f32 $0xffff, v60;
	vm6 =	vgt.u32 v47, $0x80000000;
	v37 =	vxor.u32 $0x80000000, v53;
	v29 =	vsel vm0, v33, v29  }
0x116: {  	(xrf2) =	vadd.scan.msk.f32 $0xffff, v27;
	v27 =	vld [tilespmem:s22+$0x4020];
	vm12 =	vgt.f32 v55, $5.000000000e-01;
	vm15 =	vgt.f32 v56, $5.000000000e-01;
	v29 =	vadd.f32 v29, v63  }
0x117: {  	v57 =	vmin.f32 v55, $0.0e+00;
	v41 =	vnsel vm12, $0x7FFFFFFF, v10;
	(xrf0) =	vmax.scan.msk.u32 $0xffff, v30;
	vm1 =	vgt.u32 v54, $0x80000000;
	v30, _, _ =	vpop (xrf2)  }
0x118: {  	v28 =	vnsel vm1, $0x80000000, v28;
	v34 =	vperm.xlane v30, v34;
	v52 =	vperm.xlane v29, v11  }
0x119: {  	vm0 =	vlt.s32 v62, $0x0;
	vm1 =	vlt.s32 v47, $0x0;
	v33 =	vnsel vm7, $0x80000000, v37  }
0x11a: {  	v29 =	vmul.f32 $1.442695020e+00, v29;
	v31 =	vxor.u32 $0x80000000, v34;
	v34 =	vsel vm2, v38, v52  }
0x11b: {  	vm7 =	vgt.f32 v27, $5.000000000e-01;
	v62 =	vnsel vm15, $0x7FFFFFFF, v10;
	v32 =	vadd.f32 v34, v45  }
0x11c: {  	v49 =	vnsel vm7, $0x7FFFFFFF, v10;
	vm2 =	vlt.s32 v59, $0x0;
	(erf) = vpow2.f32 v29  }
0x11d: {  	v35, _, _ =	vpop (xrf0);
	v29 =	vmin.f32 v50, $0.0e+00;
	v34 =	vmin.f32 v27, $0.0e+00;
	v27 =	vld [tilespmem:s22+$0x4050];
	v58 =	vperm.xlane v32, v11  }
0x11e: {  	v60 =	vld [tilespmem:s22+$0x4060];
	(xrf0) =	vmax.scan.msk.u32 $0xffff, v41;
	v59 =	vmin.f32 v56, $0.0e+00;
	v31 =	vnsel vm11, $0x80000000, v31;
	v54 =	vadd.s32 $0x7FFFFFFF, v35;
	v45, _, _ =	vpop (xrf2)  }
0x11f: {  	(xrf0) =	vmax.scan.msk.u32 $0xffff, v49;
	vm8 =	vgt.s32 v54, $0x0;
	v47, _, _ =	vpop (xrf2);
	v44 =	vperm.xlane v45, v44;
	v28 =	vsel vm3, v28, v58  }
0x120: {  	(xrf2) =	vadd.scan.msk.f32 $0xffff, v29;
	v29 =	vnsel vm9, $0x7FFFFFFF, v10;
	v40 =	vnsel vm8, $0x0, v54;
	v41, _, _ =	vpop (xrf2);
	v28 =	vadd.f32 v28, v46  }
0x121: {  	(xrf2) =	vadd.scan.msk.f32 $0xffff, v57;
	v63 =	vperm.xlane v41, v48;
	v55 =	vxor.u32 $0x80000000, v44;
	v57 =	vperm.xlane v47, v40  }
0x122: {  	v50 =	vmin.f32 v27, $0.0e+00;
	vm3 =	vgt.f32 v27, $5.000000000e-01;
	v53 =	vperm.xlane v28, v11  }
0x123: {  	(xrf0) =	vmax.scan.msk.u32 $0xffff, v61;
	v27 =	vmin.f32 v60, $0.0e+00;
	v54 =	vxor.u32 $0x80000000, v63;
	v36 =	vxor.u32 $0x80000000, v57  }
0x124: {  	(xrf0) =	vmax.scan.msk.u32 $0xffff, v62;
	v44, _, _ =	vpop (xrf0);
	v52 =	vnsel vm3, $0x7FFFFFFF, v10;
	v28 =	vmul.f32 $1.442695020e+00, v28;
	v31 =	vsel vm5, v31, v53  }
0x125: {  	(xrf0) =	vmax.scan.msk.u32 $0xffff, v29;
	vm3 =	vgt.f32 v60, $5.000000000e-01;
	v37 =	vnsel vm6, $0x80000000, v54;
	v42, _, _ =	vpop (xrf0);
	v29 =	vadd.f32 v31, v30  }
0x126: {  	v56 =	vnsel vm3, $0x7FFFFFFF, v10;
	v60 =	vadd.s32 $0x7FFFFFFF, v42;
	(erf) = vpow2.f32 v28  }
0x127: {  	v30 =	vnsel vm4, $0x80000000, v55;
	v31 =	vadd.s32 $0x7FFFFFFF, v44;
	v58 =	vperm.xlane v29, v11  }
0x128: {  	(xrf2) =	vadd.scan.msk.f32 $0xffff, v59;
	vm4 =	vlt.s32 v35, $0x0;
	vm3 =	vgt.s32 v31, $0x0;
	v59 =	vmul.f32 $1.442695020e+00, v29  }
0x129: {  	(xrf0) =	vmax.scan.msk.u32 $0xffff, v52;
	v28, _, _ =	vpop (xrf0);
	v48 =	vnsel vm3, $0x0, v31;
	v31 =	vmul.f32 $1.442695020e+00, v32;
	v29 =	vsel vm2, v33, v58  }
0x12a: {  	(xrf2) =	vadd.scan.msk.f32 $0xffff, v34;
	vm3 =	vgt.u32 v35, $0x80000000;
	v61 =	vadd.s32 $0x7FFFFFFF, v28;
	v49, _, _ =	vpop (xrf0);
	v26 =	vadd.f32 v29, v26  }
0x12b: {  	v62 =	vadd.s32 $0x7FFFFFFF, v49;
	v54 =	vnsel vm3, $0x80000000, v36;
	vm2 =	vgt.s32 v61, $0x0  }
0x12c: {  	v52 =	vnsel vm2, $0x0, v61;
	vm2 =	vgt.s32 v62, $0x0;
	v63 =	vperm.xlane v26, v11  }
0x12d: {  	(erf) = vpow2.f32 v31;
	v57 =	vnsel vm2, $0x0, v62;
	vm2 =	vgt.s32 v60, $0x0  }
0x12e: {  	v29, _, _ =	vpop (xrf0);
	v53 =	vmul.f32 $1.442695020e+00, v26;
	v32 =	vnsel vm2, $0x0, v60;
	v30 =	vsel vm0, v30, v63  }
0x12f: {  	vm2 =	vgt.f32 v43, $5.000000000e-01;
	v31 =	vadd.s32 $0x7FFFFFFF, v29;
	v34, _, _ =	vpop (xrf0);
	(xrf0) =	vmax.scan.msk.u32 $0xffff, v56;
	v30 =	vadd.f32 v30, v45  }
0x130: {  	v26, _, _ =	vpop (xrf2);
	vm3 =	vgt.s32 v31, $0x0;
	v55 =	vadd.s32 $0x7FFFFFFF, v34;
	(xrf2) =	vadd.scan.msk.f32 $0xffff, v39;
	(erf) = vpow2.f32 v53  }
0x131: {  	vm0 =	vlt.s32 v42, $0x0;
	v36, _, _ =	vpop (xrf2);
	v38 =	vnsel vm3, $0x0, v31;
	v45 =	vperm.xlane v30, v11  }
0x132: {  	vm3 =	vgt.s32 v55, $0x0;
	(erf) = vpow2.f32 v59;
	v33, _, _ =	vpop (xrf2);
	v61 =	vperm.xlane v36, v48  }
0x133: {  	(xrf2) =	vadd.scan.msk.f32 $0xffff, v50;
	v39 =	vperm.xlane v33, v57;
	v53 =	vmul.f32 $1.442695020e+00, v30;
	v58 =	vsel vm1, v37, v45  }
0x134: {  	v31, _, _ =	vpop (xrf2);
	v30 =	vnsel vm3, $0x0, v55;
	vm3 =	vgt.u32 v49, $0x80000000;
	v41 =	vadd.f32 v58, v41  }
0x135: {  	v57 =	vnsel vm2, $0x7FFFFFFF, v10;
	vm2 =	vgt.u32 v42, $0x80000000;
	v32 =	vperm.xlane v31, v32  }
0x136: {  	v46 =	vxor.u32 $0x80000000, v61;
	v40, _, _ =	vpop (xrf0);
	v39 =	vxor.u32 $0x80000000, v39;
	v63 =	vperm.xlane v41, v11  }
0x137: {  	v60 =	vpop (erf);
	v59 =	vadd.s32 $0x7FFFFFFF, v40;
	v32 =	vxor.u32 $0x80000000, v32;
	v43 =	vnsel vm3, $0x80000000, v39  }
0x138: {  	v62 =	vpop (erf);
	[tilespmem:s21+$0xC000] =	vst v60;
	vm1 =	vgt.s32 v59, $0x0;
	v56 =	vmul.f32 $1.442695020e+00, v41;
	v48 =	vsel vm4, v54, v63  }
0x139: {  	[tilespmem:s21+$0xC020] =	vst v62;
	v55 =	vpop (erf);
	vm3 =	vlt.s32 v49, $0x0;
	v35 =	vnsel vm1, $0x0, v59;
	v59 =	vadd.f32 v48, v47  }
0x13a: {  	(xrf0) =	vmax.scan.msk.u32 $0xffff, v57;
	v42 =	vnsel vm2, $0x80000000, v32;
	vm1 =	vgt.u32 v44, $0x80000000;
	v37, _, _ =	vpop (xrf2);
	(erf) = vpow2.f32 v56  }
0x13b: {  	[tilespmem:s21+$0xC010] =	vst v55;
	v60 =	vpop (erf);
	v61 =	vnsel vm1, $0x80000000, v46;
	v58 =	vperm.xlane v37, v52;
	v62 =	vperm.xlane v59, v11  }
0x13c: {  	vm1 =	vlt.s32 v44, $0x0;
	[tilespmem:s21+$0xC040] =	vst v60;
	(xrf2) =	vadd.scan.msk.f32 $0xffff, v51;
	(erf) = vpow2.f32 v53;
	v63 =	vpop (erf)  }
0x13d: {  	s23 =	simm.s32 $0x400;
	v32, _, _ =	vpop (xrf2);
	v41 =	vxor.u32 $0x80000000, v58;
	[tilespmem:s21+$0xC030] =	vst v63;
	v39 =	vmul.f32 $1.442695020e+00, v59;
	v44 =	vsel vm1, v61, v62  }
.LBB2_4:
0x13e: {  	s24 =	sshra.s32 s23, $0x2;
	p1 =	sne.s32 s23, $0xFE00;
	s23 =	sadd.s32 $0x200, s23;
	v36 =	vadd.f32 v44, v36;
	vm2 =	vlt.s32 v34, $0x0  }
0x13f: {  	vm5 =	vlt.s32 v28, $0x0;
	vm4 =	vgt.u32 v34, $0x80000000;
	v44 =	vld [tilespmem:s24+$0x4040];
	(erf) = vpow2.f32 v39  }
0x140: {  	vm6 =	vgt.u32 v40, $0x80000000;
	vm1 =	vlt.s32 v40, $0x0;
	v34 =	vld [tilespmem:s24+$0x4030];
	v39 =	vperm.xlane v36, v11;
	(xrf2) =	vadd.scan.msk.f32 $0xffff, v27;
	v40, _, _ =	vpop (xrf0)  }
0x141: {  	v38 =	vperm.xlane v26, v38;
	v36 =	vmul.f32 $1.442695020e+00, v36;
	v27 =	vld [tilespmem:s24+$0x4020];
	v45 =	vadd.s32 $0x7FFFFFFF, v40  }
0x142: {  	vm8 =	vgt.u32 v29, $0x80000000;
	v46 =	vld [tilespmem:s24+$0x4000];
	v39 =	vsel vm3, v43, v39;
	vm3 =	vlt.s32 v29, $0x0  }
0x143: {  	v38 =	vxor.u32 $0x80000000, v38;
	vm9 =	vgt.s32 v45, $0x0;
	v29 =	vld [tilespmem:s24+$0x4010];
	(erf) = vpow2.f32 v36  }
0x144: {  	v33 =	vadd.f32 v39, v33;
	v47 =	vmin.f32 v44, $0.0e+00;
	vm7 =	vgt.f32 v44, $5.000000000e-01  }
0x145: {  	v43 =	vmin.f32 v34, $0.0e+00;
	vm10 =	vgt.f32 v34, $5.000000000e-01;
	(xrf2) =	vadd.scan.msk.f32 $0xffff, v47;
	v34 =	vnsel vm8, $0x80000000, v38;
	v36 =	vpop (erf)  }
0x146: {  	vm11 =	vgt.u32 v28, $0x80000000;
	v38 =	vmin.f32 v27, $0.0e+00;
	vm8 =	vgt.f32 v27, $5.000000000e-01;
	v27 =	vld [tilespmem:s24+$0x4050];
	[tilespmem:s21+$0xC060] =	vst v36;
	v28 =	vpop (erf)  }
0x147: {  	v44 =	vperm.xlane v33, v11;
	v36 =	vmin.f32 v46, $0.0e+00;
	vm12 =	vgt.f32 v46, $5.000000000e-01;
	v39, _, _ =	vpop (xrf2);
	[tilespmem:s21+$0xC050] =	vst v28  }
0x148: {  	v28 =	vnsel vm12, $0x7FFFFFFF, v10;
	v46 =	vmin.f32 v29, $0.0e+00;
	v47 =	vld [tilespmem:s24+$0x4060];
	(xrf2) =	vadd.scan.msk.f32 $0xffff, v36;
	v36 =	vnsel vm9, $0x0, v45;
	v45 =	vpop (erf)  }
0x149: {  	v42 =	vsel vm0, v42, v44;
	vm9 =	vgt.f32 v29, $5.000000000e-01;
	v29 =	vnsel vm10, $0x7FFFFFFF, v10;
	[tilespmem:s21+$0xC070] =	vst v45;
	s21 =	smov.u32 s22;
	s22 =	smov.u32 s24  }
0x14a: {  	v44 =	vnsel vm9, $0x7FFFFFFF, v10;
	v45 =	vnsel vm8, $0x7FFFFFFF, v10;
	(xrf0) =	vmax.scan.msk.u32 $0xffff, v28;
	v28 =	vnsel vm11, $0x80000000, v41;
	v41, _, _ =	vpop (xrf2)  }
0x14b: {  	v48 =	vnsel vm7, $0x7FFFFFFF, v10;
	v31 =	vadd.f32 v42, v31;
	v49 =	vmin.f32 v27, $0.0e+00;
	(xrf0) =	vmax.scan.msk.u32 $0xffff, v45  }
0x14c: {  	v30 =	vperm.xlane v32, v30;
	vm0 =	vgt.f32 v27, $5.000000000e-01;
	v35 =	vperm.xlane v41, v35;
	(xrf2) =	vadd.scan.msk.f32 $0xffff, v46;
	v42 =	vpop (erf)  }
0x14d: {  	v45 =	vnsel vm0, $0x7FFFFFFF, v10;
	v27 =	vmin.f32 v47, $0.0e+00;
	(xrf0) =	vmax.scan.msk.u32 $0xffff, v29;
	v29 =	vperm.xlane v31, v11  }
0x14e: {  	vm0 =	vgt.f32 v47, $5.000000000e-01;
	v31 =	vmul.f32 $1.442695020e+00, v31;
	v35 =	vxor.u32 $0x80000000, v35;
	(xrf0) =	vmax.scan.msk.u32 $0xffff, v44  }
0x14f: {  	v35 =	vnsel vm6, $0x80000000, v35;
	v44, _, _ =	vpop (xrf2);
	(xrf0) =	vmax.scan.msk.u32 $0xffff, v48;
	v28 =	vsel vm5, v28, v29;
	v29 =	vxor.u32 $0x80000000, v30  }
0x150: {  	v30 =	vnsel vm0, $0x7FFFFFFF, v10;
	v46 =	vld [tilespmem:s22+$0x4070];
	v47, _, _ =	vpop (xrf0);
	[tilespmem:s21+$0xC000] =	vst v42;
	v50 =	vadd.f32 v28, v37;
	v37 =	vnsel vm4, $0x80000000, v29  }
0x151: {  	v29 =	vadd.s32 $0x7FFFFFFF, v47;
	(xrf2) =	vadd.scan.msk.f32 $0xffff, v38;
	v42, _, _ =	vpop (xrf0);
	v38 =	vperm.xlane v39, v36;
	(erf) = vpow2.f32 v31  }
0x152: {  	vm0 =	vgt.s32 v29, $0x0;
	v36, _, _ =	vpop (xrf2);
	(xrf0) =	vmax.scan.msk.u32 $0xffff, v45;
	v31 =	vperm.xlane v50, v11;
	v45 =	vmul.f32 $1.442695020e+00, v50  }
0x153: {  	v50 =	vmul.f32 $1.442695020e+00, v33;
	v48 =	vnsel vm0, $0x0, v29;
	v28, _, _ =	vpop (xrf0);
	vm0 =	vgt.u32 v40, $0x80000000  }
0x154: {  	v51 =	vadd.s32 $0x7FFFFFFF, v42;
	v52 =	vadd.s32 $0x7FFFFFFF, v28;
	v53, _, _ =	vpop (xrf0);
	v31 =	vsel vm3, v34, v31  }
0x155: {  	v54 =	vadd.s32 $0x7FFFFFFF, v53;
	v55 =	vmin.f32 v46, $0.0e+00;
	v29, _, _ =	vpop (xrf0);
	v31 =	vadd.f32 v31, v26  }
0x156: {  	v38 =	vxor.u32 $0x80000000, v38;
	vm3 =	vgt.s32 v52, $0x0;
	v33, _, _ =	vpop (xrf2);
	(erf) = vpow2.f32 v50  }
0x157: {  	v26 =	vmovc v44;
	v50 =	vnsel vm3, $0x0, v52;
	v52 =	vadd.s32 $0x7FFFFFFF, v29;
	v56 =	vperm.xlane v31, v11  }
0x158: {  	v44 =	vnsel vm0, $0x80000000, v38;
	vm3 =	vgt.s32 v54, $0x0;
	v34, _, _ =	vpop (xrf0);
	(xrf0) =	vmax.scan.msk.u32 $0xffff, v30;
	v30 =	vmul.f32 $1.442695020e+00, v31  }
0x159: {  	vm0 =	vgt.s32 v52, $0x0;
	v57 =	vadd.s32 $0x7FFFFFFF, v34;
	(xrf2) =	vadd.scan.msk.f32 $0xffff, v43;
	v56 =	vsel vm2, v37, v56  }
0x15a: {  	v38 =	vnsel vm0, $0x0, v52;
	v37 =	vnsel vm3, $0x0, v54;
	v32 =	vadd.f32 v56, v32;
	v43 =	vpop (erf)  }
0x15b: {  	vm3 =	vgt.s32 v51, $0x0;
	vm4 =	vgt.s32 v57, $0x0;
	v31, _, _ =	vpop (xrf2);
	[tilespmem:s21+$0xC020] =	vst v43;
	(erf) = vpow2.f32 v30  }
0x15c: {  	vm2 =	vlt.s32 v40, $0x0;
	v37 =	vperm.xlane v33, v37;
	v43 =	vperm.xlane v32, v11  }
0x15d: {  	vm0 =	vlt.s32 v42, $0x0;
	v52 =	vmul.f32 $1.442695020e+00, v32;
	(erf) = vpow2.f32 v45  }
0x15e: {  	v30 =	vnsel vm4, $0x0, v57;
	v32 =	vnsel vm3, $0x0, v51;
	(xrf2) =	vadd.scan.msk.f32 $0xffff, v49;
	v40, _, _ =	vpop (xrf0);
	v45 =	vsel vm1, v35, v43  }
0x15f: {  	v32 =	vperm.xlane v31, v32;
	v43 =	vadd.s32 $0x7FFFFFFF, v40;
	v41 =	vadd.f32 v45, v41;
	v35 =	vpop (erf)  }
0x160: {  	vm3 =	vgt.f32 v46, $5.000000000e-01;
	v45 =	vperm.xlane v36, v48;
	vm1 =	vgt.s32 v43, $0x0;
	[tilespmem:s21+$0xC010] =	vst v35  }
0x161: {  	v32 =	vxor.u32 $0x80000000, v32;
	v35 =	vnsel vm1, $0x0, v43;
	v43 =	vperm.xlane v41, v11  }
0x162: {  	v46 =	vxor.u32 $0x80000000, v37;
	vm1 =	vgt.u32 v47, $0x80000000;
	v48 =	vmul.f32 $1.442695020e+00, v41  }
0x163: {  	vm4 =	vgt.u32 v53, $0x80000000;
	v41 =	vnsel vm3, $0x7FFFFFFF, v10;
	v37, _, _ =	vpop (xrf2);
	v49 =	vsel vm2, v44, v43  }
.Ltmp1:
0x164: {  	v43 =	vnsel vm4, $0x80000000, v46;
	v46 =	vperm.xlane v37, v50;
	v39 =	vadd.f32 v49, v39;
	v44 =	vpop (erf);
	(pc) =	sbr.rel @p1 .LBB2_4-.Ltmp1, $4  }
0x165: {  	vm3 =	vlt.s32 v53, $0x0;
	vm2 =	vgt.u32 v42, $0x80000000;
	v49 =	vxor.u32 $0x80000000, v45;
	(xrf0) =	vmax.scan.msk.u32 $0xffff, v41  }
0x166: {  	v42 =	vnsel vm1, $0x80000000, v49;
	v41 =	vxor.u32 $0x80000000, v46;
	[tilespmem:s21+$0xC040] =	vst v44;
	v44 =	vperm.xlane v39, v11;
	v45 =	vpop (erf)  }
0x167: {  	vm1 =	vlt.s32 v47, $0x0;
	v39 =	vmul.f32 $1.442695020e+00, v39;
	[tilespmem:s21+$0xC030] =	vst v45;
	(erf) = vpow2.f32 v48  }
0x168: {  	v44 =	vsel vm1, v42, v44;
	v42 =	vnsel vm2, $0x80000000, v32;
	v32, _, _ =	vpop (xrf2);
	(xrf2) =	vadd.scan.msk.f32 $0xffff, v55;
	(erf) = vpow2.f32 v52  }
0x169: {  	v36 =	vadd.f32 v44, v36;
	_ =	sdelay $0x1  }
0x16a: {  	v44 =	vperm.xlane v36, v11;
	_ =	sdelay $0x1  }
0x16b: {  	v43 =	vsel vm3, v43, v44  }
0x16c: {  	v33 =	vadd.f32 v43, v33;
	_ =	sdelay $0x1  }
0x16d: {  	v43 =	vperm.xlane v33, v11;
	_ =	sdelay $0x1  }
0x16e: {  	v42 =	vsel vm0, v42, v43  }
0x16f: {  	v31 =	vadd.f32 v42, v31;
	_ =	sdelay $0x1  }
0x170: {  	vm0 =	vgt.u32 v28, $0x80000000;
	v42 =	vperm.xlane v31, v11  }
0x171: {  	vm1 =	vlt.s32 v28, $0x0;
	v28 =	vnsel vm0, $0x80000000, v41  }
0x172: {  	(xrf2) =	vadd.scan.msk.f32 $0xffff, v27;
	v27 =	vsel vm1, v28, v42  }
0x173: {  	v28 =	vperm.xlane v26, v38;
	v27 =	vadd.f32 v27, v37;
	_ =	sdelay $0x1  }
0x174: {  	vm0 =	vgt.u32 v29, $0x80000000;
	v28 =	vxor.u32 $0x80000000, v28;
	v37 =	vperm.xlane v27, v11  }
0x175: {  	vm1 =	vlt.s32 v29, $0x0;
	v28 =	vnsel vm0, $0x80000000, v28  }
0x176: {  	v28 =	vsel vm1, v28, v37  }
0x177: {  	v29 =	vperm.xlane v32, v30;
	v26 =	vadd.f32 v28, v26;
	_ =	sdelay $0x1  }
0x178: {  	vm0 =	vgt.u32 v34, $0x80000000;
	v28 =	vxor.u32 $0x80000000, v29;
	v29 =	vperm.xlane v26, v11  }
0x179: {  	v30, _, _ =	vpop (xrf2);
	vm1 =	vlt.s32 v34, $0x0;
	v28 =	vnsel vm0, $0x80000000, v28  }
0x17a: {  	v43, _, _ =	vpop (xrf2);
	v28 =	vsel vm1, v28, v29  }
0x17b: {  	v44, _, _ =	vpop (xrf0);
	v29 =	vperm.xlane v43, v35;
	v28 =	vadd.f32 v28, v32  }
0x17c: {  	(erf) = vpow2.f32 v39;
	v36 =	vmul.f32 $1.442695020e+00, v36;
	v45 =	vadd.s32 $0x7FFFFFFF, v44  }
0x17d: {  	vm0 =	vgt.u32 v40, $0x80000000;
	v29 =	vxor.u32 $0x80000000, v29;
	v46 =	vperm.xlane v28, v11  }
0x17e: {  	vm2 =	vgt.s32 v45, $0x0;
	vm1 =	vlt.s32 v40, $0x0;
	v29 =	vnsel vm0, $0x80000000, v29  }
0x17f: {  	v31 =	vmul.f32 $1.442695020e+00, v31;
	v35 =	vnsel vm2, $0x0, v45;
	v29 =	vsel vm1, v29, v46  }
0x180: {  	(erf) = vpow2.f32 v36;
	v35 =	vperm.xlane v30, v35;
	v29 =	vadd.f32 v29, v43  }
0x181: {  	(erf) = vpow2.f32 v31;
	v31 =	vmul.f32 $1.442695020e+00, v33  }
0x182: {  	vm0 =	vgt.u32 v44, $0x80000000;
	v47 =	vxor.u32 $0x80000000, v35;
	v34 =	vperm.xlane v29, v11  }
0x183: {  	v26 =	vmul.f32 $1.442695020e+00, v26;
	v33 =	vnsel vm0, $0x80000000, v47;
	vm0 =	vlt.s32 v44, $0x0  }
0x184: {  	(erf) = vpow2.f32 v31;
	v27 =	vmul.f32 $1.442695020e+00, v27;
	v31 =	vsel vm0, v33, v34  }
0x185: {  	(erf) = vpow2.f32 v26;
	v26 =	vmul.f32 $1.442695020e+00, v29;
	v29 =	vadd.f32 v31, v30  }
0x186: {  	(erf) = vpow2.f32 v27  }
0x187: {  	v28 =	vmul.f32 $1.442695020e+00, v28;
	v27 =	vmul.f32 $1.442695020e+00, v29  }
0x188: {  	(erf) = vpow2.f32 v26  }
0x189: {  	v26 =	vpop (erf);
	(erf) = vpow2.f32 v28  }
0x18a: {  	[tilespmem:s21+$0xC060] =	vst v26;
	v26 =	vpop (erf);
	(erf) = vpow2.f32 v27  }
0x18b: {  	[tilespmem:s21+$0xC050] =	vst v26;
	v27 =	vpop (erf)  }
0x18c: {  	v26 =	vpop (erf);
	[tilespmem:s21+$0xC070] =	vst v27  }
0x18d: {  	v27 =	vpop (erf);
	[tilespmem:s22+$0xC000] =	vst v26  }
0x18e: {  	v26 =	vpop (erf);
	[tilespmem:s22+$0xC020] =	vst v27  }
0x18f: {  	[tilespmem:s22+$0xC010] =	vst v26;
	v26 =	vpop (erf)  }
0x190: {  	[tilespmem:s22+$0xC040] =	vst v26;
	v26 =	vpop (erf)  }
0x191: {  	[tilespmem:s22+$0xC030] =	vst v26;
	v26 =	vpop (erf)  }
0x192: {  	[tilespmem:s22+$0xC060] =	vst v26;
	v26 =	vpop (erf)  }
0x193: {  	[tilespmem:s22+$0xC050] =	vst v26;
	v26 =	vpop (erf)  }
0x194: {  	s31 =	simm.s32 $0x0;
	[tilespmem:s22+$0xC070] =	vst v26  }
0x195: {  	[hbm4b:s8+s31] =	stream.linear.scatter [tilespmem:s18], [sflag:$0x2], $0x4000, $0x38;
	[tilespmem:$0x14000] =	vst v63  }
0x196: {  	_ = 	snop  }
0x197: {  	[tilespmem:s15], [sflag:$0x1] =	stream.linear.gather [hbm4b:s9+s31], $0x4000, $0x38;
	[tilespmem:$0x14000] =	vst v63  }
0x198: {  	_ =	swait.ge [sflag:s16], $0x4000  }
0x199: {  	[sflag:s16] =	ssyncset.done $0x0  }
0x19a: {  	[sflag:s16] =	ssyncadd.s32 $0xFFFFC000  }
0x19b: {  	_ =	swait.ge [sflag:s19], $0x4000  }
0x19c: {  	[sflag:s19] =	ssyncset.done $0x0  }
0x19d: {  	s21 =	simm.s32 $0x0;
	[sflag:s19] =	ssyncadd.s32 $0xFFFFC000  }
0x19e: {  	v26 =	vld [tilespmem:s21+$0x40]  }
0x19f: {  	v27 =	vld [tilespmem:s21+$0x0]  }
0x1a0: {  	v28 =	vld [tilespmem:s21+$0x20]  }
0x1a1: {  	v30 =	vld [tilespmem:s21+$0x30]  }
0x1a2: {  	v31 =	vld [tilespmem:s21+$0x10]  }
0x1a3: {  	v48 =	vmin.f32 v26, $0.0e+00  }
0x1a4: {  	v49 =	vmin.f32 v27, $0.0e+00;
	vm0 =	vgt.f32 v27, $5.000000000e-01;
	(xrf2) =	vadd.scan.msk.f32 $0xffff, v48  }
0x1a5: {  	vm1 =	vgt.f32 v28, $5.000000000e-01;
	v27 =	vnsel vm0, $0x7FFFFFFF, v10;
	(xrf2) =	vadd.scan.msk.f32 $0xffff, v49  }
0x1a6: {  	v50 =	vld [tilespmem:s21+$0x50];
	v51 =	vnsel vm1, $0x7FFFFFFF, v10;
	(xrf0) =	vmax.scan.msk.u32 $0xffff, v27  }
0x1a7: {  	vm0 =	vgt.f32 v30, $5.000000000e-01;
	v27 =	vmin.f32 v31, $0.0e+00;
	(xrf0) =	vmax.scan.msk.u32 $0xffff, v51  }
0x1a8: {  	s22 =	simm.s32 $0x80;
	vm1 =	vgt.f32 v31, $5.000000000e-01;
	v31 =	vnsel vm0, $0x7FFFFFFF, v10;
	(xrf2) =	vadd.scan.msk.f32 $0xffff, v27;
	v27 =	vld [tilespmem:s21+$0x60]  }
0x1a9: {  	vm0 =	vgt.f32 v26, $5.000000000e-01;
	v51 =	vld [tilespmem:s22+$0x30];
	(xrf0) =	vmax.scan.msk.u32 $0xffff, v31  }
0x1aa: {  	v43 =	vld [tilespmem:s22+$0x70];
	v26 =	vnsel vm1, $0x7FFFFFFF, v10;
	v31 =	vnsel vm0, $0x7FFFFFFF, v10  }
0x1ab: {  	v32 =	vmin.f32 v50, $0.0e+00;
	vm0 =	vgt.f32 v50, $5.000000000e-01;
	v50 =	vld [tilespmem:s22+$0x40];
	(xrf0) =	vmax.scan.msk.u32 $0xffff, v26  }
0x1ac: {  	v29 =	vperm.xlane v29, v11;
	v30 =	vmin.f32 v30, $0.0e+00;
	v26 =	vmin.f32 v28, $0.0e+00;
	(xrf0) =	vmax.scan.msk.u32 $0xffff, v31  }
0x1ad: {  	v28 =	vnsel vm0, $0x7FFFFFFF, v10;
	(xrf2) =	vadd.scan.msk.f32 $0xffff, v26;
	v31, _, _ =	vpop (xrf0);
	vm0 =	vgt.f32 v27, $5.000000000e-01;
	v27 =	vmin.f32 v27, $0.0e+00  }
0x1ae: {  	(xrf0) =	vmax.scan.msk.u32 $0xffff, v28;
	v28 =	vld [tilespmem:s21+$0x70];
	v39 =	vmin.f32 v51, $0.0e+00;
	vm10 =	vgt.f32 v51, $5.000000000e-01;
	v53 =	vadd.s32 $0x7FFFFFFF, v31;
	v54, _, _ =	vpop (xrf0)  }
0x1af: {  	v51 =	vmin.f32 v43, $0.0e+00;
	v52 =	vnsel vm0, $0x7FFFFFFF, v10;
	vm0 =	vgt.s32 v53, $0x0;
	v36, _, _ =	vpop (xrf0)  }
0x1b0: {  	vm9 =	vgt.f32 v50, $5.000000000e-01;
	vm3 =	vlt.s32 v54, $0x0;
	v26, _, _ =	vpop (xrf2);
	v55 =	vnsel vm0, $0x0, v53  }
0x1b1: {  	v56 =	vadd.s32 $0x7FFFFFFF, v36;
	v57, _, _ =	vpop (xrf0);
	(xrf2) =	vadd.scan.msk.f32 $0xffff, v30;
	v30 =	vadd.s32 $0x7FFFFFFF, v54;
	vm5 =	vlt.s32 v36, $0x0  }
0x1b2: {  	vm11 =	vgt.u32 v36, $0x80000000;
	v58 =	vadd.s32 $0x7FFFFFFF, v57;
	v59, _, _ =	vpop (xrf0);
	vm0 =	vgt.s32 v56, $0x0  }
0x1b3: {  	(xrf0) =	vmax.scan.msk.u32 $0xffff, v52;
	v63, _, _ =	vpop (xrf2);
	vm2 =	vlt.s32 v57, $0x0;
	v60 =	vmin.f32 v28, $0.0e+00;
	v34 =	vnsel vm0, $0x0, v56  }
0x1b4: {  	v61 =	vadd.s32 $0x7FFFFFFF, v59;
	vm0 =	vgt.s32 v58, $0x0;
	v33 =	vperm.xlane v63, v55  }
0x1b5: {  	vm7 =	vgt.u32 v59, $0x80000000;
	v62, _, _ =	vpop (xrf0);
	vm1 =	vgt.s32 v61, $0x0;
	v38 =	vnsel vm0, $0x0, v58  }
0x1b6: {  	v45, _, _ =	vpop (xrf2);
	vm0 =	vgt.s32 v30, $0x0;
	v49 =	vadd.s32 $0x7FFFFFFF, v62;
	v41 =	vnsel vm1, $0x0, v61  }
0x1b7: {  	v38 =	vperm.xlane v45, v38;
	v30 =	vnsel vm0, $0x0, v30;
	vm0 =	vgt.f32 v28, $5.000000000e-01  }
0x1b8: {  	v33 =	vxor.u32 $0x80000000, v33;
	vm4 =	vgt.u32 v62, $0x80000000;
	v61 =	vnsel vm10, $0x7FFFFFFF, v10;
	v46, _, _ =	vpop (xrf2)  }
0x1b9: {  	v55 =	vld [tilespmem:s22+$0x0];
	vm1 =	vgt.s32 v49, $0x0;
	v47, _, _ =	vpop (xrf0);
	v53 =	vperm.xlane v26, v41;
	v30 =	vperm.xlane v46, v30  }
0x1ba: {  	v56 =	vld [tilespmem:s22+$0x10];
	v44 =	vnsel vm1, $0x0, v49;
	v48 =	vadd.s32 $0x7FFFFFFF, v47;
	v38 =	vxor.u32 $0x80000000, v38  }
0x1bb: {  	vm1 =	vgt.s32 v48, $0x0;
	v28 =	vxor.u32 $0x80000000, v30;
	v30 =	vnsel vm0, $0x7FFFFFFF, v10  }
0x1bc: {  	v48 =	vnsel vm1, $0x0, v48;
	vm0 =	vgt.u32 v57, $0x80000000;
	vm1 =	vgt.u32 v31, $0x80000000  }
0x1bd: {  	(xrf2) =	vadd.scan.msk.f32 $0xffff, v32;
	v38 =	vnsel vm0, $0x80000000, v38;
	v33 =	vnsel vm1, $0x80000000, v33;
	vm0 =	vlt.s32 v31, $0x0  }
0x1be: {  	(xrf2) =	vadd.scan.msk.f32 $0xffff, v60;
	vm6 =	vgt.u32 v47, $0x80000000;
	v37 =	vxor.u32 $0x80000000, v53;
	v29 =	vsel vm0, v33, v29  }
0x1bf: {  	(xrf2) =	vadd.scan.msk.f32 $0xffff, v27;
	v27 =	vld [tilespmem:s22+$0x20];
	vm12 =	vgt.f32 v55, $5.000000000e-01;
	vm15 =	vgt.f32 v56, $5.000000000e-01;
	v29 =	vadd.f32 v29, v63  }
0x1c0: {  	v57 =	vmin.f32 v55, $0.0e+00;
	v41 =	vnsel vm12, $0x7FFFFFFF, v10;
	(xrf0) =	vmax.scan.msk.u32 $0xffff, v30;
	vm1 =	vgt.u32 v54, $0x80000000;
	v30, _, _ =	vpop (xrf2)  }
0x1c1: {  	v28 =	vnsel vm1, $0x80000000, v28;
	v34 =	vperm.xlane v30, v34;
	v52 =	vperm.xlane v29, v11  }
0x1c2: {  	vm0 =	vlt.s32 v62, $0x0;
	vm1 =	vlt.s32 v47, $0x0;
	v33 =	vnsel vm7, $0x80000000, v37  }
0x1c3: {  	v29 =	vmul.f32 $1.442695020e+00, v29;
	v31 =	vxor.u32 $0x80000000, v34;
	v34 =	vsel vm2, v38, v52  }
0x1c4: {  	vm7 =	vgt.f32 v27, $5.000000000e-01;
	v62 =	vnsel vm15, $0x7FFFFFFF, v10;
	v32 =	vadd.f32 v34, v45  }
0x1c5: {  	v49 =	vnsel vm7, $0x7FFFFFFF, v10;
	vm2 =	vlt.s32 v59, $0x0;
	(erf) = vpow2.f32 v29  }
0x1c6: {  	v35, _, _ =	vpop (xrf0);
	v29 =	vmin.f32 v50, $0.0e+00;
	v34 =	vmin.f32 v27, $0.0e+00;
	v27 =	vld [tilespmem:s22+$0x50];
	v58 =	vperm.xlane v32, v11  }
0x1c7: {  	v60 =	vld [tilespmem:s22+$0x60];
	(xrf0) =	vmax.scan.msk.u32 $0xffff, v41;
	v59 =	vmin.f32 v56, $0.0e+00;
	v31 =	vnsel vm11, $0x80000000, v31;
	v54 =	vadd.s32 $0x7FFFFFFF, v35;
	v45, _, _ =	vpop (xrf2)  }
0x1c8: {  	(xrf0) =	vmax.scan.msk.u32 $0xffff, v49;
	vm8 =	vgt.s32 v54, $0x0;
	v47, _, _ =	vpop (xrf2);
	v44 =	vperm.xlane v45, v44;
	v28 =	vsel vm3, v28, v58  }
0x1c9: {  	(xrf2) =	vadd.scan.msk.f32 $0xffff, v29;
	v29 =	vnsel vm9, $0x7FFFFFFF, v10;
	v40 =	vnsel vm8, $0x0, v54;
	v41, _, _ =	vpop (xrf2);
	v28 =	vadd.f32 v28, v46  }
0x1ca: {  	(xrf2) =	vadd.scan.msk.f32 $0xffff, v57;
	v63 =	vperm.xlane v41, v48;
	v55 =	vxor.u32 $0x80000000, v44;
	v57 =	vperm.xlane v47, v40  }
0x1cb: {  	v50 =	vmin.f32 v27, $0.0e+00;
	vm3 =	vgt.f32 v27, $5.000000000e-01;
	v53 =	vperm.xlane v28, v11  }
0x1cc: {  	(xrf0) =	vmax.scan.msk.u32 $0xffff, v61;
	v27 =	vmin.f32 v60, $0.0e+00;
	v54 =	vxor.u32 $0x80000000, v63;
	v36 =	vxor.u32 $0x80000000, v57  }
0x1cd: {  	(xrf0) =	vmax.scan.msk.u32 $0xffff, v62;
	v44, _, _ =	vpop (xrf0);
	v52 =	vnsel vm3, $0x7FFFFFFF, v10;
	v28 =	vmul.f32 $1.442695020e+00, v28;
	v31 =	vsel vm5, v31, v53  }
0x1ce: {  	(xrf0) =	vmax.scan.msk.u32 $0xffff, v29;
	vm3 =	vgt.f32 v60, $5.000000000e-01;
	v37 =	vnsel vm6, $0x80000000, v54;
	v42, _, _ =	vpop (xrf0);
	v29 =	vadd.f32 v31, v30  }
0x1cf: {  	v56 =	vnsel vm3, $0x7FFFFFFF, v10;
	v60 =	vadd.s32 $0x7FFFFFFF, v42;
	(erf) = vpow2.f32 v28  }
0x1d0: {  	v30 =	vnsel vm4, $0x80000000, v55;
	v31 =	vadd.s32 $0x7FFFFFFF, v44;
	v58 =	vperm.xlane v29, v11  }
0x1d1: {  	(xrf2) =	vadd.scan.msk.f32 $0xffff, v59;
	vm4 =	vlt.s32 v35, $0x0;
	vm3 =	vgt.s32 v31, $0x0;
	v59 =	vmul.f32 $1.442695020e+00, v29  }
0x1d2: {  	(xrf0) =	vmax.scan.msk.u32 $0xffff, v52;
	v28, _, _ =	vpop (xrf0);
	v48 =	vnsel vm3, $0x0, v31;
	v31 =	vmul.f32 $1.442695020e+00, v32;
	v29 =	vsel vm2, v33, v58  }
0x1d3: {  	(xrf2) =	vadd.scan.msk.f32 $0xffff, v34;
	vm3 =	vgt.u32 v35, $0x80000000;
	v61 =	vadd.s32 $0x7FFFFFFF, v28;
	v49, _, _ =	vpop (xrf0);
	v26 =	vadd.f32 v29, v26  }
0x1d4: {  	v62 =	vadd.s32 $0x7FFFFFFF, v49;
	v54 =	vnsel vm3, $0x80000000, v36;
	vm2 =	vgt.s32 v61, $0x0  }
0x1d5: {  	v52 =	vnsel vm2, $0x0, v61;
	vm2 =	vgt.s32 v62, $0x0;
	v63 =	vperm.xlane v26, v11  }
0x1d6: {  	(erf) = vpow2.f32 v31;
	v57 =	vnsel vm2, $0x0, v62;
	vm2 =	vgt.s32 v60, $0x0  }
0x1d7: {  	v29, _, _ =	vpop (xrf0);
	v53 =	vmul.f32 $1.442695020e+00, v26;
	v32 =	vnsel vm2, $0x0, v60;
	v30 =	vsel vm0, v30, v63  }
0x1d8: {  	vm2 =	vgt.f32 v43, $5.000000000e-01;
	v31 =	vadd.s32 $0x7FFFFFFF, v29;
	v34, _, _ =	vpop (xrf0);
	(xrf0) =	vmax.scan.msk.u32 $0xffff, v56;
	v30 =	vadd.f32 v30, v45  }
0x1d9: {  	v26, _, _ =	vpop (xrf2);
	vm3 =	vgt.s32 v31, $0x0;
	v55 =	vadd.s32 $0x7FFFFFFF, v34;
	(xrf2) =	vadd.scan.msk.f32 $0xffff, v39;
	(erf) = vpow2.f32 v53  }
0x1da: {  	vm0 =	vlt.s32 v42, $0x0;
	v36, _, _ =	vpop (xrf2);
	v38 =	vnsel vm3, $0x0, v31;
	v45 =	vperm.xlane v30, v11  }
0x1db: {  	vm3 =	vgt.s32 v55, $0x0;
	(erf) = vpow2.f32 v59;
	v33, _, _ =	vpop (xrf2);
	v61 =	vperm.xlane v36, v48  }
0x1dc: {  	(xrf2) =	vadd.scan.msk.f32 $0xffff, v50;
	v39 =	vperm.xlane v33, v57;
	v53 =	vmul.f32 $1.442695020e+00, v30;
	v58 =	vsel vm1, v37, v45  }
0x1dd: {  	v31, _, _ =	vpop (xrf2);
	v30 =	vnsel vm3, $0x0, v55;
	vm3 =	vgt.u32 v49, $0x80000000;
	v41 =	vadd.f32 v58, v41  }
0x1de: {  	v57 =	vnsel vm2, $0x7FFFFFFF, v10;
	vm2 =	vgt.u32 v42, $0x80000000;
	v32 =	vperm.xlane v31, v32  }
0x1df: {  	v46 =	vxor.u32 $0x80000000, v61;
	v40, _, _ =	vpop (xrf0);
	v39 =	vxor.u32 $0x80000000, v39;
	v63 =	vperm.xlane v41, v11  }
0x1e0: {  	v60 =	vpop (erf);
	v59 =	vadd.s32 $0x7FFFFFFF, v40;
	v32 =	vxor.u32 $0x80000000, v32;
	v43 =	vnsel vm3, $0x80000000, v39  }
0x1e1: {  	v62 =	vpop (erf);
	[tilespmem:s21+$0x8000] =	vst v60;
	vm1 =	vgt.s32 v59, $0x0;
	v56 =	vmul.f32 $1.442695020e+00, v41;
	v48 =	vsel vm4, v54, v63  }
0x1e2: {  	[tilespmem:s21+$0x8020] =	vst v62;
	v55 =	vpop (erf);
	vm3 =	vlt.s32 v49, $0x0;
	v35 =	vnsel vm1, $0x0, v59;
	v59 =	vadd.f32 v48, v47  }
0x1e3: {  	(xrf0) =	vmax.scan.msk.u32 $0xffff, v57;
	v42 =	vnsel vm2, $0x80000000, v32;
	vm1 =	vgt.u32 v44, $0x80000000;
	v37, _, _ =	vpop (xrf2);
	(erf) = vpow2.f32 v56  }
0x1e4: {  	[tilespmem:s21+$0x8010] =	vst v55;
	v60 =	vpop (erf);
	v61 =	vnsel vm1, $0x80000000, v46;
	v58 =	vperm.xlane v37, v52;
	v62 =	vperm.xlane v59, v11  }
0x1e5: {  	vm1 =	vlt.s32 v44, $0x0;
	[tilespmem:s21+$0x8040] =	vst v60;
	(xrf2) =	vadd.scan.msk.f32 $0xffff, v51;
	(erf) = vpow2.f32 v53;
	v63 =	vpop (erf)  }
0x1e6: {  	s23 =	simm.s32 $0x400;
	v32, _, _ =	vpop (xrf2);
	v41 =	vxor.u32 $0x80000000, v58;
	[tilespmem:s21+$0x8030] =	vst v63;
	v39 =	vmul.f32 $1.442695020e+00, v59;
	v44 =	vsel vm1, v61, v62  }
.LBB2_6:
0x1e7: {  	s24 =	sshra.s32 s23, $0x2;
	p1 =	sne.s32 s23, $0xFE00;
	s23 =	sadd.s32 $0x200, s23;
	v36 =	vadd.f32 v44, v36;
	vm2 =	vlt.s32 v34, $0x0  }
0x1e8: {  	vm5 =	vlt.s32 v28, $0x0;
	vm4 =	vgt.u32 v34, $0x80000000;
	v44 =	vld [tilespmem:s24+$0x40];
	(erf) = vpow2.f32 v39  }
0x1e9: {  	vm6 =	vgt.u32 v40, $0x80000000;
	vm1 =	vlt.s32 v40, $0x0;
	v34 =	vld [tilespmem:s24+$0x30];
	v39 =	vperm.xlane v36, v11;
	(xrf2) =	vadd.scan.msk.f32 $0xffff, v27;
	v40, _, _ =	vpop (xrf0)  }
0x1ea: {  	v38 =	vperm.xlane v26, v38;
	v36 =	vmul.f32 $1.442695020e+00, v36;
	v27 =	vld [tilespmem:s24+$0x20];
	v45 =	vadd.s32 $0x7FFFFFFF, v40  }
0x1eb: {  	vm8 =	vgt.u32 v29, $0x80000000;
	v46 =	vld [tilespmem:s24+$0x0];
	v39 =	vsel vm3, v43, v39;
	vm3 =	vlt.s32 v29, $0x0  }
0x1ec: {  	v38 =	vxor.u32 $0x80000000, v38;
	vm9 =	vgt.s32 v45, $0x0;
	v29 =	vld [tilespmem:s24+$0x10];
	(erf) = vpow2.f32 v36  }
0x1ed: {  	v33 =	vadd.f32 v39, v33;
	v47 =	vmin.f32 v44, $0.0e+00;
	vm7 =	vgt.f32 v44, $5.000000000e-01  }
0x1ee: {  	v43 =	vmin.f32 v34, $0.0e+00;
	vm10 =	vgt.f32 v34, $5.000000000e-01;
	(xrf2) =	vadd.scan.msk.f32 $0xffff, v47;
	v34 =	vnsel vm8, $0x80000000, v38;
	v36 =	vpop (erf)  }
0x1ef: {  	vm11 =	vgt.u32 v28, $0x80000000;
	v38 =	vmin.f32 v27, $0.0e+00;
	vm8 =	vgt.f32 v27, $5.000000000e-01;
	v27 =	vld [tilespmem:s24+$0x50];
	[tilespmem:s21+$0x8060] =	vst v36;
	v28 =	vpop (erf)  }
0x1f0: {  	v44 =	vperm.xlane v33, v11;
	v36 =	vmin.f32 v46, $0.0e+00;
	vm12 =	vgt.f32 v46, $5.000000000e-01;
	v39, _, _ =	vpop (xrf2);
	[tilespmem:s21+$0x8050] =	vst v28  }
0x1f1: {  	v28 =	vnsel vm12, $0x7FFFFFFF, v10;
	v46 =	vmin.f32 v29, $0.0e+00;
	v47 =	vld [tilespmem:s24+$0x60];
	(xrf2) =	vadd.scan.msk.f32 $0xffff, v36;
	v36 =	vnsel vm9, $0x0, v45;
	v45 =	vpop (erf)  }
0x1f2: {  	v42 =	vsel vm0, v42, v44;
	vm9 =	vgt.f32 v29, $5.000000000e-01;
	v29 =	vnsel vm10, $0x7FFFFFFF, v10;
	[tilespmem:s21+$0x8070] =	vst v45;
	s21 =	smov.u32 s22;
	s22 =	smov.u32 s24  }
0x1f3: {  	v44 =	vnsel vm9, $0x7FFFFFFF, v10;
	v45 =	vnsel vm8, $0x7FFFFFFF, v10;
	(xrf0) =	vmax.scan.msk.u32 $0xffff, v28;
	v28 =	vnsel vm11, $0x80000000, v41;
	v41, _, _ =	vpop (xrf2)  }
0x1f4: {  	v48 =	vnsel vm7, $0x7FFFFFFF, v10;
	v31 =	vadd.f32 v42, v31;
	v49 =	vmin.f32 v27, $0.0e+00;
	(xrf0) =	vmax.scan.msk.u32 $0xffff, v45  }
0x1f5: {  	v30 =	vperm.xlane v32, v30;
	vm0 =	vgt.f32 v27, $5.000000000e-01;
	v35 =	vperm.xlane v41, v35;
	(xrf2) =	vadd.scan.msk.f32 $0xffff, v46;
	v42 =	vpop (erf)  }
0x1f6: {  	v45 =	vnsel vm0, $0x7FFFFFFF, v10;
	v27 =	vmin.f32 v47, $0.0e+00;
	(xrf0) =	vmax.scan.msk.u32 $0xffff, v29;
	v29 =	vperm.xlane v31, v11  }
0x1f7: {  	vm0 =	vgt.f32 v47, $5.000000000e-01;
	v31 =	vmul.f32 $1.442695020e+00, v31;
	v35 =	vxor.u32 $0x80000000, v35;
	(xrf0) =	vmax.scan.msk.u32 $0xffff, v44  }
0x1f8: {  	v35 =	vnsel vm6, $0x80000000, v35;
	v44, _, _ =	vpop (xrf2);
	(xrf0) =	vmax.scan.msk.u32 $0xffff, v48;
	v28 =	vsel vm5, v28, v29;
	v29 =	vxor.u32 $0x80000000, v30  }
0x1f9: {  	v30 =	vnsel vm0, $0x7FFFFFFF, v10;
	v46 =	vld [tilespmem:s22+$0x70];
	v47, _, _ =	vpop (xrf0);
	[tilespmem:s21+$0x8000] =	vst v42;
	v50 =	vadd.f32 v28, v37;
	v37 =	vnsel vm4, $0x80000000, v29  }
0x1fa: {  	v29 =	vadd.s32 $0x7FFFFFFF, v47;
	(xrf2) =	vadd.scan.msk.f32 $0xffff, v38;
	v42, _, _ =	vpop (xrf0);
	v38 =	vperm.xlane v39, v36;
	(erf) = vpow2.f32 v31  }
0x1fb: {  	vm0 =	vgt.s32 v29, $0x0;
	v36, _, _ =	vpop (xrf2);
	(xrf0) =	vmax.scan.msk.u32 $0xffff, v45;
	v31 =	vperm.xlane v50, v11;
	v45 =	vmul.f32 $1.442695020e+00, v50  }
0x1fc: {  	v50 =	vmul.f32 $1.442695020e+00, v33;
	v48 =	vnsel vm0, $0x0, v29;
	v28, _, _ =	vpop (xrf0);
	vm0 =	vgt.u32 v40, $0x80000000  }
0x1fd: {  	v51 =	vadd.s32 $0x7FFFFFFF, v42;
	v52 =	vadd.s32 $0x7FFFFFFF, v28;
	v53, _, _ =	vpop (xrf0);
	v31 =	vsel vm3, v34, v31  }
0x1fe: {  	v54 =	vadd.s32 $0x7FFFFFFF, v53;
	v55 =	vmin.f32 v46, $0.0e+00;
	v29, _, _ =	vpop (xrf0);
	v31 =	vadd.f32 v31, v26  }
0x1ff: {  	v38 =	vxor.u32 $0x80000000, v38;
	vm3 =	vgt.s32 v52, $0x0;
	v33, _, _ =	vpop (xrf2);
	(erf) = vpow2.f32 v50  }
0x200: {  	v26 =	vmovc v44;
	v50 =	vnsel vm3, $0x0, v52;
	v52 =	vadd.s32 $0x7FFFFFFF, v29;
	v56 =	vperm.xlane v31, v11  }
0x201: {  	v44 =	vnsel vm0, $0x80000000, v38;
	vm3 =	vgt.s32 v54, $0x0;
	v34, _, _ =	vpop (xrf0);
	(xrf0) =	vmax.scan.msk.u32 $0xffff, v30;
	v30 =	vmul.f32 $1.442695020e+00, v31  }
0x202: {  	vm0 =	vgt.s32 v52, $0x0;
	v57 =	vadd.s32 $0x7FFFFFFF, v34;
	(xrf2) =	vadd.scan.msk.f32 $0xffff, v43;
	v56 =	vsel vm2, v37, v56  }
0x203: {  	v38 =	vnsel vm0, $0x0, v52;
	v37 =	vnsel vm3, $0x0, v54;
	v32 =	vadd.f32 v56, v32;
	v43 =	vpop (erf)  }
0x204: {  	vm3 =	vgt.s32 v51, $0x0;
	vm4 =	vgt.s32 v57, $0x0;
	v31, _, _ =	vpop (xrf2);
	[tilespmem:s21+$0x8020] =	vst v43;
	(erf) = vpow2.f32 v30  }
0x205: {  	vm2 =	vlt.s32 v40, $0x0;
	v37 =	vperm.xlane v33, v37;
	v43 =	vperm.xlane v32, v11  }
0x206: {  	vm0 =	vlt.s32 v42, $0x0;
	v52 =	vmul.f32 $1.442695020e+00, v32;
	(erf) = vpow2.f32 v45  }
0x207: {  	v30 =	vnsel vm4, $0x0, v57;
	v32 =	vnsel vm3, $0x0, v51;
	(xrf2) =	vadd.scan.msk.f32 $0xffff, v49;
	v40, _, _ =	vpop (xrf0);
	v45 =	vsel vm1, v35, v43  }
0x208: {  	v32 =	vperm.xlane v31, v32;
	v43 =	vadd.s32 $0x7FFFFFFF, v40;
	v41 =	vadd.f32 v45, v41;
	v35 =	vpop (erf)  }
0x209: {  	vm3 =	vgt.f32 v46, $5.000000000e-01;
	v45 =	vperm.xlane v36, v48;
	vm1 =	vgt.s32 v43, $0x0;
	[tilespmem:s21+$0x8010] =	vst v35  }
0x20a: {  	v32 =	vxor.u32 $0x80000000, v32;
	v35 =	vnsel vm1, $0x0, v43;
	v43 =	vperm.xlane v41, v11  }
0x20b: {  	v46 =	vxor.u32 $0x80000000, v37;
	vm1 =	vgt.u32 v47, $0x80000000;
	v48 =	vmul.f32 $1.442695020e+00, v41  }
0x20c: {  	vm4 =	vgt.u32 v53, $0x80000000;
	v41 =	vnsel vm3, $0x7FFFFFFF, v10;
	v37, _, _ =	vpop (xrf2);
	v49 =	vsel vm2, v44, v43  }
.Ltmp2:
0x20d: {  	v43 =	vnsel vm4, $0x80000000, v46;
	v46 =	vperm.xlane v37, v50;
	v39 =	vadd.f32 v49, v39;
	v44 =	vpop (erf);
	(pc) =	sbr.rel @p1 .LBB2_6-.Ltmp2, $4  }
0x20e: {  	vm3 =	vlt.s32 v53, $0x0;
	vm2 =	vgt.u32 v42, $0x80000000;
	v49 =	vxor.u32 $0x80000000, v45;
	(xrf0) =	vmax.scan.msk.u32 $0xffff, v41  }
0x20f: {  	v42 =	vnsel vm1, $0x80000000, v49;
	v41 =	vxor.u32 $0x80000000, v46;
	[tilespmem:s21+$0x8040] =	vst v44;
	v44 =	vperm.xlane v39, v11;
	v45 =	vpop (erf)  }
0x210: {  	vm1 =	vlt.s32 v47, $0x0;
	v39 =	vmul.f32 $1.442695020e+00, v39;
	[tilespmem:s21+$0x8030] =	vst v45;
	(erf) = vpow2.f32 v48  }
0x211: {  	v44 =	vsel vm1, v42, v44;
	v42 =	vnsel vm2, $0x80000000, v32;
	v32, _, _ =	vpop (xrf2);
	(xrf2) =	vadd.scan.msk.f32 $0xffff, v55;
	(erf) = vpow2.f32 v52  }
0x212: {  	v36 =	vadd.f32 v44, v36;
	_ =	sdelay $0x1  }
0x213: {  	v44 =	vperm.xlane v36, v11;
	_ =	sdelay $0x1  }
0x214: {  	v43 =	vsel vm3, v43, v44  }
0x215: {  	v33 =	vadd.f32 v43, v33;
	_ =	sdelay $0x1  }
0x216: {  	v43 =	vperm.xlane v33, v11;
	_ =	sdelay $0x1  }
0x217: {  	v42 =	vsel vm0, v42, v43  }
0x218: {  	v31 =	vadd.f32 v42, v31;
	_ =	sdelay $0x1  }
0x219: {  	vm0 =	vgt.u32 v28, $0x80000000;
	v42 =	vperm.xlane v31, v11  }
0x21a: {  	vm1 =	vlt.s32 v28, $0x0;
	v28 =	vnsel vm0, $0x80000000, v41  }
0x21b: {  	(xrf2) =	vadd.scan.msk.f32 $0xffff, v27;
	v27 =	vsel vm1, v28, v42  }
0x21c: {  	v28 =	vperm.xlane v26, v38;
	v27 =	vadd.f32 v27, v37;
	_ =	sdelay $0x1  }
0x21d: {  	vm0 =	vgt.u32 v29, $0x80000000;
	v28 =	vxor.u32 $0x80000000, v28;
	v37 =	vperm.xlane v27, v11  }
0x21e: {  	vm1 =	vlt.s32 v29, $0x0;
	v28 =	vnsel vm0, $0x80000000, v28  }
0x21f: {  	v28 =	vsel vm1, v28, v37  }
0x220: {  	v29 =	vperm.xlane v32, v30;
	v26 =	vadd.f32 v28, v26;
	_ =	sdelay $0x1  }
0x221: {  	vm0 =	vgt.u32 v34, $0x80000000;
	v28 =	vxor.u32 $0x80000000, v29;
	v29 =	vperm.xlane v26, v11  }
0x222: {  	v30, _, _ =	vpop (xrf2);
	vm1 =	vlt.s32 v34, $0x0;
	v28 =	vnsel vm0, $0x80000000, v28  }
0x223: {  	v43, _, _ =	vpop (xrf2);
	v28 =	vsel vm1, v28, v29  }
0x224: {  	v44, _, _ =	vpop (xrf0);
	v29 =	vperm.xlane v43, v35;
	v28 =	vadd.f32 v28, v32  }
0x225: {  	(erf) = vpow2.f32 v39;
	v36 =	vmul.f32 $1.442695020e+00, v36;
	v45 =	vadd.s32 $0x7FFFFFFF, v44  }
0x226: {  	vm0 =	vgt.u32 v40, $0x80000000;
	v29 =	vxor.u32 $0x80000000, v29;
	v46 =	vperm.xlane v28, v11  }
0x227: {  	vm2 =	vgt.s32 v45, $0x0;
	vm1 =	vlt.s32 v40, $0x0;
	v29 =	vnsel vm0, $0x80000000, v29  }
0x228: {  	v31 =	vmul.f32 $1.442695020e+00, v31;
	v35 =	vnsel vm2, $0x0, v45;
	v29 =	vsel vm1, v29, v46  }
0x229: {  	(erf) = vpow2.f32 v36;
	v35 =	vperm.xlane v30, v35;
	v29 =	vadd.f32 v29, v43  }
0x22a: {  	(erf) = vpow2.f32 v31;
	v31 =	vmul.f32 $1.442695020e+00, v33  }
0x22b: {  	vm0 =	vgt.u32 v44, $0x80000000;
	v47 =	vxor.u32 $0x80000000, v35;
	v34 =	vperm.xlane v29, v11  }
0x22c: {  	v26 =	vmul.f32 $1.442695020e+00, v26;
	v33 =	vnsel vm0, $0x80000000, v47;
	vm0 =	vlt.s32 v44, $0x0  }
0x22d: {  	(erf) = vpow2.f32 v31;
	v27 =	vmul.f32 $1.442695020e+00, v27;
	v31 =	vsel vm0, v33, v34  }
0x22e: {  	(erf) = vpow2.f32 v26;
	v26 =	vmul.f32 $1.442695020e+00, v29;
	v29 =	vadd.f32 v31, v30  }
0x22f: {  	(erf) = vpow2.f32 v27  }
0x230: {  	v28 =	vmul.f32 $1.442695020e+00, v28;
	v27 =	vmul.f32 $1.442695020e+00, v29  }
0x231: {  	(erf) = vpow2.f32 v26  }
0x232: {  	v26 =	vpop (erf);
	(erf) = vpow2.f32 v28  }
0x233: {  	[tilespmem:s21+$0x8060] =	vst v26;
	v26 =	vpop (erf);
	(erf) = vpow2.f32 v27  }
0x234: {  	[tilespmem:s21+$0x8050] =	vst v26;
	v27 =	vpop (erf)  }
0x235: {  	v26 =	vpop (erf);
	[tilespmem:s21+$0x8070] =	vst v27  }
0x236: {  	v27 =	vpop (erf);
	[tilespmem:s22+$0x8000] =	vst v26  }
0x237: {  	v26 =	vpop (erf);
	[tilespmem:s22+$0x8020] =	vst v27  }
0x238: {  	[tilespmem:s22+$0x8010] =	vst v26;
	v26 =	vpop (erf)  }
0x239: {  	[tilespmem:s22+$0x8040] =	vst v26;
	v26 =	vpop (erf)  }
0x23a: {  	[tilespmem:s22+$0x8030] =	vst v26;
	v26 =	vpop (erf)  }
0x23b: {  	[tilespmem:s22+$0x8060] =	vst v26;
	v26 =	vpop (erf)  }
0x23c: {  	[tilespmem:s22+$0x8050] =	vst v26;
	v26 =	vpop (erf)  }
0x23d: {  	s31 =	simm.s32 $0x0;
	[tilespmem:s22+$0x8070] =	vst v26  }
0x23e: {  	[hbm4b:s10+s31] =	stream.linear.scatter [tilespmem:s17], [sflag:$0x2], $0x4000, $0x38;
	[tilespmem:$0x14000] =	vst v63  }
0x23f: {  	_ =	swait.ge [sflag:s16], $0x4000  }
0x240: {  	[sflag:s16] =	ssyncset.done $0x0  }
0x241: {  	[sflag:s16] =	ssyncadd.s32 $0xFFFFC000  }
0x242: {  	_ =	swait.ge [sflag:s19], $0x4000  }
0x243: {  	[sflag:s19] =	ssyncset.done $0x0  }
0x244: {  	s21 =	simm.s32 $0x0;
	[sflag:s19] =	ssyncadd.s32 $0xFFFFC000  }
0x245: {  	v26 =	vld [tilespmem:s21+$0x4040]  }
0x246: {  	v27 =	vld [tilespmem:s21+$0x4000]  }
0x247: {  	v28 =	vld [tilespmem:s21+$0x4020]  }
0x248: {  	v30 =	vld [tilespmem:s21+$0x4030]  }
0x249: {  	v31 =	vld [tilespmem:s21+$0x4010]  }
0x24a: {  	v48 =	vmin.f32 v26, $0.0e+00  }
0x24b: {  	v49 =	vmin.f32 v27, $0.0e+00;
	vm0 =	vgt.f32 v27, $5.000000000e-01;
	(xrf2) =	vadd.scan.msk.f32 $0xffff, v48  }
0x24c: {  	vm1 =	vgt.f32 v28, $5.000000000e-01;
	v27 =	vnsel vm0, $0x7FFFFFFF, v10;
	(xrf2) =	vadd.scan.msk.f32 $0xffff, v49  }
0x24d: {  	v50 =	vld [tilespmem:s21+$0x4050];
	v51 =	vnsel vm1, $0x7FFFFFFF, v10;
	(xrf0) =	vmax.scan.msk.u32 $0xffff, v27  }
0x24e: {  	vm0 =	vgt.f32 v30, $5.000000000e-01;
	v27 =	vmin.f32 v31, $0.0e+00;
	(xrf0) =	vmax.scan.msk.u32 $0xffff, v51  }
0x24f: {  	s22 =	simm.s32 $0x80;
	vm1 =	vgt.f32 v31, $5.000000000e-01;
	v31 =	vnsel vm0, $0x7FFFFFFF, v10;
	(xrf2) =	vadd.scan.msk.f32 $0xffff, v27;
	v27 =	vld [tilespmem:s21+$0x4060]  }
0x250: {  	vm0 =	vgt.f32 v26, $5.000000000e-01;
	v51 =	vld [tilespmem:s22+$0x4030];
	(xrf0) =	vmax.scan.msk.u32 $0xffff, v31  }
0x251: {  	v43 =	vld [tilespmem:s22+$0x4070];
	v26 =	vnsel vm1, $0x7FFFFFFF, v10;
	v31 =	vnsel vm0, $0x7FFFFFFF, v10  }
0x252: {  	v32 =	vmin.f32 v50, $0.0e+00;
	vm0 =	vgt.f32 v50, $5.000000000e-01;
	v50 =	vld [tilespmem:s22+$0x4040];
	(xrf0) =	vmax.scan.msk.u32 $0xffff, v26  }
0x253: {  	v29 =	vperm.xlane v29, v11;
	v30 =	vmin.f32 v30, $0.0e+00;
	v26 =	vmin.f32 v28, $0.0e+00;
	(xrf0) =	vmax.scan.msk.u32 $0xffff, v31  }
0x254: {  	v28 =	vnsel vm0, $0x7FFFFFFF, v10;
	(xrf2) =	vadd.scan.msk.f32 $0xffff, v26;
	v31, _, _ =	vpop (xrf0);
	vm0 =	vgt.f32 v27, $5.000000000e-01;
	v27 =	vmin.f32 v27, $0.0e+00  }
0x255: {  	(xrf0) =	vmax.scan.msk.u32 $0xffff, v28;
	v28 =	vld [tilespmem:s21+$0x4070];
	v39 =	vmin.f32 v51, $0.0e+00;
	vm10 =	vgt.f32 v51, $5.000000000e-01;
	v53 =	vadd.s32 $0x7FFFFFFF, v31;
	v54, _, _ =	vpop (xrf0)  }
0x256: {  	v51 =	vmin.f32 v43, $0.0e+00;
	v52 =	vnsel vm0, $0x7FFFFFFF, v10;
	vm0 =	vgt.s32 v53, $0x0;
	v36, _, _ =	vpop (xrf0)  }
0x257: {  	vm9 =	vgt.f32 v50, $5.000000000e-01;
	vm3 =	vlt.s32 v54, $0x0;
	v26, _, _ =	vpop (xrf2);
	v55 =	vnsel vm0, $0x0, v53  }
0x258: {  	v56 =	vadd.s32 $0x7FFFFFFF, v36;
	v57, _, _ =	vpop (xrf0);
	(xrf2) =	vadd.scan.msk.f32 $0xffff, v30;
	v30 =	vadd.s32 $0x7FFFFFFF, v54;
	vm5 =	vlt.s32 v36, $0x0  }
0x259: {  	vm11 =	vgt.u32 v36, $0x80000000;
	v58 =	vadd.s32 $0x7FFFFFFF, v57;
	v59, _, _ =	vpop (xrf0);
	vm0 =	vgt.s32 v56, $0x0  }
0x25a: {  	(xrf0) =	vmax.scan.msk.u32 $0xffff, v52;
	v63, _, _ =	vpop (xrf2);
	vm2 =	vlt.s32 v57, $0x0;
	v60 =	vmin.f32 v28, $0.0e+00;
	v34 =	vnsel vm0, $0x0, v56  }
0x25b: {  	v61 =	vadd.s32 $0x7FFFFFFF, v59;
	vm0 =	vgt.s32 v58, $0x0;
	v33 =	vperm.xlane v63, v55  }
0x25c: {  	vm7 =	vgt.u32 v59, $0x80000000;
	v62, _, _ =	vpop (xrf0);
	vm1 =	vgt.s32 v61, $0x0;
	v38 =	vnsel vm0, $0x0, v58  }
0x25d: {  	v45, _, _ =	vpop (xrf2);
	vm0 =	vgt.s32 v30, $0x0;
	v49 =	vadd.s32 $0x7FFFFFFF, v62;
	v41 =	vnsel vm1, $0x0, v61  }
0x25e: {  	v38 =	vperm.xlane v45, v38;
	v30 =	vnsel vm0, $0x0, v30;
	vm0 =	vgt.f32 v28, $5.000000000e-01  }
0x25f: {  	v33 =	vxor.u32 $0x80000000, v33;
	vm4 =	vgt.u32 v62, $0x80000000;
	v61 =	vnsel vm10, $0x7FFFFFFF, v10;
	v46, _, _ =	vpop (xrf2)  }
0x260: {  	v55 =	vld [tilespmem:s22+$0x4000];
	vm1 =	vgt.s32 v49, $0x0;
	v47, _, _ =	vpop (xrf0);
	v53 =	vperm.xlane v26, v41;
	v30 =	vperm.xlane v46, v30  }
0x261: {  	v56 =	vld [tilespmem:s22+$0x4010];
	v44 =	vnsel vm1, $0x0, v49;
	v48 =	vadd.s32 $0x7FFFFFFF, v47;
	v38 =	vxor.u32 $0x80000000, v38  }
0x262: {  	vm1 =	vgt.s32 v48, $0x0;
	v28 =	vxor.u32 $0x80000000, v30;
	v30 =	vnsel vm0, $0x7FFFFFFF, v10  }
0x263: {  	v48 =	vnsel vm1, $0x0, v48;
	vm0 =	vgt.u32 v57, $0x80000000;
	vm1 =	vgt.u32 v31, $0x80000000  }
0x264: {  	(xrf2) =	vadd.scan.msk.f32 $0xffff, v32;
	v38 =	vnsel vm0, $0x80000000, v38;
	v33 =	vnsel vm1, $0x80000000, v33;
	vm0 =	vlt.s32 v31, $0x0  }
0x265: {  	(xrf2) =	vadd.scan.msk.f32 $0xffff, v60;
	vm6 =	vgt.u32 v47, $0x80000000;
	v37 =	vxor.u32 $0x80000000, v53;
	v29 =	vsel vm0, v33, v29  }
0x266: {  	(xrf2) =	vadd.scan.msk.f32 $0xffff, v27;
	v27 =	vld [tilespmem:s22+$0x4020];
	vm12 =	vgt.f32 v55, $5.000000000e-01;
	vm15 =	vgt.f32 v56, $5.000000000e-01;
	v29 =	vadd.f32 v29, v63  }
0x267: {  	v57 =	vmin.f32 v55, $0.0e+00;
	v41 =	vnsel vm12, $0x7FFFFFFF, v10;
	(xrf0) =	vmax.scan.msk.u32 $0xffff, v30;
	vm1 =	vgt.u32 v54, $0x80000000;
	v30, _, _ =	vpop (xrf2)  }
0x268: {  	v28 =	vnsel vm1, $0x80000000, v28;
	v34 =	vperm.xlane v30, v34;
	v52 =	vperm.xlane v29, v11  }
0x269: {  	vm0 =	vlt.s32 v62, $0x0;
	vm1 =	vlt.s32 v47, $0x0;
	v33 =	vnsel vm7, $0x80000000, v37  }
0x26a: {  	v29 =	vmul.f32 $1.442695020e+00, v29;
	v31 =	vxor.u32 $0x80000000, v34;
	v34 =	vsel vm2, v38, v52  }
0x26b: {  	vm7 =	vgt.f32 v27, $5.000000000e-01;
	v62 =	vnsel vm15, $0x7FFFFFFF, v10;
	v32 =	vadd.f32 v34, v45  }
0x26c: {  	v49 =	vnsel vm7, $0x7FFFFFFF, v10;
	vm2 =	vlt.s32 v59, $0x0;
	(erf) = vpow2.f32 v29  }
0x26d: {  	v35, _, _ =	vpop (xrf0);
	v29 =	vmin.f32 v50, $0.0e+00;
	v34 =	vmin.f32 v27, $0.0e+00;
	v27 =	vld [tilespmem:s22+$0x4050];
	v58 =	vperm.xlane v32, v11  }
0x26e: {  	v60 =	vld [tilespmem:s22+$0x4060];
	(xrf0) =	vmax.scan.msk.u32 $0xffff, v41;
	v59 =	vmin.f32 v56, $0.0e+00;
	v31 =	vnsel vm11, $0x80000000, v31;
	v54 =	vadd.s32 $0x7FFFFFFF, v35;
	v45, _, _ =	vpop (xrf2)  }
0x26f: {  	(xrf0) =	vmax.scan.msk.u32 $0xffff, v49;
	vm8 =	vgt.s32 v54, $0x0;
	v47, _, _ =	vpop (xrf2);
	v44 =	vperm.xlane v45, v44;
	v28 =	vsel vm3, v28, v58  }
0x270: {  	(xrf2) =	vadd.scan.msk.f32 $0xffff, v29;
	v29 =	vnsel vm9, $0x7FFFFFFF, v10;
	v40 =	vnsel vm8, $0x0, v54;
	v41, _, _ =	vpop (xrf2);
	v28 =	vadd.f32 v28, v46  }
0x271: {  	(xrf2) =	vadd.scan.msk.f32 $0xffff, v57;
	v63 =	vperm.xlane v41, v48;
	v55 =	vxor.u32 $0x80000000, v44;
	v57 =	vperm.xlane v47, v40  }
0x272: {  	v50 =	vmin.f32 v27, $0.0e+00;
	vm3 =	vgt.f32 v27, $5.000000000e-01;
	v53 =	vperm.xlane v28, v11  }
0x273: {  	(xrf0) =	vmax.scan.msk.u32 $0xffff, v61;
	v27 =	vmin.f32 v60, $0.0e+00;
	v54 =	vxor.u32 $0x80000000, v63;
	v36 =	vxor.u32 $0x80000000, v57  }
0x274: {  	(xrf0) =	vmax.scan.msk.u32 $0xffff, v62;
	v44, _, _ =	vpop (xrf0);
	v52 =	vnsel vm3, $0x7FFFFFFF, v10;
	v28 =	vmul.f32 $1.442695020e+00, v28;
	v31 =	vsel vm5, v31, v53  }
0x275: {  	(xrf0) =	vmax.scan.msk.u32 $0xffff, v29;
	vm3 =	vgt.f32 v60, $5.000000000e-01;
	v37 =	vnsel vm6, $0x80000000, v54;
	v42, _, _ =	vpop (xrf0);
	v29 =	vadd.f32 v31, v30  }
0x276: {  	v56 =	vnsel vm3, $0x7FFFFFFF, v10;
	v60 =	vadd.s32 $0x7FFFFFFF, v42;
	(erf) = vpow2.f32 v28  }
0x277: {  	v30 =	vnsel vm4, $0x80000000, v55;
	v31 =	vadd.s32 $0x7FFFFFFF, v44;
	v58 =	vperm.xlane v29, v11  }
0x278: {  	(xrf2) =	vadd.scan.msk.f32 $0xffff, v59;
	vm4 =	vlt.s32 v35, $0x0;
	vm3 =	vgt.s32 v31, $0x0;
	v59 =	vmul.f32 $1.442695020e+00, v29  }
0x279: {  	(xrf0) =	vmax.scan.msk.u32 $0xffff, v52;
	v28, _, _ =	vpop (xrf0);
	v48 =	vnsel vm3, $0x0, v31;
	v31 =	vmul.f32 $1.442695020e+00, v32;
	v29 =	vsel vm2, v33, v58  }
0x27a: {  	(xrf2) =	vadd.scan.msk.f32 $0xffff, v34;
	vm3 =	vgt.u32 v35, $0x80000000;
	v61 =	vadd.s32 $0x7FFFFFFF, v28;
	v49, _, _ =	vpop (xrf0);
	v26 =	vadd.f32 v29, v26  }
0x27b: {  	v62 =	vadd.s32 $0x7FFFFFFF, v49;
	v54 =	vnsel vm3, $0x80000000, v36;
	vm2 =	vgt.s32 v61, $0x0  }
0x27c: {  	v52 =	vnsel vm2, $0x0, v61;
	vm2 =	vgt.s32 v62, $0x0;
	v63 =	vperm.xlane v26, v11  }
0x27d: {  	(erf) = vpow2.f32 v31;
	v57 =	vnsel vm2, $0x0, v62;
	vm2 =	vgt.s32 v60, $0x0  }
0x27e: {  	v29, _, _ =	vpop (xrf0);
	v53 =	vmul.f32 $1.442695020e+00, v26;
	v32 =	vnsel vm2, $0x0, v60;
	v30 =	vsel vm0, v30, v63  }
0x27f: {  	vm2 =	vgt.f32 v43, $5.000000000e-01;
	v31 =	vadd.s32 $0x7FFFFFFF, v29;
	v34, _, _ =	vpop (xrf0);
	(xrf0) =	vmax.scan.msk.u32 $0xffff, v56;
	v30 =	vadd.f32 v30, v45  }
0x280: {  	v26, _, _ =	vpop (xrf2);
	vm3 =	vgt.s32 v31, $0x0;
	v55 =	vadd.s32 $0x7FFFFFFF, v34;
	(xrf2) =	vadd.scan.msk.f32 $0xffff, v39;
	(erf) = vpow2.f32 v53  }
0x281: {  	vm0 =	vlt.s32 v42, $0x0;
	v36, _, _ =	vpop (xrf2);
	v38 =	vnsel vm3, $0x0, v31;
	v45 =	vperm.xlane v30, v11  }
0x282: {  	vm3 =	vgt.s32 v55, $0x0;
	(erf) = vpow2.f32 v59;
	v33, _, _ =	vpop (xrf2);
	v61 =	vperm.xlane v36, v48  }
0x283: {  	(xrf2) =	vadd.scan.msk.f32 $0xffff, v50;
	v39 =	vperm.xlane v33, v57;
	v53 =	vmul.f32 $1.442695020e+00, v30;
	v58 =	vsel vm1, v37, v45  }
0x284: {  	v31, _, _ =	vpop (xrf2);
	v30 =	vnsel vm3, $0x0, v55;
	vm3 =	vgt.u32 v49, $0x80000000;
	v41 =	vadd.f32 v58, v41  }
0x285: {  	v57 =	vnsel vm2, $0x7FFFFFFF, v10;
	vm2 =	vgt.u32 v42, $0x80000000;
	v32 =	vperm.xlane v31, v32  }
0x286: {  	v46 =	vxor.u32 $0x80000000, v61;
	v40, _, _ =	vpop (xrf0);
	v39 =	vxor.u32 $0x80000000, v39;
	v63 =	vperm.xlane v41, v11  }
0x287: {  	v60 =	vpop (erf);
	v59 =	vadd.s32 $0x7FFFFFFF, v40;
	v32 =	vxor.u32 $0x80000000, v32;
	v43 =	vnsel vm3, $0x80000000, v39  }
0x288: {  	v62 =	vpop (erf);
	[tilespmem:s21+$0xC000] =	vst v60;
	vm1 =	vgt.s32 v59, $0x0;
	v56 =	vmul.f32 $1.442695020e+00, v41;
	v48 =	vsel vm4, v54, v63  }
0x289: {  	[tilespmem:s21+$0xC020] =	vst v62;
	v55 =	vpop (erf);
	vm3 =	vlt.s32 v49, $0x0;
	v35 =	vnsel vm1, $0x0, v59;
	v59 =	vadd.f32 v48, v47  }
0x28a: {  	(xrf0) =	vmax.scan.msk.u32 $0xffff, v57;
	v42 =	vnsel vm2, $0x80000000, v32;
	vm1 =	vgt.u32 v44, $0x80000000;
	v37, _, _ =	vpop (xrf2);
	(erf) = vpow2.f32 v56  }
0x28b: {  	[tilespmem:s21+$0xC010] =	vst v55;
	v60 =	vpop (erf);
	v61 =	vnsel vm1, $0x80000000, v46;
	v58 =	vperm.xlane v37, v52;
	v62 =	vperm.xlane v59, v11  }
0x28c: {  	vm1 =	vlt.s32 v44, $0x0;
	[tilespmem:s21+$0xC040] =	vst v60;
	(xrf2) =	vadd.scan.msk.f32 $0xffff, v51;
	(erf) = vpow2.f32 v53;
	v63 =	vpop (erf)  }
0x28d: {  	s23 =	simm.s32 $0x400;
	v32, _, _ =	vpop (xrf2);
	v41 =	vxor.u32 $0x80000000, v58;
	[tilespmem:s21+$0xC030] =	vst v63;
	v39 =	vmul.f32 $1.442695020e+00, v59;
	v44 =	vsel vm1, v61, v62  }
.LBB2_8:
0x28e: {  	s24 =	sshra.s32 s23, $0x2;
	p1 =	sne.s32 s23, $0xFE00;
	s23 =	sadd.s32 $0x200, s23;
	v36 =	vadd.f32 v44, v36;
	vm2 =	vlt.s32 v34, $0x0  }
0x28f: {  	vm5 =	vlt.s32 v28, $0x0;
	vm4 =	vgt.u32 v34, $0x80000000;
	v44 =	vld [tilespmem:s24+$0x4040];
	(erf) = vpow2.f32 v39  }
0x290: {  	vm6 =	vgt.u32 v40, $0x80000000;
	vm1 =	vlt.s32 v40, $0x0;
	v34 =	vld [tilespmem:s24+$0x4030];
	v39 =	vperm.xlane v36, v11;
	(xrf2) =	vadd.scan.msk.f32 $0xffff, v27;
	v40, _, _ =	vpop (xrf0)  }
0x291: {  	v38 =	vperm.xlane v26, v38;
	v36 =	vmul.f32 $1.442695020e+00, v36;
	v27 =	vld [tilespmem:s24+$0x4020];
	v45 =	vadd.s32 $0x7FFFFFFF, v40  }
0x292: {  	vm8 =	vgt.u32 v29, $0x80000000;
	v46 =	vld [tilespmem:s24+$0x4000];
	v39 =	vsel vm3, v43, v39;
	vm3 =	vlt.s32 v29, $0x0  }
0x293: {  	v38 =	vxor.u32 $0x80000000, v38;
	vm9 =	vgt.s32 v45, $0x0;
	v29 =	vld [tilespmem:s24+$0x4010];
	(erf) = vpow2.f32 v36  }
0x294: {  	v33 =	vadd.f32 v39, v33;
	v47 =	vmin.f32 v44, $0.0e+00;
	vm7 =	vgt.f32 v44, $5.000000000e-01  }
0x295: {  	v43 =	vmin.f32 v34, $0.0e+00;
	vm10 =	vgt.f32 v34, $5.000000000e-01;
	(xrf2) =	vadd.scan.msk.f32 $0xffff, v47;
	v34 =	vnsel vm8, $0x80000000, v38;
	v36 =	vpop (erf)  }
0x296: {  	vm11 =	vgt.u32 v28, $0x80000000;
	v38 =	vmin.f32 v27, $0.0e+00;
	vm8 =	vgt.f32 v27, $5.000000000e-01;
	v27 =	vld [tilespmem:s24+$0x4050];
	[tilespmem:s21+$0xC060] =	vst v36;
	v28 =	vpop (erf)  }
0x297: {  	v44 =	vperm.xlane v33, v11;
	v36 =	vmin.f32 v46, $0.0e+00;
	vm12 =	vgt.f32 v46, $5.000000000e-01;
	v39, _, _ =	vpop (xrf2);
	[tilespmem:s21+$0xC050] =	vst v28  }
0x298: {  	v28 =	vnsel vm12, $0x7FFFFFFF, v10;
	v46 =	vmin.f32 v29, $0.0e+00;
	v47 =	vld [tilespmem:s24+$0x4060];
	(xrf2) =	vadd.scan.msk.f32 $0xffff, v36;
	v36 =	vnsel vm9, $0x0, v45;
	v45 =	vpop (erf)  }
0x299: {  	v42 =	vsel vm0, v42, v44;
	vm9 =	vgt.f32 v29, $5.000000000e-01;
	v29 =	vnsel vm10, $0x7FFFFFFF, v10;
	[tilespmem:s21+$0xC070] =	vst v45;
	s21 =	smov.u32 s22;
	s22 =	smov.u32 s24  }
0x29a: {  	v44 =	vnsel vm9, $0x7FFFFFFF, v10;
	v45 =	vnsel vm8, $0x7FFFFFFF, v10;
	(xrf0) =	vmax.scan.msk.u32 $0xffff, v28;
	v28 =	vnsel vm11, $0x80000000, v41;
	v41, _, _ =	vpop (xrf2)  }
0x29b: {  	v48 =	vnsel vm7, $0x7FFFFFFF, v10;
	v31 =	vadd.f32 v42, v31;
	v49 =	vmin.f32 v27, $0.0e+00;
	(xrf0) =	vmax.scan.msk.u32 $0xffff, v45  }
0x29c: {  	v30 =	vperm.xlane v32, v30;
	vm0 =	vgt.f32 v27, $5.000000000e-01;
	v35 =	vperm.xlane v41, v35;
	(xrf2) =	vadd.scan.msk.f32 $0xffff, v46;
	v42 =	vpop (erf)  }
0x29d: {  	v45 =	vnsel vm0, $0x7FFFFFFF, v10;
	v27 =	vmin.f32 v47, $0.0e+00;
	(xrf0) =	vmax.scan.msk.u32 $0xffff, v29;
	v29 =	vperm.xlane v31, v11  }
0x29e: {  	vm0 =	vgt.f32 v47, $5.000000000e-01;
	v31 =	vmul.f32 $1.442695020e+00, v31;
	v35 =	vxor.u32 $0x80000000, v35;
	(xrf0) =	vmax.scan.msk.u32 $0xffff, v44  }
0x29f: {  	v35 =	vnsel vm6, $0x80000000, v35;
	v44, _, _ =	vpop (xrf2);
	(xrf0) =	vmax.scan.msk.u32 $0xffff, v48;
	v28 =	vsel vm5, v28, v29;
	v29 =	vxor.u32 $0x80000000, v30  }
0x2a0: {  	v30 =	vnsel vm0, $0x7FFFFFFF, v10;
	v46 =	vld [tilespmem:s22+$0x4070];
	v47, _, _ =	vpop (xrf0);
	[tilespmem:s21+$0xC000] =	vst v42;
	v50 =	vadd.f32 v28, v37;
	v37 =	vnsel vm4, $0x80000000, v29  }
0x2a1: {  	v29 =	vadd.s32 $0x7FFFFFFF, v47;
	(xrf2) =	vadd.scan.msk.f32 $0xffff, v38;
	v42, _, _ =	vpop (xrf0);
	v38 =	vperm.xlane v39, v36;
	(erf) = vpow2.f32 v31  }
0x2a2: {  	vm0 =	vgt.s32 v29, $0x0;
	v36, _, _ =	vpop (xrf2);
	(xrf0) =	vmax.scan.msk.u32 $0xffff, v45;
	v31 =	vperm.xlane v50, v11;
	v45 =	vmul.f32 $1.442695020e+00, v50  }
0x2a3: {  	v50 =	vmul.f32 $1.442695020e+00, v33;
	v48 =	vnsel vm0, $0x0, v29;
	v28, _, _ =	vpop (xrf0);
	vm0 =	vgt.u32 v40, $0x80000000  }
0x2a4: {  	v51 =	vadd.s32 $0x7FFFFFFF, v42;
	v52 =	vadd.s32 $0x7FFFFFFF, v28;
	v53, _, _ =	vpop (xrf0);
	v31 =	vsel vm3, v34, v31  }
0x2a5: {  	v54 =	vadd.s32 $0x7FFFFFFF, v53;
	v55 =	vmin.f32 v46, $0.0e+00;
	v29, _, _ =	vpop (xrf0);
	v31 =	vadd.f32 v31, v26  }
0x2a6: {  	v38 =	vxor.u32 $0x80000000, v38;
	vm3 =	vgt.s32 v52, $0x0;
	v33, _, _ =	vpop (xrf2);
	(erf) = vpow2.f32 v50  }
0x2a7: {  	v26 =	vmovc v44;
	v50 =	vnsel vm3, $0x0, v52;
	v52 =	vadd.s32 $0x7FFFFFFF, v29;
	v56 =	vperm.xlane v31, v11  }
0x2a8: {  	v44 =	vnsel vm0, $0x80000000, v38;
	vm3 =	vgt.s32 v54, $0x0;
	v34, _, _ =	vpop (xrf0);
	(xrf0) =	vmax.scan.msk.u32 $0xffff, v30;
	v30 =	vmul.f32 $1.442695020e+00, v31  }
0x2a9: {  	vm0 =	vgt.s32 v52, $0x0;
	v57 =	vadd.s32 $0x7FFFFFFF, v34;
	(xrf2) =	vadd.scan.msk.f32 $0xffff, v43;
	v56 =	vsel vm2, v37, v56  }
0x2aa: {  	v38 =	vnsel vm0, $0x0, v52;
	v37 =	vnsel vm3, $0x0, v54;
	v32 =	vadd.f32 v56, v32;
	v43 =	vpop (erf)  }
0x2ab: {  	vm3 =	vgt.s32 v51, $0x0;
	vm4 =	vgt.s32 v57, $0x0;
	v31, _, _ =	vpop (xrf2);
	[tilespmem:s21+$0xC020] =	vst v43;
	(erf) = vpow2.f32 v30  }
0x2ac: {  	vm2 =	vlt.s32 v40, $0x0;
	v37 =	vperm.xlane v33, v37;
	v43 =	vperm.xlane v32, v11  }
0x2ad: {  	vm0 =	vlt.s32 v42, $0x0;
	v52 =	vmul.f32 $1.442695020e+00, v32;
	(erf) = vpow2.f32 v45  }
0x2ae: {  	v30 =	vnsel vm4, $0x0, v57;
	v32 =	vnsel vm3, $0x0, v51;
	(xrf2) =	vadd.scan.msk.f32 $0xffff, v49;
	v40, _, _ =	vpop (xrf0);
	v45 =	vsel vm1, v35, v43  }
0x2af: {  	v32 =	vperm.xlane v31, v32;
	v43 =	vadd.s32 $0x7FFFFFFF, v40;
	v41 =	vadd.f32 v45, v41;
	v35 =	vpop (erf)  }
0x2b0: {  	vm3 =	vgt.f32 v46, $5.000000000e-01;
	v45 =	vperm.xlane v36, v48;
	vm1 =	vgt.s32 v43, $0x0;
	[tilespmem:s21+$0xC010] =	vst v35  }
0x2b1: {  	v32 =	vxor.u32 $0x80000000, v32;
	v35 =	vnsel vm1, $0x0, v43;
	v43 =	vperm.xlane v41, v11  }
0x2b2: {  	v46 =	vxor.u32 $0x80000000, v37;
	vm1 =	vgt.u32 v47, $0x80000000;
	v48 =	vmul.f32 $1.442695020e+00, v41  }
0x2b3: {  	vm4 =	vgt.u32 v53, $0x80000000;
	v41 =	vnsel vm3, $0x7FFFFFFF, v10;
	v37, _, _ =	vpop (xrf2);
	v49 =	vsel vm2, v44, v43  }
.Ltmp3:
0x2b4: {  	v43 =	vnsel vm4, $0x80000000, v46;
	v46 =	vperm.xlane v37, v50;
	v39 =	vadd.f32 v49, v39;
	v44 =	vpop (erf);
	(pc) =	sbr.rel @p1 .LBB2_8-.Ltmp3, $4  }
0x2b5: {  	vm3 =	vlt.s32 v53, $0x0;
	vm2 =	vgt.u32 v42, $0x80000000;
	v49 =	vxor.u32 $0x80000000, v45;
	(xrf0) =	vmax.scan.msk.u32 $0xffff, v41  }
0x2b6: {  	v42 =	vnsel vm1, $0x80000000, v49;
	v41 =	vxor.u32 $0x80000000, v46;
	[tilespmem:s21+$0xC040] =	vst v44;
	v44 =	vperm.xlane v39, v11;
	v45 =	vpop (erf)  }
0x2b7: {  	vm1 =	vlt.s32 v47, $0x0;
	v39 =	vmul.f32 $1.442695020e+00, v39;
	[tilespmem:s21+$0xC030] =	vst v45;
	(erf) = vpow2.f32 v48  }
0x2b8: {  	v44 =	vsel vm1, v42, v44;
	v42 =	vnsel vm2, $0x80000000, v32;
	v32, _, _ =	vpop (xrf2);
	(xrf2) =	vadd.scan.msk.f32 $0xffff, v55;
	(erf) = vpow2.f32 v52  }
0x2b9: {  	v36 =	vadd.f32 v44, v36;
	_ =	sdelay $0x1  }
0x2ba: {  	v44 =	vperm.xlane v36, v11;
	_ =	sdelay $0x1  }
0x2bb: {  	v43 =	vsel vm3, v43, v44  }
0x2bc: {  	v33 =	vadd.f32 v43, v33;
	_ =	sdelay $0x1  }
0x2bd: {  	v43 =	vperm.xlane v33, v11;
	_ =	sdelay $0x1  }
0x2be: {  	v42 =	vsel vm0, v42, v43  }
0x2bf: {  	v31 =	vadd.f32 v42, v31;
	_ =	sdelay $0x1  }
0x2c0: {  	vm7 =	vgt.u32 v28, $0x80000000;
	v42 =	vperm.xlane v31, v11  }
0x2c1: {  	vm1 =	vlt.s32 v28, $0x0;
	v49 =	vnsel vm7, $0x80000000, v41  }
0x2c2: {  	(xrf2) =	vadd.scan.msk.f32 $0xffff, v27;
	v27 =	vsel vm1, v49, v42  }
0x2c3: {  	v50 =	vperm.xlane v26, v38;
	v27 =	vadd.f32 v27, v37;
	_ =	sdelay $0x1  }
0x2c4: {  	vm8 =	vgt.u32 v29, $0x80000000;
	v28 =	vxor.u32 $0x80000000, v50;
	v37 =	vperm.xlane v27, v11  }
0x2c5: {  	vm9 =	vlt.s32 v29, $0x0;
	v28 =	vnsel vm8, $0x80000000, v28  }
0x2c6: {  	v28 =	vsel vm9, v28, v37  }
0x2c7: {  	v51 =	vperm.xlane v32, v30;
	v26 =	vadd.f32 v28, v26;
	_ =	sdelay $0x1  }
0x2c8: {  	vm10 =	vgt.u32 v34, $0x80000000;
	v52 =	vxor.u32 $0x80000000, v51;
	v53 =	vperm.xlane v26, v11  }
0x2c9: {  	vm11 =	vlt.s32 v34, $0x0;
	v54, _, _ =	vpop (xrf2);
	v28 =	vnsel vm10, $0x80000000, v52  }
0x2ca: {  	v55, _, _ =	vpop (xrf2);
	v28 =	vsel vm11, v28, v53  }
0x2cb: {  	v56 =	vperm.xlane v55, v35;
	v28 =	vadd.f32 v28, v32  }
0x2cc: {  	(erf) = vpow2.f32 v39;
	vm12 =	vgt.u32 v40, $0x80000000;
	v57, _, _ =	vpop (xrf0)  }
0x2cd: {  	v58 =	vadd.s32 $0x7FFFFFFF, v57;
	v29 =	vxor.u32 $0x80000000, v56;
	v59 =	vperm.xlane v28, v11  }
0x2ce: {  	vm13 =	vlt.s32 v40, $0x0;
	vm2 =	vgt.s32 v58, $0x0;
	v29 =	vnsel vm12, $0x80000000, v29  }
0x2cf: {  	v36 =	vmul.f32 $1.442695020e+00, v36;
	v35 =	vnsel vm2, $0x0, v58;
	v29 =	vsel vm13, v29, v59  }
0x2d0: {  	vm14 =	vgt.u32 v57, $0x80000000;
	v35 =	vperm.xlane v54, v35;
	v29 =	vadd.f32 v29, v55  }
0x2d1: {  	vm15 =	vlt.s32 v57, $0x0;
	(erf) = vpow2.f32 v36;
	v31 =	vmul.f32 $1.442695020e+00, v31  }
0x2d2: {  	v60 =	vmul.f32 $1.442695020e+00, v33;
	v61 =	vxor.u32 $0x80000000, v35;
	v34 =	vperm.xlane v29, v11  }
0x2d3: {  	(erf) = vpow2.f32 v31;
	v33 =	vnsel vm14, $0x80000000, v61;
	v26 =	vmul.f32 $1.442695020e+00, v26  }
0x2d4: {  	(erf) = vpow2.f32 v60;
	v27 =	vmul.f32 $1.442695020e+00, v27;
	v62 =	vsel vm15, v33, v34  }
0x2d5: {  	(erf) = vpow2.f32 v26;
	v26 =	vmul.f32 $1.442695020e+00, v29;
	v63 =	vadd.f32 v62, v54  }
0x2d6: {  	(erf) = vpow2.f32 v27  }
0x2d7: {  	v28 =	vmul.f32 $1.442695020e+00, v28;
	v27 =	vmul.f32 $1.442695020e+00, v63  }
0x2d8: {  	(erf) = vpow2.f32 v26  }
0x2d9: {  	v26 =	vpop (erf);
	(erf) = vpow2.f32 v28  }
0x2da: {  	[tilespmem:s21+$0xC060] =	vst v26;
	v26 =	vpop (erf);
	(erf) = vpow2.f32 v27  }
0x2db: {  	[tilespmem:s21+$0xC050] =	vst v26;
	v27 =	vpop (erf)  }
0x2dc: {  	v26 =	vpop (erf);
	[tilespmem:s21+$0xC070] =	vst v27  }
0x2dd: {  	v27 =	vpop (erf);
	[tilespmem:s22+$0xC000] =	vst v26  }
0x2de: {  	v26 =	vpop (erf);
	[tilespmem:s22+$0xC020] =	vst v27  }
0x2df: {  	v27 =	vpop (erf);
	[tilespmem:s22+$0xC010] =	vst v26  }
0x2e0: {  	[tilespmem:s22+$0xC040] =	vst v27;
	v26 =	vpop (erf)  }
0x2e1: {  	[tilespmem:s22+$0xC030] =	vst v26;
	v26 =	vpop (erf)  }
0x2e2: {  	[tilespmem:s22+$0xC060] =	vst v26;
	v26 =	vpop (erf)  }
0x2e3: {  	[tilespmem:s22+$0xC050] =	vst v26;
	v26 =	vpop (erf)  }
0x2e4: {  	s20 =	sadd.s32 $0x1, s20;
	[tilespmem:s22+$0xC070] =	vst v26  }
0x2e5: {  	[hbm4b:s11+s2] =	stream.linear.scatter [tilespmem:s18], [sflag:$0x2], $0x4000, $0x38;
	[tilespmem:$0x14000] =	vst v63  }
0x2e6: {  	p1 =	sne.s32 s20, s12;
	_ =	swait.ge [sflag:s19], $0x4000  }
.Ltmp4:
0x2e7: {  	[sflag:s19] =	ssyncset.done $0x0;
	(pc) =	sbr.rel @p1 .LBB2_1-.Ltmp4, $4  }
0x2e8: {  	[sflag:s19] =	ssyncadd.s32 $0xFFFFC000  }
0x2e9: {  	_ =	swait.ge [sflag:s19], $0x4000  }
0x2ea: {  	[sflag:s19] =	ssyncset.done $0x0  }
0x2eb: {  	[sflag:s19] =	ssyncadd.s32 $0xFFFFC000  }
0x2ec: {  	_ =	sfence.sel $0x180000  }
0x2ed: {  	[bflag:$0x0] =	sbarrier.arrive $0xFFFF  }
0x2ee: {  	p0 =	sne.s32 s0, $0x0;
	_ =	strace $0x90000047  }
0x2ef: {  	s0 =	sadd.s32 @!p0 $0x100000, s1;
	[bflag:$0x2] =	sbarrier.arrive $0xFFFF  }
0x2f0: {  	[sflag:s0] =	ssyncadd.tile.s32 @!p0 $0x1;
	_ =	shalt  }
.Lfunc_end2:
_tile_overlayer_lowered:
.L_overlay_start_2:
0x2f1: {  	(tag) =	ssettag $0x2  }
0x2f2: {  	s0 =	rddreg [dreg:$0x0];
	s2 =	stileid.u32  }
0x2f3: {  	s1 =	rddreg [dreg:$0x1];
	p0 =	sne.s32 s2, $0x0  }
0x2f4: {  	s3 =	rddreg [dreg:$0x2];
	[bflag:$0x3] =	sbarrier.arrive $0xFFFF;
	s2 =	simm.s32 @!p0 $0x1C03  }
0x2f5: {  	[timem:s3], [sflag:s2] =	dma.local @!p0 [hbm:s0], s1  }
0x2f6: {  	s0 =	simm.s32 @!p0 $0x3  }
0x2f7: {  	_ =	swait.ge @!p0 [sflag:s0], s1  }
0x2f8: {  	s1 =	ssub.s32 @!p0 $0x0, s1;
	[sflag:s0] =	ssyncset.done @!p0 $0x0  }
0x2f9: {  	[sflag:s0] =	ssyncadd.s32 @!p0 s1  }
0x2fa: {  	[bflag:$0x3] =	sbarrier.arrive $0xFFFF  }
0x2fb: {  	_ =	shalt  }

</sc_bundles>
